<compile_context>
chip_gen: v7x
topology: tpu7x:2x2x1
jax: 0.10.2.dev20260603
libtpu: 0.0.44.dev20260713+nightly
codegen_flags: <defaults>
</compile_context>

<pallas_src>
import functools

import jax
import jax.numpy as jnp
from jax import lax
from jax.experimental import pallas as pl
from jax.experimental.pallas import tpu as pltpu
from jax.experimental.pallas import tpu_sc as plsc


@functools.lru_cache(maxsize=None)
def _sc_agg(n, d, e_total):
    info = plsc.get_sparse_core_info()
    nc, ns, lanes = info.num_cores, info.num_subcores, info.num_lanes
    nw = nc * ns
    assert e_total % nw == 0
    epw = e_total // nw
    ch = 64
    nfull = epw // ch
    tail = epw - nfull * ch
    assert 0 < tail <= lanes and tail % 8 == 0
    nbuf = 2
    assert nfull % nbuf == 0
    nouter = nfull // nbuf
    stride = (n // ns) // 8 * 8
    span = stride + (n - ns * stride)
    assert stride % 8 == 0 and span >= stride and (ns - 1) * stride + span == n
    nvr = d // lanes
    slab = nfull * ch

    mesh = plsc.VectorSubcoreMesh(core_axis_name="c", subcore_axis_name="s")

    @functools.partial(
        pl.kernel,
        mesh=mesh,
        out_type=jax.ShapeDtypeStruct((nc * n, d), jnp.float32),
        scratch_types=[
            pltpu.VMEM((slab,), jnp.int32),
            pltpu.VMEM((slab,), jnp.int32),
            pltpu.VMEM((slab,), jnp.float32),
            [pltpu.VMEM((ch,), jnp.int32) for _ in range(nbuf)],
            [pltpu.VMEM((ch,), jnp.int32) for _ in range(nbuf)],
            [pltpu.VMEM((ch, d), jnp.float32) for _ in range(nbuf)],
            pltpu.VMEM((tail,), jnp.int32),
            pltpu.VMEM((tail,), jnp.int32),
            pltpu.VMEM((lanes,), jnp.float32),
            pltpu.VMEM((tail, d), jnp.float32),
            pltpu.VMEM_SHARED((n, d), jnp.float32),
            [pltpu.SemaphoreType.DMA for _ in range(nbuf)],
            pltpu.SemaphoreType.DMA,
        ],
    )
    def body(feat_hbm, src_hbm, dst_hbm, e_hbm, zeros_hbm, out_hbm,
             src_all, dst_all, e_all,
             src_b, dst_b, rows_g,
             src_t, dst_t, e_t, rows_t,
             agg_sh, gsem, sem):
        ci = lax.axis_index("c")
        si = lax.axis_index("s")
        wid = si * nc + ci

        r0 = si * stride
        pltpu.sync_copy(zeros_hbm, agg_sh.at[pl.ds(r0, span)])

        base = wid * epw
        pltpu.sync_copy(src_hbm.at[pl.ds(base, slab)], src_all)
        pltpu.sync_copy(dst_hbm.at[pl.ds(base, slab)], dst_all)
        pltpu.sync_copy(e_hbm.at[pl.ds(base, slab)], e_all)
        plsc.subcore_barrier()

        def scale_rows(dst_rows, srcr, evals, ebase, count):
            def sgrp(g, _):
                ev16 = evals[pl.ds(ebase + g * lanes, lanes)]
                for l in range(min(lanes, count)):
                    es = ev16[l]
                    r = g * lanes + l
                    for v in range(nvr):
                        sl = pl.ds(v * lanes, lanes)
                        dst_rows[r, sl] = srcr[r, sl] * es
                return 0
            lax.fori_loop(0, max(count // lanes, 1), sgrp, 0)

        def vcopy(src_ref, soff, dst_ref):
            for v in range(ch // lanes):
                dst_ref[pl.ds(v * lanes, lanes)] = (
                    src_ref[pl.ds(soff + v * lanes, lanes)])

        def drain(sem_, buf):
            pltpu.make_async_copy(feat_hbm.at[pl.ds(0, ch)], buf, sem_).wait()

        for b in range(nbuf):
            vcopy(src_all, b * ch, src_b[b])
            pltpu.async_copy(feat_hbm.at[src_b[b]], rows_g[b], gsem[b])

        def outer(i, _):
            for b in range(nbuf):
                c = i * nbuf + b
                drain(gsem[b], rows_g[b])
                scale_rows(rows_g[b], rows_g[b], e_all, c * ch, ch)
                vcopy(dst_all, c * ch, dst_b[b])
                pltpu.sync_copy(rows_g[b], agg_sh.at[dst_b[b]], add=True)
                @pl.when(i < nouter - 1)
                def _():
                    vcopy(src_all, (c + nbuf) * ch, src_b[b])
                    pltpu.async_copy(feat_hbm.at[src_b[b]], rows_g[b], gsem[b])
            return 0
        lax.fori_loop(0, nouter, outer, 0)

        if tail:
            off = base + nfull * ch
            pltpu.sync_copy(src_hbm.at[pl.ds(off, tail)], src_t)
            pltpu.sync_copy(dst_hbm.at[pl.ds(off, tail)], dst_t)
            pltpu.sync_copy(e_hbm.at[pl.ds(off, tail)],
                            e_t.at[pl.ds(0, tail)])
            pltpu.async_copy(feat_hbm.at[src_t], rows_t, sem).wait()
            scale_rows(rows_t, rows_t, e_t, 0, tail)
            pltpu.sync_copy(rows_t, agg_sh.at[dst_t], add=True)

        plsc.subcore_barrier()

        done = 0
        while done < span:
            sz = min(128, span - done)
            pltpu.sync_copy(agg_sh.at[pl.ds(r0 + done, sz)],
                            out_hbm.at[pl.ds(ci * n + r0 + done, sz)])
            done += sz

    return body


@functools.lru_cache(maxsize=None)
def _tc_k(n, d, bm):
    nb = n // bm

    def body(x_ref, feat_ref, out_ref):
        out_ref[:, d:] = lax.dot_general(
            x_ref[...], feat_ref[...],
            (((1,), (1,)), ((), ())),
            preferred_element_type=jnp.float32,
            precision=lax.Precision.DEFAULT,
        )

    return pl.pallas_call(
        body,
        grid=(nb,),
        in_specs=[
            pl.BlockSpec((bm, d), lambda i: (i, 0)),
            pl.BlockSpec((n, d), lambda i: (0, 0)),
        ],
        out_specs=pl.BlockSpec((bm, n + d), lambda i: (i, 0)),
        out_shape=jax.ShapeDtypeStruct((n, n + d), jnp.float32),
        compiler_params=pltpu.CompilerParams(
            dimension_semantics=("arbitrary",),
        ),
    )


@functools.lru_cache(maxsize=None)
def _tc_fix(n, d):
    def body(buf_ref, p0_ref, p1_ref, out_ref):
        out_ref[...] = p0_ref[...] + p1_ref[...]

    return pl.pallas_call(
        body,
        grid=(1,),
        in_specs=[
            pl.BlockSpec(memory_space=pl.ANY),
            pl.BlockSpec((n, d), lambda i: (0, 0)),
            pl.BlockSpec((n, d), lambda i: (1, 0)),
        ],
        out_specs=pl.BlockSpec((n, d), lambda i: (0, 0)),
        out_shape=jax.ShapeDtypeStruct((n, n + d), jnp.float32),
        input_output_aliases={0: 0},
        compiler_params=pltpu.CompilerParams(
            dimension_semantics=("arbitrary",),
        ),
    )


def kernel(t, x, edge_index, e):
    n, w = x.shape
    d = w - n
    e_total = edge_index.shape[1]
    feat = x[:, :d]
    src = edge_index[0]
    dst = edge_index[1]
    ev = e[:, 0]
    ns = plsc.get_sparse_core_info().num_subcores
    span = (n // ns) // 8 * 8 + (n - ns * ((n // ns) // 8 * 8))
    zeros = jnp.zeros((span, d), jnp.float32)
    partials = _sc_agg(n, d, e_total)(feat, src, dst, ev, zeros)
    buf = _tc_k(n, d, 400)(x, feat)
    return _tc_fix(n, d)(buf, partials, partials)

# --- scband reference (transcript-rebuilt; emitter-appended) ---
"""Pipeline reference for scband-odefunc-28552942584319 (READ-ONLY COPY).

The authoritative reference and input builder live on the scoring server;
editing this copy changes nothing except your own understanding.
"""

import jax, jax.numpy as jnp
import numpy as np

N = 10000
D = 128
E = 160000

def setup_inputs(seed: int = 0) -> dict:
    key = jax.random.key(seed)
    k1, k2, k3 = jax.random.split(key, 3)
    t = jnp.zeros((), dtype=jnp.float32)
    x = jax.random.normal(k1, (N, D + N), dtype=jnp.float32)
    edge_index = jax.random.randint(k2, (2, E), 0, N, dtype=jnp.int32)
    e = jax.random.uniform(k3, (E, 1), dtype=jnp.float32)
    return {"t": t, "x": x, "edge_index": edge_index, "e": e}

def reference(t, x, edge_index, e):
    # Faithful translation of ODEFunc.forward:
    #   x, k = x[:, :-N], x[:, -N:]   (k part of input is discarded)
    #   k = x @ x.T                    (recomputed from features)
    #   g.update_all(u_mul_e('x','e','m'), sum('m','x'))  -> scatter-add of feat[src]*e into dst
    #   return cat([x_agg, k], dim=1)
    n = x.shape[0]
    feat = x[:, :-n]
    k = feat @ feat.T
    src = edge_index[0]
    dst = edge_index[1]
    m = feat[src] * e  # u_mul_e: source features times edge weight (broadcast over feature dim)
    agg = jax.ops.segment_sum(m, dst, num_segments=n)  # fn.sum('m','x')
    return jnp.concatenate([agg, k], axis=1)

if __name__ == "__main__":
    import jax
    _d = setup_inputs()
    print(jax.jit(kernel)(*tuple(_d.values())))

</pallas_src>

<mosaic_0001>
#map = affine_map<(d0, d1) -> (0, 0)>
#map1 = affine_map<(d0, d1) -> (0)>
module attributes {stable_mosaic.version = 14 : i64} {
  func.func @body(%arg0: i32, %arg1: i32, %arg2: memref<10000x128xf32, #tpu.memory_space<hbm>>, %arg3: memref<160000xi32, #tpu.memory_space<hbm>>, %arg4: memref<160000xi32, #tpu.memory_space<hbm>>, %arg5: memref<160000xf32, #tpu.memory_space<hbm>>, %arg6: memref<640x128xf32, #tpu.memory_space<hbm>>, %arg7: memref<20000x128xf32, #tpu.memory_space<hbm>>, %arg8: memref<4992xi32, #tpu.memory_space<vmem>>, %arg9: memref<4992xi32, #tpu.memory_space<vmem>>, %arg10: memref<4992xf32, #tpu.memory_space<vmem>>, %arg11: memref<64xi32, #tpu.memory_space<vmem>>, %arg12: memref<64xi32, #tpu.memory_space<vmem>>, %arg13: memref<64xi32, #tpu.memory_space<vmem>>, %arg14: memref<64xi32, #tpu.memory_space<vmem>>, %arg15: memref<64x128xf32, #tpu.memory_space<vmem>>, %arg16: memref<64x128xf32, #tpu.memory_space<vmem>>, %arg17: memref<8xi32, #tpu.memory_space<vmem>>, %arg18: memref<8xi32, #tpu.memory_space<vmem>>, %arg19: memref<16xf32, #tpu.memory_space<vmem>>, %arg20: memref<8x128xf32, #tpu.memory_space<vmem>>, %arg21: memref<10000x128xf32, #tpu.memory_space<vmem_shared>>, %arg22: memref<!tpu.dma_semaphore, #tpu.memory_space<semaphore_mem>>, %arg23: memref<!tpu.dma_semaphore, #tpu.memory_space<semaphore_mem>>, %arg24: memref<!tpu.dma_semaphore, #tpu.memory_space<semaphore_mem>>) attributes {dimension_semantics = [#tpu.dimension_semantics<core_parallel>, #tpu.dimension_semantics<subcore_parallel>], iteration_bounds = array<i64: 2, 16>, scalar_prefetch = 0 : i64, scratch_operands = 17 : i64, tpu.core_type = #tpu.core_type<sc_vector_subcore>, window_params = [{transform_indices = #map}, {transform_indices = #map1}, {transform_indices = #map1}, {transform_indices = #map1}, {transform_indices = #map}, {transform_indices = #map}]} {
    %mul3A = arith.constant 2 : i32
    %mul3A_0 = arith.muli %arg1, %mul3A : i32
    %add3A = arith.addi %mul3A_0, %arg0 : i32
    %mul3A_1 = arith.constant 624 : i32
    %mul3A_2 = arith.muli %arg1, %mul3A_1 : i32
    "tpu.region"() ({
      %run_scoped3A = tpu.sem_alloc : memref<!tpu.dma_semaphore, #tpu.memory_space<semaphore_mem>>
      %dma_start3A_874 = arith.constant 0 : i32
      %dma_start3A_875 = tpu.memref_slice %arg21[%mul3A_2, %dma_start3A_874] : memref<10000x128xf32, #tpu.memory_space<vmem_shared>> -> memref<640x128xf32, #tpu.memory_space<vmem_shared>>
      tpu.enqueue_dma source(%arg6 : memref<640x128xf32, #tpu.memory_space<hbm>>) target(%dma_start3A_875 : memref<640x128xf32, #tpu.memory_space<vmem_shared>>) target_semaphore(%run_scoped3A : memref<!tpu.dma_semaphore, #tpu.memory_space<semaphore_mem>>)
      %dma_wait3A_876 = arith.constant 0 : i32
      %dma_wait3A_877 = tpu.memref_slice %arg21[%mul3A_2, %dma_wait3A_876] : memref<10000x128xf32, #tpu.memory_space<vmem_shared>> -> memref<640x128xf32, #tpu.memory_space<vmem_shared>>
      tpu.wait_dma2 semaphore(%run_scoped3A : memref<!tpu.dma_semaphore, #tpu.memory_space<semaphore_mem>>) src(%arg6 : memref<640x128xf32, #tpu.memory_space<hbm>>) dst(%dma_wait3A_877 : memref<640x128xf32, #tpu.memory_space<vmem_shared>>)
      tpu.yield
    }) : () -> ()
    %mul3A_3 = arith.constant 5000 : i32
    %mul3A_4 = arith.muli %add3A, %mul3A_3 : i32
    "tpu.region"() ({
      %run_scoped3A = tpu.sem_alloc : memref<!tpu.dma_semaphore, #tpu.memory_space<semaphore_mem>>
      %dma_start3A_874 = tpu.memref_slice %arg3[%mul3A_4] : memref<160000xi32, #tpu.memory_space<hbm>> -> memref<4992xi32, #tpu.memory_space<hbm>>
      %dma_start3A_875 = tpu.memref_slice %arg3[%mul3A_4] : memref<160000xi32, #tpu.memory_space<hbm>> -> memref<4992xi32, #tpu.memory_space<hbm>>
      tpu.enqueue_dma source(%dma_start3A_875 : memref<4992xi32, #tpu.memory_space<hbm>>) target(%arg8 : memref<4992xi32, #tpu.memory_space<vmem>>) target_semaphore(%run_scoped3A : memref<!tpu.dma_semaphore, #tpu.memory_space<semaphore_mem>>)
      %dma_wait3A_876 = tpu.memref_slice %arg3[%mul3A_4] : memref<160000xi32, #tpu.memory_space<hbm>> -> memref<4992xi32, #tpu.memory_space<hbm>>
      %dma_wait3A_877 = tpu.memref_slice %arg3[%mul3A_4] : memref<160000xi32, #tpu.memory_space<hbm>> -> memref<4992xi32, #tpu.memory_space<hbm>>
      tpu.wait_dma2 semaphore(%run_scoped3A : memref<!tpu.dma_semaphore, #tpu.memory_space<semaphore_mem>>) src(%dma_wait3A_877 : memref<4992xi32, #tpu.memory_space<hbm>>) dst(%arg8 : memref<4992xi32, #tpu.memory_space<vmem>>)
      tpu.yield
    }) : () -> ()
    "tpu.region"() ({
      %run_scoped3A = tpu.sem_alloc : memref<!tpu.dma_semaphore, #tpu.memory_space<semaphore_mem>>
      %dma_start3A_874 = tpu.memref_slice %arg4[%mul3A_4] : memref<160000xi32, #tpu.memory_space<hbm>> -> memref<4992xi32, #tpu.memory_space<hbm>>
      %dma_start3A_875 = tpu.memref_slice %arg4[%mul3A_4] : memref<160000xi32, #tpu.memory_space<hbm>> -> memref<4992xi32, #tpu.memory_space<hbm>>
      tpu.enqueue_dma source(%dma_start3A_875 : memref<4992xi32, #tpu.memory_space<hbm>>) target(%arg9 : memref<4992xi32, #tpu.memory_space<vmem>>) target_semaphore(%run_scoped3A : memref<!tpu.dma_semaphore, #tpu.memory_space<semaphore_mem>>)
      %dma_wait3A_876 = tpu.memref_slice %arg4[%mul3A_4] : memref<160000xi32, #tpu.memory_space<hbm>> -> memref<4992xi32, #tpu.memory_space<hbm>>
      %dma_wait3A_877 = tpu.memref_slice %arg4[%mul3A_4] : memref<160000xi32, #tpu.memory_space<hbm>> -> memref<4992xi32, #tpu.memory_space<hbm>>
      tpu.wait_dma2 semaphore(%run_scoped3A : memref<!tpu.dma_semaphore, #tpu.memory_space<semaphore_mem>>) src(%dma_wait3A_877 : memref<4992xi32, #tpu.memory_space<hbm>>) dst(%arg9 : memref<4992xi32, #tpu.memory_space<vmem>>)
      tpu.yield
    }) : () -> ()
    "tpu.region"() ({
      %run_scoped3A = tpu.sem_alloc : memref<!tpu.dma_semaphore, #tpu.memory_space<semaphore_mem>>
      %dma_start3A_874 = tpu.memref_slice %arg5[%mul3A_4] : memref<160000xf32, #tpu.memory_space<hbm>> -> memref<4992xf32, #tpu.memory_space<hbm>>
      %dma_start3A_875 = tpu.memref_slice %arg5[%mul3A_4] : memref<160000xf32, #tpu.memory_space<hbm>> -> memref<4992xf32, #tpu.memory_space<hbm>>
      tpu.enqueue_dma source(%dma_start3A_875 : memref<4992xf32, #tpu.memory_space<hbm>>) target(%arg10 : memref<4992xf32, #tpu.memory_space<vmem>>) target_semaphore(%run_scoped3A : memref<!tpu.dma_semaphore, #tpu.memory_space<semaphore_mem>>)
      %dma_wait3A_876 = tpu.memref_slice %arg5[%mul3A_4] : memref<160000xf32, #tpu.memory_space<hbm>> -> memref<4992xf32, #tpu.memory_space<hbm>>
      %dma_wait3A_877 = tpu.memref_slice %arg5[%mul3A_4] : memref<160000xf32, #tpu.memory_space<hbm>> -> memref<4992xf32, #tpu.memory_space<hbm>>
      tpu.wait_dma2 semaphore(%run_scoped3A : memref<!tpu.dma_semaphore, #tpu.memory_space<semaphore_mem>>) src(%dma_wait3A_877 : memref<4992xf32, #tpu.memory_space<hbm>>) dst(%arg10 : memref<4992xf32, #tpu.memory_space<vmem>>)
      tpu.yield
    }) : () -> ()
    %barrier3A = arith.constant 0 : index
    tpu.barrier barrier_id(%barrier3A)
    %get3A = arith.constant 0 : index
    %get3A_5 = tpu.vector_load %arg8[%get3A] {strides = array<i32>} : memref<4992xi32, #tpu.memory_space<vmem>>, vector<16xi32>,
    %get3A_6 = vector.shape_cast %get3A_5 : vector<16xi32> to vector<16xi32>
    %swap3A = arith.constant 0 : index
    %swap3A_7 = tpu.vector_load %arg11[%swap3A] {strides = array<i32>} : memref<64xi32, #tpu.memory_space<vmem>>, vector<16xi32>,
    %swap3A_8 = vector.shape_cast %swap3A_7 : vector<16xi32> to vector<16xi32>
    %swap3A_9 = vector.shape_cast %get3A_6 : vector<16xi32> to vector<16xi32>
    tpu.vector_store %arg11[%swap3A], %swap3A_9 {strides = array<i32>} : memref<64xi32, #tpu.memory_space<vmem>>, vector<16xi32>,
    %get3A_10 = arith.constant 16 : index
    %get3A_11 = tpu.vector_load %arg8[%get3A_10] {strides = array<i32>} : memref<4992xi32, #tpu.memory_space<vmem>>, vector<16xi32>,
    %get3A_12 = vector.shape_cast %get3A_11 : vector<16xi32> to vector<16xi32>
    %swap3A_13 = arith.constant 16 : index
    %swap3A_14 = tpu.vector_load %arg11[%swap3A_13] {strides = array<i32>} : memref<64xi32, #tpu.memory_space<vmem>>, vector<16xi32>,
    %swap3A_15 = vector.shape_cast %swap3A_14 : vector<16xi32> to vector<16xi32>
    %swap3A_16 = vector.shape_cast %get3A_12 : vector<16xi32> to vector<16xi32>
    tpu.vector_store %arg11[%swap3A_13], %swap3A_16 {strides = array<i32>} : memref<64xi32, #tpu.memory_space<vmem>>, vector<16xi32>,
    %get3A_17 = arith.constant 32 : index
    %get3A_18 = tpu.vector_load %arg8[%get3A_17] {strides = array<i32>} : memref<4992xi32, #tpu.memory_space<vmem>>, vector<16xi32>,
    %get3A_19 = vector.shape_cast %get3A_18 : vector<16xi32> to vector<16xi32>
    %swap3A_20 = arith.constant 32 : index
    %swap3A_21 = tpu.vector_load %arg11[%swap3A_20] {strides = array<i32>} : memref<64xi32, #tpu.memory_space<vmem>>, vector<16xi32>,
    %swap3A_22 = vector.shape_cast %swap3A_21 : vector<16xi32> to vector<16xi32>
    %swap3A_23 = vector.shape_cast %get3A_19 : vector<16xi32> to vector<16xi32>
    tpu.vector_store %arg11[%swap3A_20], %swap3A_23 {strides = array<i32>} : memref<64xi32, #tpu.memory_space<vmem>>, vector<16xi32>,
    %get3A_24 = arith.constant 48 : index
    %get3A_25 = tpu.vector_load %arg8[%get3A_24] {strides = array<i32>} : memref<4992xi32, #tpu.memory_space<vmem>>, vector<16xi32>,
    %get3A_26 = vector.shape_cast %get3A_25 : vector<16xi32> to vector<16xi32>
    %swap3A_27 = arith.constant 48 : index
    %swap3A_28 = tpu.vector_load %arg11[%swap3A_27] {strides = array<i32>} : memref<64xi32, #tpu.memory_space<vmem>>, vector<16xi32>,
    %swap3A_29 = vector.shape_cast %swap3A_28 : vector<16xi32> to vector<16xi32>
    %swap3A_30 = vector.shape_cast %get3A_26 : vector<16xi32> to vector<16xi32>
    tpu.vector_store %arg11[%swap3A_27], %swap3A_30 {strides = array<i32>} : memref<64xi32, #tpu.memory_space<vmem>>, vector<16xi32>,
    %dma_start3A = arith.constant 0 : i32
    %dma_start3A_31 = arith.constant 0 : i32
    %dma_start3A_32 = tpu.memref_slice %arg2[%dma_start3A, %dma_start3A_31] : memref<10000x128xf32, #tpu.memory_space<hbm>> -> memref<10000x128xf32, #tpu.memory_space<hbm>>
    tpu.enqueue_indirect_dma source(%dma_start3A_32 : memref<10000x128xf32, #tpu.memory_space<hbm>>) target(%arg15 : memref<64x128xf32, #tpu.memory_space<vmem>>) offsets(%arg11 : memref<64xi32, #tpu.memory_space<vmem>>) semaphore(%arg22 : memref<!tpu.dma_semaphore, #tpu.memory_space<semaphore_mem>>)
    %get3A_33 = arith.constant 64 : index
    %get3A_34 = tpu.vector_load %arg8[%get3A_33] {strides = array<i32>} : memref<4992xi32, #tpu.memory_space<vmem>>, vector<16xi32>,
    %get3A_35 = vector.shape_cast %get3A_34 : vector<16xi32> to vector<16xi32>
    %swap3A_36 = arith.constant 0 : index
    %swap3A_37 = tpu.vector_load %arg12[%swap3A_36] {strides = array<i32>} : memref<64xi32, #tpu.memory_space<vmem>>, vector<16xi32>,
    %swap3A_38 = vector.shape_cast %swap3A_37 : vector<16xi32> to vector<16xi32>
    %swap3A_39 = vector.shape_cast %get3A_35 : vector<16xi32> to vector<16xi32>
    tpu.vector_store %arg12[%swap3A_36], %swap3A_39 {strides = array<i32>} : memref<64xi32, #tpu.memory_space<vmem>>, vector<16xi32>,
    %get3A_40 = arith.constant 80 : index
    %get3A_41 = tpu.vector_load %arg8[%get3A_40] {strides = array<i32>} : memref<4992xi32, #tpu.memory_space<vmem>>, vector<16xi32>,
    %get3A_42 = vector.shape_cast %get3A_41 : vector<16xi32> to vector<16xi32>
    %swap3A_43 = arith.constant 16 : index
    %swap3A_44 = tpu.vector_load %arg12[%swap3A_43] {strides = array<i32>} : memref<64xi32, #tpu.memory_space<vmem>>, vector<16xi32>,
    %swap3A_45 = vector.shape_cast %swap3A_44 : vector<16xi32> to vector<16xi32>
    %swap3A_46 = vector.shape_cast %get3A_42 : vector<16xi32> to vector<16xi32>
    tpu.vector_store %arg12[%swap3A_43], %swap3A_46 {strides = array<i32>} : memref<64xi32, #tpu.memory_space<vmem>>, vector<16xi32>,
    %get3A_47 = arith.constant 96 : index
    %get3A_48 = tpu.vector_load %arg8[%get3A_47] {strides = array<i32>} : memref<4992xi32, #tpu.memory_space<vmem>>, vector<16xi32>,
    %get3A_49 = vector.shape_cast %get3A_48 : vector<16xi32> to vector<16xi32>
    %swap3A_50 = arith.constant 32 : index
    %swap3A_51 = tpu.vector_load %arg12[%swap3A_50] {strides = array<i32>} : memref<64xi32, #tpu.memory_space<vmem>>, vector<16xi32>,
    %swap3A_52 = vector.shape_cast %swap3A_51 : vector<16xi32> to vector<16xi32>
    %swap3A_53 = vector.shape_cast %get3A_49 : vector<16xi32> to vector<16xi32>
    tpu.vector_store %arg12[%swap3A_50], %swap3A_53 {strides = array<i32>} : memref<64xi32, #tpu.memory_space<vmem>>, vector<16xi32>,
    %get3A_54 = arith.constant 112 : index
    %get3A_55 = tpu.vector_load %arg8[%get3A_54] {strides = array<i32>} : memref<4992xi32, #tpu.memory_space<vmem>>, vector<16xi32>,
    %get3A_56 = vector.shape_cast %get3A_55 : vector<16xi32> to vector<16xi32>
    %swap3A_57 = arith.constant 48 : index
    %swap3A_58 = tpu.vector_load %arg12[%swap3A_57] {strides = array<i32>} : memref<64xi32, #tpu.memory_space<vmem>>, vector<16xi32>,
    %swap3A_59 = vector.shape_cast %swap3A_58 : vector<16xi32> to vector<16xi32>
    %swap3A_60 = vector.shape_cast %get3A_56 : vector<16xi32> to vector<16xi32>
    tpu.vector_store %arg12[%swap3A_57], %swap3A_60 {strides = array<i32>} : memref<64xi32, #tpu.memory_space<vmem>>, vector<16xi32>,
    %dma_start3A_61 = arith.constant 0 : i32
    %dma_start3A_62 = arith.constant 0 : i32
    %dma_start3A_63 = tpu.memref_slice %arg2[%dma_start3A_61, %dma_start3A_62] : memref<10000x128xf32, #tpu.memory_space<hbm>> -> memref<10000x128xf32, #tpu.memory_space<hbm>>
    tpu.enqueue_indirect_dma source(%dma_start3A_63 : memref<10000x128xf32, #tpu.memory_space<hbm>>) target(%arg16 : memref<64x128xf32, #tpu.memory_space<vmem>>) offsets(%arg12 : memref<64xi32, #tpu.memory_space<vmem>>) semaphore(%arg23 : memref<!tpu.dma_semaphore, #tpu.memory_space<semaphore_mem>>)
    %scan3A = arith.constant 0 : i32
    %scan3A_64 = arith.constant 0 : i32
    %scan3A_65 = arith.constant 39 : i32
    %scan3A_66 = arith.addi %scan3A_64, %scan3A_65 : i32
    %scan3A_67 = arith.constant 1 : i32
    %scan3A_68 = scf.for %scan3A_874 = %scan3A_64 to %scan3A_66 step %scan3A_67 iter_args(%scan3A_875 = %scan3A) -> (i32)  : i32 {
      %mul3A_876 = arith.constant 2 : i32
      %mul3A_877 = arith.muli %scan3A_874, %mul3A_876 : i32
      %add3A_878 = arith.constant 0 : i32
      %add3A_879 = arith.addi %mul3A_877, %add3A_878 : i32
      %dma_wait3A_880 = arith.constant 0 : i32
      %dma_wait3A_881 = arith.constant 0 : i32
      %dma_wait3A_882 = tpu.memref_slice %arg2[%dma_wait3A_880, %dma_wait3A_881] : memref<10000x128xf32, #tpu.memory_space<hbm>> -> memref<64x128xf32, #tpu.memory_space<hbm>>
      %dma_wait3A_883 = arith.constant 0 : i32
      %dma_wait3A_884 = arith.constant 0 : i32
      %dma_wait3A_885 = tpu.memref_slice %arg2[%dma_wait3A_883, %dma_wait3A_884] : memref<10000x128xf32, #tpu.memory_space<hbm>> -> memref<64x128xf32, #tpu.memory_space<hbm>>
      tpu.wait_dma2 semaphore(%arg22 : memref<!tpu.dma_semaphore, #tpu.memory_space<semaphore_mem>>) src(%dma_wait3A_885 : memref<64x128xf32, #tpu.memory_space<hbm>>) dst(%arg15 : memref<64x128xf32, #tpu.memory_space<vmem>>)
      %mul3A_886 = arith.constant 64 : i32
      %mul3A_887 = arith.muli %add3A_879, %mul3A_886 : i32
      %scan3A_888 = arith.constant 0 : i32
      %scan3A_889 = arith.constant 0 : i32
      %scan3A_890 = arith.constant 4 : i32
      %scan3A_891 = arith.addi %scan3A_889, %scan3A_890 : i32
      %scan3A_892 = arith.constant 1 : i32
      %scan3A_893 = scf.for %scan3A_998 = %scan3A_889 to %scan3A_891 step %scan3A_892 iter_args(%scan3A_999 = %scan3A_888) -> (i32)  : i32 {
        %mul3A_1000 = arith.constant 16 : i32
        %mul3A_1001 = arith.muli %scan3A_998, %mul3A_1000 : i32
        %add3A_1002 = arith.addi %mul3A_887, %mul3A_1001 : i32
        %get3A_1003 = arith.index_cast %add3A_1002 : i32 to index
        %get3A_1004 = tpu.vector_load %arg10[%get3A_1003] {strides = array<i32>} : memref<4992xf32, #tpu.memory_space<vmem>>, vector<16xf32>,
        %get3A_1005 = vector.shape_cast %get3A_1004 : vector<16xf32> to vector<16xf32>
        %slice3A_1006 = vector.extract_strided_slice %get3A_1005 {offsets = [0], sizes = [1], strides = [1]} : vector<16xf32> to vector<1xf32>
        %squeeze3A_1007 = vector.extract %slice3A_1006[0] : f32 from vector<1xf32>
        %mul3A_1008 = arith.constant 16 : i32
        %mul3A_1009 = arith.muli %scan3A_998, %mul3A_1008 : i32
        %add3A_1010 = arith.constant 0 : i32
        %add3A_1011 = arith.addi %mul3A_1009, %add3A_1010 : i32
        %get3A_1012 = arith.index_cast %add3A_1011 : i32 to index
        %get3A_1013 = arith.constant 0 : index
        %get3A_1014 = tpu.vector_load %arg15[%get3A_1012, %get3A_1013] {strides = array<i32>} : memref<64x128xf32, #tpu.memory_space<vmem>>, vector<1x16xf32>,
        %get3A_1015 = vector.shape_cast %get3A_1014 : vector<1x16xf32> to vector<16xf32>
        %mul3A_1016 = vector.broadcast %squeeze3A_1007 : f32 to vector<16xf32>
        %mul3A_1017 = arith.mulf %get3A_1015, %mul3A_1016 : vector<16xf32>
        %swap3A_1018 = arith.index_cast %add3A_1011 : i32 to index
        %swap3A_1019 = arith.constant 0 : index
        %swap3A_1020 = tpu.vector_load %arg15[%swap3A_1018, %swap3A_1019] {strides = array<i32>} : memref<64x128xf32, #tpu.memory_space<vmem>>, vector<1x16xf32>,
        %swap3A_1021 = vector.shape_cast %swap3A_1020 : vector<1x16xf32> to vector<16xf32>
        %swap3A_1022 = vector.shape_cast %mul3A_1017 : vector<16xf32> to vector<1x16xf32>
        tpu.vector_store %arg15[%swap3A_1018, %swap3A_1019], %swap3A_1022 {strides = array<i32>} : memref<64x128xf32, #tpu.memory_space<vmem>>, vector<1x16xf32>,
        %get3A_1023 = arith.index_cast %add3A_1011 : i32 to index
        %get3A_1024 = arith.constant 16 : index
        %get3A_1025 = tpu.vector_load %arg15[%get3A_1023, %get3A_1024] {strides = array<i32>} : memref<64x128xf32, #tpu.memory_space<vmem>>, vector<1x16xf32>,
        %get3A_1026 = vector.shape_cast %get3A_1025 : vector<1x16xf32> to vector<16xf32>
        %mul3A_1027 = vector.broadcast %squeeze3A_1007 : f32 to vector<16xf32>
        %mul3A_1028 = arith.mulf %get3A_1026, %mul3A_1027 : vector<16xf32>
        %swap3A_1029 = arith.index_cast %add3A_1011 : i32 to index
        %swap3A_1030 = arith.constant 16 : index
        %swap3A_1031 = tpu.vector_load %arg15[%swap3A_1029, %swap3A_1030] {strides = array<i32>} : memref<64x128xf32, #tpu.memory_space<vmem>>, vector<1x16xf32>,
        %swap3A_1032 = vector.shape_cast %swap3A_1031 : vector<1x16xf32> to vector<16xf32>
        %swap3A_1033 = vector.shape_cast %mul3A_1028 : vector<16xf32> to vector<1x16xf32>
        tpu.vector_store %arg15[%swap3A_1029, %swap3A_1030], %swap3A_1033 {strides = array<i32>} : memref<64x128xf32, #tpu.memory_space<vmem>>, vector<1x16xf32>,
        %get3A_1034 = arith.index_cast %add3A_1011 : i32 to index
        %get3A_1035 = arith.constant 32 : index
        %get3A_1036 = tpu.vector_load %arg15[%get3A_1034, %get3A_1035] {strides = array<i32>} : memref<64x128xf32, #tpu.memory_space<vmem>>, vector<1x16xf32>,
        %get3A_1037 = vector.shape_cast %get3A_1036 : vector<1x16xf32> to vector<16xf32>
        %mul3A_1038 = vector.broadcast %squeeze3A_1007 : f32 to vector<16xf32>
        %mul3A_1039 = arith.mulf %get3A_1037, %mul3A_1038 : vector<16xf32>
        %swap3A_1040 = arith.index_cast %add3A_1011 : i32 to index
        %swap3A_1041 = arith.constant 32 : index
        %swap3A_1042 = tpu.vector_load %arg15[%swap3A_1040, %swap3A_1041] {strides = array<i32>} : memref<64x128xf32, #tpu.memory_space<vmem>>, vector<1x16xf32>,
        %swap3A_1043 = vector.shape_cast %swap3A_1042 : vector<1x16xf32> to vector<16xf32>
        %swap3A_1044 = vector.shape_cast %mul3A_1039 : vector<16xf32> to vector<1x16xf32>
        tpu.vector_store %arg15[%swap3A_1040, %swap3A_1041], %swap3A_1044 {strides = array<i32>} : memref<64x128xf32, #tpu.memory_space<vmem>>, vector<1x16xf32>,
        %get3A_1045 = arith.index_cast %add3A_1011 : i32 to index
        %get3A_1046 = arith.constant 48 : index
        %get3A_1047 = tpu.vector_load %arg15[%get3A_1045, %get3A_1046] {strides = array<i32>} : memref<64x128xf32, #tpu.memory_space<vmem>>, vector<1x16xf32>,
        %get3A_1048 = vector.shape_cast %get3A_1047 : vector<1x16xf32> to vector<16xf32>
        %mul3A_1049 = vector.broadcast %squeeze3A_1007 : f32 to vector<16xf32>
        %mul3A_1050 = arith.mulf %get3A_1048, %mul3A_1049 : vector<16xf32>
        %swap3A_1051 = arith.index_cast %add3A_1011 : i32 to index
        %swap3A_1052 = arith.constant 48 : index
        %swap3A_1053 = tpu.vector_load %arg15[%swap3A_1051, %swap3A_1052] {strides = array<i32>} : memref<64x128xf32, #tpu.memory_space<vmem>>, vector<1x16xf32>,
        %swap3A_1054 = vector.shape_cast %swap3A_1053 : vector<1x16xf32> to vector<16xf32>
        %swap3A_1055 = vector.shape_cast %mul3A_1050 : vector<16xf32> to vector<1x16xf32>
        tpu.vector_store %arg15[%swap3A_1051, %swap3A_1052], %swap3A_1055 {strides = array<i32>} : memref<64x128xf32, #tpu.memory_space<vmem>>, vector<1x16xf32>,
        %get3A_1056 = arith.index_cast %add3A_1011 : i32 to index
        %get3A_1057 = arith.constant 64 : index
        %get3A_1058 = tpu.vector_load %arg15[%get3A_1056, %get3A_1057] {strides = array<i32>} : memref<64x128xf32, #tpu.memory_space<vmem>>, vector<1x16xf32>,
        %get3A_1059 = vector.shape_cast %get3A_1058 : vector<1x16xf32> to vector<16xf32>
        %mul3A_1060 = vector.broadcast %squeeze3A_1007 : f32 to vector<16xf32>
        %mul3A_1061 = arith.mulf %get3A_1059, %mul3A_1060 : vector<16xf32>
        %swap3A_1062 = arith.index_cast %add3A_1011 : i32 to index
        %swap3A_1063 = arith.constant 64 : index
        %swap3A_1064 = tpu.vector_load %arg15[%swap3A_1062, %swap3A_1063] {strides = array<i32>} : memref<64x128xf32, #tpu.memory_space<vmem>>, vector<1x16xf32>,
        %swap3A_1065 = vector.shape_cast %swap3A_1064 : vector<1x16xf32> to vector<16xf32>
        %swap3A_1066 = vector.shape_cast %mul3A_1061 : vector<16xf32> to vector<1x16xf32>
        tpu.vector_store %arg15[%swap3A_1062, %swap3A_1063], %swap3A_1066 {strides = array<i32>} : memref<64x128xf32, #tpu.memory_space<vmem>>, vector<1x16xf32>,
        %get3A_1067 = arith.index_cast %add3A_1011 : i32 to index
        %get3A_1068 = arith.constant 80 : index
        %get3A_1069 = tpu.vector_load %arg15[%get3A_1067, %get3A_1068] {strides = array<i32>} : memref<64x128xf32, #tpu.memory_space<vmem>>, vector<1x16xf32>,
        %get3A_1070 = vector.shape_cast %get3A_1069 : vector<1x16xf32> to vector<16xf32>
        %mul3A_1071 = vector.broadcast %squeeze3A_1007 : f32 to vector<16xf32>
        %mul3A_1072 = arith.mulf %get3A_1070, %mul3A_1071 : vector<16xf32>
        %swap3A_1073 = arith.index_cast %add3A_1011 : i32 to index
        %swap3A_1074 = arith.constant 80 : index
        %swap3A_1075 = tpu.vector_load %arg15[%swap3A_1073, %swap3A_1074] {strides = array<i32>} : memref<64x128xf32, #tpu.memory_space<vmem>>, vector<1x16xf32>,
        %swap3A_1076 = vector.shape_cast %swap3A_1075 : vector<1x16xf32> to vector<16xf32>
        %swap3A_1077 = vector.shape_cast %mul3A_1072 : vector<16xf32> to vector<1x16xf32>
        tpu.vector_store %arg15[%swap3A_1073, %swap3A_1074], %swap3A_1077 {strides = array<i32>} : memref<64x128xf32, #tpu.memory_space<vmem>>, vector<1x16xf32>,
        %get3A_1078 = arith.index_cast %add3A_1011 : i32 to index
        %get3A_1079 = arith.constant 96 : index
        %get3A_1080 = tpu.vector_load %arg15[%get3A_1078, %get3A_1079] {strides = array<i32>} : memref<64x128xf32, #tpu.memory_space<vmem>>, vector<1x16xf32>,
        %get3A_1081 = vector.shape_cast %get3A_1080 : vector<1x16xf32> to vector<16xf32>
        %mul3A_1082 = vector.broadcast %squeeze3A_1007 : f32 to vector<16xf32>
        %mul3A_1083 = arith.mulf %get3A_1081, %mul3A_1082 : vector<16xf32>
        %swap3A_1084 = arith.index_cast %add3A_1011 : i32 to index
        %swap3A_1085 = arith.constant 96 : index
        %swap3A_1086 = tpu.vector_load %arg15[%swap3A_1084, %swap3A_1085] {strides = array<i32>} : memref<64x128xf32, #tpu.memory_space<vmem>>, vector<1x16xf32>,
        %swap3A_1087 = vector.shape_cast %swap3A_1086 : vector<1x16xf32> to vector<16xf32>
        %swap3A_1088 = vector.shape_cast %mul3A_1083 : vector<16xf32> to vector<1x16xf32>
        tpu.vector_store %arg15[%swap3A_1084, %swap3A_1085], %swap3A_1088 {strides = array<i32>} : memref<64x128xf32, #tpu.memory_space<vmem>>, vector<1x16xf32>,
        %get3A_1089 = arith.index_cast %add3A_1011 : i32 to index
        %get3A_1090 = arith.constant 112 : index
        %get3A_1091 = tpu.vector_load %arg15[%get3A_1089, %get3A_1090] {strides = array<i32>} : memref<64x128xf32, #tpu.memory_space<vmem>>, vector<1x16xf32>,
        %get3A_1092 = vector.shape_cast %get3A_1091 : vector<1x16xf32> to vector<16xf32>
        %mul3A_1093 = vector.broadcast %squeeze3A_1007 : f32 to vector<16xf32>
        %mul3A_1094 = arith.mulf %get3A_1092, %mul3A_1093 : vector<16xf32>
        %swap3A_1095 = arith.index_cast %add3A_1011 : i32 to index
        %swap3A_1096 = arith.constant 112 : index
        %swap3A_1097 = tpu.vector_load %arg15[%swap3A_1095, %swap3A_1096] {strides = array<i32>} : memref<64x128xf32, #tpu.memory_space<vmem>>, vector<1x16xf32>,
        %swap3A_1098 = vector.shape_cast %swap3A_1097 : vector<1x16xf32> to vector<16xf32>
        %swap3A_1099 = vector.shape_cast %mul3A_1094 : vector<16xf32> to vector<1x16xf32>
        tpu.vector_store %arg15[%swap3A_1095, %swap3A_1096], %swap3A_1099 {strides = array<i32>} : memref<64x128xf32, #tpu.memory_space<vmem>>, vector<1x16xf32>,
        %slice3A_1100 = vector.extract_strided_slice %get3A_1005 {offsets = [1], sizes = [1], strides = [1]} : vector<16xf32> to vector<1xf32>
        %squeeze3A_1101 = vector.extract %slice3A_1100[0] : f32 from vector<1xf32>
        %mul3A_1102 = arith.constant 16 : i32
        %mul3A_1103 = arith.muli %scan3A_998, %mul3A_1102 : i32
        %add3A_1104 = arith.constant 1 : i32
        %add3A_1105 = arith.addi %mul3A_1103, %add3A_1104 : i32
        %get3A_1106 = arith.index_cast %add3A_1105 : i32 to index
        %get3A_1107 = arith.constant 0 : index
        %get3A_1108 = tpu.vector_load %arg15[%get3A_1106, %get3A_1107] {strides = array<i32>} : memref<64x128xf32, #tpu.memory_space<vmem>>, vector<1x16xf32>,
        %get3A_1109 = vector.shape_cast %get3A_1108 : vector<1x16xf32> to vector<16xf32>
        %mul3A_1110 = vector.broadcast %squeeze3A_1101 : f32 to vector<16xf32>
        %mul3A_1111 = arith.mulf %get3A_1109, %mul3A_1110 : vector<16xf32>
        %swap3A_1112 = arith.index_cast %add3A_1105 : i32 to index
        %swap3A_1113 = arith.constant 0 : index
        %swap3A_1114 = tpu.vector_load %arg15[%swap3A_1112, %swap3A_1113] {strides = array<i32>} : memref<64x128xf32, #tpu.memory_space<vmem>>, vector<1x16xf32>,
        %swap3A_1115 = vector.shape_cast %swap3A_1114 : vector<1x16xf32> to vector<16xf32>
        %swap3A_1116 = vector.shape_cast %mul3A_1111 : vector<16xf32> to vector<1x16xf32>
        tpu.vector_store %arg15[%swap3A_1112, %swap3A_1113], %swap3A_1116 {strides = array<i32>} : memref<64x128xf32, #tpu.memory_space<vmem>>, vector<1x16xf32>,
        %get3A_1117 = arith.index_cast %add3A_1105 : i32 to index
        %get3A_1118 = arith.constant 16 : index
        %get3A_1119 = tpu.vector_load %arg15[%get3A_1117, %get3A_1118] {strides = array<i32>} : memref<64x128xf32, #tpu.memory_space<vmem>>, vector<1x16xf32>,
        %get3A_1120 = vector.shape_cast %get3A_1119 : vector<1x16xf32> to vector<16xf32>
        %mul3A_1121 = vector.broadcast %squeeze3A_1101 : f32 to vector<16xf32>
        %mul3A_1122 = arith.mulf %get3A_1120, %mul3A_1121 : vector<16xf32>
        %swap3A_1123 = arith.index_cast %add3A_1105 : i32 to index
        %swap3A_1124 = arith.constant 16 : index
        %swap3A_1125 = tpu.vector_load %arg15[%swap3A_1123, %swap3A_1124] {strides = array<i32>} : memref<64x128xf32, #tpu.memory_space<vmem>>, vector<1x16xf32>,
        %swap3A_1126 = vector.shape_cast %swap3A_1125 : vector<1x16xf32> to vector<16xf32>
        %swap3A_1127 = vector.shape_cast %mul3A_1122 : vector<16xf32> to vector<1x16xf32>
        tpu.vector_store %arg15[%swap3A_1123, %swap3A_1124], %swap3A_1127 {strides = array<i32>} : memref<64x128xf32, #tpu.memory_space<vmem>>, vector<1x16xf32>,
        %get3A_1128 = arith.index_cast %add3A_1105 : i32 to index
        %get3A_1129 = arith.constant 32 : index
        %get3A_1130 = tpu.vector_load %arg15[%get3A_1128, %get3A_1129] {strides = array<i32>} : memref<64x128xf32, #tpu.memory_space<vmem>>, vector<1x16xf32>,
        %get3A_1131 = vector.shape_cast %get3A_1130 : vector<1x16xf32> to vector<16xf32>
        %mul3A_1132 = vector.broadcast %squeeze3A_1101 : f32 to vector<16xf32>
        %mul3A_1133 = arith.mulf %get3A_1131, %mul3A_1132 : vector<16xf32>
        %swap3A_1134 = arith.index_cast %add3A_1105 : i32 to index
        %swap3A_1135 = arith.constant 32 : index
        %swap3A_1136 = tpu.vector_load %arg15[%swap3A_1134, %swap3A_1135] {strides = array<i32>} : memref<64x128xf32, #tpu.memory_space<vmem>>, vector<1x16xf32>,
        %swap3A_1137 = vector.shape_cast %swap3A_1136 : vector<1x16xf32> to vector<16xf32>
        %swap3A_1138 = vector.shape_cast %mul3A_1133 : vector<16xf32> to vector<1x16xf32>
        tpu.vector_store %arg15[%swap3A_1134, %swap3A_1135], %swap3A_1138 {strides = array<i32>} : memref<64x128xf32, #tpu.memory_space<vmem>>, vector<1x16xf32>,
        %get3A_1139 = arith.index_cast %add3A_1105 : i32 to index
        %get3A_1140 = arith.constant 48 : index
        %get3A_1141 = tpu.vector_load %arg15[%get3A_1139, %get3A_1140] {strides = array<i32>} : memref<64x128xf32, #tpu.memory_space<vmem>>, vector<1x16xf32>,
        %get3A_1142 = vector.shape_cast %get3A_1141 : vector<1x16xf32> to vector<16xf32>
        %mul3A_1143 = vector.broadcast %squeeze3A_1101 : f32 to vector<16xf32>
        %mul3A_1144 = arith.mulf %get3A_1142, %mul3A_1143 : vector<16xf32>
        %swap3A_1145 = arith.index_cast %add3A_1105 : i32 to index
        %swap3A_1146 = arith.constant 48 : index
        %swap3A_1147 = tpu.vector_load %arg15[%swap3A_1145, %swap3A_1146] {strides = array<i32>} : memref<64x128xf32, #tpu.memory_space<vmem>>, vector<1x16xf32>,
        %swap3A_1148 = vector.shape_cast %swap3A_1147 : vector<1x16xf32> to vector<16xf32>
        %swap3A_1149 = vector.shape_cast %mul3A_1144 : vector<16xf32> to vector<1x16xf32>
        tpu.vector_store %arg15[%swap3A_1145, %swap3A_1146], %swap3A_1149 {strides = array<i32>} : memref<64x128xf32, #tpu.memory_space<vmem>>, vector<1x16xf32>,
        %get3A_1150 = arith.index_cast %add3A_1105 : i32 to index
        %get3A_1151 = arith.constant 64 : index
        %get3A_1152 = tpu.vector_load %arg15[%get3A_1150, %get3A_1151] {strides = array<i32>} : memref<64x128xf32, #tpu.memory_space<vmem>>, vector<1x16xf32>,
        %get3A_1153 = vector.shape_cast %get3A_1152 : vector<1x16xf32> to vector<16xf32>
        %mul3A_1154 = vector.broadcast %squeeze3A_1101 : f32 to vector<16xf32>
        %mul3A_1155 = arith.mulf %get3A_1153, %mul3A_1154 : vector<16xf32>
        %swap3A_1156 = arith.index_cast %add3A_1105 : i32 to index
        %swap3A_1157 = arith.constant 64 : index
        %swap3A_1158 = tpu.vector_load %arg15[%swap3A_1156, %swap3A_1157] {strides = array<i32>} : memref<64x128xf32, #tpu.memory_space<vmem>>, vector<1x16xf32>,
        %swap3A_1159 = vector.shape_cast %swap3A_1158 : vector<1x16xf32> to vector<16xf32>
        %swap3A_1160 = vector.shape_cast %mul3A_1155 : vector<16xf32> to vector<1x16xf32>
        tpu.vector_store %arg15[%swap3A_1156, %swap3A_1157], %swap3A_1160 {strides = array<i32>} : memref<64x128xf32, #tpu.memory_space<vmem>>, vector<1x16xf32>,
        %get3A_1161 = arith.index_cast %add3A_1105 : i32 to index
        %get3A_1162 = arith.constant 80 : index
        %get3A_1163 = tpu.vector_load %arg15[%get3A_1161, %get3A_1162] {strides = array<i32>} : memref<64x128xf32, #tpu.memory_space<vmem>>, vector<1x16xf32>,
        %get3A_1164 = vector.shape_cast %get3A_1163 : vector<1x16xf32> to vector<16xf32>
        %mul3A_1165 = vector.broadcast %squeeze3A_1101 : f32 to vector<16xf32>
        %mul3A_1166 = arith.mulf %get3A_1164, %mul3A_1165 : vector<16xf32>
        %swap3A_1167 = arith.index_cast %add3A_1105 : i32 to index
        %swap3A_1168 = arith.constant 80 : index
        %swap3A_1169 = tpu.vector_load %arg15[%swap3A_1167, %swap3A_1168] {strides = array<i32>} : memref<64x128xf32, #tpu.memory_space<vmem>>, vector<1x16xf32>,
        %swap3A_1170 = vector.shape_cast %swap3A_1169 : vector<1x16xf32> to vector<16xf32>
        %swap3A_1171 = vector.shape_cast %mul3A_1166 : vector<16xf32> to vector<1x16xf32>
        tpu.vector_store %arg15[%swap3A_1167, %swap3A_1168], %swap3A_1171 {strides = array<i32>} : memref<64x128xf32, #tpu.memory_space<vmem>>, vector<1x16xf32>,
        %get3A_1172 = arith.index_cast %add3A_1105 : i32 to index
        %get3A_1173 = arith.constant 96 : index
        %get3A_1174 = tpu.vector_load %arg15[%get3A_1172, %get3A_1173] {strides = array<i32>} : memref<64x128xf32, #tpu.memory_space<vmem>>, vector<1x16xf32>,
        %get3A_1175 = vector.shape_cast %get3A_1174 : vector<1x16xf32> to vector<16xf32>
        %mul3A_1176 = vector.broadcast %squeeze3A_1101 : f32 to vector<16xf32>
        %mul3A_1177 = arith.mulf %get3A_1175, %mul3A_1176 : vector<16xf32>
        %swap3A_1178 = arith.index_cast %add3A_1105 : i32 to index
        %swap3A_1179 = arith.constant 96 : index
        %swap3A_1180 = tpu.vector_load %arg15[%swap3A_1178, %swap3A_1179] {strides = array<i32>} : memref<64x128xf32, #tpu.memory_space<vmem>>, vector<1x16xf32>,
        %swap3A_1181 = vector.shape_cast %swap3A_1180 : vector<1x16xf32> to vector<16xf32>
        %swap3A_1182 = vector.shape_cast %mul3A_1177 : vector<16xf32> to vector<1x16xf32>
        tpu.vector_store %arg15[%swap3A_1178, %swap3A_1179], %swap3A_1182 {strides = array<i32>} : memref<64x128xf32, #tpu.memory_space<vmem>>, vector<1x16xf32>,
        %get3A_1183 = arith.index_cast %add3A_1105 : i32 to index
        %get3A_1184 = arith.constant 112 : index
        %get3A_1185 = tpu.vector_load %arg15[%get3A_1183, %get3A_1184] {strides = array<i32>} : memref<64x128xf32, #tpu.memory_space<vmem>>, vector<1x16xf32>,
        %get3A_1186 = vector.shape_cast %get3A_1185 : vector<1x16xf32> to vector<16xf32>
        %mul3A_1187 = vector.broadcast %squeeze3A_1101 : f32 to vector<16xf32>
        %mul3A_1188 = arith.mulf %get3A_1186, %mul3A_1187 : vector<16xf32>
        %swap3A_1189 = arith.index_cast %add3A_1105 : i32 to index
        %swap3A_1190 = arith.constant 112 : index
        %swap3A_1191 = tpu.vector_load %arg15[%swap3A_1189, %swap3A_1190] {strides = array<i32>} : memref<64x128xf32, #tpu.memory_space<vmem>>, vector<1x16xf32>,
        %swap3A_1192 = vector.shape_cast %swap3A_1191 : vector<1x16xf32> to vector<16xf32>
        %swap3A_1193 = vector.shape_cast %mul3A_1188 : vector<16xf32> to vector<1x16xf32>
        tpu.vector_store %arg15[%swap3A_1189, %swap3A_1190], %swap3A_1193 {strides = array<i32>} : memref<64x128xf32, #tpu.memory_space<vmem>>, vector<1x16xf32>,
        %slice3A_1194 = vector.extract_strided_slice %get3A_1005 {offsets = [2], sizes = [1], strides = [1]} : vector<16xf32> to vector<1xf32>
        %squeeze3A_1195 = vector.extract %slice3A_1194[0] : f32 from vector<1xf32>
        %mul3A_1196 = arith.constant 16 : i32
        %mul3A_1197 = arith.muli %scan3A_998, %mul3A_1196 : i32
        %add3A_1198 = arith.constant 2 : i32
        %add3A_1199 = arith.addi %mul3A_1197, %add3A_1198 : i32
        %get3A_1200 = arith.index_cast %add3A_1199 : i32 to index
        %get3A_1201 = arith.constant 0 : index
        %get3A_1202 = tpu.vector_load %arg15[%get3A_1200, %get3A_1201] {strides = array<i32>} : memref<64x128xf32, #tpu.memory_space<vmem>>, vector<1x16xf32>,
        %get3A_1203 = vector.shape_cast %get3A_1202 : vector<1x16xf32> to vector<16xf32>
        %mul3A_1204 = vector.broadcast %squeeze3A_1195 : f32 to vector<16xf32>
        %mul3A_1205 = arith.mulf %get3A_1203, %mul3A_1204 : vector<16xf32>
        %swap3A_1206 = arith.index_cast %add3A_1199 : i32 to index
        %swap3A_1207 = arith.constant 0 : index
        %swap3A_1208 = tpu.vector_load %arg15[%swap3A_1206, %swap3A_1207] {strides = array<i32>} : memref<64x128xf32, #tpu.memory_space<vmem>>, vector<1x16xf32>,
        %swap3A_1209 = vector.shape_cast %swap3A_1208 : vector<1x16xf32> to vector<16xf32>
        %swap3A_1210 = vector.shape_cast %mul3A_1205 : vector<16xf32> to vector<1x16xf32>
        tpu.vector_store %arg15[%swap3A_1206, %swap3A_1207], %swap3A_1210 {strides = array<i32>} : memref<64x128xf32, #tpu.memory_space<vmem>>, vector<1x16xf32>,
        %get3A_1211 = arith.index_cast %add3A_1199 : i32 to index
        %get3A_1212 = arith.constant 16 : index
        %get3A_1213 = tpu.vector_load %arg15[%get3A_1211, %get3A_1212] {strides = array<i32>} : memref<64x128xf32, #tpu.memory_space<vmem>>, vector<1x16xf32>,
        %get3A_1214 = vector.shape_cast %get3A_1213 : vector<1x16xf32> to vector<16xf32>
        %mul3A_1215 = vector.broadcast %squeeze3A_1195 : f32 to vector<16xf32>
        %mul3A_1216 = arith.mulf %get3A_1214, %mul3A_1215 : vector<16xf32>
        %swap3A_1217 = arith.index_cast %add3A_1199 : i32 to index
        %swap3A_1218 = arith.constant 16 : index
        %swap3A_1219 = tpu.vector_load %arg15[%swap3A_1217, %swap3A_1218] {strides = array<i32>} : memref<64x128xf32, #tpu.memory_space<vmem>>, vector<1x16xf32>,
        %swap3A_1220 = vector.shape_cast %swap3A_1219 : vector<1x16xf32> to vector<16xf32>
        %swap3A_1221 = vector.shape_cast %mul3A_1216 : vector<16xf32> to vector<1x16xf32>
        tpu.vector_store %arg15[%swap3A_1217, %swap3A_1218], %swap3A_1221 {strides = array<i32>} : memref<64x128xf32, #tpu.memory_space<vmem>>, vector<1x16xf32>,
        %get3A_1222 = arith.index_cast %add3A_1199 : i32 to index
        %get3A_1223 = arith.constant 32 : index
        %get3A_1224 = tpu.vector_load %arg15[%get3A_1222, %get3A_1223] {strides = array<i32>} : memref<64x128xf32, #tpu.memory_space<vmem>>, vector<1x16xf32>,
        %get3A_1225 = vector.shape_cast %get3A_1224 : vector<1x16xf32> to vector<16xf32>
        %mul3A_1226 = vector.broadcast %squeeze3A_1195 : f32 to vector<16xf32>
        %mul3A_1227 = arith.mulf %get3A_1225, %mul3A_1226 : vector<16xf32>
        %swap3A_1228 = arith.index_cast %add3A_1199 : i32 to index
        %swap3A_1229 = arith.constant 32 : index
        %swap3A_1230 = tpu.vector_load %arg15[%swap3A_1228, %swap3A_1229] {strides = array<i32>} : memref<64x128xf32, #tpu.memory_space<vmem>>, vector<1x16xf32>,
        %swap3A_1231 = vector.shape_cast %swap3A_1230 : vector<1x16xf32> to vector<16xf32>
        %swap3A_1232 = vector.shape_cast %mul3A_1227 : vector<16xf32> to vector<1x16xf32>
        tpu.vector_store %arg15[%swap3A_1228, %swap3A_1229], %swap3A_1232 {strides = array<i32>} : memref<64x128xf32, #tpu.memory_space<vmem>>, vector<1x16xf32>,
        %get3A_1233 = arith.index_cast %add3A_1199 : i32 to index
        %get3A_1234 = arith.constant 48 : index
        %get3A_1235 = tpu.vector_load %arg15[%get3A_1233, %get3A_1234] {strides = array<i32>} : memref<64x128xf32, #tpu.memory_space<vmem>>, vector<1x16xf32>,
        %get3A_1236 = vector.shape_cast %get3A_1235 : vector<1x16xf32> to vector<16xf32>
        %mul3A_1237 = vector.broadcast %squeeze3A_1195 : f32 to vector<16xf32>
        %mul3A_1238 = arith.mulf %get3A_1236, %mul3A_1237 : vector<16xf32>
        %swap3A_1239 = arith.index_cast %add3A_1199 : i32 to index
        %swap3A_1240 = arith.constant 48 : index
        %swap3A_1241 = tpu.vector_load %arg15[%swap3A_1239, %swap3A_1240] {strides = array<i32>} : memref<64x128xf32, #tpu.memory_space<vmem>>, vector<1x16xf32>,
        %swap3A_1242 = vector.shape_cast %swap3A_1241 : vector<1x16xf32> to vector<16xf32>
        %swap3A_1243 = vector.shape_cast %mul3A_1238 : vector<16xf32> to vector<1x16xf32>
        tpu.vector_store %arg15[%swap3A_1239, %swap3A_1240], %swap3A_1243 {strides = array<i32>} : memref<64x128xf32, #tpu.memory_space<vmem>>, vector<1x16xf32>,
        %get3A_1244 = arith.index_cast %add3A_1199 : i32 to index
        %get3A_1245 = arith.constant 64 : index
        %get3A_1246 = tpu.vector_load %arg15[%get3A_1244, %get3A_1245] {strides = array<i32>} : memref<64x128xf32, #tpu.memory_space<vmem>>, vector<1x16xf32>,
        %get3A_1247 = vector.shape_cast %get3A_1246 : vector<1x16xf32> to vector<16xf32>
        %mul3A_1248 = vector.broadcast %squeeze3A_1195 : f32 to vector<16xf32>
        %mul3A_1249 = arith.mulf %get3A_1247, %mul3A_1248 : vector<16xf32>
        %swap3A_1250 = arith.index_cast %add3A_1199 : i32 to index
        %swap3A_1251 = arith.constant 64 : index
        %swap3A_1252 = tpu.vector_load %arg15[%swap3A_1250, %swap3A_1251] {strides = array<i32>} : memref<64x128xf32, #tpu.memory_space<vmem>>, vector<1x16xf32>,
        %swap3A_1253 = vector.shape_cast %swap3A_1252 : vector<1x16xf32> to vector<16xf32>
        %swap3A_1254 = vector.shape_cast %mul3A_1249 : vector<16xf32> to vector<1x16xf32>
        tpu.vector_store %arg15[%swap3A_1250, %swap3A_1251], %swap3A_1254 {strides = array<i32>} : memref<64x128xf32, #tpu.memory_space<vmem>>, vector<1x16xf32>,
        %get3A_1255 = arith.index_cast %add3A_1199 : i32 to index
        %get3A_1256 = arith.constant 80 : index
        %get3A_1257 = tpu.vector_load %arg15[%get3A_1255, %get3A_1256] {strides = array<i32>} : memref<64x128xf32, #tpu.memory_space<vmem>>, vector<1x16xf32>,
        %get3A_1258 = vector.shape_cast %get3A_1257 : vector<1x16xf32> to vector<16xf32>
        %mul3A_1259 = vector.broadcast %squeeze3A_1195 : f32 to vector<16xf32>
        %mul3A_1260 = arith.mulf %get3A_1258, %mul3A_1259 : vector<16xf32>
        %swap3A_1261 = arith.index_cast %add3A_1199 : i32 to index
        %swap3A_1262 = arith.constant 80 : index
        %swap3A_1263 = tpu.vector_load %arg15[%swap3A_1261, %swap3A_1262] {strides = array<i32>} : memref<64x128xf32, #tpu.memory_space<vmem>>, vector<1x16xf32>,
        %swap3A_1264 = vector.shape_cast %swap3A_1263 : vector<1x16xf32> to vector<16xf32>
        %swap3A_1265 = vector.shape_cast %mul3A_1260 : vector<16xf32> to vector<1x16xf32>
        tpu.vector_store %arg15[%swap3A_1261, %swap3A_1262], %swap3A_1265 {strides = array<i32>} : memref<64x128xf32, #tpu.memory_space<vmem>>, vector<1x16xf32>,
        %get3A_1266 = arith.index_cast %add3A_1199 : i32 to index
        %get3A_1267 = arith.constant 96 : index
        %get3A_1268 = tpu.vector_load %arg15[%get3A_1266, %get3A_1267] {strides = array<i32>} : memref<64x128xf32, #tpu.memory_space<vmem>>, vector<1x16xf32>,
        %get3A_1269 = vector.shape_cast %get3A_1268 : vector<1x16xf32> to vector<16xf32>
        %mul3A_1270 = vector.broadcast %squeeze3A_1195 : f32 to vector<16xf32>
        %mul3A_1271 = arith.mulf %get3A_1269, %mul3A_1270 : vector<16xf32>
        %swap3A_1272 = arith.index_cast %add3A_1199 : i32 to index
        %swap3A_1273 = arith.constant 96 : index
        %swap3A_1274 = tpu.vector_load %arg15[%swap3A_1272, %swap3A_1273] {strides = array<i32>} : memref<64x128xf32, #tpu.memory_space<vmem>>, vector<1x16xf32>,
        %swap3A_1275 = vector.shape_cast %swap3A_1274 : vector<1x16xf32> to vector<16xf32>
        %swap3A_1276 = vector.shape_cast %mul3A_1271 : vector<16xf32> to vector<1x16xf32>
        tpu.vector_store %arg15[%swap3A_1272, %swap3A_1273], %swap3A_1276 {strides = array<i32>} : memref<64x128xf32, #tpu.memory_space<vmem>>, vector<1x16xf32>,
        %get3A_1277 = arith.index_cast %add3A_1199 : i32 to index
        %get3A_1278 = arith.constant 112 : index
        %get3A_1279 = tpu.vector_load %arg15[%get3A_1277, %get3A_1278] {strides = array<i32>} : memref<64x128xf32, #tpu.memory_space<vmem>>, vector<1x16xf32>,
        %get3A_1280 = vector.shape_cast %get3A_1279 : vector<1x16xf32> to vector<16xf32>
        %mul3A_1281 = vector.broadcast %squeeze3A_1195 : f32 to vector<16xf32>
        %mul3A_1282 = arith.mulf %get3A_1280, %mul3A_1281 : vector<16xf32>
        %swap3A_1283 = arith.index_cast %add3A_1199 : i32 to index
        %swap3A_1284 = arith.constant 112 : index
        %swap3A_1285 = tpu.vector_load %arg15[%swap3A_1283, %swap3A_1284] {strides = array<i32>} : memref<64x128xf32, #tpu.memory_space<vmem>>, vector<1x16xf32>,
        %swap3A_1286 = vector.shape_cast %swap3A_1285 : vector<1x16xf32> to vector<16xf32>
        %swap3A_1287 = vector.shape_cast %mul3A_1282 : vector<16xf32> to vector<1x16xf32>
        tpu.vector_store %arg15[%swap3A_1283, %swap3A_1284], %swap3A_1287 {strides = array<i32>} : memref<64x128xf32, #tpu.memory_space<vmem>>, vector<1x16xf32>,
        %slice3A_1288 = vector.extract_strided_slice %get3A_1005 {offsets = [3], sizes = [1], strides = [1]} : vector<16xf32> to vector<1xf32>
        %squeeze3A_1289 = vector.extract %slice3A_1288[0] : f32 from vector<1xf32>
        %mul3A_1290 = arith.constant 16 : i32
        %mul3A_1291 = arith.muli %scan3A_998, %mul3A_1290 : i32
        %add3A_1292 = arith.constant 3 : i32
        %add3A_1293 = arith.addi %mul3A_1291, %add3A_1292 : i32
        %get3A_1294 = arith.index_cast %add3A_1293 : i32 to index
        %get3A_1295 = arith.constant 0 : index
        %get3A_1296 = tpu.vector_load %arg15[%get3A_1294, %get3A_1295] {strides = array<i32>} : memref<64x128xf32, #tpu.memory_space<vmem>>, vector<1x16xf32>,
        %get3A_1297 = vector.shape_cast %get3A_1296 : vector<1x16xf32> to vector<16xf32>
        %mul3A_1298 = vector.broadcast %squeeze3A_1289 : f32 to vector<16xf32>
        %mul3A_1299 = arith.mulf %get3A_1297, %mul3A_1298 : vector<16xf32>
        %swap3A_1300 = arith.index_cast %add3A_1293 : i32 to index
        %swap3A_1301 = arith.constant 0 : index
        %swap3A_1302 = tpu.vector_load %arg15[%swap3A_1300, %swap3A_1301] {strides = array<i32>} : memref<64x128xf32, #tpu.memory_space<vmem>>, vector<1x16xf32>,
        %swap3A_1303 = vector.shape_cast %swap3A_1302 : vector<1x16xf32> to vector<16xf32>
        %swap3A_1304 = vector.shape_cast %mul3A_1299 : vector<16xf32> to vector<1x16xf32>
        tpu.vector_store %arg15[%swap3A_1300, %swap3A_1301], %swap3A_1304 {strides = array<i32>} : memref<64x128xf32, #tpu.memory_space<vmem>>, vector<1x16xf32>,
        %get3A_1305 = arith.index_cast %add3A_1293 : i32 to index
        %get3A_1306 = arith.constant 16 : index
        %get3A_1307 = tpu.vector_load %arg15[%get3A_1305, %get3A_1306] {strides = array<i32>} : memref<64x128xf32, #tpu.memory_space<vmem>>, vector<1x16xf32>,
        %get3A_1308 = vector.shape_cast %get3A_1307 : vector<1x16xf32> to vector<16xf32>
        %mul3A_1309 = vector.broadcast %squeeze3A_1289 : f32 to vector<16xf32>
        %mul3A_1310 = arith.mulf %get3A_1308, %mul3A_1309 : vector<16xf32>
        %swap3A_1311 = arith.index_cast %add3A_1293 : i32 to index
        %swap3A_1312 = arith.constant 16 : index
        %swap3A_1313 = tpu.vector_load %arg15[%swap3A_1311, %swap3A_1312] {strides = array<i32>} : memref<64x128xf32, #tpu.memory_space<vmem>>, vector<1x16xf32>,
        %swap3A_1314 = vector.shape_cast %swap3A_1313 : vector<1x16xf32> to vector<16xf32>
        %swap3A_1315 = vector.shape_cast %mul3A_1310 : vector<16xf32> to vector<1x16xf32>
        tpu.vector_store %arg15[%swap3A_1311, %swap3A_1312], %swap3A_1315 {strides = array<i32>} : memref<64x128xf32, #tpu.memory_space<vmem>>, vector<1x16xf32>,
        %get3A_1316 = arith.index_cast %add3A_1293 : i32 to index
        %get3A_1317 = arith.constant 32 : index
        %get3A_1318 = tpu.vector_load %arg15[%get3A_1316, %get3A_1317] {strides = array<i32>} : memref<64x128xf32, #tpu.memory_space<vmem>>, vector<1x16xf32>,
        %get3A_1319 = vector.shape_cast %get3A_1318 : vector<1x16xf32> to vector<16xf32>
        %mul3A_1320 = vector.broadcast %squeeze3A_1289 : f32 to vector<16xf32>
        %mul3A_1321 = arith.mulf %get3A_1319, %mul3A_1320 : vector<16xf32>
        %swap3A_1322 = arith.index_cast %add3A_1293 : i32 to index
        %swap3A_1323 = arith.constant 32 : index
        %swap3A_1324 = tpu.vector_load %arg15[%swap3A_1322, %swap3A_1323] {strides = array<i32>} : memref<64x128xf32, #tpu.memory_space<vmem>>, vector<1x16xf32>,
        %swap3A_1325 = vector.shape_cast %swap3A_1324 : vector<1x16xf32> to vector<16xf32>
        %swap3A_1326 = vector.shape_cast %mul3A_1321 : vector<16xf32> to vector<1x16xf32>
        tpu.vector_store %arg15[%swap3A_1322, %swap3A_1323], %swap3A_1326 {strides = array<i32>} : memref<64x128xf32, #tpu.memory_space<vmem>>, vector<1x16xf32>,
        %get3A_1327 = arith.index_cast %add3A_1293 : i32 to index
        %get3A_1328 = arith.constant 48 : index
        %get3A_1329 = tpu.vector_load %arg15[%get3A_1327, %get3A_1328] {strides = array<i32>} : memref<64x128xf32, #tpu.memory_space<vmem>>, vector<1x16xf32>,
        %get3A_1330 = vector.shape_cast %get3A_1329 : vector<1x16xf32> to vector<16xf32>
        %mul3A_1331 = vector.broadcast %squeeze3A_1289 : f32 to vector<16xf32>
        %mul3A_1332 = arith.mulf %get3A_1330, %mul3A_1331 : vector<16xf32>
        %swap3A_1333 = arith.index_cast %add3A_1293 : i32 to index
        %swap3A_1334 = arith.constant 48 : index
        %swap3A_1335 = tpu.vector_load %arg15[%swap3A_1333, %swap3A_1334] {strides = array<i32>} : memref<64x128xf32, #tpu.memory_space<vmem>>, vector<1x16xf32>,
        %swap3A_1336 = vector.shape_cast %swap3A_1335 : vector<1x16xf32> to vector<16xf32>
        %swap3A_1337 = vector.shape_cast %mul3A_1332 : vector<16xf32> to vector<1x16xf32>
        tpu.vector_store %arg15[%swap3A_1333, %swap3A_1334], %swap3A_1337 {strides = array<i32>} : memref<64x128xf32, #tpu.memory_space<vmem>>, vector<1x16xf32>,
        %get3A_1338 = arith.index_cast %add3A_1293 : i32 to index
        %get3A_1339 = arith.constant 64 : index
        %get3A_1340 = tpu.vector_load %arg15[%get3A_1338, %get3A_1339] {strides = array<i32>} : memref<64x128xf32, #tpu.memory_space<vmem>>, vector<1x16xf32>,
        %get3A_1341 = vector.shape_cast %get3A_1340 : vector<1x16xf32> to vector<16xf32>
        %mul3A_1342 = vector.broadcast %squeeze3A_1289 : f32 to vector<16xf32>
        %mul3A_1343 = arith.mulf %get3A_1341, %mul3A_1342 : vector<16xf32>
        %swap3A_1344 = arith.index_cast %add3A_1293 : i32 to index
        %swap3A_1345 = arith.constant 64 : index
        %swap3A_1346 = tpu.vector_load %arg15[%swap3A_1344, %swap3A_1345] {strides = array<i32>} : memref<64x128xf32, #tpu.memory_space<vmem>>, vector<1x16xf32>,
        %swap3A_1347 = vector.shape_cast %swap3A_1346 : vector<1x16xf32> to vector<16xf32>
        %swap3A_1348 = vector.shape_cast %mul3A_1343 : vector<16xf32> to vector<1x16xf32>
        tpu.vector_store %arg15[%swap3A_1344, %swap3A_1345], %swap3A_1348 {strides = array<i32>} : memref<64x128xf32, #tpu.memory_space<vmem>>, vector<1x16xf32>,
        %get3A_1349 = arith.index_cast %add3A_1293 : i32 to index
        %get3A_1350 = arith.constant 80 : index
        %get3A_1351 = tpu.vector_load %arg15[%get3A_1349, %get3A_1350] {strides = array<i32>} : memref<64x128xf32, #tpu.memory_space<vmem>>, vector<1x16xf32>,
        %get3A_1352 = vector.shape_cast %get3A_1351 : vector<1x16xf32> to vector<16xf32>
        %mul3A_1353 = vector.broadcast %squeeze3A_1289 : f32 to vector<16xf32>
        %mul3A_1354 = arith.mulf %get3A_1352, %mul3A_1353 : vector<16xf32>
        %swap3A_1355 = arith.index_cast %add3A_1293 : i32 to index
        %swap3A_1356 = arith.constant 80 : index
        %swap3A_1357 = tpu.vector_load %arg15[%swap3A_1355, %swap3A_1356] {strides = array<i32>} : memref<64x128xf32, #tpu.memory_space<vmem>>, vector<1x16xf32>,
        %swap3A_1358 = vector.shape_cast %swap3A_1357 : vector<1x16xf32> to vector<16xf32>
        %swap3A_1359 = vector.shape_cast %mul3A_1354 : vector<16xf32> to vector<1x16xf32>
        tpu.vector_store %arg15[%swap3A_1355, %swap3A_1356], %swap3A_1359 {strides = array<i32>} : memref<64x128xf32, #tpu.memory_space<vmem>>, vector<1x16xf32>,
        %get3A_1360 = arith.index_cast %add3A_1293 : i32 to index
        %get3A_1361 = arith.constant 96 : index
        %get3A_1362 = tpu.vector_load %arg15[%get3A_1360, %get3A_1361] {strides = array<i32>} : memref<64x128xf32, #tpu.memory_space<vmem>>, vector<1x16xf32>,
        %get3A_1363 = vector.shape_cast %get3A_1362 : vector<1x16xf32> to vector<16xf32>
        %mul3A_1364 = vector.broadcast %squeeze3A_1289 : f32 to vector<16xf32>
        %mul3A_1365 = arith.mulf %get3A_1363, %mul3A_1364 : vector<16xf32>
        %swap3A_1366 = arith.index_cast %add3A_1293 : i32 to index
        %swap3A_1367 = arith.constant 96 : index
        %swap3A_1368 = tpu.vector_load %arg15[%swap3A_1366, %swap3A_1367] {strides = array<i32>} : memref<64x128xf32, #tpu.memory_space<vmem>>, vector<1x16xf32>,
        %swap3A_1369 = vector.shape_cast %swap3A_1368 : vector<1x16xf32> to vector<16xf32>
        %swap3A_1370 = vector.shape_cast %mul3A_1365 : vector<16xf32> to vector<1x16xf32>
        tpu.vector_store %arg15[%swap3A_1366, %swap3A_1367], %swap3A_1370 {strides = array<i32>} : memref<64x128xf32, #tpu.memory_space<vmem>>, vector<1x16xf32>,
        %get3A_1371 = arith.index_cast %add3A_1293 : i32 to index
        %get3A_1372 = arith.constant 112 : index
        %get3A_1373 = tpu.vector_load %arg15[%get3A_1371, %get3A_1372] {strides = array<i32>} : memref<64x128xf32, #tpu.memory_space<vmem>>, vector<1x16xf32>,
        %get3A_1374 = vector.shape_cast %get3A_1373 : vector<1x16xf32> to vector<16xf32>
        %mul3A_1375 = vector.broadcast %squeeze3A_1289 : f32 to vector<16xf32>
        %mul3A_1376 = arith.mulf %get3A_1374, %mul3A_1375 : vector<16xf32>
        %swap3A_1377 = arith.index_cast %add3A_1293 : i32 to index
        %swap3A_1378 = arith.constant 112 : index
        %swap3A_1379 = tpu.vector_load %arg15[%swap3A_1377, %swap3A_1378] {strides = array<i32>} : memref<64x128xf32, #tpu.memory_space<vmem>>, vector<1x16xf32>,
        %swap3A_1380 = vector.shape_cast %swap3A_1379 : vector<1x16xf32> to vector<16xf32>
        %swap3A_1381 = vector.shape_cast %mul3A_1376 : vector<16xf32> to vector<1x16xf32>
        tpu.vector_store %arg15[%swap3A_1377, %swap3A_1378], %swap3A_1381 {strides = array<i32>} : memref<64x128xf32, #tpu.memory_space<vmem>>, vector<1x16xf32>,
        %slice3A_1382 = vector.extract_strided_slice %get3A_1005 {offsets = [4], sizes = [1], strides = [1]} : vector<16xf32> to vector<1xf32>
        %squeeze3A_1383 = vector.extract %slice3A_1382[0] : f32 from vector<1xf32>
        %mul3A_1384 = arith.constant 16 : i32
        %mul3A_1385 = arith.muli %scan3A_998, %mul3A_1384 : i32
        %add3A_1386 = arith.constant 4 : i32
        %add3A_1387 = arith.addi %mul3A_1385, %add3A_1386 : i32
        %get3A_1388 = arith.index_cast %add3A_1387 : i32 to index
        %get3A_1389 = arith.constant 0 : index
        %get3A_1390 = tpu.vector_load %arg15[%get3A_1388, %get3A_1389] {strides = array<i32>} : memref<64x128xf32, #tpu.memory_space<vmem>>, vector<1x16xf32>,
        %get3A_1391 = vector.shape_cast %get3A_1390 : vector<1x16xf32> to vector<16xf32>
        %mul3A_1392 = vector.broadcast %squeeze3A_1383 : f32 to vector<16xf32>
        %mul3A_1393 = arith.mulf %get3A_1391, %mul3A_1392 : vector<16xf32>
        %swap3A_1394 = arith.index_cast %add3A_1387 : i32 to index
        %swap3A_1395 = arith.constant 0 : index
        %swap3A_1396 = tpu.vector_load %arg15[%swap3A_1394, %swap3A_1395] {strides = array<i32>} : memref<64x128xf32, #tpu.memory_space<vmem>>, vector<1x16xf32>,
        %swap3A_1397 = vector.shape_cast %swap3A_1396 : vector<1x16xf32> to vector<16xf32>
        %swap3A_1398 = vector.shape_cast %mul3A_1393 : vector<16xf32> to vector<1x16xf32>
        tpu.vector_store %arg15[%swap3A_1394, %swap3A_1395], %swap3A_1398 {strides = array<i32>} : memref<64x128xf32, #tpu.memory_space<vmem>>, vector<1x16xf32>,
        %get3A_1399 = arith.index_cast %add3A_1387 : i32 to index
        %get3A_1400 = arith.constant 16 : index
        %get3A_1401 = tpu.vector_load %arg15[%get3A_1399, %get3A_1400] {strides = array<i32>} : memref<64x128xf32, #tpu.memory_space<vmem>>, vector<1x16xf32>,
        %get3A_1402 = vector.shape_cast %get3A_1401 : vector<1x16xf32> to vector<16xf32>
        %mul3A_1403 = vector.broadcast %squeeze3A_1383 : f32 to vector<16xf32>
        %mul3A_1404 = arith.mulf %get3A_1402, %mul3A_1403 : vector<16xf32>
        %swap3A_1405 = arith.index_cast %add3A_1387 : i32 to index
        %swap3A_1406 = arith.constant 16 : index
        %swap3A_1407 = tpu.vector_load %arg15[%swap3A_1405, %swap3A_1406] {strides = array<i32>} : memref<64x128xf32, #tpu.memory_space<vmem>>, vector<1x16xf32>,
        %swap3A_1408 = vector.shape_cast %swap3A_1407 : vector<1x16xf32> to vector<16xf32>
        %swap3A_1409 = vector.shape_cast %mul3A_1404 : vector<16xf32> to vector<1x16xf32>
        tpu.vector_store %arg15[%swap3A_1405, %swap3A_1406], %swap3A_1409 {strides = array<i32>} : memref<64x128xf32, #tpu.memory_space<vmem>>, vector<1x16xf32>,
        %get3A_1410 = arith.index_cast %add3A_1387 : i32 to index
        %get3A_1411 = arith.constant 32 : index
        %get3A_1412 = tpu.vector_load %arg15[%get3A_1410, %get3A_1411] {strides = array<i32>} : memref<64x128xf32, #tpu.memory_space<vmem>>, vector<1x16xf32>,
        %get3A_1413 = vector.shape_cast %get3A_1412 : vector<1x16xf32> to vector<16xf32>
        %mul3A_1414 = vector.broadcast %squeeze3A_1383 : f32 to vector<16xf32>
        %mul3A_1415 = arith.mulf %get3A_1413, %mul3A_1414 : vector<16xf32>
        %swap3A_1416 = arith.index_cast %add3A_1387 : i32 to index
        %swap3A_1417 = arith.constant 32 : index
        %swap3A_1418 = tpu.vector_load %arg15[%swap3A_1416, %swap3A_1417] {strides = array<i32>} : memref<64x128xf32, #tpu.memory_space<vmem>>, vector<1x16xf32>,
        %swap3A_1419 = vector.shape_cast %swap3A_1418 : vector<1x16xf32> to vector<16xf32>
        %swap3A_1420 = vector.shape_cast %mul3A_1415 : vector<16xf32> to vector<1x16xf32>
        tpu.vector_store %arg15[%swap3A_1416, %swap3A_1417], %swap3A_1420 {strides = array<i32>} : memref<64x128xf32, #tpu.memory_space<vmem>>, vector<1x16xf32>,
        %get3A_1421 = arith.index_cast %add3A_1387 : i32 to index
        %get3A_1422 = arith.constant 48 : index
        %get3A_1423 = tpu.vector_load %arg15[%get3A_1421, %get3A_1422] {strides = array<i32>} : memref<64x128xf32, #tpu.memory_space<vmem>>, vector<1x16xf32>,
        %get3A_1424 = vector.shape_cast %get3A_1423 : vector<1x16xf32> to vector<16xf32>
        %mul3A_1425 = vector.broadcast %squeeze3A_1383 : f32 to vector<16xf32>
        %mul3A_1426 = arith.mulf %get3A_1424, %mul3A_1425 : vector<16xf32>
        %swap3A_1427 = arith.index_cast %add3A_1387 : i32 to index
        %swap3A_1428 = arith.constant 48 : index
        %swap3A_1429 = tpu.vector_load %arg15[%swap3A_1427, %swap3A_1428] {strides = array<i32>} : memref<64x128xf32, #tpu.memory_space<vmem>>, vector<1x16xf32>,
        %swap3A_1430 = vector.shape_cast %swap3A_1429 : vector<1x16xf32> to vector<16xf32>
        %swap3A_1431 = vector.shape_cast %mul3A_1426 : vector<16xf32> to vector<1x16xf32>
        tpu.vector_store %arg15[%swap3A_1427, %swap3A_1428], %swap3A_1431 {strides = array<i32>} : memref<64x128xf32, #tpu.memory_space<vmem>>, vector<1x16xf32>,
        %get3A_1432 = arith.index_cast %add3A_1387 : i32 to index
        %get3A_1433 = arith.constant 64 : index
        %get3A_1434 = tpu.vector_load %arg15[%get3A_1432, %get3A_1433] {strides = array<i32>} : memref<64x128xf32, #tpu.memory_space<vmem>>, vector<1x16xf32>,
        %get3A_1435 = vector.shape_cast %get3A_1434 : vector<1x16xf32> to vector<16xf32>
        %mul3A_1436 = vector.broadcast %squeeze3A_1383 : f32 to vector<16xf32>
        %mul3A_1437 = arith.mulf %get3A_1435, %mul3A_1436 : vector<16xf32>
        %swap3A_1438 = arith.index_cast %add3A_1387 : i32 to index
        %swap3A_1439 = arith.constant 64 : index
        %swap3A_1440 = tpu.vector_load %arg15[%swap3A_1438, %swap3A_1439] {strides = array<i32>} : memref<64x128xf32, #tpu.memory_space<vmem>>, vector<1x16xf32>,
        %swap3A_1441 = vector.shape_cast %swap3A_1440 : vector<1x16xf32> to vector<16xf32>
        %swap3A_1442 = vector.shape_cast %mul3A_1437 : vector<16xf32> to vector<1x16xf32>
        tpu.vector_store %arg15[%swap3A_1438, %swap3A_1439], %swap3A_1442 {strides = array<i32>} : memref<64x128xf32, #tpu.memory_space<vmem>>, vector<1x16xf32>,
        %get3A_1443 = arith.index_cast %add3A_1387 : i32 to index
        %get3A_1444 = arith.constant 80 : index
        %get3A_1445 = tpu.vector_load %arg15[%get3A_1443, %get3A_1444] {strides = array<i32>} : memref<64x128xf32, #tpu.memory_space<vmem>>, vector<1x16xf32>,
        %get3A_1446 = vector.shape_cast %get3A_1445 : vector<1x16xf32> to vector<16xf32>
        %mul3A_1447 = vector.broadcast %squeeze3A_1383 : f32 to vector<16xf32>
        %mul3A_1448 = arith.mulf %get3A_1446, %mul3A_1447 : vector<16xf32>
        %swap3A_1449 = arith.index_cast %add3A_1387 : i32 to index
        %swap3A_1450 = arith.constant 80 : index
        %swap3A_1451 = tpu.vector_load %arg15[%swap3A_1449, %swap3A_1450] {strides = array<i32>} : memref<64x128xf32, #tpu.memory_space<vmem>>, vector<1x16xf32>,
        %swap3A_1452 = vector.shape_cast %swap3A_1451 : vector<1x16xf32> to vector<16xf32>
        %swap3A_1453 = vector.shape_cast %mul3A_1448 : vector<16xf32> to vector<1x16xf32>
        tpu.vector_store %arg15[%swap3A_1449, %swap3A_1450], %swap3A_1453 {strides = array<i32>} : memref<64x128xf32, #tpu.memory_space<vmem>>, vector<1x16xf32>,
        %get3A_1454 = arith.index_cast %add3A_1387 : i32 to index
        %get3A_1455 = arith.constant 96 : index
        %get3A_1456 = tpu.vector_load %arg15[%get3A_1454, %get3A_1455] {strides = array<i32>} : memref<64x128xf32, #tpu.memory_space<vmem>>, vector<1x16xf32>,
        %get3A_1457 = vector.shape_cast %get3A_1456 : vector<1x16xf32> to vector<16xf32>
        %mul3A_1458 = vector.broadcast %squeeze3A_1383 : f32 to vector<16xf32>
        %mul3A_1459 = arith.mulf %get3A_1457, %mul3A_1458 : vector<16xf32>
        %swap3A_1460 = arith.index_cast %add3A_1387 : i32 to index
        %swap3A_1461 = arith.constant 96 : index
        %swap3A_1462 = tpu.vector_load %arg15[%swap3A_1460, %swap3A_1461] {strides = array<i32>} : memref<64x128xf32, #tpu.memory_space<vmem>>, vector<1x16xf32>,
        %swap3A_1463 = vector.shape_cast %swap3A_1462 : vector<1x16xf32> to vector<16xf32>
        %swap3A_1464 = vector.shape_cast %mul3A_1459 : vector<16xf32> to vector<1x16xf32>
        tpu.vector_store %arg15[%swap3A_1460, %swap3A_1461], %swap3A_1464 {strides = array<i32>} : memref<64x128xf32, #tpu.memory_space<vmem>>, vector<1x16xf32>,
        %get3A_1465 = arith.index_cast %add3A_1387 : i32 to index
        %get3A_1466 = arith.constant 112 : index
        %get3A_1467 = tpu.vector_load %arg15[%get3A_1465, %get3A_1466] {strides = array<i32>} : memref<64x128xf32, #tpu.memory_space<vmem>>, vector<1x16xf32>,
        %get3A_1468 = vector.shape_cast %get3A_1467 : vector<1x16xf32> to vector<16xf32>
        %mul3A_1469 = vector.broadcast %squeeze3A_1383 : f32 to vector<16xf32>
        %mul3A_1470 = arith.mulf %get3A_1468, %mul3A_1469 : vector<16xf32>
        %swap3A_1471 = arith.index_cast %add3A_1387 : i32 to index
        %swap3A_1472 = arith.constant 112 : index
        %swap3A_1473 = tpu.vector_load %arg15[%swap3A_1471, %swap3A_1472] {strides = array<i32>} : memref<64x128xf32, #tpu.memory_space<vmem>>, vector<1x16xf32>,
        %swap3A_1474 = vector.shape_cast %swap3A_1473 : vector<1x16xf32> to vector<16xf32>
        %swap3A_1475 = vector.shape_cast %mul3A_1470 : vector<16xf32> to vector<1x16xf32>
        tpu.vector_store %arg15[%swap3A_1471, %swap3A_1472], %swap3A_1475 {strides = array<i32>} : memref<64x128xf32, #tpu.memory_space<vmem>>, vector<1x16xf32>,
        %slice3A_1476 = vector.extract_strided_slice %get3A_1005 {offsets = [5], sizes = [1], strides = [1]} : vector<16xf32> to vector<1xf32>
        %squeeze3A_1477 = vector.extract %slice3A_1476[0] : f32 from vector<1xf32>
        %mul3A_1478 = arith.constant 16 : i32
        %mul3A_1479 = arith.muli %scan3A_998, %mul3A_1478 : i32
        %add3A_1480 = arith.constant 5 : i32
        %add3A_1481 = arith.addi %mul3A_1479, %add3A_1480 : i32
        %get3A_1482 = arith.index_cast %add3A_1481 : i32 to index
        %get3A_1483 = arith.constant 0 : index
        %get3A_1484 = tpu.vector_load %arg15[%get3A_1482, %get3A_1483] {strides = array<i32>} : memref<64x128xf32, #tpu.memory_space<vmem>>, vector<1x16xf32>,
        %get3A_1485 = vector.shape_cast %get3A_1484 : vector<1x16xf32> to vector<16xf32>
        %mul3A_1486 = vector.broadcast %squeeze3A_1477 : f32 to vector<16xf32>
        %mul3A_1487 = arith.mulf %get3A_1485, %mul3A_1486 : vector<16xf32>
        %swap3A_1488 = arith.index_cast %add3A_1481 : i32 to index
        %swap3A_1489 = arith.constant 0 : index
        %swap3A_1490 = tpu.vector_load %arg15[%swap3A_1488, %swap3A_1489] {strides = array<i32>} : memref<64x128xf32, #tpu.memory_space<vmem>>, vector<1x16xf32>,
        %swap3A_1491 = vector.shape_cast %swap3A_1490 : vector<1x16xf32> to vector<16xf32>
        %swap3A_1492 = vector.shape_cast %mul3A_1487 : vector<16xf32> to vector<1x16xf32>
        tpu.vector_store %arg15[%swap3A_1488, %swap3A_1489], %swap3A_1492 {strides = array<i32>} : memref<64x128xf32, #tpu.memory_space<vmem>>, vector<1x16xf32>,
        %get3A_1493 = arith.index_cast %add3A_1481 : i32 to index
        %get3A_1494 = arith.constant 16 : index
        %get3A_1495 = tpu.vector_load %arg15[%get3A_1493, %get3A_1494] {strides = array<i32>} : memref<64x128xf32, #tpu.memory_space<vmem>>, vector<1x16xf32>,
        %get3A_1496 = vector.shape_cast %get3A_1495 : vector<1x16xf32> to vector<16xf32>
        %mul3A_1497 = vector.broadcast %squeeze3A_1477 : f32 to vector<16xf32>
        %mul3A_1498 = arith.mulf %get3A_1496, %mul3A_1497 : vector<16xf32>
        %swap3A_1499 = arith.index_cast %add3A_1481 : i32 to index
        %swap3A_1500 = arith.constant 16 : index
        %swap3A_1501 = tpu.vector_load %arg15[%swap3A_1499, %swap3A_1500] {strides = array<i32>} : memref<64x128xf32, #tpu.memory_space<vmem>>, vector<1x16xf32>,
        %swap3A_1502 = vector.shape_cast %swap3A_1501 : vector<1x16xf32> to vector<16xf32>
        %swap3A_1503 = vector.shape_cast %mul3A_1498 : vector<16xf32> to vector<1x16xf32>
        tpu.vector_store %arg15[%swap3A_1499, %swap3A_1500], %swap3A_1503 {strides = array<i32>} : memref<64x128xf32, #tpu.memory_space<vmem>>, vector<1x16xf32>,
        %get3A_1504 = arith.index_cast %add3A_1481 : i32 to index
        %get3A_1505 = arith.constant 32 : index
        %get3A_1506 = tpu.vector_load %arg15[%get3A_1504, %get3A_1505] {strides = array<i32>} : memref<64x128xf32, #tpu.memory_space<vmem>>, vector<1x16xf32>,
        %get3A_1507 = vector.shape_cast %get3A_1506 : vector<1x16xf32> to vector<16xf32>
        %mul3A_1508 = vector.broadcast %squeeze3A_1477 : f32 to vector<16xf32>
        %mul3A_1509 = arith.mulf %get3A_1507, %mul3A_1508 : vector<16xf32>
        %swap3A_1510 = arith.index_cast %add3A_1481 : i32 to index
        %swap3A_1511 = arith.constant 32 : index
        %swap3A_1512 = tpu.vector_load %arg15[%swap3A_1510, %swap3A_1511] {strides = array<i32>} : memref<64x128xf32, #tpu.memory_space<vmem>>, vector<1x16xf32>,
        %swap3A_1513 = vector.shape_cast %swap3A_1512 : vector<1x16xf32> to vector<16xf32>
        %swap3A_1514 = vector.shape_cast %mul3A_1509 : vector<16xf32> to vector<1x16xf32>
        tpu.vector_store %arg15[%swap3A_1510, %swap3A_1511], %swap3A_1514 {strides = array<i32>} : memref<64x128xf32, #tpu.memory_space<vmem>>, vector<1x16xf32>,
        %get3A_1515 = arith.index_cast %add3A_1481 : i32 to index
        %get3A_1516 = arith.constant 48 : index
        %get3A_1517 = tpu.vector_load %arg15[%get3A_1515, %get3A_1516] {strides = array<i32>} : memref<64x128xf32, #tpu.memory_space<vmem>>, vector<1x16xf32>,
        %get3A_1518 = vector.shape_cast %get3A_1517 : vector<1x16xf32> to vector<16xf32>
        %mul3A_1519 = vector.broadcast %squeeze3A_1477 : f32 to vector<16xf32>
        %mul3A_1520 = arith.mulf %get3A_1518, %mul3A_1519 : vector<16xf32>
        %swap3A_1521 = arith.index_cast %add3A_1481 : i32 to index
        %swap3A_1522 = arith.constant 48 : index
        %swap3A_1523 = tpu.vector_load %arg15[%swap3A_1521, %swap3A_1522] {strides = array<i32>} : memref<64x128xf32, #tpu.memory_space<vmem>>, vector<1x16xf32>,
        %swap3A_1524 = vector.shape_cast %swap3A_1523 : vector<1x16xf32> to vector<16xf32>
        %swap3A_1525 = vector.shape_cast %mul3A_1520 : vector<16xf32> to vector<1x16xf32>
        tpu.vector_store %arg15[%swap3A_1521, %swap3A_1522], %swap3A_1525 {strides = array<i32>} : memref<64x128xf32, #tpu.memory_space<vmem>>, vector<1x16xf32>,
        %get3A_1526 = arith.index_cast %add3A_1481 : i32 to index
        %get3A_1527 = arith.constant 64 : index
        %get3A_1528 = tpu.vector_load %arg15[%get3A_1526, %get3A_1527] {strides = array<i32>} : memref<64x128xf32, #tpu.memory_space<vmem>>, vector<1x16xf32>,
        %get3A_1529 = vector.shape_cast %get3A_1528 : vector<1x16xf32> to vector<16xf32>
        %mul3A_1530 = vector.broadcast %squeeze3A_1477 : f32 to vector<16xf32>
        %mul3A_1531 = arith.mulf %get3A_1529, %mul3A_1530 : vector<16xf32>
        %swap3A_1532 = arith.index_cast %add3A_1481 : i32 to index
        %swap3A_1533 = arith.constant 64 : index
        %swap3A_1534 = tpu.vector_load %arg15[%swap3A_1532, %swap3A_1533] {strides = array<i32>} : memref<64x128xf32, #tpu.memory_space<vmem>>, vector<1x16xf32>,
        %swap3A_1535 = vector.shape_cast %swap3A_1534 : vector<1x16xf32> to vector<16xf32>
        %swap3A_1536 = vector.shape_cast %mul3A_1531 : vector<16xf32> to vector<1x16xf32>
        tpu.vector_store %arg15[%swap3A_1532, %swap3A_1533], %swap3A_1536 {strides = array<i32>} : memref<64x128xf32, #tpu.memory_space<vmem>>, vector<1x16xf32>,
        %get3A_1537 = arith.index_cast %add3A_1481 : i32 to index
        %get3A_1538 = arith.constant 80 : index
        %get3A_1539 = tpu.vector_load %arg15[%get3A_1537, %get3A_1538] {strides = array<i32>} : memref<64x128xf32, #tpu.memory_space<vmem>>, vector<1x16xf32>,
        %get3A_1540 = vector.shape_cast %get3A_1539 : vector<1x16xf32> to vector<16xf32>
        %mul3A_1541 = vector.broadcast %squeeze3A_1477 : f32 to vector<16xf32>
        %mul3A_1542 = arith.mulf %get3A_1540, %mul3A_1541 : vector<16xf32>
        %swap3A_1543 = arith.index_cast %add3A_1481 : i32 to index
        %swap3A_1544 = arith.constant 80 : index
        %swap3A_1545 = tpu.vector_load %arg15[%swap3A_1543, %swap3A_1544] {strides = array<i32>} : memref<64x128xf32, #tpu.memory_space<vmem>>, vector<1x16xf32>,
        %swap3A_1546 = vector.shape_cast %swap3A_1545 : vector<1x16xf32> to vector<16xf32>
        %swap3A_1547 = vector.shape_cast %mul3A_1542 : vector<16xf32> to vector<1x16xf32>
        tpu.vector_store %arg15[%swap3A_1543, %swap3A_1544], %swap3A_1547 {strides = array<i32>} : memref<64x128xf32, #tpu.memory_space<vmem>>, vector<1x16xf32>,
        %get3A_1548 = arith.index_cast %add3A_1481 : i32 to index
        %get3A_1549 = arith.constant 96 : index
        %get3A_1550 = tpu.vector_load %arg15[%get3A_1548, %get3A_1549] {strides = array<i32>} : memref<64x128xf32, #tpu.memory_space<vmem>>, vector<1x16xf32>,
        %get3A_1551 = vector.shape_cast %get3A_1550 : vector<1x16xf32> to vector<16xf32>
        %mul3A_1552 = vector.broadcast %squeeze3A_1477 : f32 to vector<16xf32>
        %mul3A_1553 = arith.mulf %get3A_1551, %mul3A_1552 : vector<16xf32>
        %swap3A_1554 = arith.index_cast %add3A_1481 : i32 to index
        %swap3A_1555 = arith.constant 96 : index
        %swap3A_1556 = tpu.vector_load %arg15[%swap3A_1554, %swap3A_1555] {strides = array<i32>} : memref<64x128xf32, #tpu.memory_space<vmem>>, vector<1x16xf32>,
        %swap3A_1557 = vector.shape_cast %swap3A_1556 : vector<1x16xf32> to vector<16xf32>
        %swap3A_1558 = vector.shape_cast %mul3A_1553 : vector<16xf32> to vector<1x16xf32>
        tpu.vector_store %arg15[%swap3A_1554, %swap3A_1555], %swap3A_1558 {strides = array<i32>} : memref<64x128xf32, #tpu.memory_space<vmem>>, vector<1x16xf32>,
        %get3A_1559 = arith.index_cast %add3A_1481 : i32 to index
        %get3A_1560 = arith.constant 112 : index
        %get3A_1561 = tpu.vector_load %arg15[%get3A_1559, %get3A_1560] {strides = array<i32>} : memref<64x128xf32, #tpu.memory_space<vmem>>, vector<1x16xf32>,
        %get3A_1562 = vector.shape_cast %get3A_1561 : vector<1x16xf32> to vector<16xf32>
        %mul3A_1563 = vector.broadcast %squeeze3A_1477 : f32 to vector<16xf32>
        %mul3A_1564 = arith.mulf %get3A_1562, %mul3A_1563 : vector<16xf32>
        %swap3A_1565 = arith.index_cast %add3A_1481 : i32 to index
        %swap3A_1566 = arith.constant 112 : index
        %swap3A_1567 = tpu.vector_load %arg15[%swap3A_1565, %swap3A_1566] {strides = array<i32>} : memref<64x128xf32, #tpu.memory_space<vmem>>, vector<1x16xf32>,
        %swap3A_1568 = vector.shape_cast %swap3A_1567 : vector<1x16xf32> to vector<16xf32>
        %swap3A_1569 = vector.shape_cast %mul3A_1564 : vector<16xf32> to vector<1x16xf32>
        tpu.vector_store %arg15[%swap3A_1565, %swap3A_1566], %swap3A_1569 {strides = array<i32>} : memref<64x128xf32, #tpu.memory_space<vmem>>, vector<1x16xf32>,
        %slice3A_1570 = vector.extract_strided_slice %get3A_1005 {offsets = [6], sizes = [1], strides = [1]} : vector<16xf32> to vector<1xf32>
        %squeeze3A_1571 = vector.extract %slice3A_1570[0] : f32 from vector<1xf32>
        %mul3A_1572 = arith.constant 16 : i32
        %mul3A_1573 = arith.muli %scan3A_998, %mul3A_1572 : i32
        %add3A_1574 = arith.constant 6 : i32
        %add3A_1575 = arith.addi %mul3A_1573, %add3A_1574 : i32
        %get3A_1576 = arith.index_cast %add3A_1575 : i32 to index
        %get3A_1577 = arith.constant 0 : index
        %get3A_1578 = tpu.vector_load %arg15[%get3A_1576, %get3A_1577] {strides = array<i32>} : memref<64x128xf32, #tpu.memory_space<vmem>>, vector<1x16xf32>,
        %get3A_1579 = vector.shape_cast %get3A_1578 : vector<1x16xf32> to vector<16xf32>
        %mul3A_1580 = vector.broadcast %squeeze3A_1571 : f32 to vector<16xf32>
        %mul3A_1581 = arith.mulf %get3A_1579, %mul3A_1580 : vector<16xf32>
        %swap3A_1582 = arith.index_cast %add3A_1575 : i32 to index
        %swap3A_1583 = arith.constant 0 : index
        %swap3A_1584 = tpu.vector_load %arg15[%swap3A_1582, %swap3A_1583] {strides = array<i32>} : memref<64x128xf32, #tpu.memory_space<vmem>>, vector<1x16xf32>,
        %swap3A_1585 = vector.shape_cast %swap3A_1584 : vector<1x16xf32> to vector<16xf32>
        %swap3A_1586 = vector.shape_cast %mul3A_1581 : vector<16xf32> to vector<1x16xf32>
        tpu.vector_store %arg15[%swap3A_1582, %swap3A_1583], %swap3A_1586 {strides = array<i32>} : memref<64x128xf32, #tpu.memory_space<vmem>>, vector<1x16xf32>,
        %get3A_1587 = arith.index_cast %add3A_1575 : i32 to index
        %get3A_1588 = arith.constant 16 : index
        %get3A_1589 = tpu.vector_load %arg15[%get3A_1587, %get3A_1588] {strides = array<i32>} : memref<64x128xf32, #tpu.memory_space<vmem>>, vector<1x16xf32>,
        %get3A_1590 = vector.shape_cast %get3A_1589 : vector<1x16xf32> to vector<16xf32>
        %mul3A_1591 = vector.broadcast %squeeze3A_1571 : f32 to vector<16xf32>
        %mul3A_1592 = arith.mulf %get3A_1590, %mul3A_1591 : vector<16xf32>
        %swap3A_1593 = arith.index_cast %add3A_1575 : i32 to index
        %swap3A_1594 = arith.constant 16 : index
        %swap3A_1595 = tpu.vector_load %arg15[%swap3A_1593, %swap3A_1594] {strides = array<i32>} : memref<64x128xf32, #tpu.memory_space<vmem>>, vector<1x16xf32>,
        %swap3A_1596 = vector.shape_cast %swap3A_1595 : vector<1x16xf32> to vector<16xf32>
        %swap3A_1597 = vector.shape_cast %mul3A_1592 : vector<16xf32> to vector<1x16xf32>
        tpu.vector_store %arg15[%swap3A_1593, %swap3A_1594], %swap3A_1597 {strides = array<i32>} : memref<64x128xf32, #tpu.memory_space<vmem>>, vector<1x16xf32>,
        %get3A_1598 = arith.index_cast %add3A_1575 : i32 to index
        %get3A_1599 = arith.constant 32 : index
        %get3A_1600 = tpu.vector_load %arg15[%get3A_1598, %get3A_1599] {strides = array<i32>} : memref<64x128xf32, #tpu.memory_space<vmem>>, vector<1x16xf32>,
        %get3A_1601 = vector.shape_cast %get3A_1600 : vector<1x16xf32> to vector<16xf32>
        %mul3A_1602 = vector.broadcast %squeeze3A_1571 : f32 to vector<16xf32>
        %mul3A_1603 = arith.mulf %get3A_1601, %mul3A_1602 : vector<16xf32>
        %swap3A_1604 = arith.index_cast %add3A_1575 : i32 to index
        %swap3A_1605 = arith.constant 32 : index
        %swap3A_1606 = tpu.vector_load %arg15[%swap3A_1604, %swap3A_1605] {strides = array<i32>} : memref<64x128xf32, #tpu.memory_space<vmem>>, vector<1x16xf32>,
        %swap3A_1607 = vector.shape_cast %swap3A_1606 : vector<1x16xf32> to vector<16xf32>
        %swap3A_1608 = vector.shape_cast %mul3A_1603 : vector<16xf32> to vector<1x16xf32>
        tpu.vector_store %arg15[%swap3A_1604, %swap3A_1605], %swap3A_1608 {strides = array<i32>} : memref<64x128xf32, #tpu.memory_space<vmem>>, vector<1x16xf32>,
        %get3A_1609 = arith.index_cast %add3A_1575 : i32 to index
        %get3A_1610 = arith.constant 48 : index
        %get3A_1611 = tpu.vector_load %arg15[%get3A_1609, %get3A_1610] {strides = array<i32>} : memref<64x128xf32, #tpu.memory_space<vmem>>, vector<1x16xf32>,
        %get3A_1612 = vector.shape_cast %get3A_1611 : vector<1x16xf32> to vector<16xf32>
        %mul3A_1613 = vector.broadcast %squeeze3A_1571 : f32 to vector<16xf32>
        %mul3A_1614 = arith.mulf %get3A_1612, %mul3A_1613 : vector<16xf32>
        %swap3A_1615 = arith.index_cast %add3A_1575 : i32 to index
        %swap3A_1616 = arith.constant 48 : index
        %swap3A_1617 = tpu.vector_load %arg15[%swap3A_1615, %swap3A_1616] {strides = array<i32>} : memref<64x128xf32, #tpu.memory_space<vmem>>, vector<1x16xf32>,
        %swap3A_1618 = vector.shape_cast %swap3A_1617 : vector<1x16xf32> to vector<16xf32>
        %swap3A_1619 = vector.shape_cast %mul3A_1614 : vector<16xf32> to vector<1x16xf32>
        tpu.vector_store %arg15[%swap3A_1615, %swap3A_1616], %swap3A_1619 {strides = array<i32>} : memref<64x128xf32, #tpu.memory_space<vmem>>, vector<1x16xf32>,
        %get3A_1620 = arith.index_cast %add3A_1575 : i32 to index
        %get3A_1621 = arith.constant 64 : index
        %get3A_1622 = tpu.vector_load %arg15[%get3A_1620, %get3A_1621] {strides = array<i32>} : memref<64x128xf32, #tpu.memory_space<vmem>>, vector<1x16xf32>,
        %get3A_1623 = vector.shape_cast %get3A_1622 : vector<1x16xf32> to vector<16xf32>
        %mul3A_1624 = vector.broadcast %squeeze3A_1571 : f32 to vector<16xf32>
        %mul3A_1625 = arith.mulf %get3A_1623, %mul3A_1624 : vector<16xf32>
        %swap3A_1626 = arith.index_cast %add3A_1575 : i32 to index
        %swap3A_1627 = arith.constant 64 : index
        %swap3A_1628 = tpu.vector_load %arg15[%swap3A_1626, %swap3A_1627] {strides = array<i32>} : memref<64x128xf32, #tpu.memory_space<vmem>>, vector<1x16xf32>,
        %swap3A_1629 = vector.shape_cast %swap3A_1628 : vector<1x16xf32> to vector<16xf32>
        %swap3A_1630 = vector.shape_cast %mul3A_1625 : vector<16xf32> to vector<1x16xf32>
        tpu.vector_store %arg15[%swap3A_1626, %swap3A_1627], %swap3A_1630 {strides = array<i32>} : memref<64x128xf32, #tpu.memory_space<vmem>>, vector<1x16xf32>,
        %get3A_1631 = arith.index_cast %add3A_1575 : i32 to index
        %get3A_1632 = arith.constant 80 : index
        %get3A_1633 = tpu.vector_load %arg15[%get3A_1631, %get3A_1632] {strides = array<i32>} : memref<64x128xf32, #tpu.memory_space<vmem>>, vector<1x16xf32>,
        %get3A_1634 = vector.shape_cast %get3A_1633 : vector<1x16xf32> to vector<16xf32>
        %mul3A_1635 = vector.broadcast %squeeze3A_1571 : f32 to vector<16xf32>
        %mul3A_1636 = arith.mulf %get3A_1634, %mul3A_1635 : vector<16xf32>
        %swap3A_1637 = arith.index_cast %add3A_1575 : i32 to index
        %swap3A_1638 = arith.constant 80 : index
        %swap3A_1639 = tpu.vector_load %arg15[%swap3A_1637, %swap3A_1638] {strides = array<i32>} : memref<64x128xf32, #tpu.memory_space<vmem>>, vector<1x16xf32>,
        %swap3A_1640 = vector.shape_cast %swap3A_1639 : vector<1x16xf32> to vector<16xf32>
        %swap3A_1641 = vector.shape_cast %mul3A_1636 : vector<16xf32> to vector<1x16xf32>
        tpu.vector_store %arg15[%swap3A_1637, %swap3A_1638], %swap3A_1641 {strides = array<i32>} : memref<64x128xf32, #tpu.memory_space<vmem>>, vector<1x16xf32>,
        %get3A_1642 = arith.index_cast %add3A_1575 : i32 to index
        %get3A_1643 = arith.constant 96 : index
        %get3A_1644 = tpu.vector_load %arg15[%get3A_1642, %get3A_1643] {strides = array<i32>} : memref<64x128xf32, #tpu.memory_space<vmem>>, vector<1x16xf32>,
        %get3A_1645 = vector.shape_cast %get3A_1644 : vector<1x16xf32> to vector<16xf32>
        %mul3A_1646 = vector.broadcast %squeeze3A_1571 : f32 to vector<16xf32>
        %mul3A_1647 = arith.mulf %get3A_1645, %mul3A_1646 : vector<16xf32>
        %swap3A_1648 = arith.index_cast %add3A_1575 : i32 to index
        %swap3A_1649 = arith.constant 96 : index
        %swap3A_1650 = tpu.vector_load %arg15[%swap3A_1648, %swap3A_1649] {strides = array<i32>} : memref<64x128xf32, #tpu.memory_space<vmem>>, vector<1x16xf32>,
        %swap3A_1651 = vector.shape_cast %swap3A_1650 : vector<1x16xf32> to vector<16xf32>
        %swap3A_1652 = vector.shape_cast %mul3A_1647 : vector<16xf32> to vector<1x16xf32>
        tpu.vector_store %arg15[%swap3A_1648, %swap3A_1649], %swap3A_1652 {strides = array<i32>} : memref<64x128xf32, #tpu.memory_space<vmem>>, vector<1x16xf32>,
        %get3A_1653 = arith.index_cast %add3A_1575 : i32 to index
        %get3A_1654 = arith.constant 112 : index
        %get3A_1655 = tpu.vector_load %arg15[%get3A_1653, %get3A_1654] {strides = array<i32>} : memref<64x128xf32, #tpu.memory_space<vmem>>, vector<1x16xf32>,
        %get3A_1656 = vector.shape_cast %get3A_1655 : vector<1x16xf32> to vector<16xf32>
        %mul3A_1657 = vector.broadcast %squeeze3A_1571 : f32 to vector<16xf32>
        %mul3A_1658 = arith.mulf %get3A_1656, %mul3A_1657 : vector<16xf32>
        %swap3A_1659 = arith.index_cast %add3A_1575 : i32 to index
        %swap3A_1660 = arith.constant 112 : index
        %swap3A_1661 = tpu.vector_load %arg15[%swap3A_1659, %swap3A_1660] {strides = array<i32>} : memref<64x128xf32, #tpu.memory_space<vmem>>, vector<1x16xf32>,
        %swap3A_1662 = vector.shape_cast %swap3A_1661 : vector<1x16xf32> to vector<16xf32>
        %swap3A_1663 = vector.shape_cast %mul3A_1658 : vector<16xf32> to vector<1x16xf32>
        tpu.vector_store %arg15[%swap3A_1659, %swap3A_1660], %swap3A_1663 {strides = array<i32>} : memref<64x128xf32, #tpu.memory_space<vmem>>, vector<1x16xf32>,
        %slice3A_1664 = vector.extract_strided_slice %get3A_1005 {offsets = [7], sizes = [1], strides = [1]} : vector<16xf32> to vector<1xf32>
        %squeeze3A_1665 = vector.extract %slice3A_1664[0] : f32 from vector<1xf32>
        %mul3A_1666 = arith.constant 16 : i32
        %mul3A_1667 = arith.muli %scan3A_998, %mul3A_1666 : i32
        %add3A_1668 = arith.constant 7 : i32
        %add3A_1669 = arith.addi %mul3A_1667, %add3A_1668 : i32
        %get3A_1670 = arith.index_cast %add3A_1669 : i32 to index
        %get3A_1671 = arith.constant 0 : index
        %get3A_1672 = tpu.vector_load %arg15[%get3A_1670, %get3A_1671] {strides = array<i32>} : memref<64x128xf32, #tpu.memory_space<vmem>>, vector<1x16xf32>,
        %get3A_1673 = vector.shape_cast %get3A_1672 : vector<1x16xf32> to vector<16xf32>
        %mul3A_1674 = vector.broadcast %squeeze3A_1665 : f32 to vector<16xf32>
        %mul3A_1675 = arith.mulf %get3A_1673, %mul3A_1674 : vector<16xf32>
        %swap3A_1676 = arith.index_cast %add3A_1669 : i32 to index
        %swap3A_1677 = arith.constant 0 : index
        %swap3A_1678 = tpu.vector_load %arg15[%swap3A_1676, %swap3A_1677] {strides = array<i32>} : memref<64x128xf32, #tpu.memory_space<vmem>>, vector<1x16xf32>,
        %swap3A_1679 = vector.shape_cast %swap3A_1678 : vector<1x16xf32> to vector<16xf32>
        %swap3A_1680 = vector.shape_cast %mul3A_1675 : vector<16xf32> to vector<1x16xf32>
        tpu.vector_store %arg15[%swap3A_1676, %swap3A_1677], %swap3A_1680 {strides = array<i32>} : memref<64x128xf32, #tpu.memory_space<vmem>>, vector<1x16xf32>,
        %get3A_1681 = arith.index_cast %add3A_1669 : i32 to index
        %get3A_1682 = arith.constant 16 : index
        %get3A_1683 = tpu.vector_load %arg15[%get3A_1681, %get3A_1682] {strides = array<i32>} : memref<64x128xf32, #tpu.memory_space<vmem>>, vector<1x16xf32>,
        %get3A_1684 = vector.shape_cast %get3A_1683 : vector<1x16xf32> to vector<16xf32>
        %mul3A_1685 = vector.broadcast %squeeze3A_1665 : f32 to vector<16xf32>
        %mul3A_1686 = arith.mulf %get3A_1684, %mul3A_1685 : vector<16xf32>
        %swap3A_1687 = arith.index_cast %add3A_1669 : i32 to index
        %swap3A_1688 = arith.constant 16 : index
        %swap3A_1689 = tpu.vector_load %arg15[%swap3A_1687, %swap3A_1688] {strides = array<i32>} : memref<64x128xf32, #tpu.memory_space<vmem>>, vector<1x16xf32>,
        %swap3A_1690 = vector.shape_cast %swap3A_1689 : vector<1x16xf32> to vector<16xf32>
        %swap3A_1691 = vector.shape_cast %mul3A_1686 : vector<16xf32> to vector<1x16xf32>
        tpu.vector_store %arg15[%swap3A_1687, %swap3A_1688], %swap3A_1691 {strides = array<i32>} : memref<64x128xf32, #tpu.memory_space<vmem>>, vector<1x16xf32>,
        %get3A_1692 = arith.index_cast %add3A_1669 : i32 to index
        %get3A_1693 = arith.constant 32 : index
        %get3A_1694 = tpu.vector_load %arg15[%get3A_1692, %get3A_1693] {strides = array<i32>} : memref<64x128xf32, #tpu.memory_space<vmem>>, vector<1x16xf32>,
        %get3A_1695 = vector.shape_cast %get3A_1694 : vector<1x16xf32> to vector<16xf32>
        %mul3A_1696 = vector.broadcast %squeeze3A_1665 : f32 to vector<16xf32>
        %mul3A_1697 = arith.mulf %get3A_1695, %mul3A_1696 : vector<16xf32>
        %swap3A_1698 = arith.index_cast %add3A_1669 : i32 to index
        %swap3A_1699 = arith.constant 32 : index
        %swap3A_1700 = tpu.vector_load %arg15[%swap3A_1698, %swap3A_1699] {strides = array<i32>} : memref<64x128xf32, #tpu.memory_space<vmem>>, vector<1x16xf32>,
        %swap3A_1701 = vector.shape_cast %swap3A_1700 : vector<1x16xf32> to vector<16xf32>
        %swap3A_1702 = vector.shape_cast %mul3A_1697 : vector<16xf32> to vector<1x16xf32>
        tpu.vector_store %arg15[%swap3A_1698, %swap3A_1699], %swap3A_1702 {strides = array<i32>} : memref<64x128xf32, #tpu.memory_space<vmem>>, vector<1x16xf32>,
        %get3A_1703 = arith.index_cast %add3A_1669 : i32 to index
        %get3A_1704 = arith.constant 48 : index
        %get3A_1705 = tpu.vector_load %arg15[%get3A_1703, %get3A_1704] {strides = array<i32>} : memref<64x128xf32, #tpu.memory_space<vmem>>, vector<1x16xf32>,
        %get3A_1706 = vector.shape_cast %get3A_1705 : vector<1x16xf32> to vector<16xf32>
        %mul3A_1707 = vector.broadcast %squeeze3A_1665 : f32 to vector<16xf32>
        %mul3A_1708 = arith.mulf %get3A_1706, %mul3A_1707 : vector<16xf32>
        %swap3A_1709 = arith.index_cast %add3A_1669 : i32 to index
        %swap3A_1710 = arith.constant 48 : index
        %swap3A_1711 = tpu.vector_load %arg15[%swap3A_1709, %swap3A_1710] {strides = array<i32>} : memref<64x128xf32, #tpu.memory_space<vmem>>, vector<1x16xf32>,
        %swap3A_1712 = vector.shape_cast %swap3A_1711 : vector<1x16xf32> to vector<16xf32>
        %swap3A_1713 = vector.shape_cast %mul3A_1708 : vector<16xf32> to vector<1x16xf32>
        tpu.vector_store %arg15[%swap3A_1709, %swap3A_1710], %swap3A_1713 {strides = array<i32>} : memref<64x128xf32, #tpu.memory_space<vmem>>, vector<1x16xf32>,
        %get3A_1714 = arith.index_cast %add3A_1669 : i32 to index
        %get3A_1715 = arith.constant 64 : index
        %get3A_1716 = tpu.vector_load %arg15[%get3A_1714, %get3A_1715] {strides = array<i32>} : memref<64x128xf32, #tpu.memory_space<vmem>>, vector<1x16xf32>,
        %get3A_1717 = vector.shape_cast %get3A_1716 : vector<1x16xf32> to vector<16xf32>
        %mul3A_1718 = vector.broadcast %squeeze3A_1665 : f32 to vector<16xf32>
        %mul3A_1719 = arith.mulf %get3A_1717, %mul3A_1718 : vector<16xf32>
        %swap3A_1720 = arith.index_cast %add3A_1669 : i32 to index
        %swap3A_1721 = arith.constant 64 : index
        %swap3A_1722 = tpu.vector_load %arg15[%swap3A_1720, %swap3A_1721] {strides = array<i32>} : memref<64x128xf32, #tpu.memory_space<vmem>>, vector<1x16xf32>,
        %swap3A_1723 = vector.shape_cast %swap3A_1722 : vector<1x16xf32> to vector<16xf32>
        %swap3A_1724 = vector.shape_cast %mul3A_1719 : vector<16xf32> to vector<1x16xf32>
        tpu.vector_store %arg15[%swap3A_1720, %swap3A_1721], %swap3A_1724 {strides = array<i32>} : memref<64x128xf32, #tpu.memory_space<vmem>>, vector<1x16xf32>,
        %get3A_1725 = arith.index_cast %add3A_1669 : i32 to index
        %get3A_1726 = arith.constant 80 : index
        %get3A_1727 = tpu.vector_load %arg15[%get3A_1725, %get3A_1726] {strides = array<i32>} : memref<64x128xf32, #tpu.memory_space<vmem>>, vector<1x16xf32>,
        %get3A_1728 = vector.shape_cast %get3A_1727 : vector<1x16xf32> to vector<16xf32>
        %mul3A_1729 = vector.broadcast %squeeze3A_1665 : f32 to vector<16xf32>
        %mul3A_1730 = arith.mulf %get3A_1728, %mul3A_1729 : vector<16xf32>
        %swap3A_1731 = arith.index_cast %add3A_1669 : i32 to index
        %swap3A_1732 = arith.constant 80 : index
        %swap3A_1733 = tpu.vector_load %arg15[%swap3A_1731, %swap3A_1732] {strides = array<i32>} : memref<64x128xf32, #tpu.memory_space<vmem>>, vector<1x16xf32>,
        %swap3A_1734 = vector.shape_cast %swap3A_1733 : vector<1x16xf32> to vector<16xf32>
        %swap3A_1735 = vector.shape_cast %mul3A_1730 : vector<16xf32> to vector<1x16xf32>
        tpu.vector_store %arg15[%swap3A_1731, %swap3A_1732], %swap3A_1735 {strides = array<i32>} : memref<64x128xf32, #tpu.memory_space<vmem>>, vector<1x16xf32>,
        %get3A_1736 = arith.index_cast %add3A_1669 : i32 to index
        %get3A_1737 = arith.constant 96 : index
        %get3A_1738 = tpu.vector_load %arg15[%get3A_1736, %get3A_1737] {strides = array<i32>} : memref<64x128xf32, #tpu.memory_space<vmem>>, vector<1x16xf32>,
        %get3A_1739 = vector.shape_cast %get3A_1738 : vector<1x16xf32> to vector<16xf32>
        %mul3A_1740 = vector.broadcast %squeeze3A_1665 : f32 to vector<16xf32>
        %mul3A_1741 = arith.mulf %get3A_1739, %mul3A_1740 : vector<16xf32>
        %swap3A_1742 = arith.index_cast %add3A_1669 : i32 to index
        %swap3A_1743 = arith.constant 96 : index
        %swap3A_1744 = tpu.vector_load %arg15[%swap3A_1742, %swap3A_1743] {strides = array<i32>} : memref<64x128xf32, #tpu.memory_space<vmem>>, vector<1x16xf32>,
        %swap3A_1745 = vector.shape_cast %swap3A_1744 : vector<1x16xf32> to vector<16xf32>
        %swap3A_1746 = vector.shape_cast %mul3A_1741 : vector<16xf32> to vector<1x16xf32>
        tpu.vector_store %arg15[%swap3A_1742, %swap3A_1743], %swap3A_1746 {strides = array<i32>} : memref<64x128xf32, #tpu.memory_space<vmem>>, vector<1x16xf32>,
        %get3A_1747 = arith.index_cast %add3A_1669 : i32 to index
        %get3A_1748 = arith.constant 112 : index
        %get3A_1749 = tpu.vector_load %arg15[%get3A_1747, %get3A_1748] {strides = array<i32>} : memref<64x128xf32, #tpu.memory_space<vmem>>, vector<1x16xf32>,
        %get3A_1750 = vector.shape_cast %get3A_1749 : vector<1x16xf32> to vector<16xf32>
        %mul3A_1751 = vector.broadcast %squeeze3A_1665 : f32 to vector<16xf32>
        %mul3A_1752 = arith.mulf %get3A_1750, %mul3A_1751 : vector<16xf32>
        %swap3A_1753 = arith.index_cast %add3A_1669 : i32 to index
        %swap3A_1754 = arith.constant 112 : index
        %swap3A_1755 = tpu.vector_load %arg15[%swap3A_1753, %swap3A_1754] {strides = array<i32>} : memref<64x128xf32, #tpu.memory_space<vmem>>, vector<1x16xf32>,
        %swap3A_1756 = vector.shape_cast %swap3A_1755 : vector<1x16xf32> to vector<16xf32>
        %swap3A_1757 = vector.shape_cast %mul3A_1752 : vector<16xf32> to vector<1x16xf32>
        tpu.vector_store %arg15[%swap3A_1753, %swap3A_1754], %swap3A_1757 {strides = array<i32>} : memref<64x128xf32, #tpu.memory_space<vmem>>, vector<1x16xf32>,
        %slice3A_1758 = vector.extract_strided_slice %get3A_1005 {offsets = [8], sizes = [1], strides = [1]} : vector<16xf32> to vector<1xf32>
        %squeeze3A_1759 = vector.extract %slice3A_1758[0] : f32 from vector<1xf32>
        %mul3A_1760 = arith.constant 16 : i32
        %mul3A_1761 = arith.muli %scan3A_998, %mul3A_1760 : i32
        %add3A_1762 = arith.constant 8 : i32
        %add3A_1763 = arith.addi %mul3A_1761, %add3A_1762 : i32
        %get3A_1764 = arith.index_cast %add3A_1763 : i32 to index
        %get3A_1765 = arith.constant 0 : index
        %get3A_1766 = tpu.vector_load %arg15[%get3A_1764, %get3A_1765] {strides = array<i32>} : memref<64x128xf32, #tpu.memory_space<vmem>>, vector<1x16xf32>,
        %get3A_1767 = vector.shape_cast %get3A_1766 : vector<1x16xf32> to vector<16xf32>
        %mul3A_1768 = vector.broadcast %squeeze3A_1759 : f32 to vector<16xf32>
        %mul3A_1769 = arith.mulf %get3A_1767, %mul3A_1768 : vector<16xf32>
        %swap3A_1770 = arith.index_cast %add3A_1763 : i32 to index
        %swap3A_1771 = arith.constant 0 : index
        %swap3A_1772 = tpu.vector_load %arg15[%swap3A_1770, %swap3A_1771] {strides = array<i32>} : memref<64x128xf32, #tpu.memory_space<vmem>>, vector<1x16xf32>,
        %swap3A_1773 = vector.shape_cast %swap3A_1772 : vector<1x16xf32> to vector<16xf32>
        %swap3A_1774 = vector.shape_cast %mul3A_1769 : vector<16xf32> to vector<1x16xf32>
        tpu.vector_store %arg15[%swap3A_1770, %swap3A_1771], %swap3A_1774 {strides = array<i32>} : memref<64x128xf32, #tpu.memory_space<vmem>>, vector<1x16xf32>,
        %get3A_1775 = arith.index_cast %add3A_1763 : i32 to index
        %get3A_1776 = arith.constant 16 : index
        %get3A_1777 = tpu.vector_load %arg15[%get3A_1775, %get3A_1776] {strides = array<i32>} : memref<64x128xf32, #tpu.memory_space<vmem>>, vector<1x16xf32>,
        %get3A_1778 = vector.shape_cast %get3A_1777 : vector<1x16xf32> to vector<16xf32>
        %mul3A_1779 = vector.broadcast %squeeze3A_1759 : f32 to vector<16xf32>
        %mul3A_1780 = arith.mulf %get3A_1778, %mul3A_1779 : vector<16xf32>
        %swap3A_1781 = arith.index_cast %add3A_1763 : i32 to index
        %swap3A_1782 = arith.constant 16 : index
        %swap3A_1783 = tpu.vector_load %arg15[%swap3A_1781, %swap3A_1782] {strides = array<i32>} : memref<64x128xf32, #tpu.memory_space<vmem>>, vector<1x16xf32>,
        %swap3A_1784 = vector.shape_cast %swap3A_1783 : vector<1x16xf32> to vector<16xf32>
        %swap3A_1785 = vector.shape_cast %mul3A_1780 : vector<16xf32> to vector<1x16xf32>
        tpu.vector_store %arg15[%swap3A_1781, %swap3A_1782], %swap3A_1785 {strides = array<i32>} : memref<64x128xf32, #tpu.memory_space<vmem>>, vector<1x16xf32>,
        %get3A_1786 = arith.index_cast %add3A_1763 : i32 to index
        %get3A_1787 = arith.constant 32 : index
        %get3A_1788 = tpu.vector_load %arg15[%get3A_1786, %get3A_1787] {strides = array<i32>} : memref<64x128xf32, #tpu.memory_space<vmem>>, vector<1x16xf32>,
        %get3A_1789 = vector.shape_cast %get3A_1788 : vector<1x16xf32> to vector<16xf32>
        %mul3A_1790 = vector.broadcast %squeeze3A_1759 : f32 to vector<16xf32>
        %mul3A_1791 = arith.mulf %get3A_1789, %mul3A_1790 : vector<16xf32>
        %swap3A_1792 = arith.index_cast %add3A_1763 : i32 to index
        %swap3A_1793 = arith.constant 32 : index
        %swap3A_1794 = tpu.vector_load %arg15[%swap3A_1792, %swap3A_1793] {strides = array<i32>} : memref<64x128xf32, #tpu.memory_space<vmem>>, vector<1x16xf32>,
        %swap3A_1795 = vector.shape_cast %swap3A_1794 : vector<1x16xf32> to vector<16xf32>
        %swap3A_1796 = vector.shape_cast %mul3A_1791 : vector<16xf32> to vector<1x16xf32>
        tpu.vector_store %arg15[%swap3A_1792, %swap3A_1793], %swap3A_1796 {strides = array<i32>} : memref<64x128xf32, #tpu.memory_space<vmem>>, vector<1x16xf32>,
        %get3A_1797 = arith.index_cast %add3A_1763 : i32 to index
        %get3A_1798 = arith.constant 48 : index
        %get3A_1799 = tpu.vector_load %arg15[%get3A_1797, %get3A_1798] {strides = array<i32>} : memref<64x128xf32, #tpu.memory_space<vmem>>, vector<1x16xf32>,
        %get3A_1800 = vector.shape_cast %get3A_1799 : vector<1x16xf32> to vector<16xf32>
        %mul3A_1801 = vector.broadcast %squeeze3A_1759 : f32 to vector<16xf32>
        %mul3A_1802 = arith.mulf %get3A_1800, %mul3A_1801 : vector<16xf32>
        %swap3A_1803 = arith.index_cast %add3A_1763 : i32 to index
        %swap3A_1804 = arith.constant 48 : index
        %swap3A_1805 = tpu.vector_load %arg15[%swap3A_1803, %swap3A_1804] {strides = array<i32>} : memref<64x128xf32, #tpu.memory_space<vmem>>, vector<1x16xf32>,
        %swap3A_1806 = vector.shape_cast %swap3A_1805 : vector<1x16xf32> to vector<16xf32>
        %swap3A_1807 = vector.shape_cast %mul3A_1802 : vector<16xf32> to vector<1x16xf32>
        tpu.vector_store %arg15[%swap3A_1803, %swap3A_1804], %swap3A_1807 {strides = array<i32>} : memref<64x128xf32, #tpu.memory_space<vmem>>, vector<1x16xf32>,
        %get3A_1808 = arith.index_cast %add3A_1763 : i32 to index
        %get3A_1809 = arith.constant 64 : index
        %get3A_1810 = tpu.vector_load %arg15[%get3A_1808, %get3A_1809] {strides = array<i32>} : memref<64x128xf32, #tpu.memory_space<vmem>>, vector<1x16xf32>,
        %get3A_1811 = vector.shape_cast %get3A_1810 : vector<1x16xf32> to vector<16xf32>
        %mul3A_1812 = vector.broadcast %squeeze3A_1759 : f32 to vector<16xf32>
        %mul3A_1813 = arith.mulf %get3A_1811, %mul3A_1812 : vector<16xf32>
        %swap3A_1814 = arith.index_cast %add3A_1763 : i32 to index
        %swap3A_1815 = arith.constant 64 : index
        %swap3A_1816 = tpu.vector_load %arg15[%swap3A_1814, %swap3A_1815] {strides = array<i32>} : memref<64x128xf32, #tpu.memory_space<vmem>>, vector<1x16xf32>,
        %swap3A_1817 = vector.shape_cast %swap3A_1816 : vector<1x16xf32> to vector<16xf32>
        %swap3A_1818 = vector.shape_cast %mul3A_1813 : vector<16xf32> to vector<1x16xf32>
        tpu.vector_store %arg15[%swap3A_1814, %swap3A_1815], %swap3A_1818 {strides = array<i32>} : memref<64x128xf32, #tpu.memory_space<vmem>>, vector<1x16xf32>,
        %get3A_1819 = arith.index_cast %add3A_1763 : i32 to index
        %get3A_1820 = arith.constant 80 : index
        %get3A_1821 = tpu.vector_load %arg15[%get3A_1819, %get3A_1820] {strides = array<i32>} : memref<64x128xf32, #tpu.memory_space<vmem>>, vector<1x16xf32>,
        %get3A_1822 = vector.shape_cast %get3A_1821 : vector<1x16xf32> to vector<16xf32>
        %mul3A_1823 = vector.broadcast %squeeze3A_1759 : f32 to vector<16xf32>
        %mul3A_1824 = arith.mulf %get3A_1822, %mul3A_1823 : vector<16xf32>
        %swap3A_1825 = arith.index_cast %add3A_1763 : i32 to index
        %swap3A_1826 = arith.constant 80 : index
        %swap3A_1827 = tpu.vector_load %arg15[%swap3A_1825, %swap3A_1826] {strides = array<i32>} : memref<64x128xf32, #tpu.memory_space<vmem>>, vector<1x16xf32>,
        %swap3A_1828 = vector.shape_cast %swap3A_1827 : vector<1x16xf32> to vector<16xf32>
        %swap3A_1829 = vector.shape_cast %mul3A_1824 : vector<16xf32> to vector<1x16xf32>
        tpu.vector_store %arg15[%swap3A_1825, %swap3A_1826], %swap3A_1829 {strides = array<i32>} : memref<64x128xf32, #tpu.memory_space<vmem>>, vector<1x16xf32>,
        %get3A_1830 = arith.index_cast %add3A_1763 : i32 to index
        %get3A_1831 = arith.constant 96 : index
        %get3A_1832 = tpu.vector_load %arg15[%get3A_1830, %get3A_1831] {strides = array<i32>} : memref<64x128xf32, #tpu.memory_space<vmem>>, vector<1x16xf32>,
        %get3A_1833 = vector.shape_cast %get3A_1832 : vector<1x16xf32> to vector<16xf32>
        %mul3A_1834 = vector.broadcast %squeeze3A_1759 : f32 to vector<16xf32>
        %mul3A_1835 = arith.mulf %get3A_1833, %mul3A_1834 : vector<16xf32>
        %swap3A_1836 = arith.index_cast %add3A_1763 : i32 to index
        %swap3A_1837 = arith.constant 96 : index
        %swap3A_1838 = tpu.vector_load %arg15[%swap3A_1836, %swap3A_1837] {strides = array<i32>} : memref<64x128xf32, #tpu.memory_space<vmem>>, vector<1x16xf32>,
        %swap3A_1839 = vector.shape_cast %swap3A_1838 : vector<1x16xf32> to vector<16xf32>
        %swap3A_1840 = vector.shape_cast %mul3A_1835 : vector<16xf32> to vector<1x16xf32>
        tpu.vector_store %arg15[%swap3A_1836, %swap3A_1837], %swap3A_1840 {strides = array<i32>} : memref<64x128xf32, #tpu.memory_space<vmem>>, vector<1x16xf32>,
        %get3A_1841 = arith.index_cast %add3A_1763 : i32 to index
        %get3A_1842 = arith.constant 112 : index
        %get3A_1843 = tpu.vector_load %arg15[%get3A_1841, %get3A_1842] {strides = array<i32>} : memref<64x128xf32, #tpu.memory_space<vmem>>, vector<1x16xf32>,
        %get3A_1844 = vector.shape_cast %get3A_1843 : vector<1x16xf32> to vector<16xf32>
        %mul3A_1845 = vector.broadcast %squeeze3A_1759 : f32 to vector<16xf32>
        %mul3A_1846 = arith.mulf %get3A_1844, %mul3A_1845 : vector<16xf32>
        %swap3A_1847 = arith.index_cast %add3A_1763 : i32 to index
        %swap3A_1848 = arith.constant 112 : index
        %swap3A_1849 = tpu.vector_load %arg15[%swap3A_1847, %swap3A_1848] {strides = array<i32>} : memref<64x128xf32, #tpu.memory_space<vmem>>, vector<1x16xf32>,
        %swap3A_1850 = vector.shape_cast %swap3A_1849 : vector<1x16xf32> to vector<16xf32>
        %swap3A_1851 = vector.shape_cast %mul3A_1846 : vector<16xf32> to vector<1x16xf32>
        tpu.vector_store %arg15[%swap3A_1847, %swap3A_1848], %swap3A_1851 {strides = array<i32>} : memref<64x128xf32, #tpu.memory_space<vmem>>, vector<1x16xf32>,
        %slice3A_1852 = vector.extract_strided_slice %get3A_1005 {offsets = [9], sizes = [1], strides = [1]} : vector<16xf32> to vector<1xf32>
        %squeeze3A_1853 = vector.extract %slice3A_1852[0] : f32 from vector<1xf32>
        %mul3A_1854 = arith.constant 16 : i32
        %mul3A_1855 = arith.muli %scan3A_998, %mul3A_1854 : i32
        %add3A_1856 = arith.constant 9 : i32
        %add3A_1857 = arith.addi %mul3A_1855, %add3A_1856 : i32
        %get3A_1858 = arith.index_cast %add3A_1857 : i32 to index
        %get3A_1859 = arith.constant 0 : index
        %get3A_1860 = tpu.vector_load %arg15[%get3A_1858, %get3A_1859] {strides = array<i32>} : memref<64x128xf32, #tpu.memory_space<vmem>>, vector<1x16xf32>,
        %get3A_1861 = vector.shape_cast %get3A_1860 : vector<1x16xf32> to vector<16xf32>
        %mul3A_1862 = vector.broadcast %squeeze3A_1853 : f32 to vector<16xf32>
        %mul3A_1863 = arith.mulf %get3A_1861, %mul3A_1862 : vector<16xf32>
        %swap3A_1864 = arith.index_cast %add3A_1857 : i32 to index
        %swap3A_1865 = arith.constant 0 : index
        %swap3A_1866 = tpu.vector_load %arg15[%swap3A_1864, %swap3A_1865] {strides = array<i32>} : memref<64x128xf32, #tpu.memory_space<vmem>>, vector<1x16xf32>,
        %swap3A_1867 = vector.shape_cast %swap3A_1866 : vector<1x16xf32> to vector<16xf32>
        %swap3A_1868 = vector.shape_cast %mul3A_1863 : vector<16xf32> to vector<1x16xf32>
        tpu.vector_store %arg15[%swap3A_1864, %swap3A_1865], %swap3A_1868 {strides = array<i32>} : memref<64x128xf32, #tpu.memory_space<vmem>>, vector<1x16xf32>,
        %get3A_1869 = arith.index_cast %add3A_1857 : i32 to index
        %get3A_1870 = arith.constant 16 : index
        %get3A_1871 = tpu.vector_load %arg15[%get3A_1869, %get3A_1870] {strides = array<i32>} : memref<64x128xf32, #tpu.memory_space<vmem>>, vector<1x16xf32>,
        %get3A_1872 = vector.shape_cast %get3A_1871 : vector<1x16xf32> to vector<16xf32>
        %mul3A_1873 = vector.broadcast %squeeze3A_1853 : f32 to vector<16xf32>
        %mul3A_1874 = arith.mulf %get3A_1872, %mul3A_1873 : vector<16xf32>
        %swap3A_1875 = arith.index_cast %add3A_1857 : i32 to index
        %swap3A_1876 = arith.constant 16 : index
        %swap3A_1877 = tpu.vector_load %arg15[%swap3A_1875, %swap3A_1876] {strides = array<i32>} : memref<64x128xf32, #tpu.memory_space<vmem>>, vector<1x16xf32>,
        %swap3A_1878 = vector.shape_cast %swap3A_1877 : vector<1x16xf32> to vector<16xf32>
        %swap3A_1879 = vector.shape_cast %mul3A_1874 : vector<16xf32> to vector<1x16xf32>
        tpu.vector_store %arg15[%swap3A_1875, %swap3A_1876], %swap3A_1879 {strides = array<i32>} : memref<64x128xf32, #tpu.memory_space<vmem>>, vector<1x16xf32>,
        %get3A_1880 = arith.index_cast %add3A_1857 : i32 to index
        %get3A_1881 = arith.constant 32 : index
        %get3A_1882 = tpu.vector_load %arg15[%get3A_1880, %get3A_1881] {strides = array<i32>} : memref<64x128xf32, #tpu.memory_space<vmem>>, vector<1x16xf32>,
        %get3A_1883 = vector.shape_cast %get3A_1882 : vector<1x16xf32> to vector<16xf32>
        %mul3A_1884 = vector.broadcast %squeeze3A_1853 : f32 to vector<16xf32>
        %mul3A_1885 = arith.mulf %get3A_1883, %mul3A_1884 : vector<16xf32>
        %swap3A_1886 = arith.index_cast %add3A_1857 : i32 to index
        %swap3A_1887 = arith.constant 32 : index
        %swap3A_1888 = tpu.vector_load %arg15[%swap3A_1886, %swap3A_1887] {strides = array<i32>} : memref<64x128xf32, #tpu.memory_space<vmem>>, vector<1x16xf32>,
        %swap3A_1889 = vector.shape_cast %swap3A_1888 : vector<1x16xf32> to vector<16xf32>
        %swap3A_1890 = vector.shape_cast %mul3A_1885 : vector<16xf32> to vector<1x16xf32>
        tpu.vector_store %arg15[%swap3A_1886, %swap3A_1887], %swap3A_1890 {strides = array<i32>} : memref<64x128xf32, #tpu.memory_space<vmem>>, vector<1x16xf32>,
        %get3A_1891 = arith.index_cast %add3A_1857 : i32 to index
        %get3A_1892 = arith.constant 48 : index
        %get3A_1893 = tpu.vector_load %arg15[%get3A_1891, %get3A_1892] {strides = array<i32>} : memref<64x128xf32, #tpu.memory_space<vmem>>, vector<1x16xf32>,
        %get3A_1894 = vector.shape_cast %get3A_1893 : vector<1x16xf32> to vector<16xf32>
        %mul3A_1895 = vector.broadcast %squeeze3A_1853 : f32 to vector<16xf32>
        %mul3A_1896 = arith.mulf %get3A_1894, %mul3A_1895 : vector<16xf32>
        %swap3A_1897 = arith.index_cast %add3A_1857 : i32 to index
        %swap3A_1898 = arith.constant 48 : index
        %swap3A_1899 = tpu.vector_load %arg15[%swap3A_1897, %swap3A_1898] {strides = array<i32>} : memref<64x128xf32, #tpu.memory_space<vmem>>, vector<1x16xf32>,
        %swap3A_1900 = vector.shape_cast %swap3A_1899 : vector<1x16xf32> to vector<16xf32>
        %swap3A_1901 = vector.shape_cast %mul3A_1896 : vector<16xf32> to vector<1x16xf32>
        tpu.vector_store %arg15[%swap3A_1897, %swap3A_1898], %swap3A_1901 {strides = array<i32>} : memref<64x128xf32, #tpu.memory_space<vmem>>, vector<1x16xf32>,
        %get3A_1902 = arith.index_cast %add3A_1857 : i32 to index
        %get3A_1903 = arith.constant 64 : index
        %get3A_1904 = tpu.vector_load %arg15[%get3A_1902, %get3A_1903] {strides = array<i32>} : memref<64x128xf32, #tpu.memory_space<vmem>>, vector<1x16xf32>,
        %get3A_1905 = vector.shape_cast %get3A_1904 : vector<1x16xf32> to vector<16xf32>
        %mul3A_1906 = vector.broadcast %squeeze3A_1853 : f32 to vector<16xf32>
        %mul3A_1907 = arith.mulf %get3A_1905, %mul3A_1906 : vector<16xf32>
        %swap3A_1908 = arith.index_cast %add3A_1857 : i32 to index
        %swap3A_1909 = arith.constant 64 : index
        %swap3A_1910 = tpu.vector_load %arg15[%swap3A_1908, %swap3A_1909] {strides = array<i32>} : memref<64x128xf32, #tpu.memory_space<vmem>>, vector<1x16xf32>,
        %swap3A_1911 = vector.shape_cast %swap3A_1910 : vector<1x16xf32> to vector<16xf32>
        %swap3A_1912 = vector.shape_cast %mul3A_1907 : vector<16xf32> to vector<1x16xf32>
        tpu.vector_store %arg15[%swap3A_1908, %swap3A_1909], %swap3A_1912 {strides = array<i32>} : memref<64x128xf32, #tpu.memory_space<vmem>>, vector<1x16xf32>,
        %get3A_1913 = arith.index_cast %add3A_1857 : i32 to index
        %get3A_1914 = arith.constant 80 : index
        %get3A_1915 = tpu.vector_load %arg15[%get3A_1913, %get3A_1914] {strides = array<i32>} : memref<64x128xf32, #tpu.memory_space<vmem>>, vector<1x16xf32>,
        %get3A_1916 = vector.shape_cast %get3A_1915 : vector<1x16xf32> to vector<16xf32>
        %mul3A_1917 = vector.broadcast %squeeze3A_1853 : f32 to vector<16xf32>
        %mul3A_1918 = arith.mulf %get3A_1916, %mul3A_1917 : vector<16xf32>
        %swap3A_1919 = arith.index_cast %add3A_1857 : i32 to index
        %swap3A_1920 = arith.constant 80 : index
        %swap3A_1921 = tpu.vector_load %arg15[%swap3A_1919, %swap3A_1920] {strides = array<i32>} : memref<64x128xf32, #tpu.memory_space<vmem>>, vector<1x16xf32>,
        %swap3A_1922 = vector.shape_cast %swap3A_1921 : vector<1x16xf32> to vector<16xf32>
        %swap3A_1923 = vector.shape_cast %mul3A_1918 : vector<16xf32> to vector<1x16xf32>
        tpu.vector_store %arg15[%swap3A_1919, %swap3A_1920], %swap3A_1923 {strides = array<i32>} : memref<64x128xf32, #tpu.memory_space<vmem>>, vector<1x16xf32>,
        %get3A_1924 = arith.index_cast %add3A_1857 : i32 to index
        %get3A_1925 = arith.constant 96 : index
        %get3A_1926 = tpu.vector_load %arg15[%get3A_1924, %get3A_1925] {strides = array<i32>} : memref<64x128xf32, #tpu.memory_space<vmem>>, vector<1x16xf32>,
        %get3A_1927 = vector.shape_cast %get3A_1926 : vector<1x16xf32> to vector<16xf32>
        %mul3A_1928 = vector.broadcast %squeeze3A_1853 : f32 to vector<16xf32>
        %mul3A_1929 = arith.mulf %get3A_1927, %mul3A_1928 : vector<16xf32>
        %swap3A_1930 = arith.index_cast %add3A_1857 : i32 to index
        %swap3A_1931 = arith.constant 96 : index
        %swap3A_1932 = tpu.vector_load %arg15[%swap3A_1930, %swap3A_1931] {strides = array<i32>} : memref<64x128xf32, #tpu.memory_space<vmem>>, vector<1x16xf32>,
        %swap3A_1933 = vector.shape_cast %swap3A_1932 : vector<1x16xf32> to vector<16xf32>
        %swap3A_1934 = vector.shape_cast %mul3A_1929 : vector<16xf32> to vector<1x16xf32>
        tpu.vector_store %arg15[%swap3A_1930, %swap3A_1931], %swap3A_1934 {strides = array<i32>} : memref<64x128xf32, #tpu.memory_space<vmem>>, vector<1x16xf32>,
        %get3A_1935 = arith.index_cast %add3A_1857 : i32 to index
        %get3A_1936 = arith.constant 112 : index
        %get3A_1937 = tpu.vector_load %arg15[%get3A_1935, %get3A_1936] {strides = array<i32>} : memref<64x128xf32, #tpu.memory_space<vmem>>, vector<1x16xf32>,
        %get3A_1938 = vector.shape_cast %get3A_1937 : vector<1x16xf32> to vector<16xf32>
        %mul3A_1939 = vector.broadcast %squeeze3A_1853 : f32 to vector<16xf32>
        %mul3A_1940 = arith.mulf %get3A_1938, %mul3A_1939 : vector<16xf32>
        %swap3A_1941 = arith.index_cast %add3A_1857 : i32 to index
        %swap3A_1942 = arith.constant 112 : index
        %swap3A_1943 = tpu.vector_load %arg15[%swap3A_1941, %swap3A_1942] {strides = array<i32>} : memref<64x128xf32, #tpu.memory_space<vmem>>, vector<1x16xf32>,
        %swap3A_1944 = vector.shape_cast %swap3A_1943 : vector<1x16xf32> to vector<16xf32>
        %swap3A_1945 = vector.shape_cast %mul3A_1940 : vector<16xf32> to vector<1x16xf32>
        tpu.vector_store %arg15[%swap3A_1941, %swap3A_1942], %swap3A_1945 {strides = array<i32>} : memref<64x128xf32, #tpu.memory_space<vmem>>, vector<1x16xf32>,
        %slice3A_1946 = vector.extract_strided_slice %get3A_1005 {offsets = [10], sizes = [1], strides = [1]} : vector<16xf32> to vector<1xf32>
        %squeeze3A_1947 = vector.extract %slice3A_1946[0] : f32 from vector<1xf32>
        %mul3A_1948 = arith.constant 16 : i32
        %mul3A_1949 = arith.muli %scan3A_998, %mul3A_1948 : i32
        %add3A_1950 = arith.constant 10 : i32
        %add3A_1951 = arith.addi %mul3A_1949, %add3A_1950 : i32
        %get3A_1952 = arith.index_cast %add3A_1951 : i32 to index
        %get3A_1953 = arith.constant 0 : index
        %get3A_1954 = tpu.vector_load %arg15[%get3A_1952, %get3A_1953] {strides = array<i32>} : memref<64x128xf32, #tpu.memory_space<vmem>>, vector<1x16xf32>,
        %get3A_1955 = vector.shape_cast %get3A_1954 : vector<1x16xf32> to vector<16xf32>
        %mul3A_1956 = vector.broadcast %squeeze3A_1947 : f32 to vector<16xf32>
        %mul3A_1957 = arith.mulf %get3A_1955, %mul3A_1956 : vector<16xf32>
        %swap3A_1958 = arith.index_cast %add3A_1951 : i32 to index
        %swap3A_1959 = arith.constant 0 : index
        %swap3A_1960 = tpu.vector_load %arg15[%swap3A_1958, %swap3A_1959] {strides = array<i32>} : memref<64x128xf32, #tpu.memory_space<vmem>>, vector<1x16xf32>,
        %swap3A_1961 = vector.shape_cast %swap3A_1960 : vector<1x16xf32> to vector<16xf32>
        %swap3A_1962 = vector.shape_cast %mul3A_1957 : vector<16xf32> to vector<1x16xf32>
        tpu.vector_store %arg15[%swap3A_1958, %swap3A_1959], %swap3A_1962 {strides = array<i32>} : memref<64x128xf32, #tpu.memory_space<vmem>>, vector<1x16xf32>,
        %get3A_1963 = arith.index_cast %add3A_1951 : i32 to index
        %get3A_1964 = arith.constant 16 : index
        %get3A_1965 = tpu.vector_load %arg15[%get3A_1963, %get3A_1964] {strides = array<i32>} : memref<64x128xf32, #tpu.memory_space<vmem>>, vector<1x16xf32>,
        %get3A_1966 = vector.shape_cast %get3A_1965 : vector<1x16xf32> to vector<16xf32>
        %mul3A_1967 = vector.broadcast %squeeze3A_1947 : f32 to vector<16xf32>
        %mul3A_1968 = arith.mulf %get3A_1966, %mul3A_1967 : vector<16xf32>
        %swap3A_1969 = arith.index_cast %add3A_1951 : i32 to index
        %swap3A_1970 = arith.constant 16 : index
        %swap3A_1971 = tpu.vector_load %arg15[%swap3A_1969, %swap3A_1970] {strides = array<i32>} : memref<64x128xf32, #tpu.memory_space<vmem>>, vector<1x16xf32>,
        %swap3A_1972 = vector.shape_cast %swap3A_1971 : vector<1x16xf32> to vector<16xf32>
        %swap3A_1973 = vector.shape_cast %mul3A_1968 : vector<16xf32> to vector<1x16xf32>
        tpu.vector_store %arg15[%swap3A_1969, %swap3A_1970], %swap3A_1973 {strides = array<i32>} : memref<64x128xf32, #tpu.memory_space<vmem>>, vector<1x16xf32>,
        %get3A_1974 = arith.index_cast %add3A_1951 : i32 to index
        %get3A_1975 = arith.constant 32 : index
        %get3A_1976 = tpu.vector_load %arg15[%get3A_1974, %get3A_1975] {strides = array<i32>} : memref<64x128xf32, #tpu.memory_space<vmem>>, vector<1x16xf32>,
        %get3A_1977 = vector.shape_cast %get3A_1976 : vector<1x16xf32> to vector<16xf32>
        %mul3A_1978 = vector.broadcast %squeeze3A_1947 : f32 to vector<16xf32>
        %mul3A_1979 = arith.mulf %get3A_1977, %mul3A_1978 : vector<16xf32>
        %swap3A_1980 = arith.index_cast %add3A_1951 : i32 to index
        %swap3A_1981 = arith.constant 32 : index
        %swap3A_1982 = tpu.vector_load %arg15[%swap3A_1980, %swap3A_1981] {strides = array<i32>} : memref<64x128xf32, #tpu.memory_space<vmem>>, vector<1x16xf32>,
        %swap3A_1983 = vector.shape_cast %swap3A_1982 : vector<1x16xf32> to vector<16xf32>
        %swap3A_1984 = vector.shape_cast %mul3A_1979 : vector<16xf32> to vector<1x16xf32>
        tpu.vector_store %arg15[%swap3A_1980, %swap3A_1981], %swap3A_1984 {strides = array<i32>} : memref<64x128xf32, #tpu.memory_space<vmem>>, vector<1x16xf32>,
        %get3A_1985 = arith.index_cast %add3A_1951 : i32 to index
        %get3A_1986 = arith.constant 48 : index
        %get3A_1987 = tpu.vector_load %arg15[%get3A_1985, %get3A_1986] {strides = array<i32>} : memref<64x128xf32, #tpu.memory_space<vmem>>, vector<1x16xf32>,
        %get3A_1988 = vector.shape_cast %get3A_1987 : vector<1x16xf32> to vector<16xf32>
        %mul3A_1989 = vector.broadcast %squeeze3A_1947 : f32 to vector<16xf32>
        %mul3A_1990 = arith.mulf %get3A_1988, %mul3A_1989 : vector<16xf32>
        %swap3A_1991 = arith.index_cast %add3A_1951 : i32 to index
        %swap3A_1992 = arith.constant 48 : index
        %swap3A_1993 = tpu.vector_load %arg15[%swap3A_1991, %swap3A_1992] {strides = array<i32>} : memref<64x128xf32, #tpu.memory_space<vmem>>, vector<1x16xf32>,
        %swap3A_1994 = vector.shape_cast %swap3A_1993 : vector<1x16xf32> to vector<16xf32>
        %swap3A_1995 = vector.shape_cast %mul3A_1990 : vector<16xf32> to vector<1x16xf32>
        tpu.vector_store %arg15[%swap3A_1991, %swap3A_1992], %swap3A_1995 {strides = array<i32>} : memref<64x128xf32, #tpu.memory_space<vmem>>, vector<1x16xf32>,
        %get3A_1996 = arith.index_cast %add3A_1951 : i32 to index
        %get3A_1997 = arith.constant 64 : index
        %get3A_1998 = tpu.vector_load %arg15[%get3A_1996, %get3A_1997] {strides = array<i32>} : memref<64x128xf32, #tpu.memory_space<vmem>>, vector<1x16xf32>,
        %get3A_1999 = vector.shape_cast %get3A_1998 : vector<1x16xf32> to vector<16xf32>
        %mul3A_2000 = vector.broadcast %squeeze3A_1947 : f32 to vector<16xf32>
        %mul3A_2001 = arith.mulf %get3A_1999, %mul3A_2000 : vector<16xf32>
        %swap3A_2002 = arith.index_cast %add3A_1951 : i32 to index
        %swap3A_2003 = arith.constant 64 : index
        %swap3A_2004 = tpu.vector_load %arg15[%swap3A_2002, %swap3A_2003] {strides = array<i32>} : memref<64x128xf32, #tpu.memory_space<vmem>>, vector<1x16xf32>,
        %swap3A_2005 = vector.shape_cast %swap3A_2004 : vector<1x16xf32> to vector<16xf32>
        %swap3A_2006 = vector.shape_cast %mul3A_2001 : vector<16xf32> to vector<1x16xf32>
        tpu.vector_store %arg15[%swap3A_2002, %swap3A_2003], %swap3A_2006 {strides = array<i32>} : memref<64x128xf32, #tpu.memory_space<vmem>>, vector<1x16xf32>,
        %get3A_2007 = arith.index_cast %add3A_1951 : i32 to index
        %get3A_2008 = arith.constant 80 : index
        %get3A_2009 = tpu.vector_load %arg15[%get3A_2007, %get3A_2008] {strides = array<i32>} : memref<64x128xf32, #tpu.memory_space<vmem>>, vector<1x16xf32>,
        %get3A_2010 = vector.shape_cast %get3A_2009 : vector<1x16xf32> to vector<16xf32>
        %mul3A_2011 = vector.broadcast %squeeze3A_1947 : f32 to vector<16xf32>
        %mul3A_2012 = arith.mulf %get3A_2010, %mul3A_2011 : vector<16xf32>
        %swap3A_2013 = arith.index_cast %add3A_1951 : i32 to index
        %swap3A_2014 = arith.constant 80 : index
        %swap3A_2015 = tpu.vector_load %arg15[%swap3A_2013, %swap3A_2014] {strides = array<i32>} : memref<64x128xf32, #tpu.memory_space<vmem>>, vector<1x16xf32>,
        %swap3A_2016 = vector.shape_cast %swap3A_2015 : vector<1x16xf32> to vector<16xf32>
        %swap3A_2017 = vector.shape_cast %mul3A_2012 : vector<16xf32> to vector<1x16xf32>
        tpu.vector_store %arg15[%swap3A_2013, %swap3A_2014], %swap3A_2017 {strides = array<i32>} : memref<64x128xf32, #tpu.memory_space<vmem>>, vector<1x16xf32>,
        %get3A_2018 = arith.index_cast %add3A_1951 : i32 to index
        %get3A_2019 = arith.constant 96 : index
        %get3A_2020 = tpu.vector_load %arg15[%get3A_2018, %get3A_2019] {strides = array<i32>} : memref<64x128xf32, #tpu.memory_space<vmem>>, vector<1x16xf32>,
        %get3A_2021 = vector.shape_cast %get3A_2020 : vector<1x16xf32> to vector<16xf32>
        %mul3A_2022 = vector.broadcast %squeeze3A_1947 : f32 to vector<16xf32>
        %mul3A_2023 = arith.mulf %get3A_2021, %mul3A_2022 : vector<16xf32>
        %swap3A_2024 = arith.index_cast %add3A_1951 : i32 to index
        %swap3A_2025 = arith.constant 96 : index
        %swap3A_2026 = tpu.vector_load %arg15[%swap3A_2024, %swap3A_2025] {strides = array<i32>} : memref<64x128xf32, #tpu.memory_space<vmem>>, vector<1x16xf32>,
        %swap3A_2027 = vector.shape_cast %swap3A_2026 : vector<1x16xf32> to vector<16xf32>
        %swap3A_2028 = vector.shape_cast %mul3A_2023 : vector<16xf32> to vector<1x16xf32>
        tpu.vector_store %arg15[%swap3A_2024, %swap3A_2025], %swap3A_2028 {strides = array<i32>} : memref<64x128xf32, #tpu.memory_space<vmem>>, vector<1x16xf32>,
        %get3A_2029 = arith.index_cast %add3A_1951 : i32 to index
        %get3A_2030 = arith.constant 112 : index
        %get3A_2031 = tpu.vector_load %arg15[%get3A_2029, %get3A_2030] {strides = array<i32>} : memref<64x128xf32, #tpu.memory_space<vmem>>, vector<1x16xf32>,
        %get3A_2032 = vector.shape_cast %get3A_2031 : vector<1x16xf32> to vector<16xf32>
        %mul3A_2033 = vector.broadcast %squeeze3A_1947 : f32 to vector<16xf32>
        %mul3A_2034 = arith.mulf %get3A_2032, %mul3A_2033 : vector<16xf32>
        %swap3A_2035 = arith.index_cast %add3A_1951 : i32 to index
        %swap3A_2036 = arith.constant 112 : index
        %swap3A_2037 = tpu.vector_load %arg15[%swap3A_2035, %swap3A_2036] {strides = array<i32>} : memref<64x128xf32, #tpu.memory_space<vmem>>, vector<1x16xf32>,
        %swap3A_2038 = vector.shape_cast %swap3A_2037 : vector<1x16xf32> to vector<16xf32>
        %swap3A_2039 = vector.shape_cast %mul3A_2034 : vector<16xf32> to vector<1x16xf32>
        tpu.vector_store %arg15[%swap3A_2035, %swap3A_2036], %swap3A_2039 {strides = array<i32>} : memref<64x128xf32, #tpu.memory_space<vmem>>, vector<1x16xf32>,
        %slice3A_2040 = vector.extract_strided_slice %get3A_1005 {offsets = [11], sizes = [1], strides = [1]} : vector<16xf32> to vector<1xf32>
        %squeeze3A_2041 = vector.extract %slice3A_2040[0] : f32 from vector<1xf32>
        %mul3A_2042 = arith.constant 16 : i32
        %mul3A_2043 = arith.muli %scan3A_998, %mul3A_2042 : i32
        %add3A_2044 = arith.constant 11 : i32
        %add3A_2045 = arith.addi %mul3A_2043, %add3A_2044 : i32
        %get3A_2046 = arith.index_cast %add3A_2045 : i32 to index
        %get3A_2047 = arith.constant 0 : index
        %get3A_2048 = tpu.vector_load %arg15[%get3A_2046, %get3A_2047] {strides = array<i32>} : memref<64x128xf32, #tpu.memory_space<vmem>>, vector<1x16xf32>,
        %get3A_2049 = vector.shape_cast %get3A_2048 : vector<1x16xf32> to vector<16xf32>
        %mul3A_2050 = vector.broadcast %squeeze3A_2041 : f32 to vector<16xf32>
        %mul3A_2051 = arith.mulf %get3A_2049, %mul3A_2050 : vector<16xf32>
        %swap3A_2052 = arith.index_cast %add3A_2045 : i32 to index
        %swap3A_2053 = arith.constant 0 : index
        %swap3A_2054 = tpu.vector_load %arg15[%swap3A_2052, %swap3A_2053] {strides = array<i32>} : memref<64x128xf32, #tpu.memory_space<vmem>>, vector<1x16xf32>,
        %swap3A_2055 = vector.shape_cast %swap3A_2054 : vector<1x16xf32> to vector<16xf32>
        %swap3A_2056 = vector.shape_cast %mul3A_2051 : vector<16xf32> to vector<1x16xf32>
        tpu.vector_store %arg15[%swap3A_2052, %swap3A_2053], %swap3A_2056 {strides = array<i32>} : memref<64x128xf32, #tpu.memory_space<vmem>>, vector<1x16xf32>,
        %get3A_2057 = arith.index_cast %add3A_2045 : i32 to index
        %get3A_2058 = arith.constant 16 : index
        %get3A_2059 = tpu.vector_load %arg15[%get3A_2057, %get3A_2058] {strides = array<i32>} : memref<64x128xf32, #tpu.memory_space<vmem>>, vector<1x16xf32>,
        %get3A_2060 = vector.shape_cast %get3A_2059 : vector<1x16xf32> to vector<16xf32>
        %mul3A_2061 = vector.broadcast %squeeze3A_2041 : f32 to vector<16xf32>
        %mul3A_2062 = arith.mulf %get3A_2060, %mul3A_2061 : vector<16xf32>
        %swap3A_2063 = arith.index_cast %add3A_2045 : i32 to index
        %swap3A_2064 = arith.constant 16 : index
        %swap3A_2065 = tpu.vector_load %arg15[%swap3A_2063, %swap3A_2064] {strides = array<i32>} : memref<64x128xf32, #tpu.memory_space<vmem>>, vector<1x16xf32>,
        %swap3A_2066 = vector.shape_cast %swap3A_2065 : vector<1x16xf32> to vector<16xf32>
        %swap3A_2067 = vector.shape_cast %mul3A_2062 : vector<16xf32> to vector<1x16xf32>
        tpu.vector_store %arg15[%swap3A_2063, %swap3A_2064], %swap3A_2067 {strides = array<i32>} : memref<64x128xf32, #tpu.memory_space<vmem>>, vector<1x16xf32>,
        %get3A_2068 = arith.index_cast %add3A_2045 : i32 to index
        %get3A_2069 = arith.constant 32 : index
        %get3A_2070 = tpu.vector_load %arg15[%get3A_2068, %get3A_2069] {strides = array<i32>} : memref<64x128xf32, #tpu.memory_space<vmem>>, vector<1x16xf32>,
        %get3A_2071 = vector.shape_cast %get3A_2070 : vector<1x16xf32> to vector<16xf32>
        %mul3A_2072 = vector.broadcast %squeeze3A_2041 : f32 to vector<16xf32>
        %mul3A_2073 = arith.mulf %get3A_2071, %mul3A_2072 : vector<16xf32>
        %swap3A_2074 = arith.index_cast %add3A_2045 : i32 to index
        %swap3A_2075 = arith.constant 32 : index
        %swap3A_2076 = tpu.vector_load %arg15[%swap3A_2074, %swap3A_2075] {strides = array<i32>} : memref<64x128xf32, #tpu.memory_space<vmem>>, vector<1x16xf32>,
        %swap3A_2077 = vector.shape_cast %swap3A_2076 : vector<1x16xf32> to vector<16xf32>
        %swap3A_2078 = vector.shape_cast %mul3A_2073 : vector<16xf32> to vector<1x16xf32>
        tpu.vector_store %arg15[%swap3A_2074, %swap3A_2075], %swap3A_2078 {strides = array<i32>} : memref<64x128xf32, #tpu.memory_space<vmem>>, vector<1x16xf32>,
        %get3A_2079 = arith.index_cast %add3A_2045 : i32 to index
        %get3A_2080 = arith.constant 48 : index
        %get3A_2081 = tpu.vector_load %arg15[%get3A_2079, %get3A_2080] {strides = array<i32>} : memref<64x128xf32, #tpu.memory_space<vmem>>, vector<1x16xf32>,
        %get3A_2082 = vector.shape_cast %get3A_2081 : vector<1x16xf32> to vector<16xf32>
        %mul3A_2083 = vector.broadcast %squeeze3A_2041 : f32 to vector<16xf32>
        %mul3A_2084 = arith.mulf %get3A_2082, %mul3A_2083 : vector<16xf32>
        %swap3A_2085 = arith.index_cast %add3A_2045 : i32 to index
        %swap3A_2086 = arith.constant 48 : index
        %swap3A_2087 = tpu.vector_load %arg15[%swap3A_2085, %swap3A_2086] {strides = array<i32>} : memref<64x128xf32, #tpu.memory_space<vmem>>, vector<1x16xf32>,
        %swap3A_2088 = vector.shape_cast %swap3A_2087 : vector<1x16xf32> to vector<16xf32>
        %swap3A_2089 = vector.shape_cast %mul3A_2084 : vector<16xf32> to vector<1x16xf32>
        tpu.vector_store %arg15[%swap3A_2085, %swap3A_2086], %swap3A_2089 {strides = array<i32>} : memref<64x128xf32, #tpu.memory_space<vmem>>, vector<1x16xf32>,
        %get3A_2090 = arith.index_cast %add3A_2045 : i32 to index
        %get3A_2091 = arith.constant 64 : index
        %get3A_2092 = tpu.vector_load %arg15[%get3A_2090, %get3A_2091] {strides = array<i32>} : memref<64x128xf32, #tpu.memory_space<vmem>>, vector<1x16xf32>,
        %get3A_2093 = vector.shape_cast %get3A_2092 : vector<1x16xf32> to vector<16xf32>
        %mul3A_2094 = vector.broadcast %squeeze3A_2041 : f32 to vector<16xf32>
        %mul3A_2095 = arith.mulf %get3A_2093, %mul3A_2094 : vector<16xf32>
        %swap3A_2096 = arith.index_cast %add3A_2045 : i32 to index
        %swap3A_2097 = arith.constant 64 : index
        %swap3A_2098 = tpu.vector_load %arg15[%swap3A_2096, %swap3A_2097] {strides = array<i32>} : memref<64x128xf32, #tpu.memory_space<vmem>>, vector<1x16xf32>,
        %swap3A_2099 = vector.shape_cast %swap3A_2098 : vector<1x16xf32> to vector<16xf32>
        %swap3A_2100 = vector.shape_cast %mul3A_2095 : vector<16xf32> to vector<1x16xf32>
        tpu.vector_store %arg15[%swap3A_2096, %swap3A_2097], %swap3A_2100 {strides = array<i32>} : memref<64x128xf32, #tpu.memory_space<vmem>>, vector<1x16xf32>,
        %get3A_2101 = arith.index_cast %add3A_2045 : i32 to index
        %get3A_2102 = arith.constant 80 : index
        %get3A_2103 = tpu.vector_load %arg15[%get3A_2101, %get3A_2102] {strides = array<i32>} : memref<64x128xf32, #tpu.memory_space<vmem>>, vector<1x16xf32>,
        %get3A_2104 = vector.shape_cast %get3A_2103 : vector<1x16xf32> to vector<16xf32>
        %mul3A_2105 = vector.broadcast %squeeze3A_2041 : f32 to vector<16xf32>
        %mul3A_2106 = arith.mulf %get3A_2104, %mul3A_2105 : vector<16xf32>
        %swap3A_2107 = arith.index_cast %add3A_2045 : i32 to index
        %swap3A_2108 = arith.constant 80 : index
        %swap3A_2109 = tpu.vector_load %arg15[%swap3A_2107, %swap3A_2108] {strides = array<i32>} : memref<64x128xf32, #tpu.memory_space<vmem>>, vector<1x16xf32>,
        %swap3A_2110 = vector.shape_cast %swap3A_2109 : vector<1x16xf32> to vector<16xf32>
        %swap3A_2111 = vector.shape_cast %mul3A_2106 : vector<16xf32> to vector<1x16xf32>
        tpu.vector_store %arg15[%swap3A_2107, %swap3A_2108], %swap3A_2111 {strides = array<i32>} : memref<64x128xf32, #tpu.memory_space<vmem>>, vector<1x16xf32>,
        %get3A_2112 = arith.index_cast %add3A_2045 : i32 to index
        %get3A_2113 = arith.constant 96 : index
        %get3A_2114 = tpu.vector_load %arg15[%get3A_2112, %get3A_2113] {strides = array<i32>} : memref<64x128xf32, #tpu.memory_space<vmem>>, vector<1x16xf32>,
        %get3A_2115 = vector.shape_cast %get3A_2114 : vector<1x16xf32> to vector<16xf32>
        %mul3A_2116 = vector.broadcast %squeeze3A_2041 : f32 to vector<16xf32>
        %mul3A_2117 = arith.mulf %get3A_2115, %mul3A_2116 : vector<16xf32>
        %swap3A_2118 = arith.index_cast %add3A_2045 : i32 to index
        %swap3A_2119 = arith.constant 96 : index
        %swap3A_2120 = tpu.vector_load %arg15[%swap3A_2118, %swap3A_2119] {strides = array<i32>} : memref<64x128xf32, #tpu.memory_space<vmem>>, vector<1x16xf32>,
        %swap3A_2121 = vector.shape_cast %swap3A_2120 : vector<1x16xf32> to vector<16xf32>
        %swap3A_2122 = vector.shape_cast %mul3A_2117 : vector<16xf32> to vector<1x16xf32>
        tpu.vector_store %arg15[%swap3A_2118, %swap3A_2119], %swap3A_2122 {strides = array<i32>} : memref<64x128xf32, #tpu.memory_space<vmem>>, vector<1x16xf32>,
        %get3A_2123 = arith.index_cast %add3A_2045 : i32 to index
        %get3A_2124 = arith.constant 112 : index
        %get3A_2125 = tpu.vector_load %arg15[%get3A_2123, %get3A_2124] {strides = array<i32>} : memref<64x128xf32, #tpu.memory_space<vmem>>, vector<1x16xf32>,
        %get3A_2126 = vector.shape_cast %get3A_2125 : vector<1x16xf32> to vector<16xf32>
        %mul3A_2127 = vector.broadcast %squeeze3A_2041 : f32 to vector<16xf32>
        %mul3A_2128 = arith.mulf %get3A_2126, %mul3A_2127 : vector<16xf32>
        %swap3A_2129 = arith.index_cast %add3A_2045 : i32 to index
        %swap3A_2130 = arith.constant 112 : index
        %swap3A_2131 = tpu.vector_load %arg15[%swap3A_2129, %swap3A_2130] {strides = array<i32>} : memref<64x128xf32, #tpu.memory_space<vmem>>, vector<1x16xf32>,
        %swap3A_2132 = vector.shape_cast %swap3A_2131 : vector<1x16xf32> to vector<16xf32>
        %swap3A_2133 = vector.shape_cast %mul3A_2128 : vector<16xf32> to vector<1x16xf32>
        tpu.vector_store %arg15[%swap3A_2129, %swap3A_2130], %swap3A_2133 {strides = array<i32>} : memref<64x128xf32, #tpu.memory_space<vmem>>, vector<1x16xf32>,
        %slice3A_2134 = vector.extract_strided_slice %get3A_1005 {offsets = [12], sizes = [1], strides = [1]} : vector<16xf32> to vector<1xf32>
        %squeeze3A_2135 = vector.extract %slice3A_2134[0] : f32 from vector<1xf32>
        %mul3A_2136 = arith.constant 16 : i32
        %mul3A_2137 = arith.muli %scan3A_998, %mul3A_2136 : i32
        %add3A_2138 = arith.constant 12 : i32
        %add3A_2139 = arith.addi %mul3A_2137, %add3A_2138 : i32
        %get3A_2140 = arith.index_cast %add3A_2139 : i32 to index
        %get3A_2141 = arith.constant 0 : index
        %get3A_2142 = tpu.vector_load %arg15[%get3A_2140, %get3A_2141] {strides = array<i32>} : memref<64x128xf32, #tpu.memory_space<vmem>>, vector<1x16xf32>,
        %get3A_2143 = vector.shape_cast %get3A_2142 : vector<1x16xf32> to vector<16xf32>
        %mul3A_2144 = vector.broadcast %squeeze3A_2135 : f32 to vector<16xf32>
        %mul3A_2145 = arith.mulf %get3A_2143, %mul3A_2144 : vector<16xf32>
        %swap3A_2146 = arith.index_cast %add3A_2139 : i32 to index
        %swap3A_2147 = arith.constant 0 : index
        %swap3A_2148 = tpu.vector_load %arg15[%swap3A_2146, %swap3A_2147] {strides = array<i32>} : memref<64x128xf32, #tpu.memory_space<vmem>>, vector<1x16xf32>,
        %swap3A_2149 = vector.shape_cast %swap3A_2148 : vector<1x16xf32> to vector<16xf32>
        %swap3A_2150 = vector.shape_cast %mul3A_2145 : vector<16xf32> to vector<1x16xf32>
        tpu.vector_store %arg15[%swap3A_2146, %swap3A_2147], %swap3A_2150 {strides = array<i32>} : memref<64x128xf32, #tpu.memory_space<vmem>>, vector<1x16xf32>,
        %get3A_2151 = arith.index_cast %add3A_2139 : i32 to index
        %get3A_2152 = arith.constant 16 : index
        %get3A_2153 = tpu.vector_load %arg15[%get3A_2151, %get3A_2152] {strides = array<i32>} : memref<64x128xf32, #tpu.memory_space<vmem>>, vector<1x16xf32>,
        %get3A_2154 = vector.shape_cast %get3A_2153 : vector<1x16xf32> to vector<16xf32>
        %mul3A_2155 = vector.broadcast %squeeze3A_2135 : f32 to vector<16xf32>
        %mul3A_2156 = arith.mulf %get3A_2154, %mul3A_2155 : vector<16xf32>
        %swap3A_2157 = arith.index_cast %add3A_2139 : i32 to index
        %swap3A_2158 = arith.constant 16 : index
        %swap3A_2159 = tpu.vector_load %arg15[%swap3A_2157, %swap3A_2158] {strides = array<i32>} : memref<64x128xf32, #tpu.memory_space<vmem>>, vector<1x16xf32>,
        %swap3A_2160 = vector.shape_cast %swap3A_2159 : vector<1x16xf32> to vector<16xf32>
        %swap3A_2161 = vector.shape_cast %mul3A_2156 : vector<16xf32> to vector<1x16xf32>
        tpu.vector_store %arg15[%swap3A_2157, %swap3A_2158], %swap3A_2161 {strides = array<i32>} : memref<64x128xf32, #tpu.memory_space<vmem>>, vector<1x16xf32>,
        %get3A_2162 = arith.index_cast %add3A_2139 : i32 to index
        %get3A_2163 = arith.constant 32 : index
        %get3A_2164 = tpu.vector_load %arg15[%get3A_2162, %get3A_2163] {strides = array<i32>} : memref<64x128xf32, #tpu.memory_space<vmem>>, vector<1x16xf32>,
        %get3A_2165 = vector.shape_cast %get3A_2164 : vector<1x16xf32> to vector<16xf32>
        %mul3A_2166 = vector.broadcast %squeeze3A_2135 : f32 to vector<16xf32>
        %mul3A_2167 = arith.mulf %get3A_2165, %mul3A_2166 : vector<16xf32>
        %swap3A_2168 = arith.index_cast %add3A_2139 : i32 to index
        %swap3A_2169 = arith.constant 32 : index
        %swap3A_2170 = tpu.vector_load %arg15[%swap3A_2168, %swap3A_2169] {strides = array<i32>} : memref<64x128xf32, #tpu.memory_space<vmem>>, vector<1x16xf32>,
        %swap3A_2171 = vector.shape_cast %swap3A_2170 : vector<1x16xf32> to vector<16xf32>
        %swap3A_2172 = vector.shape_cast %mul3A_2167 : vector<16xf32> to vector<1x16xf32>
        tpu.vector_store %arg15[%swap3A_2168, %swap3A_2169], %swap3A_2172 {strides = array<i32>} : memref<64x128xf32, #tpu.memory_space<vmem>>, vector<1x16xf32>,
        %get3A_2173 = arith.index_cast %add3A_2139 : i32 to index
        %get3A_2174 = arith.constant 48 : index
        %get3A_2175 = tpu.vector_load %arg15[%get3A_2173, %get3A_2174] {strides = array<i32>} : memref<64x128xf32, #tpu.memory_space<vmem>>, vector<1x16xf32>,
        %get3A_2176 = vector.shape_cast %get3A_2175 : vector<1x16xf32> to vector<16xf32>
        %mul3A_2177 = vector.broadcast %squeeze3A_2135 : f32 to vector<16xf32>
        %mul3A_2178 = arith.mulf %get3A_2176, %mul3A_2177 : vector<16xf32>
        %swap3A_2179 = arith.index_cast %add3A_2139 : i32 to index
        %swap3A_2180 = arith.constant 48 : index
        %swap3A_2181 = tpu.vector_load %arg15[%swap3A_2179, %swap3A_2180] {strides = array<i32>} : memref<64x128xf32, #tpu.memory_space<vmem>>, vector<1x16xf32>,
        %swap3A_2182 = vector.shape_cast %swap3A_2181 : vector<1x16xf32> to vector<16xf32>
        %swap3A_2183 = vector.shape_cast %mul3A_2178 : vector<16xf32> to vector<1x16xf32>
        tpu.vector_store %arg15[%swap3A_2179, %swap3A_2180], %swap3A_2183 {strides = array<i32>} : memref<64x128xf32, #tpu.memory_space<vmem>>, vector<1x16xf32>,
        %get3A_2184 = arith.index_cast %add3A_2139 : i32 to index
        %get3A_2185 = arith.constant 64 : index
        %get3A_2186 = tpu.vector_load %arg15[%get3A_2184, %get3A_2185] {strides = array<i32>} : memref<64x128xf32, #tpu.memory_space<vmem>>, vector<1x16xf32>,
        %get3A_2187 = vector.shape_cast %get3A_2186 : vector<1x16xf32> to vector<16xf32>
        %mul3A_2188 = vector.broadcast %squeeze3A_2135 : f32 to vector<16xf32>
        %mul3A_2189 = arith.mulf %get3A_2187, %mul3A_2188 : vector<16xf32>
        %swap3A_2190 = arith.index_cast %add3A_2139 : i32 to index
        %swap3A_2191 = arith.constant 64 : index
        %swap3A_2192 = tpu.vector_load %arg15[%swap3A_2190, %swap3A_2191] {strides = array<i32>} : memref<64x128xf32, #tpu.memory_space<vmem>>, vector<1x16xf32>,
        %swap3A_2193 = vector.shape_cast %swap3A_2192 : vector<1x16xf32> to vector<16xf32>
        %swap3A_2194 = vector.shape_cast %mul3A_2189 : vector<16xf32> to vector<1x16xf32>
        tpu.vector_store %arg15[%swap3A_2190, %swap3A_2191], %swap3A_2194 {strides = array<i32>} : memref<64x128xf32, #tpu.memory_space<vmem>>, vector<1x16xf32>,
        %get3A_2195 = arith.index_cast %add3A_2139 : i32 to index
        %get3A_2196 = arith.constant 80 : index
        %get3A_2197 = tpu.vector_load %arg15[%get3A_2195, %get3A_2196] {strides = array<i32>} : memref<64x128xf32, #tpu.memory_space<vmem>>, vector<1x16xf32>,
        %get3A_2198 = vector.shape_cast %get3A_2197 : vector<1x16xf32> to vector<16xf32>
        %mul3A_2199 = vector.broadcast %squeeze3A_2135 : f32 to vector<16xf32>
        %mul3A_2200 = arith.mulf %get3A_2198, %mul3A_2199 : vector<16xf32>
        %swap3A_2201 = arith.index_cast %add3A_2139 : i32 to index
        %swap3A_2202 = arith.constant 80 : index
        %swap3A_2203 = tpu.vector_load %arg15[%swap3A_2201, %swap3A_2202] {strides = array<i32>} : memref<64x128xf32, #tpu.memory_space<vmem>>, vector<1x16xf32>,
        %swap3A_2204 = vector.shape_cast %swap3A_2203 : vector<1x16xf32> to vector<16xf32>
        %swap3A_2205 = vector.shape_cast %mul3A_2200 : vector<16xf32> to vector<1x16xf32>
        tpu.vector_store %arg15[%swap3A_2201, %swap3A_2202], %swap3A_2205 {strides = array<i32>} : memref<64x128xf32, #tpu.memory_space<vmem>>, vector<1x16xf32>,
        %get3A_2206 = arith.index_cast %add3A_2139 : i32 to index
        %get3A_2207 = arith.constant 96 : index
        %get3A_2208 = tpu.vector_load %arg15[%get3A_2206, %get3A_2207] {strides = array<i32>} : memref<64x128xf32, #tpu.memory_space<vmem>>, vector<1x16xf32>,
        %get3A_2209 = vector.shape_cast %get3A_2208 : vector<1x16xf32> to vector<16xf32>
        %mul3A_2210 = vector.broadcast %squeeze3A_2135 : f32 to vector<16xf32>
        %mul3A_2211 = arith.mulf %get3A_2209, %mul3A_2210 : vector<16xf32>
        %swap3A_2212 = arith.index_cast %add3A_2139 : i32 to index
        %swap3A_2213 = arith.constant 96 : index
        %swap3A_2214 = tpu.vector_load %arg15[%swap3A_2212, %swap3A_2213] {strides = array<i32>} : memref<64x128xf32, #tpu.memory_space<vmem>>, vector<1x16xf32>,
        %swap3A_2215 = vector.shape_cast %swap3A_2214 : vector<1x16xf32> to vector<16xf32>
        %swap3A_2216 = vector.shape_cast %mul3A_2211 : vector<16xf32> to vector<1x16xf32>
        tpu.vector_store %arg15[%swap3A_2212, %swap3A_2213], %swap3A_2216 {strides = array<i32>} : memref<64x128xf32, #tpu.memory_space<vmem>>, vector<1x16xf32>,
        %get3A_2217 = arith.index_cast %add3A_2139 : i32 to index
        %get3A_2218 = arith.constant 112 : index
        %get3A_2219 = tpu.vector_load %arg15[%get3A_2217, %get3A_2218] {strides = array<i32>} : memref<64x128xf32, #tpu.memory_space<vmem>>, vector<1x16xf32>,
        %get3A_2220 = vector.shape_cast %get3A_2219 : vector<1x16xf32> to vector<16xf32>
        %mul3A_2221 = vector.broadcast %squeeze3A_2135 : f32 to vector<16xf32>
        %mul3A_2222 = arith.mulf %get3A_2220, %mul3A_2221 : vector<16xf32>
        %swap3A_2223 = arith.index_cast %add3A_2139 : i32 to index
        %swap3A_2224 = arith.constant 112 : index
        %swap3A_2225 = tpu.vector_load %arg15[%swap3A_2223, %swap3A_2224] {strides = array<i32>} : memref<64x128xf32, #tpu.memory_space<vmem>>, vector<1x16xf32>,
        %swap3A_2226 = vector.shape_cast %swap3A_2225 : vector<1x16xf32> to vector<16xf32>
        %swap3A_2227 = vector.shape_cast %mul3A_2222 : vector<16xf32> to vector<1x16xf32>
        tpu.vector_store %arg15[%swap3A_2223, %swap3A_2224], %swap3A_2227 {strides = array<i32>} : memref<64x128xf32, #tpu.memory_space<vmem>>, vector<1x16xf32>,
        %slice3A_2228 = vector.extract_strided_slice %get3A_1005 {offsets = [13], sizes = [1], strides = [1]} : vector<16xf32> to vector<1xf32>
        %squeeze3A_2229 = vector.extract %slice3A_2228[0] : f32 from vector<1xf32>
        %mul3A_2230 = arith.constant 16 : i32
        %mul3A_2231 = arith.muli %scan3A_998, %mul3A_2230 : i32
        %add3A_2232 = arith.constant 13 : i32
        %add3A_2233 = arith.addi %mul3A_2231, %add3A_2232 : i32
        %get3A_2234 = arith.index_cast %add3A_2233 : i32 to index
        %get3A_2235 = arith.constant 0 : index
        %get3A_2236 = tpu.vector_load %arg15[%get3A_2234, %get3A_2235] {strides = array<i32>} : memref<64x128xf32, #tpu.memory_space<vmem>>, vector<1x16xf32>,
        %get3A_2237 = vector.shape_cast %get3A_2236 : vector<1x16xf32> to vector<16xf32>
        %mul3A_2238 = vector.broadcast %squeeze3A_2229 : f32 to vector<16xf32>
        %mul3A_2239 = arith.mulf %get3A_2237, %mul3A_2238 : vector<16xf32>
        %swap3A_2240 = arith.index_cast %add3A_2233 : i32 to index
        %swap3A_2241 = arith.constant 0 : index
        %swap3A_2242 = tpu.vector_load %arg15[%swap3A_2240, %swap3A_2241] {strides = array<i32>} : memref<64x128xf32, #tpu.memory_space<vmem>>, vector<1x16xf32>,
        %swap3A_2243 = vector.shape_cast %swap3A_2242 : vector<1x16xf32> to vector<16xf32>
        %swap3A_2244 = vector.shape_cast %mul3A_2239 : vector<16xf32> to vector<1x16xf32>
        tpu.vector_store %arg15[%swap3A_2240, %swap3A_2241], %swap3A_2244 {strides = array<i32>} : memref<64x128xf32, #tpu.memory_space<vmem>>, vector<1x16xf32>,
        %get3A_2245 = arith.index_cast %add3A_2233 : i32 to index
        %get3A_2246 = arith.constant 16 : index
        %get3A_2247 = tpu.vector_load %arg15[%get3A_2245, %get3A_2246] {strides = array<i32>} : memref<64x128xf32, #tpu.memory_space<vmem>>, vector<1x16xf32>,
        %get3A_2248 = vector.shape_cast %get3A_2247 : vector<1x16xf32> to vector<16xf32>
        %mul3A_2249 = vector.broadcast %squeeze3A_2229 : f32 to vector<16xf32>
        %mul3A_2250 = arith.mulf %get3A_2248, %mul3A_2249 : vector<16xf32>
        %swap3A_2251 = arith.index_cast %add3A_2233 : i32 to index
        %swap3A_2252 = arith.constant 16 : index
        %swap3A_2253 = tpu.vector_load %arg15[%swap3A_2251, %swap3A_2252] {strides = array<i32>} : memref<64x128xf32, #tpu.memory_space<vmem>>, vector<1x16xf32>,
        %swap3A_2254 = vector.shape_cast %swap3A_2253 : vector<1x16xf32> to vector<16xf32>
        %swap3A_2255 = vector.shape_cast %mul3A_2250 : vector<16xf32> to vector<1x16xf32>
        tpu.vector_store %arg15[%swap3A_2251, %swap3A_2252], %swap3A_2255 {strides = array<i32>} : memref<64x128xf32, #tpu.memory_space<vmem>>, vector<1x16xf32>,
        %get3A_2256 = arith.index_cast %add3A_2233 : i32 to index
        %get3A_2257 = arith.constant 32 : index
        %get3A_2258 = tpu.vector_load %arg15[%get3A_2256, %get3A_2257] {strides = array<i32>} : memref<64x128xf32, #tpu.memory_space<vmem>>, vector<1x16xf32>,
        %get3A_2259 = vector.shape_cast %get3A_2258 : vector<1x16xf32> to vector<16xf32>
        %mul3A_2260 = vector.broadcast %squeeze3A_2229 : f32 to vector<16xf32>
        %mul3A_2261 = arith.mulf %get3A_2259, %mul3A_2260 : vector<16xf32>
        %swap3A_2262 = arith.index_cast %add3A_2233 : i32 to index
        %swap3A_2263 = arith.constant 32 : index
        %swap3A_2264 = tpu.vector_load %arg15[%swap3A_2262, %swap3A_2263] {strides = array<i32>} : memref<64x128xf32, #tpu.memory_space<vmem>>, vector<1x16xf32>,
        %swap3A_2265 = vector.shape_cast %swap3A_2264 : vector<1x16xf32> to vector<16xf32>
        %swap3A_2266 = vector.shape_cast %mul3A_2261 : vector<16xf32> to vector<1x16xf32>
        tpu.vector_store %arg15[%swap3A_2262, %swap3A_2263], %swap3A_2266 {strides = array<i32>} : memref<64x128xf32, #tpu.memory_space<vmem>>, vector<1x16xf32>,
        %get3A_2267 = arith.index_cast %add3A_2233 : i32 to index
        %get3A_2268 = arith.constant 48 : index
        %get3A_2269 = tpu.vector_load %arg15[%get3A_2267, %get3A_2268] {strides = array<i32>} : memref<64x128xf32, #tpu.memory_space<vmem>>, vector<1x16xf32>,
        %get3A_2270 = vector.shape_cast %get3A_2269 : vector<1x16xf32> to vector<16xf32>
        %mul3A_2271 = vector.broadcast %squeeze3A_2229 : f32 to vector<16xf32>
        %mul3A_2272 = arith.mulf %get3A_2270, %mul3A_2271 : vector<16xf32>
        %swap3A_2273 = arith.index_cast %add3A_2233 : i32 to index
        %swap3A_2274 = arith.constant 48 : index
        %swap3A_2275 = tpu.vector_load %arg15[%swap3A_2273, %swap3A_2274] {strides = array<i32>} : memref<64x128xf32, #tpu.memory_space<vmem>>, vector<1x16xf32>,
        %swap3A_2276 = vector.shape_cast %swap3A_2275 : vector<1x16xf32> to vector<16xf32>
        %swap3A_2277 = vector.shape_cast %mul3A_2272 : vector<16xf32> to vector<1x16xf32>
        tpu.vector_store %arg15[%swap3A_2273, %swap3A_2274], %swap3A_2277 {strides = array<i32>} : memref<64x128xf32, #tpu.memory_space<vmem>>, vector<1x16xf32>,
        %get3A_2278 = arith.index_cast %add3A_2233 : i32 to index
        %get3A_2279 = arith.constant 64 : index
        %get3A_2280 = tpu.vector_load %arg15[%get3A_2278, %get3A_2279] {strides = array<i32>} : memref<64x128xf32, #tpu.memory_space<vmem>>, vector<1x16xf32>,
        %get3A_2281 = vector.shape_cast %get3A_2280 : vector<1x16xf32> to vector<16xf32>
        %mul3A_2282 = vector.broadcast %squeeze3A_2229 : f32 to vector<16xf32>
        %mul3A_2283 = arith.mulf %get3A_2281, %mul3A_2282 : vector<16xf32>
        %swap3A_2284 = arith.index_cast %add3A_2233 : i32 to index
        %swap3A_2285 = arith.constant 64 : index
        %swap3A_2286 = tpu.vector_load %arg15[%swap3A_2284, %swap3A_2285] {strides = array<i32>} : memref<64x128xf32, #tpu.memory_space<vmem>>, vector<1x16xf32>,
        %swap3A_2287 = vector.shape_cast %swap3A_2286 : vector<1x16xf32> to vector<16xf32>
        %swap3A_2288 = vector.shape_cast %mul3A_2283 : vector<16xf32> to vector<1x16xf32>
        tpu.vector_store %arg15[%swap3A_2284, %swap3A_2285], %swap3A_2288 {strides = array<i32>} : memref<64x128xf32, #tpu.memory_space<vmem>>, vector<1x16xf32>,
        %get3A_2289 = arith.index_cast %add3A_2233 : i32 to index
        %get3A_2290 = arith.constant 80 : index
        %get3A_2291 = tpu.vector_load %arg15[%get3A_2289, %get3A_2290] {strides = array<i32>} : memref<64x128xf32, #tpu.memory_space<vmem>>, vector<1x16xf32>,
        %get3A_2292 = vector.shape_cast %get3A_2291 : vector<1x16xf32> to vector<16xf32>
        %mul3A_2293 = vector.broadcast %squeeze3A_2229 : f32 to vector<16xf32>
        %mul3A_2294 = arith.mulf %get3A_2292, %mul3A_2293 : vector<16xf32>
        %swap3A_2295 = arith.index_cast %add3A_2233 : i32 to index
        %swap3A_2296 = arith.constant 80 : index
        %swap3A_2297 = tpu.vector_load %arg15[%swap3A_2295, %swap3A_2296] {strides = array<i32>} : memref<64x128xf32, #tpu.memory_space<vmem>>, vector<1x16xf32>,
        %swap3A_2298 = vector.shape_cast %swap3A_2297 : vector<1x16xf32> to vector<16xf32>
        %swap3A_2299 = vector.shape_cast %mul3A_2294 : vector<16xf32> to vector<1x16xf32>
        tpu.vector_store %arg15[%swap3A_2295, %swap3A_2296], %swap3A_2299 {strides = array<i32>} : memref<64x128xf32, #tpu.memory_space<vmem>>, vector<1x16xf32>,
        %get3A_2300 = arith.index_cast %add3A_2233 : i32 to index
        %get3A_2301 = arith.constant 96 : index
        %get3A_2302 = tpu.vector_load %arg15[%get3A_2300, %get3A_2301] {strides = array<i32>} : memref<64x128xf32, #tpu.memory_space<vmem>>, vector<1x16xf32>,
        %get3A_2303 = vector.shape_cast %get3A_2302 : vector<1x16xf32> to vector<16xf32>
        %mul3A_2304 = vector.broadcast %squeeze3A_2229 : f32 to vector<16xf32>
        %mul3A_2305 = arith.mulf %get3A_2303, %mul3A_2304 : vector<16xf32>
        %swap3A_2306 = arith.index_cast %add3A_2233 : i32 to index
        %swap3A_2307 = arith.constant 96 : index
        %swap3A_2308 = tpu.vector_load %arg15[%swap3A_2306, %swap3A_2307] {strides = array<i32>} : memref<64x128xf32, #tpu.memory_space<vmem>>, vector<1x16xf32>,
        %swap3A_2309 = vector.shape_cast %swap3A_2308 : vector<1x16xf32> to vector<16xf32>
        %swap3A_2310 = vector.shape_cast %mul3A_2305 : vector<16xf32> to vector<1x16xf32>
        tpu.vector_store %arg15[%swap3A_2306, %swap3A_2307], %swap3A_2310 {strides = array<i32>} : memref<64x128xf32, #tpu.memory_space<vmem>>, vector<1x16xf32>,
        %get3A_2311 = arith.index_cast %add3A_2233 : i32 to index
        %get3A_2312 = arith.constant 112 : index
        %get3A_2313 = tpu.vector_load %arg15[%get3A_2311, %get3A_2312] {strides = array<i32>} : memref<64x128xf32, #tpu.memory_space<vmem>>, vector<1x16xf32>,
        %get3A_2314 = vector.shape_cast %get3A_2313 : vector<1x16xf32> to vector<16xf32>
        %mul3A_2315 = vector.broadcast %squeeze3A_2229 : f32 to vector<16xf32>
        %mul3A_2316 = arith.mulf %get3A_2314, %mul3A_2315 : vector<16xf32>
        %swap3A_2317 = arith.index_cast %add3A_2233 : i32 to index
        %swap3A_2318 = arith.constant 112 : index
        %swap3A_2319 = tpu.vector_load %arg15[%swap3A_2317, %swap3A_2318] {strides = array<i32>} : memref<64x128xf32, #tpu.memory_space<vmem>>, vector<1x16xf32>,
        %swap3A_2320 = vector.shape_cast %swap3A_2319 : vector<1x16xf32> to vector<16xf32>
        %swap3A_2321 = vector.shape_cast %mul3A_2316 : vector<16xf32> to vector<1x16xf32>
        tpu.vector_store %arg15[%swap3A_2317, %swap3A_2318], %swap3A_2321 {strides = array<i32>} : memref<64x128xf32, #tpu.memory_space<vmem>>, vector<1x16xf32>,
        %slice3A_2322 = vector.extract_strided_slice %get3A_1005 {offsets = [14], sizes = [1], strides = [1]} : vector<16xf32> to vector<1xf32>
        %squeeze3A_2323 = vector.extract %slice3A_2322[0] : f32 from vector<1xf32>
        %mul3A_2324 = arith.constant 16 : i32
        %mul3A_2325 = arith.muli %scan3A_998, %mul3A_2324 : i32
        %add3A_2326 = arith.constant 14 : i32
        %add3A_2327 = arith.addi %mul3A_2325, %add3A_2326 : i32
        %get3A_2328 = arith.index_cast %add3A_2327 : i32 to index
        %get3A_2329 = arith.constant 0 : index
        %get3A_2330 = tpu.vector_load %arg15[%get3A_2328, %get3A_2329] {strides = array<i32>} : memref<64x128xf32, #tpu.memory_space<vmem>>, vector<1x16xf32>,
        %get3A_2331 = vector.shape_cast %get3A_2330 : vector<1x16xf32> to vector<16xf32>
        %mul3A_2332 = vector.broadcast %squeeze3A_2323 : f32 to vector<16xf32>
        %mul3A_2333 = arith.mulf %get3A_2331, %mul3A_2332 : vector<16xf32>
        %swap3A_2334 = arith.index_cast %add3A_2327 : i32 to index
        %swap3A_2335 = arith.constant 0 : index
        %swap3A_2336 = tpu.vector_load %arg15[%swap3A_2334, %swap3A_2335] {strides = array<i32>} : memref<64x128xf32, #tpu.memory_space<vmem>>, vector<1x16xf32>,
        %swap3A_2337 = vector.shape_cast %swap3A_2336 : vector<1x16xf32> to vector<16xf32>
        %swap3A_2338 = vector.shape_cast %mul3A_2333 : vector<16xf32> to vector<1x16xf32>
        tpu.vector_store %arg15[%swap3A_2334, %swap3A_2335], %swap3A_2338 {strides = array<i32>} : memref<64x128xf32, #tpu.memory_space<vmem>>, vector<1x16xf32>,
        %get3A_2339 = arith.index_cast %add3A_2327 : i32 to index
        %get3A_2340 = arith.constant 16 : index
        %get3A_2341 = tpu.vector_load %arg15[%get3A_2339, %get3A_2340] {strides = array<i32>} : memref<64x128xf32, #tpu.memory_space<vmem>>, vector<1x16xf32>,
        %get3A_2342 = vector.shape_cast %get3A_2341 : vector<1x16xf32> to vector<16xf32>
        %mul3A_2343 = vector.broadcast %squeeze3A_2323 : f32 to vector<16xf32>
        %mul3A_2344 = arith.mulf %get3A_2342, %mul3A_2343 : vector<16xf32>
        %swap3A_2345 = arith.index_cast %add3A_2327 : i32 to index
        %swap3A_2346 = arith.constant 16 : index
        %swap3A_2347 = tpu.vector_load %arg15[%swap3A_2345, %swap3A_2346] {strides = array<i32>} : memref<64x128xf32, #tpu.memory_space<vmem>>, vector<1x16xf32>,
        %swap3A_2348 = vector.shape_cast %swap3A_2347 : vector<1x16xf32> to vector<16xf32>
        %swap3A_2349 = vector.shape_cast %mul3A_2344 : vector<16xf32> to vector<1x16xf32>
        tpu.vector_store %arg15[%swap3A_2345, %swap3A_2346], %swap3A_2349 {strides = array<i32>} : memref<64x128xf32, #tpu.memory_space<vmem>>, vector<1x16xf32>,
        %get3A_2350 = arith.index_cast %add3A_2327 : i32 to index
        %get3A_2351 = arith.constant 32 : index
        %get3A_2352 = tpu.vector_load %arg15[%get3A_2350, %get3A_2351] {strides = array<i32>} : memref<64x128xf32, #tpu.memory_space<vmem>>, vector<1x16xf32>,
        %get3A_2353 = vector.shape_cast %get3A_2352 : vector<1x16xf32> to vector<16xf32>
        %mul3A_2354 = vector.broadcast %squeeze3A_2323 : f32 to vector<16xf32>
        %mul3A_2355 = arith.mulf %get3A_2353, %mul3A_2354 : vector<16xf32>
        %swap3A_2356 = arith.index_cast %add3A_2327 : i32 to index
        %swap3A_2357 = arith.constant 32 : index
        %swap3A_2358 = tpu.vector_load %arg15[%swap3A_2356, %swap3A_2357] {strides = array<i32>} : memref<64x128xf32, #tpu.memory_space<vmem>>, vector<1x16xf32>,
        %swap3A_2359 = vector.shape_cast %swap3A_2358 : vector<1x16xf32> to vector<16xf32>
        %swap3A_2360 = vector.shape_cast %mul3A_2355 : vector<16xf32> to vector<1x16xf32>
        tpu.vector_store %arg15[%swap3A_2356, %swap3A_2357], %swap3A_2360 {strides = array<i32>} : memref<64x128xf32, #tpu.memory_space<vmem>>, vector<1x16xf32>,
        %get3A_2361 = arith.index_cast %add3A_2327 : i32 to index
        %get3A_2362 = arith.constant 48 : index
        %get3A_2363 = tpu.vector_load %arg15[%get3A_2361, %get3A_2362] {strides = array<i32>} : memref<64x128xf32, #tpu.memory_space<vmem>>, vector<1x16xf32>,
        %get3A_2364 = vector.shape_cast %get3A_2363 : vector<1x16xf32> to vector<16xf32>
        %mul3A_2365 = vector.broadcast %squeeze3A_2323 : f32 to vector<16xf32>
        %mul3A_2366 = arith.mulf %get3A_2364, %mul3A_2365 : vector<16xf32>
        %swap3A_2367 = arith.index_cast %add3A_2327 : i32 to index
        %swap3A_2368 = arith.constant 48 : index
        %swap3A_2369 = tpu.vector_load %arg15[%swap3A_2367, %swap3A_2368] {strides = array<i32>} : memref<64x128xf32, #tpu.memory_space<vmem>>, vector<1x16xf32>,
        %swap3A_2370 = vector.shape_cast %swap3A_2369 : vector<1x16xf32> to vector<16xf32>
        %swap3A_2371 = vector.shape_cast %mul3A_2366 : vector<16xf32> to vector<1x16xf32>
        tpu.vector_store %arg15[%swap3A_2367, %swap3A_2368], %swap3A_2371 {strides = array<i32>} : memref<64x128xf32, #tpu.memory_space<vmem>>, vector<1x16xf32>,
        %get3A_2372 = arith.index_cast %add3A_2327 : i32 to index
        %get3A_2373 = arith.constant 64 : index
        %get3A_2374 = tpu.vector_load %arg15[%get3A_2372, %get3A_2373] {strides = array<i32>} : memref<64x128xf32, #tpu.memory_space<vmem>>, vector<1x16xf32>,
        %get3A_2375 = vector.shape_cast %get3A_2374 : vector<1x16xf32> to vector<16xf32>
        %mul3A_2376 = vector.broadcast %squeeze3A_2323 : f32 to vector<16xf32>
        %mul3A_2377 = arith.mulf %get3A_2375, %mul3A_2376 : vector<16xf32>
        %swap3A_2378 = arith.index_cast %add3A_2327 : i32 to index
        %swap3A_2379 = arith.constant 64 : index
        %swap3A_2380 = tpu.vector_load %arg15[%swap3A_2378, %swap3A_2379] {strides = array<i32>} : memref<64x128xf32, #tpu.memory_space<vmem>>, vector<1x16xf32>,
        %swap3A_2381 = vector.shape_cast %swap3A_2380 : vector<1x16xf32> to vector<16xf32>
        %swap3A_2382 = vector.shape_cast %mul3A_2377 : vector<16xf32> to vector<1x16xf32>
        tpu.vector_store %arg15[%swap3A_2378, %swap3A_2379], %swap3A_2382 {strides = array<i32>} : memref<64x128xf32, #tpu.memory_space<vmem>>, vector<1x16xf32>,
        %get3A_2383 = arith.index_cast %add3A_2327 : i32 to index
        %get3A_2384 = arith.constant 80 : index
        %get3A_2385 = tpu.vector_load %arg15[%get3A_2383, %get3A_2384] {strides = array<i32>} : memref<64x128xf32, #tpu.memory_space<vmem>>, vector<1x16xf32>,
        %get3A_2386 = vector.shape_cast %get3A_2385 : vector<1x16xf32> to vector<16xf32>
        %mul3A_2387 = vector.broadcast %squeeze3A_2323 : f32 to vector<16xf32>
        %mul3A_2388 = arith.mulf %get3A_2386, %mul3A_2387 : vector<16xf32>
        %swap3A_2389 = arith.index_cast %add3A_2327 : i32 to index
        %swap3A_2390 = arith.constant 80 : index
        %swap3A_2391 = tpu.vector_load %arg15[%swap3A_2389, %swap3A_2390] {strides = array<i32>} : memref<64x128xf32, #tpu.memory_space<vmem>>, vector<1x16xf32>,
        %swap3A_2392 = vector.shape_cast %swap3A_2391 : vector<1x16xf32> to vector<16xf32>
        %swap3A_2393 = vector.shape_cast %mul3A_2388 : vector<16xf32> to vector<1x16xf32>
        tpu.vector_store %arg15[%swap3A_2389, %swap3A_2390], %swap3A_2393 {strides = array<i32>} : memref<64x128xf32, #tpu.memory_space<vmem>>, vector<1x16xf32>,
        %get3A_2394 = arith.index_cast %add3A_2327 : i32 to index
        %get3A_2395 = arith.constant 96 : index
        %get3A_2396 = tpu.vector_load %arg15[%get3A_2394, %get3A_2395] {strides = array<i32>} : memref<64x128xf32, #tpu.memory_space<vmem>>, vector<1x16xf32>,
        %get3A_2397 = vector.shape_cast %get3A_2396 : vector<1x16xf32> to vector<16xf32>
        %mul3A_2398 = vector.broadcast %squeeze3A_2323 : f32 to vector<16xf32>
        %mul3A_2399 = arith.mulf %get3A_2397, %mul3A_2398 : vector<16xf32>
        %swap3A_2400 = arith.index_cast %add3A_2327 : i32 to index
        %swap3A_2401 = arith.constant 96 : index
        %swap3A_2402 = tpu.vector_load %arg15[%swap3A_2400, %swap3A_2401] {strides = array<i32>} : memref<64x128xf32, #tpu.memory_space<vmem>>, vector<1x16xf32>,
        %swap3A_2403 = vector.shape_cast %swap3A_2402 : vector<1x16xf32> to vector<16xf32>
        %swap3A_2404 = vector.shape_cast %mul3A_2399 : vector<16xf32> to vector<1x16xf32>
        tpu.vector_store %arg15[%swap3A_2400, %swap3A_2401], %swap3A_2404 {strides = array<i32>} : memref<64x128xf32, #tpu.memory_space<vmem>>, vector<1x16xf32>,
        %get3A_2405 = arith.index_cast %add3A_2327 : i32 to index
        %get3A_2406 = arith.constant 112 : index
        %get3A_2407 = tpu.vector_load %arg15[%get3A_2405, %get3A_2406] {strides = array<i32>} : memref<64x128xf32, #tpu.memory_space<vmem>>, vector<1x16xf32>,
        %get3A_2408 = vector.shape_cast %get3A_2407 : vector<1x16xf32> to vector<16xf32>
        %mul3A_2409 = vector.broadcast %squeeze3A_2323 : f32 to vector<16xf32>
        %mul3A_2410 = arith.mulf %get3A_2408, %mul3A_2409 : vector<16xf32>
        %swap3A_2411 = arith.index_cast %add3A_2327 : i32 to index
        %swap3A_2412 = arith.constant 112 : index
        %swap3A_2413 = tpu.vector_load %arg15[%swap3A_2411, %swap3A_2412] {strides = array<i32>} : memref<64x128xf32, #tpu.memory_space<vmem>>, vector<1x16xf32>,
        %swap3A_2414 = vector.shape_cast %swap3A_2413 : vector<1x16xf32> to vector<16xf32>
        %swap3A_2415 = vector.shape_cast %mul3A_2410 : vector<16xf32> to vector<1x16xf32>
        tpu.vector_store %arg15[%swap3A_2411, %swap3A_2412], %swap3A_2415 {strides = array<i32>} : memref<64x128xf32, #tpu.memory_space<vmem>>, vector<1x16xf32>,
        %slice3A_2416 = vector.extract_strided_slice %get3A_1005 {offsets = [15], sizes = [1], strides = [1]} : vector<16xf32> to vector<1xf32>
        %squeeze3A_2417 = vector.extract %slice3A_2416[0] : f32 from vector<1xf32>
        %mul3A_2418 = arith.constant 16 : i32
        %mul3A_2419 = arith.muli %scan3A_998, %mul3A_2418 : i32
        %add3A_2420 = arith.constant 15 : i32
        %add3A_2421 = arith.addi %mul3A_2419, %add3A_2420 : i32
        %get3A_2422 = arith.index_cast %add3A_2421 : i32 to index
        %get3A_2423 = arith.constant 0 : index
        %get3A_2424 = tpu.vector_load %arg15[%get3A_2422, %get3A_2423] {strides = array<i32>} : memref<64x128xf32, #tpu.memory_space<vmem>>, vector<1x16xf32>,
        %get3A_2425 = vector.shape_cast %get3A_2424 : vector<1x16xf32> to vector<16xf32>
        %mul3A_2426 = vector.broadcast %squeeze3A_2417 : f32 to vector<16xf32>
        %mul3A_2427 = arith.mulf %get3A_2425, %mul3A_2426 : vector<16xf32>
        %swap3A_2428 = arith.index_cast %add3A_2421 : i32 to index
        %swap3A_2429 = arith.constant 0 : index
        %swap3A_2430 = tpu.vector_load %arg15[%swap3A_2428, %swap3A_2429] {strides = array<i32>} : memref<64x128xf32, #tpu.memory_space<vmem>>, vector<1x16xf32>,
        %swap3A_2431 = vector.shape_cast %swap3A_2430 : vector<1x16xf32> to vector<16xf32>
        %swap3A_2432 = vector.shape_cast %mul3A_2427 : vector<16xf32> to vector<1x16xf32>
        tpu.vector_store %arg15[%swap3A_2428, %swap3A_2429], %swap3A_2432 {strides = array<i32>} : memref<64x128xf32, #tpu.memory_space<vmem>>, vector<1x16xf32>,
        %get3A_2433 = arith.index_cast %add3A_2421 : i32 to index
        %get3A_2434 = arith.constant 16 : index
        %get3A_2435 = tpu.vector_load %arg15[%get3A_2433, %get3A_2434] {strides = array<i32>} : memref<64x128xf32, #tpu.memory_space<vmem>>, vector<1x16xf32>,
        %get3A_2436 = vector.shape_cast %get3A_2435 : vector<1x16xf32> to vector<16xf32>
        %mul3A_2437 = vector.broadcast %squeeze3A_2417 : f32 to vector<16xf32>
        %mul3A_2438 = arith.mulf %get3A_2436, %mul3A_2437 : vector<16xf32>
        %swap3A_2439 = arith.index_cast %add3A_2421 : i32 to index
        %swap3A_2440 = arith.constant 16 : index
        %swap3A_2441 = tpu.vector_load %arg15[%swap3A_2439, %swap3A_2440] {strides = array<i32>} : memref<64x128xf32, #tpu.memory_space<vmem>>, vector<1x16xf32>,
        %swap3A_2442 = vector.shape_cast %swap3A_2441 : vector<1x16xf32> to vector<16xf32>
        %swap3A_2443 = vector.shape_cast %mul3A_2438 : vector<16xf32> to vector<1x16xf32>
        tpu.vector_store %arg15[%swap3A_2439, %swap3A_2440], %swap3A_2443 {strides = array<i32>} : memref<64x128xf32, #tpu.memory_space<vmem>>, vector<1x16xf32>,
        %get3A_2444 = arith.index_cast %add3A_2421 : i32 to index
        %get3A_2445 = arith.constant 32 : index
        %get3A_2446 = tpu.vector_load %arg15[%get3A_2444, %get3A_2445] {strides = array<i32>} : memref<64x128xf32, #tpu.memory_space<vmem>>, vector<1x16xf32>,
        %get3A_2447 = vector.shape_cast %get3A_2446 : vector<1x16xf32> to vector<16xf32>
        %mul3A_2448 = vector.broadcast %squeeze3A_2417 : f32 to vector<16xf32>
        %mul3A_2449 = arith.mulf %get3A_2447, %mul3A_2448 : vector<16xf32>
        %swap3A_2450 = arith.index_cast %add3A_2421 : i32 to index
        %swap3A_2451 = arith.constant 32 : index
        %swap3A_2452 = tpu.vector_load %arg15[%swap3A_2450, %swap3A_2451] {strides = array<i32>} : memref<64x128xf32, #tpu.memory_space<vmem>>, vector<1x16xf32>,
        %swap3A_2453 = vector.shape_cast %swap3A_2452 : vector<1x16xf32> to vector<16xf32>
        %swap3A_2454 = vector.shape_cast %mul3A_2449 : vector<16xf32> to vector<1x16xf32>
        tpu.vector_store %arg15[%swap3A_2450, %swap3A_2451], %swap3A_2454 {strides = array<i32>} : memref<64x128xf32, #tpu.memory_space<vmem>>, vector<1x16xf32>,
        %get3A_2455 = arith.index_cast %add3A_2421 : i32 to index
        %get3A_2456 = arith.constant 48 : index
        %get3A_2457 = tpu.vector_load %arg15[%get3A_2455, %get3A_2456] {strides = array<i32>} : memref<64x128xf32, #tpu.memory_space<vmem>>, vector<1x16xf32>,
        %get3A_2458 = vector.shape_cast %get3A_2457 : vector<1x16xf32> to vector<16xf32>
        %mul3A_2459 = vector.broadcast %squeeze3A_2417 : f32 to vector<16xf32>
        %mul3A_2460 = arith.mulf %get3A_2458, %mul3A_2459 : vector<16xf32>
        %swap3A_2461 = arith.index_cast %add3A_2421 : i32 to index
        %swap3A_2462 = arith.constant 48 : index
        %swap3A_2463 = tpu.vector_load %arg15[%swap3A_2461, %swap3A_2462] {strides = array<i32>} : memref<64x128xf32, #tpu.memory_space<vmem>>, vector<1x16xf32>,
        %swap3A_2464 = vector.shape_cast %swap3A_2463 : vector<1x16xf32> to vector<16xf32>
        %swap3A_2465 = vector.shape_cast %mul3A_2460 : vector<16xf32> to vector<1x16xf32>
        tpu.vector_store %arg15[%swap3A_2461, %swap3A_2462], %swap3A_2465 {strides = array<i32>} : memref<64x128xf32, #tpu.memory_space<vmem>>, vector<1x16xf32>,
        %get3A_2466 = arith.index_cast %add3A_2421 : i32 to index
        %get3A_2467 = arith.constant 64 : index
        %get3A_2468 = tpu.vector_load %arg15[%get3A_2466, %get3A_2467] {strides = array<i32>} : memref<64x128xf32, #tpu.memory_space<vmem>>, vector<1x16xf32>,
        %get3A_2469 = vector.shape_cast %get3A_2468 : vector<1x16xf32> to vector<16xf32>
        %mul3A_2470 = vector.broadcast %squeeze3A_2417 : f32 to vector<16xf32>
        %mul3A_2471 = arith.mulf %get3A_2469, %mul3A_2470 : vector<16xf32>
        %swap3A_2472 = arith.index_cast %add3A_2421 : i32 to index
        %swap3A_2473 = arith.constant 64 : index
        %swap3A_2474 = tpu.vector_load %arg15[%swap3A_2472, %swap3A_2473] {strides = array<i32>} : memref<64x128xf32, #tpu.memory_space<vmem>>, vector<1x16xf32>,
        %swap3A_2475 = vector.shape_cast %swap3A_2474 : vector<1x16xf32> to vector<16xf32>
        %swap3A_2476 = vector.shape_cast %mul3A_2471 : vector<16xf32> to vector<1x16xf32>
        tpu.vector_store %arg15[%swap3A_2472, %swap3A_2473], %swap3A_2476 {strides = array<i32>} : memref<64x128xf32, #tpu.memory_space<vmem>>, vector<1x16xf32>,
        %get3A_2477 = arith.index_cast %add3A_2421 : i32 to index
        %get3A_2478 = arith.constant 80 : index
        %get3A_2479 = tpu.vector_load %arg15[%get3A_2477, %get3A_2478] {strides = array<i32>} : memref<64x128xf32, #tpu.memory_space<vmem>>, vector<1x16xf32>,
        %get3A_2480 = vector.shape_cast %get3A_2479 : vector<1x16xf32> to vector<16xf32>
        %mul3A_2481 = vector.broadcast %squeeze3A_2417 : f32 to vector<16xf32>
        %mul3A_2482 = arith.mulf %get3A_2480, %mul3A_2481 : vector<16xf32>
        %swap3A_2483 = arith.index_cast %add3A_2421 : i32 to index
        %swap3A_2484 = arith.constant 80 : index
        %swap3A_2485 = tpu.vector_load %arg15[%swap3A_2483, %swap3A_2484] {strides = array<i32>} : memref<64x128xf32, #tpu.memory_space<vmem>>, vector<1x16xf32>,
        %swap3A_2486 = vector.shape_cast %swap3A_2485 : vector<1x16xf32> to vector<16xf32>
        %swap3A_2487 = vector.shape_cast %mul3A_2482 : vector<16xf32> to vector<1x16xf32>
        tpu.vector_store %arg15[%swap3A_2483, %swap3A_2484], %swap3A_2487 {strides = array<i32>} : memref<64x128xf32, #tpu.memory_space<vmem>>, vector<1x16xf32>,
        %get3A_2488 = arith.index_cast %add3A_2421 : i32 to index
        %get3A_2489 = arith.constant 96 : index
        %get3A_2490 = tpu.vector_load %arg15[%get3A_2488, %get3A_2489] {strides = array<i32>} : memref<64x128xf32, #tpu.memory_space<vmem>>, vector<1x16xf32>,
        %get3A_2491 = vector.shape_cast %get3A_2490 : vector<1x16xf32> to vector<16xf32>
        %mul3A_2492 = vector.broadcast %squeeze3A_2417 : f32 to vector<16xf32>
        %mul3A_2493 = arith.mulf %get3A_2491, %mul3A_2492 : vector<16xf32>
        %swap3A_2494 = arith.index_cast %add3A_2421 : i32 to index
        %swap3A_2495 = arith.constant 96 : index
        %swap3A_2496 = tpu.vector_load %arg15[%swap3A_2494, %swap3A_2495] {strides = array<i32>} : memref<64x128xf32, #tpu.memory_space<vmem>>, vector<1x16xf32>,
        %swap3A_2497 = vector.shape_cast %swap3A_2496 : vector<1x16xf32> to vector<16xf32>
        %swap3A_2498 = vector.shape_cast %mul3A_2493 : vector<16xf32> to vector<1x16xf32>
        tpu.vector_store %arg15[%swap3A_2494, %swap3A_2495], %swap3A_2498 {strides = array<i32>} : memref<64x128xf32, #tpu.memory_space<vmem>>, vector<1x16xf32>,
        %get3A_2499 = arith.index_cast %add3A_2421 : i32 to index
        %get3A_2500 = arith.constant 112 : index
        %get3A_2501 = tpu.vector_load %arg15[%get3A_2499, %get3A_2500] {strides = array<i32>} : memref<64x128xf32, #tpu.memory_space<vmem>>, vector<1x16xf32>,
        %get3A_2502 = vector.shape_cast %get3A_2501 : vector<1x16xf32> to vector<16xf32>
        %mul3A_2503 = vector.broadcast %squeeze3A_2417 : f32 to vector<16xf32>
        %mul3A_2504 = arith.mulf %get3A_2502, %mul3A_2503 : vector<16xf32>
        %swap3A_2505 = arith.index_cast %add3A_2421 : i32 to index
        %swap3A_2506 = arith.constant 112 : index
        %swap3A_2507 = tpu.vector_load %arg15[%swap3A_2505, %swap3A_2506] {strides = array<i32>} : memref<64x128xf32, #tpu.memory_space<vmem>>, vector<1x16xf32>,
        %swap3A_2508 = vector.shape_cast %swap3A_2507 : vector<1x16xf32> to vector<16xf32>
        %swap3A_2509 = vector.shape_cast %mul3A_2504 : vector<16xf32> to vector<1x16xf32>
        tpu.vector_store %arg15[%swap3A_2505, %swap3A_2506], %swap3A_2509 {strides = array<i32>} : memref<64x128xf32, #tpu.memory_space<vmem>>, vector<1x16xf32>,
        %scan3A_2510 = arith.constant 0 : i32
        scf.yield %scan3A_2510 : i32
      }
      %scan3A_894 = arith.constant 4 : i32
      %mul3A_895 = arith.constant 64 : i32
      %mul3A_896 = arith.muli %add3A_879, %mul3A_895 : i32
      %add3A_897 = arith.constant 0 : i32
      %add3A_898 = arith.addi %mul3A_896, %add3A_897 : i32
      %get3A_899 = arith.index_cast %add3A_898 : i32 to index
      %get3A_900 = tpu.vector_load %arg9[%get3A_899] {strides = array<i32>} : memref<4992xi32, #tpu.memory_space<vmem>>, vector<16xi32>,
      %get3A_901 = vector.shape_cast %get3A_900 : vector<16xi32> to vector<16xi32>
      %swap3A_902 = arith.constant 0 : index
      %swap3A_903 = tpu.vector_load %arg13[%swap3A_902] {strides = array<i32>} : memref<64xi32, #tpu.memory_space<vmem>>, vector<16xi32>,
      %swap3A_904 = vector.shape_cast %swap3A_903 : vector<16xi32> to vector<16xi32>
      %swap3A_905 = vector.shape_cast %get3A_901 : vector<16xi32> to vector<16xi32>
      tpu.vector_store %arg13[%swap3A_902], %swap3A_905 {strides = array<i32>} : memref<64xi32, #tpu.memory_space<vmem>>, vector<16xi32>,
      %add3A_906 = arith.constant 16 : i32
      %add3A_907 = arith.addi %mul3A_896, %add3A_906 : i32
      %get3A_908 = arith.index_cast %add3A_907 : i32 to index
      %get3A_909 = tpu.vector_load %arg9[%get3A_908] {strides = array<i32>} : memref<4992xi32, #tpu.memory_space<vmem>>, vector<16xi32>,
      %get3A_910 = vector.shape_cast %get3A_909 : vector<16xi32> to vector<16xi32>
      %swap3A_911 = arith.constant 16 : index
      %swap3A_912 = tpu.vector_load %arg13[%swap3A_911] {strides = array<i32>} : memref<64xi32, #tpu.memory_space<vmem>>, vector<16xi32>,
      %swap3A_913 = vector.shape_cast %swap3A_912 : vector<16xi32> to vector<16xi32>
      %swap3A_914 = vector.shape_cast %get3A_910 : vector<16xi32> to vector<16xi32>
      tpu.vector_store %arg13[%swap3A_911], %swap3A_914 {strides = array<i32>} : memref<64xi32, #tpu.memory_space<vmem>>, vector<16xi32>,
      %add3A_915 = arith.constant 32 : i32
      %add3A_916 = arith.addi %mul3A_896, %add3A_915 : i32
      %get3A_917 = arith.index_cast %add3A_916 : i32 to index
      %get3A_918 = tpu.vector_load %arg9[%get3A_917] {strides = array<i32>} : memref<4992xi32, #tpu.memory_space<vmem>>, vector<16xi32>,
      %get3A_919 = vector.shape_cast %get3A_918 : vector<16xi32> to vector<16xi32>
      %swap3A_920 = arith.constant 32 : index
      %swap3A_921 = tpu.vector_load %arg13[%swap3A_920] {strides = array<i32>} : memref<64xi32, #tpu.memory_space<vmem>>, vector<16xi32>,
      %swap3A_922 = vector.shape_cast %swap3A_921 : vector<16xi32> to vector<16xi32>
      %swap3A_923 = vector.shape_cast %get3A_919 : vector<16xi32> to vector<16xi32>
      tpu.vector_store %arg13[%swap3A_920], %swap3A_923 {strides = array<i32>} : memref<64xi32, #tpu.memory_space<vmem>>, vector<16xi32>,
      %add3A_924 = arith.constant 48 : i32
      %add3A_925 = arith.addi %mul3A_896, %add3A_924 : i32
      %get3A_926 = arith.index_cast %add3A_925 : i32 to index
      %get3A_927 = tpu.vector_load %arg9[%get3A_926] {strides = array<i32>} : memref<4992xi32, #tpu.memory_space<vmem>>, vector<16xi32>,
      %get3A_928 = vector.shape_cast %get3A_927 : vector<16xi32> to vector<16xi32>
      %swap3A_929 = arith.constant 48 : index
      %swap3A_930 = tpu.vector_load %arg13[%swap3A_929] {strides = array<i32>} : memref<64xi32, #tpu.memory_space<vmem>>, vector<16xi32>,
      %swap3A_931 = vector.shape_cast %swap3A_930 : vector<16xi32> to vector<16xi32>
      %swap3A_932 = vector.shape_cast %get3A_928 : vector<16xi32> to vector<16xi32>
      tpu.vector_store %arg13[%swap3A_929], %swap3A_932 {strides = array<i32>} : memref<64xi32, #tpu.memory_space<vmem>>, vector<16xi32>,
      "tpu.region"() ({
        %run_scoped3A = tpu.sem_alloc : memref<!tpu.dma_semaphore, #tpu.memory_space<semaphore_mem>>
        %dma_start3A_998 = arith.constant 0 : i32
        %dma_start3A_999 = arith.constant 0 : i32
        %dma_start3A_1000 = tpu.memref_slice %arg21[%dma_start3A_998, %dma_start3A_999] : memref<10000x128xf32, #tpu.memory_space<vmem_shared>> -> memref<10000x128xf32, #tpu.memory_space<vmem_shared>>
        tpu.enqueue_indirect_dma source(%arg15 : memref<64x128xf32, #tpu.memory_space<vmem>>) target(%dma_start3A_1000 : memref<10000x128xf32, #tpu.memory_space<vmem_shared>>) offsets(%arg13 : memref<64xi32, #tpu.memory_space<vmem>>) semaphore(%run_scoped3A : memref<!tpu.dma_semaphore, #tpu.memory_space<semaphore_mem>>) {add = true}
        %dma_wait3A_1001 = arith.constant 0 : i32
        %dma_wait3A_1002 = arith.constant 0 : i32
        %dma_wait3A_1003 = tpu.memref_slice %arg21[%dma_wait3A_1001, %dma_wait3A_1002] : memref<10000x128xf32, #tpu.memory_space<vmem_shared>> -> memref<10000x128xf32, #tpu.memory_space<vmem_shared>>
        tpu.wait_indirect_dma semaphore(%run_scoped3A : memref<!tpu.dma_semaphore, #tpu.memory_space<semaphore_mem>>) src(%arg15 : memref<64x128xf32, #tpu.memory_space<vmem>>) dst(%dma_wait3A_1003 : memref<10000x128xf32, #tpu.memory_space<vmem_shared>>)
        tpu.yield
      }) : () -> ()
      %lt3A = arith.constant 38 : i32
      %lt3A_933 = arith.cmpi slt, %scan3A_874, %lt3A : i32
      %convert_element_type3A = arith.extui %lt3A_933 : i1 to i32
      %cond3A = arith.constant 0 : i32
      %cond3A_934 = arith.cmpi ne, %convert_element_type3A, %cond3A : i32
      scf.if %cond3A_934 {
        %add3A_998 = arith.constant 2 : i32
        %add3A_999 = arith.addi %add3A_879, %add3A_998 : i32
        %mul3A_1000 = arith.constant 64 : i32
        %mul3A_1001 = arith.muli %add3A_999, %mul3A_1000 : i32
        %add3A_1002 = arith.constant 0 : i32
        %add3A_1003 = arith.addi %mul3A_1001, %add3A_1002 : i32
        %get3A_1004 = arith.index_cast %add3A_1003 : i32 to index
        %get3A_1005 = tpu.vector_load %arg8[%get3A_1004] {strides = array<i32>} : memref<4992xi32, #tpu.memory_space<vmem>>, vector<16xi32>,
        %get3A_1006 = vector.shape_cast %get3A_1005 : vector<16xi32> to vector<16xi32>
        %swap3A_1007 = arith.constant 0 : index
        %swap3A_1008 = tpu.vector_load %arg11[%swap3A_1007] {strides = array<i32>} : memref<64xi32, #tpu.memory_space<vmem>>, vector<16xi32>,
        %swap3A_1009 = vector.shape_cast %swap3A_1008 : vector<16xi32> to vector<16xi32>
        %swap3A_1010 = vector.shape_cast %get3A_1006 : vector<16xi32> to vector<16xi32>
        tpu.vector_store %arg11[%swap3A_1007], %swap3A_1010 {strides = array<i32>} : memref<64xi32, #tpu.memory_space<vmem>>, vector<16xi32>,
        %add3A_1011 = arith.constant 16 : i32
        %add3A_1012 = arith.addi %mul3A_1001, %add3A_1011 : i32
        %get3A_1013 = arith.index_cast %add3A_1012 : i32 to index
        %get3A_1014 = tpu.vector_load %arg8[%get3A_1013] {strides = array<i32>} : memref<4992xi32, #tpu.memory_space<vmem>>, vector<16xi32>,
        %get3A_1015 = vector.shape_cast %get3A_1014 : vector<16xi32> to vector<16xi32>
        %swap3A_1016 = arith.constant 16 : index
        %swap3A_1017 = tpu.vector_load %arg11[%swap3A_1016] {strides = array<i32>} : memref<64xi32, #tpu.memory_space<vmem>>, vector<16xi32>,
        %swap3A_1018 = vector.shape_cast %swap3A_1017 : vector<16xi32> to vector<16xi32>
        %swap3A_1019 = vector.shape_cast %get3A_1015 : vector<16xi32> to vector<16xi32>
        tpu.vector_store %arg11[%swap3A_1016], %swap3A_1019 {strides = array<i32>} : memref<64xi32, #tpu.memory_space<vmem>>, vector<16xi32>,
        %add3A_1020 = arith.constant 32 : i32
        %add3A_1021 = arith.addi %mul3A_1001, %add3A_1020 : i32
        %get3A_1022 = arith.index_cast %add3A_1021 : i32 to index
        %get3A_1023 = tpu.vector_load %arg8[%get3A_1022] {strides = array<i32>} : memref<4992xi32, #tpu.memory_space<vmem>>, vector<16xi32>,
        %get3A_1024 = vector.shape_cast %get3A_1023 : vector<16xi32> to vector<16xi32>
        %swap3A_1025 = arith.constant 32 : index
        %swap3A_1026 = tpu.vector_load %arg11[%swap3A_1025] {strides = array<i32>} : memref<64xi32, #tpu.memory_space<vmem>>, vector<16xi32>,
        %swap3A_1027 = vector.shape_cast %swap3A_1026 : vector<16xi32> to vector<16xi32>
        %swap3A_1028 = vector.shape_cast %get3A_1024 : vector<16xi32> to vector<16xi32>
        tpu.vector_store %arg11[%swap3A_1025], %swap3A_1028 {strides = array<i32>} : memref<64xi32, #tpu.memory_space<vmem>>, vector<16xi32>,
        %add3A_1029 = arith.constant 48 : i32
        %add3A_1030 = arith.addi %mul3A_1001, %add3A_1029 : i32
        %get3A_1031 = arith.index_cast %add3A_1030 : i32 to index
        %get3A_1032 = tpu.vector_load %arg8[%get3A_1031] {strides = array<i32>} : memref<4992xi32, #tpu.memory_space<vmem>>, vector<16xi32>,
        %get3A_1033 = vector.shape_cast %get3A_1032 : vector<16xi32> to vector<16xi32>
        %swap3A_1034 = arith.constant 48 : index
        %swap3A_1035 = tpu.vector_load %arg11[%swap3A_1034] {strides = array<i32>} : memref<64xi32, #tpu.memory_space<vmem>>, vector<16xi32>,
        %swap3A_1036 = vector.shape_cast %swap3A_1035 : vector<16xi32> to vector<16xi32>
        %swap3A_1037 = vector.shape_cast %get3A_1033 : vector<16xi32> to vector<16xi32>
        tpu.vector_store %arg11[%swap3A_1034], %swap3A_1037 {strides = array<i32>} : memref<64xi32, #tpu.memory_space<vmem>>, vector<16xi32>,
        %dma_start3A_1038 = arith.constant 0 : i32
        %dma_start3A_1039 = arith.constant 0 : i32
        %dma_start3A_1040 = tpu.memref_slice %arg2[%dma_start3A_1038, %dma_start3A_1039] : memref<10000x128xf32, #tpu.memory_space<hbm>> -> memref<10000x128xf32, #tpu.memory_space<hbm>>
        tpu.enqueue_indirect_dma source(%dma_start3A_1040 : memref<10000x128xf32, #tpu.memory_space<hbm>>) target(%arg15 : memref<64x128xf32, #tpu.memory_space<vmem>>) offsets(%arg11 : memref<64xi32, #tpu.memory_space<vmem>>) semaphore(%arg22 : memref<!tpu.dma_semaphore, #tpu.memory_space<semaphore_mem>>)
      } else {
      }
      %mul3A_935 = arith.constant 2 : i32
      %mul3A_936 = arith.muli %scan3A_874, %mul3A_935 : i32
      %add3A_937 = arith.constant 1 : i32
      %add3A_938 = arith.addi %mul3A_936, %add3A_937 : i32
      %dma_wait3A_939 = arith.constant 0 : i32
      %dma_wait3A_940 = arith.constant 0 : i32
      %dma_wait3A_941 = tpu.memref_slice %arg2[%dma_wait3A_939, %dma_wait3A_940] : memref<10000x128xf32, #tpu.memory_space<hbm>> -> memref<64x128xf32, #tpu.memory_space<hbm>>
      %dma_wait3A_942 = arith.constant 0 : i32
      %dma_wait3A_943 = arith.constant 0 : i32
      %dma_wait3A_944 = tpu.memref_slice %arg2[%dma_wait3A_942, %dma_wait3A_943] : memref<10000x128xf32, #tpu.memory_space<hbm>> -> memref<64x128xf32, #tpu.memory_space<hbm>>
      tpu.wait_dma2 semaphore(%arg23 : memref<!tpu.dma_semaphore, #tpu.memory_space<semaphore_mem>>) src(%dma_wait3A_944 : memref<64x128xf32, #tpu.memory_space<hbm>>) dst(%arg16 : memref<64x128xf32, #tpu.memory_space<vmem>>)
      %mul3A_945 = arith.constant 64 : i32
      %mul3A_946 = arith.muli %add3A_938, %mul3A_945 : i32
      %scan3A_947 = arith.constant 0 : i32
      %scan3A_948 = arith.constant 0 : i32
      %scan3A_949 = arith.constant 4 : i32
      %scan3A_950 = arith.addi %scan3A_948, %scan3A_949 : i32
      %scan3A_951 = arith.constant 1 : i32
      %scan3A_952 = scf.for %scan3A_998 = %scan3A_948 to %scan3A_950 step %scan3A_951 iter_args(%scan3A_999 = %scan3A_947) -> (i32)  : i32 {
        %mul3A_1000 = arith.constant 16 : i32
        %mul3A_1001 = arith.muli %scan3A_998, %mul3A_1000 : i32
        %add3A_1002 = arith.addi %mul3A_946, %mul3A_1001 : i32
        %get3A_1003 = arith.index_cast %add3A_1002 : i32 to index
        %get3A_1004 = tpu.vector_load %arg10[%get3A_1003] {strides = array<i32>} : memref<4992xf32, #tpu.memory_space<vmem>>, vector<16xf32>,
        %get3A_1005 = vector.shape_cast %get3A_1004 : vector<16xf32> to vector<16xf32>
        %slice3A_1006 = vector.extract_strided_slice %get3A_1005 {offsets = [0], sizes = [1], strides = [1]} : vector<16xf32> to vector<1xf32>
        %squeeze3A_1007 = vector.extract %slice3A_1006[0] : f32 from vector<1xf32>
        %mul3A_1008 = arith.constant 16 : i32
        %mul3A_1009 = arith.muli %scan3A_998, %mul3A_1008 : i32
        %add3A_1010 = arith.constant 0 : i32
        %add3A_1011 = arith.addi %mul3A_1009, %add3A_1010 : i32
        %get3A_1012 = arith.index_cast %add3A_1011 : i32 to index
        %get3A_1013 = arith.constant 0 : index
        %get3A_1014 = tpu.vector_load %arg16[%get3A_1012, %get3A_1013] {strides = array<i32>} : memref<64x128xf32, #tpu.memory_space<vmem>>, vector<1x16xf32>,
        %get3A_1015 = vector.shape_cast %get3A_1014 : vector<1x16xf32> to vector<16xf32>
        %mul3A_1016 = vector.broadcast %squeeze3A_1007 : f32 to vector<16xf32>
        %mul3A_1017 = arith.mulf %get3A_1015, %mul3A_1016 : vector<16xf32>
        %swap3A_1018 = arith.index_cast %add3A_1011 : i32 to index
        %swap3A_1019 = arith.constant 0 : index
        %swap3A_1020 = tpu.vector_load %arg16[%swap3A_1018, %swap3A_1019] {strides = array<i32>} : memref<64x128xf32, #tpu.memory_space<vmem>>, vector<1x16xf32>,
        %swap3A_1021 = vector.shape_cast %swap3A_1020 : vector<1x16xf32> to vector<16xf32>
        %swap3A_1022 = vector.shape_cast %mul3A_1017 : vector<16xf32> to vector<1x16xf32>
        tpu.vector_store %arg16[%swap3A_1018, %swap3A_1019], %swap3A_1022 {strides = array<i32>} : memref<64x128xf32, #tpu.memory_space<vmem>>, vector<1x16xf32>,
        %get3A_1023 = arith.index_cast %add3A_1011 : i32 to index
        %get3A_1024 = arith.constant 16 : index
        %get3A_1025 = tpu.vector_load %arg16[%get3A_1023, %get3A_1024] {strides = array<i32>} : memref<64x128xf32, #tpu.memory_space<vmem>>, vector<1x16xf32>,
        %get3A_1026 = vector.shape_cast %get3A_1025 : vector<1x16xf32> to vector<16xf32>
        %mul3A_1027 = vector.broadcast %squeeze3A_1007 : f32 to vector<16xf32>
        %mul3A_1028 = arith.mulf %get3A_1026, %mul3A_1027 : vector<16xf32>
        %swap3A_1029 = arith.index_cast %add3A_1011 : i32 to index
        %swap3A_1030 = arith.constant 16 : index
        %swap3A_1031 = tpu.vector_load %arg16[%swap3A_1029, %swap3A_1030] {strides = array<i32>} : memref<64x128xf32, #tpu.memory_space<vmem>>, vector<1x16xf32>,
        %swap3A_1032 = vector.shape_cast %swap3A_1031 : vector<1x16xf32> to vector<16xf32>
        %swap3A_1033 = vector.shape_cast %mul3A_1028 : vector<16xf32> to vector<1x16xf32>
        tpu.vector_store %arg16[%swap3A_1029, %swap3A_1030], %swap3A_1033 {strides = array<i32>} : memref<64x128xf32, #tpu.memory_space<vmem>>, vector<1x16xf32>,
        %get3A_1034 = arith.index_cast %add3A_1011 : i32 to index
        %get3A_1035 = arith.constant 32 : index
        %get3A_1036 = tpu.vector_load %arg16[%get3A_1034, %get3A_1035] {strides = array<i32>} : memref<64x128xf32, #tpu.memory_space<vmem>>, vector<1x16xf32>,
        %get3A_1037 = vector.shape_cast %get3A_1036 : vector<1x16xf32> to vector<16xf32>
        %mul3A_1038 = vector.broadcast %squeeze3A_1007 : f32 to vector<16xf32>
        %mul3A_1039 = arith.mulf %get3A_1037, %mul3A_1038 : vector<16xf32>
        %swap3A_1040 = arith.index_cast %add3A_1011 : i32 to index
        %swap3A_1041 = arith.constant 32 : index
        %swap3A_1042 = tpu.vector_load %arg16[%swap3A_1040, %swap3A_1041] {strides = array<i32>} : memref<64x128xf32, #tpu.memory_space<vmem>>, vector<1x16xf32>,
        %swap3A_1043 = vector.shape_cast %swap3A_1042 : vector<1x16xf32> to vector<16xf32>
        %swap3A_1044 = vector.shape_cast %mul3A_1039 : vector<16xf32> to vector<1x16xf32>
        tpu.vector_store %arg16[%swap3A_1040, %swap3A_1041], %swap3A_1044 {strides = array<i32>} : memref<64x128xf32, #tpu.memory_space<vmem>>, vector<1x16xf32>,
        %get3A_1045 = arith.index_cast %add3A_1011 : i32 to index
        %get3A_1046 = arith.constant 48 : index
        %get3A_1047 = tpu.vector_load %arg16[%get3A_1045, %get3A_1046] {strides = array<i32>} : memref<64x128xf32, #tpu.memory_space<vmem>>, vector<1x16xf32>,
        %get3A_1048 = vector.shape_cast %get3A_1047 : vector<1x16xf32> to vector<16xf32>
        %mul3A_1049 = vector.broadcast %squeeze3A_1007 : f32 to vector<16xf32>
        %mul3A_1050 = arith.mulf %get3A_1048, %mul3A_1049 : vector<16xf32>
        %swap3A_1051 = arith.index_cast %add3A_1011 : i32 to index
        %swap3A_1052 = arith.constant 48 : index
        %swap3A_1053 = tpu.vector_load %arg16[%swap3A_1051, %swap3A_1052] {strides = array<i32>} : memref<64x128xf32, #tpu.memory_space<vmem>>, vector<1x16xf32>,
        %swap3A_1054 = vector.shape_cast %swap3A_1053 : vector<1x16xf32> to vector<16xf32>
        %swap3A_1055 = vector.shape_cast %mul3A_1050 : vector<16xf32> to vector<1x16xf32>
        tpu.vector_store %arg16[%swap3A_1051, %swap3A_1052], %swap3A_1055 {strides = array<i32>} : memref<64x128xf32, #tpu.memory_space<vmem>>, vector<1x16xf32>,
        %get3A_1056 = arith.index_cast %add3A_1011 : i32 to index
        %get3A_1057 = arith.constant 64 : index
        %get3A_1058 = tpu.vector_load %arg16[%get3A_1056, %get3A_1057] {strides = array<i32>} : memref<64x128xf32, #tpu.memory_space<vmem>>, vector<1x16xf32>,
        %get3A_1059 = vector.shape_cast %get3A_1058 : vector<1x16xf32> to vector<16xf32>
        %mul3A_1060 = vector.broadcast %squeeze3A_1007 : f32 to vector<16xf32>
        %mul3A_1061 = arith.mulf %get3A_1059, %mul3A_1060 : vector<16xf32>
        %swap3A_1062 = arith.index_cast %add3A_1011 : i32 to index
        %swap3A_1063 = arith.constant 64 : index
        %swap3A_1064 = tpu.vector_load %arg16[%swap3A_1062, %swap3A_1063] {strides = array<i32>} : memref<64x128xf32, #tpu.memory_space<vmem>>, vector<1x16xf32>,
        %swap3A_1065 = vector.shape_cast %swap3A_1064 : vector<1x16xf32> to vector<16xf32>
        %swap3A_1066 = vector.shape_cast %mul3A_1061 : vector<16xf32> to vector<1x16xf32>
        tpu.vector_store %arg16[%swap3A_1062, %swap3A_1063], %swap3A_1066 {strides = array<i32>} : memref<64x128xf32, #tpu.memory_space<vmem>>, vector<1x16xf32>,
        %get3A_1067 = arith.index_cast %add3A_1011 : i32 to index
        %get3A_1068 = arith.constant 80 : index
        %get3A_1069 = tpu.vector_load %arg16[%get3A_1067, %get3A_1068] {strides = array<i32>} : memref<64x128xf32, #tpu.memory_space<vmem>>, vector<1x16xf32>,
        %get3A_1070 = vector.shape_cast %get3A_1069 : vector<1x16xf32> to vector<16xf32>
        %mul3A_1071 = vector.broadcast %squeeze3A_1007 : f32 to vector<16xf32>
        %mul3A_1072 = arith.mulf %get3A_1070, %mul3A_1071 : vector<16xf32>
        %swap3A_1073 = arith.index_cast %add3A_1011 : i32 to index
        %swap3A_1074 = arith.constant 80 : index
        %swap3A_1075 = tpu.vector_load %arg16[%swap3A_1073, %swap3A_1074] {strides = array<i32>} : memref<64x128xf32, #tpu.memory_space<vmem>>, vector<1x16xf32>,
        %swap3A_1076 = vector.shape_cast %swap3A_1075 : vector<1x16xf32> to vector<16xf32>
        %swap3A_1077 = vector.shape_cast %mul3A_1072 : vector<16xf32> to vector<1x16xf32>
        tpu.vector_store %arg16[%swap3A_1073, %swap3A_1074], %swap3A_1077 {strides = array<i32>} : memref<64x128xf32, #tpu.memory_space<vmem>>, vector<1x16xf32>,
        %get3A_1078 = arith.index_cast %add3A_1011 : i32 to index
        %get3A_1079 = arith.constant 96 : index
        %get3A_1080 = tpu.vector_load %arg16[%get3A_1078, %get3A_1079] {strides = array<i32>} : memref<64x128xf32, #tpu.memory_space<vmem>>, vector<1x16xf32>,
        %get3A_1081 = vector.shape_cast %get3A_1080 : vector<1x16xf32> to vector<16xf32>
        %mul3A_1082 = vector.broadcast %squeeze3A_1007 : f32 to vector<16xf32>
        %mul3A_1083 = arith.mulf %get3A_1081, %mul3A_1082 : vector<16xf32>
        %swap3A_1084 = arith.index_cast %add3A_1011 : i32 to index
        %swap3A_1085 = arith.constant 96 : index
        %swap3A_1086 = tpu.vector_load %arg16[%swap3A_1084, %swap3A_1085] {strides = array<i32>} : memref<64x128xf32, #tpu.memory_space<vmem>>, vector<1x16xf32>,
        %swap3A_1087 = vector.shape_cast %swap3A_1086 : vector<1x16xf32> to vector<16xf32>
        %swap3A_1088 = vector.shape_cast %mul3A_1083 : vector<16xf32> to vector<1x16xf32>
        tpu.vector_store %arg16[%swap3A_1084, %swap3A_1085], %swap3A_1088 {strides = array<i32>} : memref<64x128xf32, #tpu.memory_space<vmem>>, vector<1x16xf32>,
        %get3A_1089 = arith.index_cast %add3A_1011 : i32 to index
        %get3A_1090 = arith.constant 112 : index
        %get3A_1091 = tpu.vector_load %arg16[%get3A_1089, %get3A_1090] {strides = array<i32>} : memref<64x128xf32, #tpu.memory_space<vmem>>, vector<1x16xf32>,
        %get3A_1092 = vector.shape_cast %get3A_1091 : vector<1x16xf32> to vector<16xf32>
        %mul3A_1093 = vector.broadcast %squeeze3A_1007 : f32 to vector<16xf32>
        %mul3A_1094 = arith.mulf %get3A_1092, %mul3A_1093 : vector<16xf32>
        %swap3A_1095 = arith.index_cast %add3A_1011 : i32 to index
        %swap3A_1096 = arith.constant 112 : index
        %swap3A_1097 = tpu.vector_load %arg16[%swap3A_1095, %swap3A_1096] {strides = array<i32>} : memref<64x128xf32, #tpu.memory_space<vmem>>, vector<1x16xf32>,
        %swap3A_1098 = vector.shape_cast %swap3A_1097 : vector<1x16xf32> to vector<16xf32>
        %swap3A_1099 = vector.shape_cast %mul3A_1094 : vector<16xf32> to vector<1x16xf32>
        tpu.vector_store %arg16[%swap3A_1095, %swap3A_1096], %swap3A_1099 {strides = array<i32>} : memref<64x128xf32, #tpu.memory_space<vmem>>, vector<1x16xf32>,
        %slice3A_1100 = vector.extract_strided_slice %get3A_1005 {offsets = [1], sizes = [1], strides = [1]} : vector<16xf32> to vector<1xf32>
        %squeeze3A_1101 = vector.extract %slice3A_1100[0] : f32 from vector<1xf32>
        %mul3A_1102 = arith.constant 16 : i32
        %mul3A_1103 = arith.muli %scan3A_998, %mul3A_1102 : i32
        %add3A_1104 = arith.constant 1 : i32
        %add3A_1105 = arith.addi %mul3A_1103, %add3A_1104 : i32
        %get3A_1106 = arith.index_cast %add3A_1105 : i32 to index
        %get3A_1107 = arith.constant 0 : index
        %get3A_1108 = tpu.vector_load %arg16[%get3A_1106, %get3A_1107] {strides = array<i32>} : memref<64x128xf32, #tpu.memory_space<vmem>>, vector<1x16xf32>,
        %get3A_1109 = vector.shape_cast %get3A_1108 : vector<1x16xf32> to vector<16xf32>
        %mul3A_1110 = vector.broadcast %squeeze3A_1101 : f32 to vector<16xf32>
        %mul3A_1111 = arith.mulf %get3A_1109, %mul3A_1110 : vector<16xf32>
        %swap3A_1112 = arith.index_cast %add3A_1105 : i32 to index
        %swap3A_1113 = arith.constant 0 : index
        %swap3A_1114 = tpu.vector_load %arg16[%swap3A_1112, %swap3A_1113] {strides = array<i32>} : memref<64x128xf32, #tpu.memory_space<vmem>>, vector<1x16xf32>,
        %swap3A_1115 = vector.shape_cast %swap3A_1114 : vector<1x16xf32> to vector<16xf32>
        %swap3A_1116 = vector.shape_cast %mul3A_1111 : vector<16xf32> to vector<1x16xf32>
        tpu.vector_store %arg16[%swap3A_1112, %swap3A_1113], %swap3A_1116 {strides = array<i32>} : memref<64x128xf32, #tpu.memory_space<vmem>>, vector<1x16xf32>,
        %get3A_1117 = arith.index_cast %add3A_1105 : i32 to index
        %get3A_1118 = arith.constant 16 : index
        %get3A_1119 = tpu.vector_load %arg16[%get3A_1117, %get3A_1118] {strides = array<i32>} : memref<64x128xf32, #tpu.memory_space<vmem>>, vector<1x16xf32>,
        %get3A_1120 = vector.shape_cast %get3A_1119 : vector<1x16xf32> to vector<16xf32>
        %mul3A_1121 = vector.broadcast %squeeze3A_1101 : f32 to vector<16xf32>
        %mul3A_1122 = arith.mulf %get3A_1120, %mul3A_1121 : vector<16xf32>
        %swap3A_1123 = arith.index_cast %add3A_1105 : i32 to index
        %swap3A_1124 = arith.constant 16 : index
        %swap3A_1125 = tpu.vector_load %arg16[%swap3A_1123, %swap3A_1124] {strides = array<i32>} : memref<64x128xf32, #tpu.memory_space<vmem>>, vector<1x16xf32>,
        %swap3A_1126 = vector.shape_cast %swap3A_1125 : vector<1x16xf32> to vector<16xf32>
        %swap3A_1127 = vector.shape_cast %mul3A_1122 : vector<16xf32> to vector<1x16xf32>
        tpu.vector_store %arg16[%swap3A_1123, %swap3A_1124], %swap3A_1127 {strides = array<i32>} : memref<64x128xf32, #tpu.memory_space<vmem>>, vector<1x16xf32>,
        %get3A_1128 = arith.index_cast %add3A_1105 : i32 to index
        %get3A_1129 = arith.constant 32 : index
        %get3A_1130 = tpu.vector_load %arg16[%get3A_1128, %get3A_1129] {strides = array<i32>} : memref<64x128xf32, #tpu.memory_space<vmem>>, vector<1x16xf32>,
        %get3A_1131 = vector.shape_cast %get3A_1130 : vector<1x16xf32> to vector<16xf32>
        %mul3A_1132 = vector.broadcast %squeeze3A_1101 : f32 to vector<16xf32>
        %mul3A_1133 = arith.mulf %get3A_1131, %mul3A_1132 : vector<16xf32>
        %swap3A_1134 = arith.index_cast %add3A_1105 : i32 to index
        %swap3A_1135 = arith.constant 32 : index
        %swap3A_1136 = tpu.vector_load %arg16[%swap3A_1134, %swap3A_1135] {strides = array<i32>} : memref<64x128xf32, #tpu.memory_space<vmem>>, vector<1x16xf32>,
        %swap3A_1137 = vector.shape_cast %swap3A_1136 : vector<1x16xf32> to vector<16xf32>
        %swap3A_1138 = vector.shape_cast %mul3A_1133 : vector<16xf32> to vector<1x16xf32>
        tpu.vector_store %arg16[%swap3A_1134, %swap3A_1135], %swap3A_1138 {strides = array<i32>} : memref<64x128xf32, #tpu.memory_space<vmem>>, vector<1x16xf32>,
        %get3A_1139 = arith.index_cast %add3A_1105 : i32 to index
        %get3A_1140 = arith.constant 48 : index
        %get3A_1141 = tpu.vector_load %arg16[%get3A_1139, %get3A_1140] {strides = array<i32>} : memref<64x128xf32, #tpu.memory_space<vmem>>, vector<1x16xf32>,
        %get3A_1142 = vector.shape_cast %get3A_1141 : vector<1x16xf32> to vector<16xf32>
        %mul3A_1143 = vector.broadcast %squeeze3A_1101 : f32 to vector<16xf32>
        %mul3A_1144 = arith.mulf %get3A_1142, %mul3A_1143 : vector<16xf32>
        %swap3A_1145 = arith.index_cast %add3A_1105 : i32 to index
        %swap3A_1146 = arith.constant 48 : index
        %swap3A_1147 = tpu.vector_load %arg16[%swap3A_1145, %swap3A_1146] {strides = array<i32>} : memref<64x128xf32, #tpu.memory_space<vmem>>, vector<1x16xf32>,
        %swap3A_1148 = vector.shape_cast %swap3A_1147 : vector<1x16xf32> to vector<16xf32>
        %swap3A_1149 = vector.shape_cast %mul3A_1144 : vector<16xf32> to vector<1x16xf32>
        tpu.vector_store %arg16[%swap3A_1145, %swap3A_1146], %swap3A_1149 {strides = array<i32>} : memref<64x128xf32, #tpu.memory_space<vmem>>, vector<1x16xf32>,
        %get3A_1150 = arith.index_cast %add3A_1105 : i32 to index
        %get3A_1151 = arith.constant 64 : index
        %get3A_1152 = tpu.vector_load %arg16[%get3A_1150, %get3A_1151] {strides = array<i32>} : memref<64x128xf32, #tpu.memory_space<vmem>>, vector<1x16xf32>,
        %get3A_1153 = vector.shape_cast %get3A_1152 : vector<1x16xf32> to vector<16xf32>
        %mul3A_1154 = vector.broadcast %squeeze3A_1101 : f32 to vector<16xf32>
        %mul3A_1155 = arith.mulf %get3A_1153, %mul3A_1154 : vector<16xf32>
        %swap3A_1156 = arith.index_cast %add3A_1105 : i32 to index
        %swap3A_1157 = arith.constant 64 : index
        %swap3A_1158 = tpu.vector_load %arg16[%swap3A_1156, %swap3A_1157] {strides = array<i32>} : memref<64x128xf32, #tpu.memory_space<vmem>>, vector<1x16xf32>,
        %swap3A_1159 = vector.shape_cast %swap3A_1158 : vector<1x16xf32> to vector<16xf32>
        %swap3A_1160 = vector.shape_cast %mul3A_1155 : vector<16xf32> to vector<1x16xf32>
        tpu.vector_store %arg16[%swap3A_1156, %swap3A_1157], %swap3A_1160 {strides = array<i32>} : memref<64x128xf32, #tpu.memory_space<vmem>>, vector<1x16xf32>,
        %get3A_1161 = arith.index_cast %add3A_1105 : i32 to index
        %get3A_1162 = arith.constant 80 : index
        %get3A_1163 = tpu.vector_load %arg16[%get3A_1161, %get3A_1162] {strides = array<i32>} : memref<64x128xf32, #tpu.memory_space<vmem>>, vector<1x16xf32>,
        %get3A_1164 = vector.shape_cast %get3A_1163 : vector<1x16xf32> to vector<16xf32>
        %mul3A_1165 = vector.broadcast %squeeze3A_1101 : f32 to vector<16xf32>
        %mul3A_1166 = arith.mulf %get3A_1164, %mul3A_1165 : vector<16xf32>
        %swap3A_1167 = arith.index_cast %add3A_1105 : i32 to index
        %swap3A_1168 = arith.constant 80 : index
        %swap3A_1169 = tpu.vector_load %arg16[%swap3A_1167, %swap3A_1168] {strides = array<i32>} : memref<64x128xf32, #tpu.memory_space<vmem>>, vector<1x16xf32>,
        %swap3A_1170 = vector.shape_cast %swap3A_1169 : vector<1x16xf32> to vector<16xf32>
        %swap3A_1171 = vector.shape_cast %mul3A_1166 : vector<16xf32> to vector<1x16xf32>
        tpu.vector_store %arg16[%swap3A_1167, %swap3A_1168], %swap3A_1171 {strides = array<i32>} : memref<64x128xf32, #tpu.memory_space<vmem>>, vector<1x16xf32>,
        %get3A_1172 = arith.index_cast %add3A_1105 : i32 to index
        %get3A_1173 = arith.constant 96 : index
        %get3A_1174 = tpu.vector_load %arg16[%get3A_1172, %get3A_1173] {strides = array<i32>} : memref<64x128xf32, #tpu.memory_space<vmem>>, vector<1x16xf32>,
        %get3A_1175 = vector.shape_cast %get3A_1174 : vector<1x16xf32> to vector<16xf32>
        %mul3A_1176 = vector.broadcast %squeeze3A_1101 : f32 to vector<16xf32>
        %mul3A_1177 = arith.mulf %get3A_1175, %mul3A_1176 : vector<16xf32>
        %swap3A_1178 = arith.index_cast %add3A_1105 : i32 to index
        %swap3A_1179 = arith.constant 96 : index
        %swap3A_1180 = tpu.vector_load %arg16[%swap3A_1178, %swap3A_1179] {strides = array<i32>} : memref<64x128xf32, #tpu.memory_space<vmem>>, vector<1x16xf32>,
        %swap3A_1181 = vector.shape_cast %swap3A_1180 : vector<1x16xf32> to vector<16xf32>
        %swap3A_1182 = vector.shape_cast %mul3A_1177 : vector<16xf32> to vector<1x16xf32>
        tpu.vector_store %arg16[%swap3A_1178, %swap3A_1179], %swap3A_1182 {strides = array<i32>} : memref<64x128xf32, #tpu.memory_space<vmem>>, vector<1x16xf32>,
        %get3A_1183 = arith.index_cast %add3A_1105 : i32 to index
        %get3A_1184 = arith.constant 112 : index
        %get3A_1185 = tpu.vector_load %arg16[%get3A_1183, %get3A_1184] {strides = array<i32>} : memref<64x128xf32, #tpu.memory_space<vmem>>, vector<1x16xf32>,
        %get3A_1186 = vector.shape_cast %get3A_1185 : vector<1x16xf32> to vector<16xf32>
        %mul3A_1187 = vector.broadcast %squeeze3A_1101 : f32 to vector<16xf32>
        %mul3A_1188 = arith.mulf %get3A_1186, %mul3A_1187 : vector<16xf32>
        %swap3A_1189 = arith.index_cast %add3A_1105 : i32 to index
        %swap3A_1190 = arith.constant 112 : index
        %swap3A_1191 = tpu.vector_load %arg16[%swap3A_1189, %swap3A_1190] {strides = array<i32>} : memref<64x128xf32, #tpu.memory_space<vmem>>, vector<1x16xf32>,
        %swap3A_1192 = vector.shape_cast %swap3A_1191 : vector<1x16xf32> to vector<16xf32>
        %swap3A_1193 = vector.shape_cast %mul3A_1188 : vector<16xf32> to vector<1x16xf32>
        tpu.vector_store %arg16[%swap3A_1189, %swap3A_1190], %swap3A_1193 {strides = array<i32>} : memref<64x128xf32, #tpu.memory_space<vmem>>, vector<1x16xf32>,
        %slice3A_1194 = vector.extract_strided_slice %get3A_1005 {offsets = [2], sizes = [1], strides = [1]} : vector<16xf32> to vector<1xf32>
        %squeeze3A_1195 = vector.extract %slice3A_1194[0] : f32 from vector<1xf32>
        %mul3A_1196 = arith.constant 16 : i32
        %mul3A_1197 = arith.muli %scan3A_998, %mul3A_1196 : i32
        %add3A_1198 = arith.constant 2 : i32
        %add3A_1199 = arith.addi %mul3A_1197, %add3A_1198 : i32
        %get3A_1200 = arith.index_cast %add3A_1199 : i32 to index
        %get3A_1201 = arith.constant 0 : index
        %get3A_1202 = tpu.vector_load %arg16[%get3A_1200, %get3A_1201] {strides = array<i32>} : memref<64x128xf32, #tpu.memory_space<vmem>>, vector<1x16xf32>,
        %get3A_1203 = vector.shape_cast %get3A_1202 : vector<1x16xf32> to vector<16xf32>
        %mul3A_1204 = vector.broadcast %squeeze3A_1195 : f32 to vector<16xf32>
        %mul3A_1205 = arith.mulf %get3A_1203, %mul3A_1204 : vector<16xf32>
        %swap3A_1206 = arith.index_cast %add3A_1199 : i32 to index
        %swap3A_1207 = arith.constant 0 : index
        %swap3A_1208 = tpu.vector_load %arg16[%swap3A_1206, %swap3A_1207] {strides = array<i32>} : memref<64x128xf32, #tpu.memory_space<vmem>>, vector<1x16xf32>,
        %swap3A_1209 = vector.shape_cast %swap3A_1208 : vector<1x16xf32> to vector<16xf32>
        %swap3A_1210 = vector.shape_cast %mul3A_1205 : vector<16xf32> to vector<1x16xf32>
        tpu.vector_store %arg16[%swap3A_1206, %swap3A_1207], %swap3A_1210 {strides = array<i32>} : memref<64x128xf32, #tpu.memory_space<vmem>>, vector<1x16xf32>,
        %get3A_1211 = arith.index_cast %add3A_1199 : i32 to index
        %get3A_1212 = arith.constant 16 : index
        %get3A_1213 = tpu.vector_load %arg16[%get3A_1211, %get3A_1212] {strides = array<i32>} : memref<64x128xf32, #tpu.memory_space<vmem>>, vector<1x16xf32>,
        %get3A_1214 = vector.shape_cast %get3A_1213 : vector<1x16xf32> to vector<16xf32>
        %mul3A_1215 = vector.broadcast %squeeze3A_1195 : f32 to vector<16xf32>
        %mul3A_1216 = arith.mulf %get3A_1214, %mul3A_1215 : vector<16xf32>
        %swap3A_1217 = arith.index_cast %add3A_1199 : i32 to index
        %swap3A_1218 = arith.constant 16 : index
        %swap3A_1219 = tpu.vector_load %arg16[%swap3A_1217, %swap3A_1218] {strides = array<i32>} : memref<64x128xf32, #tpu.memory_space<vmem>>, vector<1x16xf32>,
        %swap3A_1220 = vector.shape_cast %swap3A_1219 : vector<1x16xf32> to vector<16xf32>
        %swap3A_1221 = vector.shape_cast %mul3A_1216 : vector<16xf32> to vector<1x16xf32>
        tpu.vector_store %arg16[%swap3A_1217, %swap3A_1218], %swap3A_1221 {strides = array<i32>} : memref<64x128xf32, #tpu.memory_space<vmem>>, vector<1x16xf32>,
        %get3A_1222 = arith.index_cast %add3A_1199 : i32 to index
        %get3A_1223 = arith.constant 32 : index
        %get3A_1224 = tpu.vector_load %arg16[%get3A_1222, %get3A_1223] {strides = array<i32>} : memref<64x128xf32, #tpu.memory_space<vmem>>, vector<1x16xf32>,
        %get3A_1225 = vector.shape_cast %get3A_1224 : vector<1x16xf32> to vector<16xf32>
        %mul3A_1226 = vector.broadcast %squeeze3A_1195 : f32 to vector<16xf32>
        %mul3A_1227 = arith.mulf %get3A_1225, %mul3A_1226 : vector<16xf32>
        %swap3A_1228 = arith.index_cast %add3A_1199 : i32 to index
        %swap3A_1229 = arith.constant 32 : index
        %swap3A_1230 = tpu.vector_load %arg16[%swap3A_1228, %swap3A_1229] {strides = array<i32>} : memref<64x128xf32, #tpu.memory_space<vmem>>, vector<1x16xf32>,
        %swap3A_1231 = vector.shape_cast %swap3A_1230 : vector<1x16xf32> to vector<16xf32>
        %swap3A_1232 = vector.shape_cast %mul3A_1227 : vector<16xf32> to vector<1x16xf32>
        tpu.vector_store %arg16[%swap3A_1228, %swap3A_1229], %swap3A_1232 {strides = array<i32>} : memref<64x128xf32, #tpu.memory_space<vmem>>, vector<1x16xf32>,
        %get3A_1233 = arith.index_cast %add3A_1199 : i32 to index
        %get3A_1234 = arith.constant 48 : index
        %get3A_1235 = tpu.vector_load %arg16[%get3A_1233, %get3A_1234] {strides = array<i32>} : memref<64x128xf32, #tpu.memory_space<vmem>>, vector<1x16xf32>,
        %get3A_1236 = vector.shape_cast %get3A_1235 : vector<1x16xf32> to vector<16xf32>
        %mul3A_1237 = vector.broadcast %squeeze3A_1195 : f32 to vector<16xf32>
        %mul3A_1238 = arith.mulf %get3A_1236, %mul3A_1237 : vector<16xf32>
        %swap3A_1239 = arith.index_cast %add3A_1199 : i32 to index
        %swap3A_1240 = arith.constant 48 : index
        %swap3A_1241 = tpu.vector_load %arg16[%swap3A_1239, %swap3A_1240] {strides = array<i32>} : memref<64x128xf32, #tpu.memory_space<vmem>>, vector<1x16xf32>,
        %swap3A_1242 = vector.shape_cast %swap3A_1241 : vector<1x16xf32> to vector<16xf32>
        %swap3A_1243 = vector.shape_cast %mul3A_1238 : vector<16xf32> to vector<1x16xf32>
        tpu.vector_store %arg16[%swap3A_1239, %swap3A_1240], %swap3A_1243 {strides = array<i32>} : memref<64x128xf32, #tpu.memory_space<vmem>>, vector<1x16xf32>,
        %get3A_1244 = arith.index_cast %add3A_1199 : i32 to index
        %get3A_1245 = arith.constant 64 : index
        %get3A_1246 = tpu.vector_load %arg16[%get3A_1244, %get3A_1245] {strides = array<i32>} : memref<64x128xf32, #tpu.memory_space<vmem>>, vector<1x16xf32>,
        %get3A_1247 = vector.shape_cast %get3A_1246 : vector<1x16xf32> to vector<16xf32>
        %mul3A_1248 = vector.broadcast %squeeze3A_1195 : f32 to vector<16xf32>
        %mul3A_1249 = arith.mulf %get3A_1247, %mul3A_1248 : vector<16xf32>
        %swap3A_1250 = arith.index_cast %add3A_1199 : i32 to index
        %swap3A_1251 = arith.constant 64 : index
        %swap3A_1252 = tpu.vector_load %arg16[%swap3A_1250, %swap3A_1251] {strides = array<i32>} : memref<64x128xf32, #tpu.memory_space<vmem>>, vector<1x16xf32>,
        %swap3A_1253 = vector.shape_cast %swap3A_1252 : vector<1x16xf32> to vector<16xf32>
        %swap3A_1254 = vector.shape_cast %mul3A_1249 : vector<16xf32> to vector<1x16xf32>
        tpu.vector_store %arg16[%swap3A_1250, %swap3A_1251], %swap3A_1254 {strides = array<i32>} : memref<64x128xf32, #tpu.memory_space<vmem>>, vector<1x16xf32>,
        %get3A_1255 = arith.index_cast %add3A_1199 : i32 to index
        %get3A_1256 = arith.constant 80 : index
        %get3A_1257 = tpu.vector_load %arg16[%get3A_1255, %get3A_1256] {strides = array<i32>} : memref<64x128xf32, #tpu.memory_space<vmem>>, vector<1x16xf32>,
        %get3A_1258 = vector.shape_cast %get3A_1257 : vector<1x16xf32> to vector<16xf32>
        %mul3A_1259 = vector.broadcast %squeeze3A_1195 : f32 to vector<16xf32>
        %mul3A_1260 = arith.mulf %get3A_1258, %mul3A_1259 : vector<16xf32>
        %swap3A_1261 = arith.index_cast %add3A_1199 : i32 to index
        %swap3A_1262 = arith.constant 80 : index
        %swap3A_1263 = tpu.vector_load %arg16[%swap3A_1261, %swap3A_1262] {strides = array<i32>} : memref<64x128xf32, #tpu.memory_space<vmem>>, vector<1x16xf32>,
        %swap3A_1264 = vector.shape_cast %swap3A_1263 : vector<1x16xf32> to vector<16xf32>
        %swap3A_1265 = vector.shape_cast %mul3A_1260 : vector<16xf32> to vector<1x16xf32>
        tpu.vector_store %arg16[%swap3A_1261, %swap3A_1262], %swap3A_1265 {strides = array<i32>} : memref<64x128xf32, #tpu.memory_space<vmem>>, vector<1x16xf32>,
        %get3A_1266 = arith.index_cast %add3A_1199 : i32 to index
        %get3A_1267 = arith.constant 96 : index
        %get3A_1268 = tpu.vector_load %arg16[%get3A_1266, %get3A_1267] {strides = array<i32>} : memref<64x128xf32, #tpu.memory_space<vmem>>, vector<1x16xf32>,
        %get3A_1269 = vector.shape_cast %get3A_1268 : vector<1x16xf32> to vector<16xf32>
        %mul3A_1270 = vector.broadcast %squeeze3A_1195 : f32 to vector<16xf32>
        %mul3A_1271 = arith.mulf %get3A_1269, %mul3A_1270 : vector<16xf32>
        %swap3A_1272 = arith.index_cast %add3A_1199 : i32 to index
        %swap3A_1273 = arith.constant 96 : index
        %swap3A_1274 = tpu.vector_load %arg16[%swap3A_1272, %swap3A_1273] {strides = array<i32>} : memref<64x128xf32, #tpu.memory_space<vmem>>, vector<1x16xf32>,
        %swap3A_1275 = vector.shape_cast %swap3A_1274 : vector<1x16xf32> to vector<16xf32>
        %swap3A_1276 = vector.shape_cast %mul3A_1271 : vector<16xf32> to vector<1x16xf32>
        tpu.vector_store %arg16[%swap3A_1272, %swap3A_1273], %swap3A_1276 {strides = array<i32>} : memref<64x128xf32, #tpu.memory_space<vmem>>, vector<1x16xf32>,
        %get3A_1277 = arith.index_cast %add3A_1199 : i32 to index
        %get3A_1278 = arith.constant 112 : index
        %get3A_1279 = tpu.vector_load %arg16[%get3A_1277, %get3A_1278] {strides = array<i32>} : memref<64x128xf32, #tpu.memory_space<vmem>>, vector<1x16xf32>,
        %get3A_1280 = vector.shape_cast %get3A_1279 : vector<1x16xf32> to vector<16xf32>
        %mul3A_1281 = vector.broadcast %squeeze3A_1195 : f32 to vector<16xf32>
        %mul3A_1282 = arith.mulf %get3A_1280, %mul3A_1281 : vector<16xf32>
        %swap3A_1283 = arith.index_cast %add3A_1199 : i32 to index
        %swap3A_1284 = arith.constant 112 : index
        %swap3A_1285 = tpu.vector_load %arg16[%swap3A_1283, %swap3A_1284] {strides = array<i32>} : memref<64x128xf32, #tpu.memory_space<vmem>>, vector<1x16xf32>,
        %swap3A_1286 = vector.shape_cast %swap3A_1285 : vector<1x16xf32> to vector<16xf32>
        %swap3A_1287 = vector.shape_cast %mul3A_1282 : vector<16xf32> to vector<1x16xf32>
        tpu.vector_store %arg16[%swap3A_1283, %swap3A_1284], %swap3A_1287 {strides = array<i32>} : memref<64x128xf32, #tpu.memory_space<vmem>>, vector<1x16xf32>,
        %slice3A_1288 = vector.extract_strided_slice %get3A_1005 {offsets = [3], sizes = [1], strides = [1]} : vector<16xf32> to vector<1xf32>
        %squeeze3A_1289 = vector.extract %slice3A_1288[0] : f32 from vector<1xf32>
        %mul3A_1290 = arith.constant 16 : i32
        %mul3A_1291 = arith.muli %scan3A_998, %mul3A_1290 : i32
        %add3A_1292 = arith.constant 3 : i32
        %add3A_1293 = arith.addi %mul3A_1291, %add3A_1292 : i32
        %get3A_1294 = arith.index_cast %add3A_1293 : i32 to index
        %get3A_1295 = arith.constant 0 : index
        %get3A_1296 = tpu.vector_load %arg16[%get3A_1294, %get3A_1295] {strides = array<i32>} : memref<64x128xf32, #tpu.memory_space<vmem>>, vector<1x16xf32>,
        %get3A_1297 = vector.shape_cast %get3A_1296 : vector<1x16xf32> to vector<16xf32>
        %mul3A_1298 = vector.broadcast %squeeze3A_1289 : f32 to vector<16xf32>
        %mul3A_1299 = arith.mulf %get3A_1297, %mul3A_1298 : vector<16xf32>
        %swap3A_1300 = arith.index_cast %add3A_1293 : i32 to index
        %swap3A_1301 = arith.constant 0 : index
        %swap3A_1302 = tpu.vector_load %arg16[%swap3A_1300, %swap3A_1301] {strides = array<i32>} : memref<64x128xf32, #tpu.memory_space<vmem>>, vector<1x16xf32>,
        %swap3A_1303 = vector.shape_cast %swap3A_1302 : vector<1x16xf32> to vector<16xf32>
        %swap3A_1304 = vector.shape_cast %mul3A_1299 : vector<16xf32> to vector<1x16xf32>
        tpu.vector_store %arg16[%swap3A_1300, %swap3A_1301], %swap3A_1304 {strides = array<i32>} : memref<64x128xf32, #tpu.memory_space<vmem>>, vector<1x16xf32>,
        %get3A_1305 = arith.index_cast %add3A_1293 : i32 to index
        %get3A_1306 = arith.constant 16 : index
        %get3A_1307 = tpu.vector_load %arg16[%get3A_1305, %get3A_1306] {strides = array<i32>} : memref<64x128xf32, #tpu.memory_space<vmem>>, vector<1x16xf32>,
        %get3A_1308 = vector.shape_cast %get3A_1307 : vector<1x16xf32> to vector<16xf32>
        %mul3A_1309 = vector.broadcast %squeeze3A_1289 : f32 to vector<16xf32>
        %mul3A_1310 = arith.mulf %get3A_1308, %mul3A_1309 : vector<16xf32>
        %swap3A_1311 = arith.index_cast %add3A_1293 : i32 to index
        %swap3A_1312 = arith.constant 16 : index
        %swap3A_1313 = tpu.vector_load %arg16[%swap3A_1311, %swap3A_1312] {strides = array<i32>} : memref<64x128xf32, #tpu.memory_space<vmem>>, vector<1x16xf32>,
        %swap3A_1314 = vector.shape_cast %swap3A_1313 : vector<1x16xf32> to vector<16xf32>
        %swap3A_1315 = vector.shape_cast %mul3A_1310 : vector<16xf32> to vector<1x16xf32>
        tpu.vector_store %arg16[%swap3A_1311, %swap3A_1312], %swap3A_1315 {strides = array<i32>} : memref<64x128xf32, #tpu.memory_space<vmem>>, vector<1x16xf32>,
        %get3A_1316 = arith.index_cast %add3A_1293 : i32 to index
        %get3A_1317 = arith.constant 32 : index
        %get3A_1318 = tpu.vector_load %arg16[%get3A_1316, %get3A_1317] {strides = array<i32>} : memref<64x128xf32, #tpu.memory_space<vmem>>, vector<1x16xf32>,
        %get3A_1319 = vector.shape_cast %get3A_1318 : vector<1x16xf32> to vector<16xf32>
        %mul3A_1320 = vector.broadcast %squeeze3A_1289 : f32 to vector<16xf32>
        %mul3A_1321 = arith.mulf %get3A_1319, %mul3A_1320 : vector<16xf32>
        %swap3A_1322 = arith.index_cast %add3A_1293 : i32 to index
        %swap3A_1323 = arith.constant 32 : index
        %swap3A_1324 = tpu.vector_load %arg16[%swap3A_1322, %swap3A_1323] {strides = array<i32>} : memref<64x128xf32, #tpu.memory_space<vmem>>, vector<1x16xf32>,
        %swap3A_1325 = vector.shape_cast %swap3A_1324 : vector<1x16xf32> to vector<16xf32>
        %swap3A_1326 = vector.shape_cast %mul3A_1321 : vector<16xf32> to vector<1x16xf32>
        tpu.vector_store %arg16[%swap3A_1322, %swap3A_1323], %swap3A_1326 {strides = array<i32>} : memref<64x128xf32, #tpu.memory_space<vmem>>, vector<1x16xf32>,
        %get3A_1327 = arith.index_cast %add3A_1293 : i32 to index
        %get3A_1328 = arith.constant 48 : index
        %get3A_1329 = tpu.vector_load %arg16[%get3A_1327, %get3A_1328] {strides = array<i32>} : memref<64x128xf32, #tpu.memory_space<vmem>>, vector<1x16xf32>,
        %get3A_1330 = vector.shape_cast %get3A_1329 : vector<1x16xf32> to vector<16xf32>
        %mul3A_1331 = vector.broadcast %squeeze3A_1289 : f32 to vector<16xf32>
        %mul3A_1332 = arith.mulf %get3A_1330, %mul3A_1331 : vector<16xf32>
        %swap3A_1333 = arith.index_cast %add3A_1293 : i32 to index
        %swap3A_1334 = arith.constant 48 : index
        %swap3A_1335 = tpu.vector_load %arg16[%swap3A_1333, %swap3A_1334] {strides = array<i32>} : memref<64x128xf32, #tpu.memory_space<vmem>>, vector<1x16xf32>,
        %swap3A_1336 = vector.shape_cast %swap3A_1335 : vector<1x16xf32> to vector<16xf32>
        %swap3A_1337 = vector.shape_cast %mul3A_1332 : vector<16xf32> to vector<1x16xf32>
        tpu.vector_store %arg16[%swap3A_1333, %swap3A_1334], %swap3A_1337 {strides = array<i32>} : memref<64x128xf32, #tpu.memory_space<vmem>>, vector<1x16xf32>,
        %get3A_1338 = arith.index_cast %add3A_1293 : i32 to index
        %get3A_1339 = arith.constant 64 : index
        %get3A_1340 = tpu.vector_load %arg16[%get3A_1338, %get3A_1339] {strides = array<i32>} : memref<64x128xf32, #tpu.memory_space<vmem>>, vector<1x16xf32>,
        %get3A_1341 = vector.shape_cast %get3A_1340 : vector<1x16xf32> to vector<16xf32>
        %mul3A_1342 = vector.broadcast %squeeze3A_1289 : f32 to vector<16xf32>
        %mul3A_1343 = arith.mulf %get3A_1341, %mul3A_1342 : vector<16xf32>
        %swap3A_1344 = arith.index_cast %add3A_1293 : i32 to index
        %swap3A_1345 = arith.constant 64 : index
        %swap3A_1346 = tpu.vector_load %arg16[%swap3A_1344, %swap3A_1345] {strides = array<i32>} : memref<64x128xf32, #tpu.memory_space<vmem>>, vector<1x16xf32>,
        %swap3A_1347 = vector.shape_cast %swap3A_1346 : vector<1x16xf32> to vector<16xf32>
        %swap3A_1348 = vector.shape_cast %mul3A_1343 : vector<16xf32> to vector<1x16xf32>
        tpu.vector_store %arg16[%swap3A_1344, %swap3A_1345], %swap3A_1348 {strides = array<i32>} : memref<64x128xf32, #tpu.memory_space<vmem>>, vector<1x16xf32>,
        %get3A_1349 = arith.index_cast %add3A_1293 : i32 to index
        %get3A_1350 = arith.constant 80 : index
        %get3A_1351 = tpu.vector_load %arg16[%get3A_1349, %get3A_1350] {strides = array<i32>} : memref<64x128xf32, #tpu.memory_space<vmem>>, vector<1x16xf32>,
        %get3A_1352 = vector.shape_cast %get3A_1351 : vector<1x16xf32> to vector<16xf32>
        %mul3A_1353 = vector.broadcast %squeeze3A_1289 : f32 to vector<16xf32>
        %mul3A_1354 = arith.mulf %get3A_1352, %mul3A_1353 : vector<16xf32>
        %swap3A_1355 = arith.index_cast %add3A_1293 : i32 to index
        %swap3A_1356 = arith.constant 80 : index
        %swap3A_1357 = tpu.vector_load %arg16[%swap3A_1355, %swap3A_1356] {strides = array<i32>} : memref<64x128xf32, #tpu.memory_space<vmem>>, vector<1x16xf32>,
        %swap3A_1358 = vector.shape_cast %swap3A_1357 : vector<1x16xf32> to vector<16xf32>
        %swap3A_1359 = vector.shape_cast %mul3A_1354 : vector<16xf32> to vector<1x16xf32>
        tpu.vector_store %arg16[%swap3A_1355, %swap3A_1356], %swap3A_1359 {strides = array<i32>} : memref<64x128xf32, #tpu.memory_space<vmem>>, vector<1x16xf32>,
        %get3A_1360 = arith.index_cast %add3A_1293 : i32 to index
        %get3A_1361 = arith.constant 96 : index
        %get3A_1362 = tpu.vector_load %arg16[%get3A_1360, %get3A_1361] {strides = array<i32>} : memref<64x128xf32, #tpu.memory_space<vmem>>, vector<1x16xf32>,
        %get3A_1363 = vector.shape_cast %get3A_1362 : vector<1x16xf32> to vector<16xf32>
        %mul3A_1364 = vector.broadcast %squeeze3A_1289 : f32 to vector<16xf32>
        %mul3A_1365 = arith.mulf %get3A_1363, %mul3A_1364 : vector<16xf32>
        %swap3A_1366 = arith.index_cast %add3A_1293 : i32 to index
        %swap3A_1367 = arith.constant 96 : index
        %swap3A_1368 = tpu.vector_load %arg16[%swap3A_1366, %swap3A_1367] {strides = array<i32>} : memref<64x128xf32, #tpu.memory_space<vmem>>, vector<1x16xf32>,
        %swap3A_1369 = vector.shape_cast %swap3A_1368 : vector<1x16xf32> to vector<16xf32>
        %swap3A_1370 = vector.shape_cast %mul3A_1365 : vector<16xf32> to vector<1x16xf32>
        tpu.vector_store %arg16[%swap3A_1366, %swap3A_1367], %swap3A_1370 {strides = array<i32>} : memref<64x128xf32, #tpu.memory_space<vmem>>, vector<1x16xf32>,
        %get3A_1371 = arith.index_cast %add3A_1293 : i32 to index
        %get3A_1372 = arith.constant 112 : index
        %get3A_1373 = tpu.vector_load %arg16[%get3A_1371, %get3A_1372] {strides = array<i32>} : memref<64x128xf32, #tpu.memory_space<vmem>>, vector<1x16xf32>,
        %get3A_1374 = vector.shape_cast %get3A_1373 : vector<1x16xf32> to vector<16xf32>
        %mul3A_1375 = vector.broadcast %squeeze3A_1289 : f32 to vector<16xf32>
        %mul3A_1376 = arith.mulf %get3A_1374, %mul3A_1375 : vector<16xf32>
        %swap3A_1377 = arith.index_cast %add3A_1293 : i32 to index
        %swap3A_1378 = arith.constant 112 : index
        %swap3A_1379 = tpu.vector_load %arg16[%swap3A_1377, %swap3A_1378] {strides = array<i32>} : memref<64x128xf32, #tpu.memory_space<vmem>>, vector<1x16xf32>,
        %swap3A_1380 = vector.shape_cast %swap3A_1379 : vector<1x16xf32> to vector<16xf32>
        %swap3A_1381 = vector.shape_cast %mul3A_1376 : vector<16xf32> to vector<1x16xf32>
        tpu.vector_store %arg16[%swap3A_1377, %swap3A_1378], %swap3A_1381 {strides = array<i32>} : memref<64x128xf32, #tpu.memory_space<vmem>>, vector<1x16xf32>,
        %slice3A_1382 = vector.extract_strided_slice %get3A_1005 {offsets = [4], sizes = [1], strides = [1]} : vector<16xf32> to vector<1xf32>
        %squeeze3A_1383 = vector.extract %slice3A_1382[0] : f32 from vector<1xf32>
        %mul3A_1384 = arith.constant 16 : i32
        %mul3A_1385 = arith.muli %scan3A_998, %mul3A_1384 : i32
        %add3A_1386 = arith.constant 4 : i32
        %add3A_1387 = arith.addi %mul3A_1385, %add3A_1386 : i32
        %get3A_1388 = arith.index_cast %add3A_1387 : i32 to index
        %get3A_1389 = arith.constant 0 : index
        %get3A_1390 = tpu.vector_load %arg16[%get3A_1388, %get3A_1389] {strides = array<i32>} : memref<64x128xf32, #tpu.memory_space<vmem>>, vector<1x16xf32>,
        %get3A_1391 = vector.shape_cast %get3A_1390 : vector<1x16xf32> to vector<16xf32>
        %mul3A_1392 = vector.broadcast %squeeze3A_1383 : f32 to vector<16xf32>
        %mul3A_1393 = arith.mulf %get3A_1391, %mul3A_1392 : vector<16xf32>
        %swap3A_1394 = arith.index_cast %add3A_1387 : i32 to index
        %swap3A_1395 = arith.constant 0 : index
        %swap3A_1396 = tpu.vector_load %arg16[%swap3A_1394, %swap3A_1395] {strides = array<i32>} : memref<64x128xf32, #tpu.memory_space<vmem>>, vector<1x16xf32>,
        %swap3A_1397 = vector.shape_cast %swap3A_1396 : vector<1x16xf32> to vector<16xf32>
        %swap3A_1398 = vector.shape_cast %mul3A_1393 : vector<16xf32> to vector<1x16xf32>
        tpu.vector_store %arg16[%swap3A_1394, %swap3A_1395], %swap3A_1398 {strides = array<i32>} : memref<64x128xf32, #tpu.memory_space<vmem>>, vector<1x16xf32>,
        %get3A_1399 = arith.index_cast %add3A_1387 : i32 to index
        %get3A_1400 = arith.constant 16 : index
        %get3A_1401 = tpu.vector_load %arg16[%get3A_1399, %get3A_1400] {strides = array<i32>} : memref<64x128xf32, #tpu.memory_space<vmem>>, vector<1x16xf32>,
        %get3A_1402 = vector.shape_cast %get3A_1401 : vector<1x16xf32> to vector<16xf32>
        %mul3A_1403 = vector.broadcast %squeeze3A_1383 : f32 to vector<16xf32>
        %mul3A_1404 = arith.mulf %get3A_1402, %mul3A_1403 : vector<16xf32>
        %swap3A_1405 = arith.index_cast %add3A_1387 : i32 to index
        %swap3A_1406 = arith.constant 16 : index
        %swap3A_1407 = tpu.vector_load %arg16[%swap3A_1405, %swap3A_1406] {strides = array<i32>} : memref<64x128xf32, #tpu.memory_space<vmem>>, vector<1x16xf32>,
        %swap3A_1408 = vector.shape_cast %swap3A_1407 : vector<1x16xf32> to vector<16xf32>
        %swap3A_1409 = vector.shape_cast %mul3A_1404 : vector<16xf32> to vector<1x16xf32>
        tpu.vector_store %arg16[%swap3A_1405, %swap3A_1406], %swap3A_1409 {strides = array<i32>} : memref<64x128xf32, #tpu.memory_space<vmem>>, vector<1x16xf32>,
        %get3A_1410 = arith.index_cast %add3A_1387 : i32 to index
        %get3A_1411 = arith.constant 32 : index
        %get3A_1412 = tpu.vector_load %arg16[%get3A_1410, %get3A_1411] {strides = array<i32>} : memref<64x128xf32, #tpu.memory_space<vmem>>, vector<1x16xf32>,
        %get3A_1413 = vector.shape_cast %get3A_1412 : vector<1x16xf32> to vector<16xf32>
        %mul3A_1414 = vector.broadcast %squeeze3A_1383 : f32 to vector<16xf32>
        %mul3A_1415 = arith.mulf %get3A_1413, %mul3A_1414 : vector<16xf32>
        %swap3A_1416 = arith.index_cast %add3A_1387 : i32 to index
        %swap3A_1417 = arith.constant 32 : index
        %swap3A_1418 = tpu.vector_load %arg16[%swap3A_1416, %swap3A_1417] {strides = array<i32>} : memref<64x128xf32, #tpu.memory_space<vmem>>, vector<1x16xf32>,
        %swap3A_1419 = vector.shape_cast %swap3A_1418 : vector<1x16xf32> to vector<16xf32>
        %swap3A_1420 = vector.shape_cast %mul3A_1415 : vector<16xf32> to vector<1x16xf32>
        tpu.vector_store %arg16[%swap3A_1416, %swap3A_1417], %swap3A_1420 {strides = array<i32>} : memref<64x128xf32, #tpu.memory_space<vmem>>, vector<1x16xf32>,
        %get3A_1421 = arith.index_cast %add3A_1387 : i32 to index
        %get3A_1422 = arith.constant 48 : index
        %get3A_1423 = tpu.vector_load %arg16[%get3A_1421, %get3A_1422] {strides = array<i32>} : memref<64x128xf32, #tpu.memory_space<vmem>>, vector<1x16xf32>,
        %get3A_1424 = vector.shape_cast %get3A_1423 : vector<1x16xf32> to vector<16xf32>
        %mul3A_1425 = vector.broadcast %squeeze3A_1383 : f32 to vector<16xf32>
        %mul3A_1426 = arith.mulf %get3A_1424, %mul3A_1425 : vector<16xf32>
        %swap3A_1427 = arith.index_cast %add3A_1387 : i32 to index
        %swap3A_1428 = arith.constant 48 : index
        %swap3A_1429 = tpu.vector_load %arg16[%swap3A_1427, %swap3A_1428] {strides = array<i32>} : memref<64x128xf32, #tpu.memory_space<vmem>>, vector<1x16xf32>,
        %swap3A_1430 = vector.shape_cast %swap3A_1429 : vector<1x16xf32> to vector<16xf32>
        %swap3A_1431 = vector.shape_cast %mul3A_1426 : vector<16xf32> to vector<1x16xf32>
        tpu.vector_store %arg16[%swap3A_1427, %swap3A_1428], %swap3A_1431 {strides = array<i32>} : memref<64x128xf32, #tpu.memory_space<vmem>>, vector<1x16xf32>,
        %get3A_1432 = arith.index_cast %add3A_1387 : i32 to index
        %get3A_1433 = arith.constant 64 : index
        %get3A_1434 = tpu.vector_load %arg16[%get3A_1432, %get3A_1433] {strides = array<i32>} : memref<64x128xf32, #tpu.memory_space<vmem>>, vector<1x16xf32>,
        %get3A_1435 = vector.shape_cast %get3A_1434 : vector<1x16xf32> to vector<16xf32>
        %mul3A_1436 = vector.broadcast %squeeze3A_1383 : f32 to vector<16xf32>
        %mul3A_1437 = arith.mulf %get3A_1435, %mul3A_1436 : vector<16xf32>
        %swap3A_1438 = arith.index_cast %add3A_1387 : i32 to index
        %swap3A_1439 = arith.constant 64 : index
        %swap3A_1440 = tpu.vector_load %arg16[%swap3A_1438, %swap3A_1439] {strides = array<i32>} : memref<64x128xf32, #tpu.memory_space<vmem>>, vector<1x16xf32>,
        %swap3A_1441 = vector.shape_cast %swap3A_1440 : vector<1x16xf32> to vector<16xf32>
        %swap3A_1442 = vector.shape_cast %mul3A_1437 : vector<16xf32> to vector<1x16xf32>
        tpu.vector_store %arg16[%swap3A_1438, %swap3A_1439], %swap3A_1442 {strides = array<i32>} : memref<64x128xf32, #tpu.memory_space<vmem>>, vector<1x16xf32>,
        %get3A_1443 = arith.index_cast %add3A_1387 : i32 to index
        %get3A_1444 = arith.constant 80 : index
        %get3A_1445 = tpu.vector_load %arg16[%get3A_1443, %get3A_1444] {strides = array<i32>} : memref<64x128xf32, #tpu.memory_space<vmem>>, vector<1x16xf32>,
        %get3A_1446 = vector.shape_cast %get3A_1445 : vector<1x16xf32> to vector<16xf32>
        %mul3A_1447 = vector.broadcast %squeeze3A_1383 : f32 to vector<16xf32>
        %mul3A_1448 = arith.mulf %get3A_1446, %mul3A_1447 : vector<16xf32>
        %swap3A_1449 = arith.index_cast %add3A_1387 : i32 to index
        %swap3A_1450 = arith.constant 80 : index
        %swap3A_1451 = tpu.vector_load %arg16[%swap3A_1449, %swap3A_1450] {strides = array<i32>} : memref<64x128xf32, #tpu.memory_space<vmem>>, vector<1x16xf32>,
        %swap3A_1452 = vector.shape_cast %swap3A_1451 : vector<1x16xf32> to vector<16xf32>
        %swap3A_1453 = vector.shape_cast %mul3A_1448 : vector<16xf32> to vector<1x16xf32>
        tpu.vector_store %arg16[%swap3A_1449, %swap3A_1450], %swap3A_1453 {strides = array<i32>} : memref<64x128xf32, #tpu.memory_space<vmem>>, vector<1x16xf32>,
        %get3A_1454 = arith.index_cast %add3A_1387 : i32 to index
        %get3A_1455 = arith.constant 96 : index
        %get3A_1456 = tpu.vector_load %arg16[%get3A_1454, %get3A_1455] {strides = array<i32>} : memref<64x128xf32, #tpu.memory_space<vmem>>, vector<1x16xf32>,
        %get3A_1457 = vector.shape_cast %get3A_1456 : vector<1x16xf32> to vector<16xf32>
        %mul3A_1458 = vector.broadcast %squeeze3A_1383 : f32 to vector<16xf32>
        %mul3A_1459 = arith.mulf %get3A_1457, %mul3A_1458 : vector<16xf32>
        %swap3A_1460 = arith.index_cast %add3A_1387 : i32 to index
        %swap3A_1461 = arith.constant 96 : index
        %swap3A_1462 = tpu.vector_load %arg16[%swap3A_1460, %swap3A_1461] {strides = array<i32>} : memref<64x128xf32, #tpu.memory_space<vmem>>, vector<1x16xf32>,
        %swap3A_1463 = vector.shape_cast %swap3A_1462 : vector<1x16xf32> to vector<16xf32>
        %swap3A_1464 = vector.shape_cast %mul3A_1459 : vector<16xf32> to vector<1x16xf32>
        tpu.vector_store %arg16[%swap3A_1460, %swap3A_1461], %swap3A_1464 {strides = array<i32>} : memref<64x128xf32, #tpu.memory_space<vmem>>, vector<1x16xf32>,
        %get3A_1465 = arith.index_cast %add3A_1387 : i32 to index
        %get3A_1466 = arith.constant 112 : index
        %get3A_1467 = tpu.vector_load %arg16[%get3A_1465, %get3A_1466] {strides = array<i32>} : memref<64x128xf32, #tpu.memory_space<vmem>>, vector<1x16xf32>,
        %get3A_1468 = vector.shape_cast %get3A_1467 : vector<1x16xf32> to vector<16xf32>
        %mul3A_1469 = vector.broadcast %squeeze3A_1383 : f32 to vector<16xf32>
        %mul3A_1470 = arith.mulf %get3A_1468, %mul3A_1469 : vector<16xf32>
        %swap3A_1471 = arith.index_cast %add3A_1387 : i32 to index
        %swap3A_1472 = arith.constant 112 : index
        %swap3A_1473 = tpu.vector_load %arg16[%swap3A_1471, %swap3A_1472] {strides = array<i32>} : memref<64x128xf32, #tpu.memory_space<vmem>>, vector<1x16xf32>,
        %swap3A_1474 = vector.shape_cast %swap3A_1473 : vector<1x16xf32> to vector<16xf32>
        %swap3A_1475 = vector.shape_cast %mul3A_1470 : vector<16xf32> to vector<1x16xf32>
        tpu.vector_store %arg16[%swap3A_1471, %swap3A_1472], %swap3A_1475 {strides = array<i32>} : memref<64x128xf32, #tpu.memory_space<vmem>>, vector<1x16xf32>,
        %slice3A_1476 = vector.extract_strided_slice %get3A_1005 {offsets = [5], sizes = [1], strides = [1]} : vector<16xf32> to vector<1xf32>
        %squeeze3A_1477 = vector.extract %slice3A_1476[0] : f32 from vector<1xf32>
        %mul3A_1478 = arith.constant 16 : i32
        %mul3A_1479 = arith.muli %scan3A_998, %mul3A_1478 : i32
        %add3A_1480 = arith.constant 5 : i32
        %add3A_1481 = arith.addi %mul3A_1479, %add3A_1480 : i32
        %get3A_1482 = arith.index_cast %add3A_1481 : i32 to index
        %get3A_1483 = arith.constant 0 : index
        %get3A_1484 = tpu.vector_load %arg16[%get3A_1482, %get3A_1483] {strides = array<i32>} : memref<64x128xf32, #tpu.memory_space<vmem>>, vector<1x16xf32>,
        %get3A_1485 = vector.shape_cast %get3A_1484 : vector<1x16xf32> to vector<16xf32>
        %mul3A_1486 = vector.broadcast %squeeze3A_1477 : f32 to vector<16xf32>
        %mul3A_1487 = arith.mulf %get3A_1485, %mul3A_1486 : vector<16xf32>
        %swap3A_1488 = arith.index_cast %add3A_1481 : i32 to index
        %swap3A_1489 = arith.constant 0 : index
        %swap3A_1490 = tpu.vector_load %arg16[%swap3A_1488, %swap3A_1489] {strides = array<i32>} : memref<64x128xf32, #tpu.memory_space<vmem>>, vector<1x16xf32>,
        %swap3A_1491 = vector.shape_cast %swap3A_1490 : vector<1x16xf32> to vector<16xf32>
        %swap3A_1492 = vector.shape_cast %mul3A_1487 : vector<16xf32> to vector<1x16xf32>
        tpu.vector_store %arg16[%swap3A_1488, %swap3A_1489], %swap3A_1492 {strides = array<i32>} : memref<64x128xf32, #tpu.memory_space<vmem>>, vector<1x16xf32>,
        %get3A_1493 = arith.index_cast %add3A_1481 : i32 to index
        %get3A_1494 = arith.constant 16 : index
        %get3A_1495 = tpu.vector_load %arg16[%get3A_1493, %get3A_1494] {strides = array<i32>} : memref<64x128xf32, #tpu.memory_space<vmem>>, vector<1x16xf32>,
        %get3A_1496 = vector.shape_cast %get3A_1495 : vector<1x16xf32> to vector<16xf32>
        %mul3A_1497 = vector.broadcast %squeeze3A_1477 : f32 to vector<16xf32>
        %mul3A_1498 = arith.mulf %get3A_1496, %mul3A_1497 : vector<16xf32>
        %swap3A_1499 = arith.index_cast %add3A_1481 : i32 to index
        %swap3A_1500 = arith.constant 16 : index
        %swap3A_1501 = tpu.vector_load %arg16[%swap3A_1499, %swap3A_1500] {strides = array<i32>} : memref<64x128xf32, #tpu.memory_space<vmem>>, vector<1x16xf32>,
        %swap3A_1502 = vector.shape_cast %swap3A_1501 : vector<1x16xf32> to vector<16xf32>
        %swap3A_1503 = vector.shape_cast %mul3A_1498 : vector<16xf32> to vector<1x16xf32>
        tpu.vector_store %arg16[%swap3A_1499, %swap3A_1500], %swap3A_1503 {strides = array<i32>} : memref<64x128xf32, #tpu.memory_space<vmem>>, vector<1x16xf32>,
        %get3A_1504 = arith.index_cast %add3A_1481 : i32 to index
        %get3A_1505 = arith.constant 32 : index
        %get3A_1506 = tpu.vector_load %arg16[%get3A_1504, %get3A_1505] {strides = array<i32>} : memref<64x128xf32, #tpu.memory_space<vmem>>, vector<1x16xf32>,
        %get3A_1507 = vector.shape_cast %get3A_1506 : vector<1x16xf32> to vector<16xf32>
        %mul3A_1508 = vector.broadcast %squeeze3A_1477 : f32 to vector<16xf32>
        %mul3A_1509 = arith.mulf %get3A_1507, %mul3A_1508 : vector<16xf32>
        %swap3A_1510 = arith.index_cast %add3A_1481 : i32 to index
        %swap3A_1511 = arith.constant 32 : index
        %swap3A_1512 = tpu.vector_load %arg16[%swap3A_1510, %swap3A_1511] {strides = array<i32>} : memref<64x128xf32, #tpu.memory_space<vmem>>, vector<1x16xf32>,
        %swap3A_1513 = vector.shape_cast %swap3A_1512 : vector<1x16xf32> to vector<16xf32>
        %swap3A_1514 = vector.shape_cast %mul3A_1509 : vector<16xf32> to vector<1x16xf32>
        tpu.vector_store %arg16[%swap3A_1510, %swap3A_1511], %swap3A_1514 {strides = array<i32>} : memref<64x128xf32, #tpu.memory_space<vmem>>, vector<1x16xf32>,
        %get3A_1515 = arith.index_cast %add3A_1481 : i32 to index
        %get3A_1516 = arith.constant 48 : index
        %get3A_1517 = tpu.vector_load %arg16[%get3A_1515, %get3A_1516] {strides = array<i32>} : memref<64x128xf32, #tpu.memory_space<vmem>>, vector<1x16xf32>,
        %get3A_1518 = vector.shape_cast %get3A_1517 : vector<1x16xf32> to vector<16xf32>
        %mul3A_1519 = vector.broadcast %squeeze3A_1477 : f32 to vector<16xf32>
        %mul3A_1520 = arith.mulf %get3A_1518, %mul3A_1519 : vector<16xf32>
        %swap3A_1521 = arith.index_cast %add3A_1481 : i32 to index
        %swap3A_1522 = arith.constant 48 : index
        %swap3A_1523 = tpu.vector_load %arg16[%swap3A_1521, %swap3A_1522] {strides = array<i32>} : memref<64x128xf32, #tpu.memory_space<vmem>>, vector<1x16xf32>,
        %swap3A_1524 = vector.shape_cast %swap3A_1523 : vector<1x16xf32> to vector<16xf32>
        %swap3A_1525 = vector.shape_cast %mul3A_1520 : vector<16xf32> to vector<1x16xf32>
        tpu.vector_store %arg16[%swap3A_1521, %swap3A_1522], %swap3A_1525 {strides = array<i32>} : memref<64x128xf32, #tpu.memory_space<vmem>>, vector<1x16xf32>,
        %get3A_1526 = arith.index_cast %add3A_1481 : i32 to index
        %get3A_1527 = arith.constant 64 : index
        %get3A_1528 = tpu.vector_load %arg16[%get3A_1526, %get3A_1527] {strides = array<i32>} : memref<64x128xf32, #tpu.memory_space<vmem>>, vector<1x16xf32>,
        %get3A_1529 = vector.shape_cast %get3A_1528 : vector<1x16xf32> to vector<16xf32>
        %mul3A_1530 = vector.broadcast %squeeze3A_1477 : f32 to vector<16xf32>
        %mul3A_1531 = arith.mulf %get3A_1529, %mul3A_1530 : vector<16xf32>
        %swap3A_1532 = arith.index_cast %add3A_1481 : i32 to index
        %swap3A_1533 = arith.constant 64 : index
        %swap3A_1534 = tpu.vector_load %arg16[%swap3A_1532, %swap3A_1533] {strides = array<i32>} : memref<64x128xf32, #tpu.memory_space<vmem>>, vector<1x16xf32>,
        %swap3A_1535 = vector.shape_cast %swap3A_1534 : vector<1x16xf32> to vector<16xf32>
        %swap3A_1536 = vector.shape_cast %mul3A_1531 : vector<16xf32> to vector<1x16xf32>
        tpu.vector_store %arg16[%swap3A_1532, %swap3A_1533], %swap3A_1536 {strides = array<i32>} : memref<64x128xf32, #tpu.memory_space<vmem>>, vector<1x16xf32>,
        %get3A_1537 = arith.index_cast %add3A_1481 : i32 to index
        %get3A_1538 = arith.constant 80 : index
        %get3A_1539 = tpu.vector_load %arg16[%get3A_1537, %get3A_1538] {strides = array<i32>} : memref<64x128xf32, #tpu.memory_space<vmem>>, vector<1x16xf32>,
        %get3A_1540 = vector.shape_cast %get3A_1539 : vector<1x16xf32> to vector<16xf32>
        %mul3A_1541 = vector.broadcast %squeeze3A_1477 : f32 to vector<16xf32>
        %mul3A_1542 = arith.mulf %get3A_1540, %mul3A_1541 : vector<16xf32>
        %swap3A_1543 = arith.index_cast %add3A_1481 : i32 to index
        %swap3A_1544 = arith.constant 80 : index
        %swap3A_1545 = tpu.vector_load %arg16[%swap3A_1543, %swap3A_1544] {strides = array<i32>} : memref<64x128xf32, #tpu.memory_space<vmem>>, vector<1x16xf32>,
        %swap3A_1546 = vector.shape_cast %swap3A_1545 : vector<1x16xf32> to vector<16xf32>
        %swap3A_1547 = vector.shape_cast %mul3A_1542 : vector<16xf32> to vector<1x16xf32>
        tpu.vector_store %arg16[%swap3A_1543, %swap3A_1544], %swap3A_1547 {strides = array<i32>} : memref<64x128xf32, #tpu.memory_space<vmem>>, vector<1x16xf32>,
        %get3A_1548 = arith.index_cast %add3A_1481 : i32 to index
        %get3A_1549 = arith.constant 96 : index
        %get3A_1550 = tpu.vector_load %arg16[%get3A_1548, %get3A_1549] {strides = array<i32>} : memref<64x128xf32, #tpu.memory_space<vmem>>, vector<1x16xf32>,
        %get3A_1551 = vector.shape_cast %get3A_1550 : vector<1x16xf32> to vector<16xf32>
        %mul3A_1552 = vector.broadcast %squeeze3A_1477 : f32 to vector<16xf32>
        %mul3A_1553 = arith.mulf %get3A_1551, %mul3A_1552 : vector<16xf32>
        %swap3A_1554 = arith.index_cast %add3A_1481 : i32 to index
        %swap3A_1555 = arith.constant 96 : index
        %swap3A_1556 = tpu.vector_load %arg16[%swap3A_1554, %swap3A_1555] {strides = array<i32>} : memref<64x128xf32, #tpu.memory_space<vmem>>, vector<1x16xf32>,
        %swap3A_1557 = vector.shape_cast %swap3A_1556 : vector<1x16xf32> to vector<16xf32>
        %swap3A_1558 = vector.shape_cast %mul3A_1553 : vector<16xf32> to vector<1x16xf32>
        tpu.vector_store %arg16[%swap3A_1554, %swap3A_1555], %swap3A_1558 {strides = array<i32>} : memref<64x128xf32, #tpu.memory_space<vmem>>, vector<1x16xf32>,
        %get3A_1559 = arith.index_cast %add3A_1481 : i32 to index
        %get3A_1560 = arith.constant 112 : index
        %get3A_1561 = tpu.vector_load %arg16[%get3A_1559, %get3A_1560] {strides = array<i32>} : memref<64x128xf32, #tpu.memory_space<vmem>>, vector<1x16xf32>,
        %get3A_1562 = vector.shape_cast %get3A_1561 : vector<1x16xf32> to vector<16xf32>
        %mul3A_1563 = vector.broadcast %squeeze3A_1477 : f32 to vector<16xf32>
        %mul3A_1564 = arith.mulf %get3A_1562, %mul3A_1563 : vector<16xf32>
        %swap3A_1565 = arith.index_cast %add3A_1481 : i32 to index
        %swap3A_1566 = arith.constant 112 : index
        %swap3A_1567 = tpu.vector_load %arg16[%swap3A_1565, %swap3A_1566] {strides = array<i32>} : memref<64x128xf32, #tpu.memory_space<vmem>>, vector<1x16xf32>,
        %swap3A_1568 = vector.shape_cast %swap3A_1567 : vector<1x16xf32> to vector<16xf32>
        %swap3A_1569 = vector.shape_cast %mul3A_1564 : vector<16xf32> to vector<1x16xf32>
        tpu.vector_store %arg16[%swap3A_1565, %swap3A_1566], %swap3A_1569 {strides = array<i32>} : memref<64x128xf32, #tpu.memory_space<vmem>>, vector<1x16xf32>,
        %slice3A_1570 = vector.extract_strided_slice %get3A_1005 {offsets = [6], sizes = [1], strides = [1]} : vector<16xf32> to vector<1xf32>
        %squeeze3A_1571 = vector.extract %slice3A_1570[0] : f32 from vector<1xf32>
        %mul3A_1572 = arith.constant 16 : i32
        %mul3A_1573 = arith.muli %scan3A_998, %mul3A_1572 : i32
        %add3A_1574 = arith.constant 6 : i32
        %add3A_1575 = arith.addi %mul3A_1573, %add3A_1574 : i32
        %get3A_1576 = arith.index_cast %add3A_1575 : i32 to index
        %get3A_1577 = arith.constant 0 : index
        %get3A_1578 = tpu.vector_load %arg16[%get3A_1576, %get3A_1577] {strides = array<i32>} : memref<64x128xf32, #tpu.memory_space<vmem>>, vector<1x16xf32>,
        %get3A_1579 = vector.shape_cast %get3A_1578 : vector<1x16xf32> to vector<16xf32>
        %mul3A_1580 = vector.broadcast %squeeze3A_1571 : f32 to vector<16xf32>
        %mul3A_1581 = arith.mulf %get3A_1579, %mul3A_1580 : vector<16xf32>
        %swap3A_1582 = arith.index_cast %add3A_1575 : i32 to index
        %swap3A_1583 = arith.constant 0 : index
        %swap3A_1584 = tpu.vector_load %arg16[%swap3A_1582, %swap3A_1583] {strides = array<i32>} : memref<64x128xf32, #tpu.memory_space<vmem>>, vector<1x16xf32>,
        %swap3A_1585 = vector.shape_cast %swap3A_1584 : vector<1x16xf32> to vector<16xf32>
        %swap3A_1586 = vector.shape_cast %mul3A_1581 : vector<16xf32> to vector<1x16xf32>
        tpu.vector_store %arg16[%swap3A_1582, %swap3A_1583], %swap3A_1586 {strides = array<i32>} : memref<64x128xf32, #tpu.memory_space<vmem>>, vector<1x16xf32>,
        %get3A_1587 = arith.index_cast %add3A_1575 : i32 to index
        %get3A_1588 = arith.constant 16 : index
        %get3A_1589 = tpu.vector_load %arg16[%get3A_1587, %get3A_1588] {strides = array<i32>} : memref<64x128xf32, #tpu.memory_space<vmem>>, vector<1x16xf32>,
        %get3A_1590 = vector.shape_cast %get3A_1589 : vector<1x16xf32> to vector<16xf32>
        %mul3A_1591 = vector.broadcast %squeeze3A_1571 : f32 to vector<16xf32>
        %mul3A_1592 = arith.mulf %get3A_1590, %mul3A_1591 : vector<16xf32>
        %swap3A_1593 = arith.index_cast %add3A_1575 : i32 to index
        %swap3A_1594 = arith.constant 16 : index
        %swap3A_1595 = tpu.vector_load %arg16[%swap3A_1593, %swap3A_1594] {strides = array<i32>} : memref<64x128xf32, #tpu.memory_space<vmem>>, vector<1x16xf32>,
        %swap3A_1596 = vector.shape_cast %swap3A_1595 : vector<1x16xf32> to vector<16xf32>
        %swap3A_1597 = vector.shape_cast %mul3A_1592 : vector<16xf32> to vector<1x16xf32>
        tpu.vector_store %arg16[%swap3A_1593, %swap3A_1594], %swap3A_1597 {strides = array<i32>} : memref<64x128xf32, #tpu.memory_space<vmem>>, vector<1x16xf32>,
        %get3A_1598 = arith.index_cast %add3A_1575 : i32 to index
        %get3A_1599 = arith.constant 32 : index
        %get3A_1600 = tpu.vector_load %arg16[%get3A_1598, %get3A_1599] {strides = array<i32>} : memref<64x128xf32, #tpu.memory_space<vmem>>, vector<1x16xf32>,
        %get3A_1601 = vector.shape_cast %get3A_1600 : vector<1x16xf32> to vector<16xf32>
        %mul3A_1602 = vector.broadcast %squeeze3A_1571 : f32 to vector<16xf32>
        %mul3A_1603 = arith.mulf %get3A_1601, %mul3A_1602 : vector<16xf32>
        %swap3A_1604 = arith.index_cast %add3A_1575 : i32 to index
        %swap3A_1605 = arith.constant 32 : index
        %swap3A_1606 = tpu.vector_load %arg16[%swap3A_1604, %swap3A_1605] {strides = array<i32>} : memref<64x128xf32, #tpu.memory_space<vmem>>, vector<1x16xf32>,
        %swap3A_1607 = vector.shape_cast %swap3A_1606 : vector<1x16xf32> to vector<16xf32>
        %swap3A_1608 = vector.shape_cast %mul3A_1603 : vector<16xf32> to vector<1x16xf32>
        tpu.vector_store %arg16[%swap3A_1604, %swap3A_1605], %swap3A_1608 {strides = array<i32>} : memref<64x128xf32, #tpu.memory_space<vmem>>, vector<1x16xf32>,
        %get3A_1609 = arith.index_cast %add3A_1575 : i32 to index
        %get3A_1610 = arith.constant 48 : index
        %get3A_1611 = tpu.vector_load %arg16[%get3A_1609, %get3A_1610] {strides = array<i32>} : memref<64x128xf32, #tpu.memory_space<vmem>>, vector<1x16xf32>,
        %get3A_1612 = vector.shape_cast %get3A_1611 : vector<1x16xf32> to vector<16xf32>
        %mul3A_1613 = vector.broadcast %squeeze3A_1571 : f32 to vector<16xf32>
        %mul3A_1614 = arith.mulf %get3A_1612, %mul3A_1613 : vector<16xf32>
        %swap3A_1615 = arith.index_cast %add3A_1575 : i32 to index
        %swap3A_1616 = arith.constant 48 : index
        %swap3A_1617 = tpu.vector_load %arg16[%swap3A_1615, %swap3A_1616] {strides = array<i32>} : memref<64x128xf32, #tpu.memory_space<vmem>>, vector<1x16xf32>,
        %swap3A_1618 = vector.shape_cast %swap3A_1617 : vector<1x16xf32> to vector<16xf32>
        %swap3A_1619 = vector.shape_cast %mul3A_1614 : vector<16xf32> to vector<1x16xf32>
        tpu.vector_store %arg16[%swap3A_1615, %swap3A_1616], %swap3A_1619 {strides = array<i32>} : memref<64x128xf32, #tpu.memory_space<vmem>>, vector<1x16xf32>,
        %get3A_1620 = arith.index_cast %add3A_1575 : i32 to index
        %get3A_1621 = arith.constant 64 : index
        %get3A_1622 = tpu.vector_load %arg16[%get3A_1620, %get3A_1621] {strides = array<i32>} : memref<64x128xf32, #tpu.memory_space<vmem>>, vector<1x16xf32>,
        %get3A_1623 = vector.shape_cast %get3A_1622 : vector<1x16xf32> to vector<16xf32>
        %mul3A_1624 = vector.broadcast %squeeze3A_1571 : f32 to vector<16xf32>
        %mul3A_1625 = arith.mulf %get3A_1623, %mul3A_1624 : vector<16xf32>
        %swap3A_1626 = arith.index_cast %add3A_1575 : i32 to index
        %swap3A_1627 = arith.constant 64 : index
        %swap3A_1628 = tpu.vector_load %arg16[%swap3A_1626, %swap3A_1627] {strides = array<i32>} : memref<64x128xf32, #tpu.memory_space<vmem>>, vector<1x16xf32>,
        %swap3A_1629 = vector.shape_cast %swap3A_1628 : vector<1x16xf32> to vector<16xf32>
        %swap3A_1630 = vector.shape_cast %mul3A_1625 : vector<16xf32> to vector<1x16xf32>
        tpu.vector_store %arg16[%swap3A_1626, %swap3A_1627], %swap3A_1630 {strides = array<i32>} : memref<64x128xf32, #tpu.memory_space<vmem>>, vector<1x16xf32>,
        %get3A_1631 = arith.index_cast %add3A_1575 : i32 to index
        %get3A_1632 = arith.constant 80 : index
        %get3A_1633 = tpu.vector_load %arg16[%get3A_1631, %get3A_1632] {strides = array<i32>} : memref<64x128xf32, #tpu.memory_space<vmem>>, vector<1x16xf32>,
        %get3A_1634 = vector.shape_cast %get3A_1633 : vector<1x16xf32> to vector<16xf32>
        %mul3A_1635 = vector.broadcast %squeeze3A_1571 : f32 to vector<16xf32>
        %mul3A_1636 = arith.mulf %get3A_1634, %mul3A_1635 : vector<16xf32>
        %swap3A_1637 = arith.index_cast %add3A_1575 : i32 to index
        %swap3A_1638 = arith.constant 80 : index
        %swap3A_1639 = tpu.vector_load %arg16[%swap3A_1637, %swap3A_1638] {strides = array<i32>} : memref<64x128xf32, #tpu.memory_space<vmem>>, vector<1x16xf32>,
        %swap3A_1640 = vector.shape_cast %swap3A_1639 : vector<1x16xf32> to vector<16xf32>
        %swap3A_1641 = vector.shape_cast %mul3A_1636 : vector<16xf32> to vector<1x16xf32>
        tpu.vector_store %arg16[%swap3A_1637, %swap3A_1638], %swap3A_1641 {strides = array<i32>} : memref<64x128xf32, #tpu.memory_space<vmem>>, vector<1x16xf32>,
        %get3A_1642 = arith.index_cast %add3A_1575 : i32 to index
        %get3A_1643 = arith.constant 96 : index
        %get3A_1644 = tpu.vector_load %arg16[%get3A_1642, %get3A_1643] {strides = array<i32>} : memref<64x128xf32, #tpu.memory_space<vmem>>, vector<1x16xf32>,
        %get3A_1645 = vector.shape_cast %get3A_1644 : vector<1x16xf32> to vector<16xf32>
        %mul3A_1646 = vector.broadcast %squeeze3A_1571 : f32 to vector<16xf32>
        %mul3A_1647 = arith.mulf %get3A_1645, %mul3A_1646 : vector<16xf32>
        %swap3A_1648 = arith.index_cast %add3A_1575 : i32 to index
        %swap3A_1649 = arith.constant 96 : index
        %swap3A_1650 = tpu.vector_load %arg16[%swap3A_1648, %swap3A_1649] {strides = array<i32>} : memref<64x128xf32, #tpu.memory_space<vmem>>, vector<1x16xf32>,
        %swap3A_1651 = vector.shape_cast %swap3A_1650 : vector<1x16xf32> to vector<16xf32>
        %swap3A_1652 = vector.shape_cast %mul3A_1647 : vector<16xf32> to vector<1x16xf32>
        tpu.vector_store %arg16[%swap3A_1648, %swap3A_1649], %swap3A_1652 {strides = array<i32>} : memref<64x128xf32, #tpu.memory_space<vmem>>, vector<1x16xf32>,
        %get3A_1653 = arith.index_cast %add3A_1575 : i32 to index
        %get3A_1654 = arith.constant 112 : index
        %get3A_1655 = tpu.vector_load %arg16[%get3A_1653, %get3A_1654] {strides = array<i32>} : memref<64x128xf32, #tpu.memory_space<vmem>>, vector<1x16xf32>,
        %get3A_1656 = vector.shape_cast %get3A_1655 : vector<1x16xf32> to vector<16xf32>
        %mul3A_1657 = vector.broadcast %squeeze3A_1571 : f32 to vector<16xf32>
        %mul3A_1658 = arith.mulf %get3A_1656, %mul3A_1657 : vector<16xf32>
        %swap3A_1659 = arith.index_cast %add3A_1575 : i32 to index
        %swap3A_1660 = arith.constant 112 : index
        %swap3A_1661 = tpu.vector_load %arg16[%swap3A_1659, %swap3A_1660] {strides = array<i32>} : memref<64x128xf32, #tpu.memory_space<vmem>>, vector<1x16xf32>,
        %swap3A_1662 = vector.shape_cast %swap3A_1661 : vector<1x16xf32> to vector<16xf32>
        %swap3A_1663 = vector.shape_cast %mul3A_1658 : vector<16xf32> to vector<1x16xf32>
        tpu.vector_store %arg16[%swap3A_1659, %swap3A_1660], %swap3A_1663 {strides = array<i32>} : memref<64x128xf32, #tpu.memory_space<vmem>>, vector<1x16xf32>,
        %slice3A_1664 = vector.extract_strided_slice %get3A_1005 {offsets = [7], sizes = [1], strides = [1]} : vector<16xf32> to vector<1xf32>
        %squeeze3A_1665 = vector.extract %slice3A_1664[0] : f32 from vector<1xf32>
        %mul3A_1666 = arith.constant 16 : i32
        %mul3A_1667 = arith.muli %scan3A_998, %mul3A_1666 : i32
        %add3A_1668 = arith.constant 7 : i32
        %add3A_1669 = arith.addi %mul3A_1667, %add3A_1668 : i32
        %get3A_1670 = arith.index_cast %add3A_1669 : i32 to index
        %get3A_1671 = arith.constant 0 : index
        %get3A_1672 = tpu.vector_load %arg16[%get3A_1670, %get3A_1671] {strides = array<i32>} : memref<64x128xf32, #tpu.memory_space<vmem>>, vector<1x16xf32>,
        %get3A_1673 = vector.shape_cast %get3A_1672 : vector<1x16xf32> to vector<16xf32>
        %mul3A_1674 = vector.broadcast %squeeze3A_1665 : f32 to vector<16xf32>
        %mul3A_1675 = arith.mulf %get3A_1673, %mul3A_1674 : vector<16xf32>
        %swap3A_1676 = arith.index_cast %add3A_1669 : i32 to index
        %swap3A_1677 = arith.constant 0 : index
        %swap3A_1678 = tpu.vector_load %arg16[%swap3A_1676, %swap3A_1677] {strides = array<i32>} : memref<64x128xf32, #tpu.memory_space<vmem>>, vector<1x16xf32>,
        %swap3A_1679 = vector.shape_cast %swap3A_1678 : vector<1x16xf32> to vector<16xf32>
        %swap3A_1680 = vector.shape_cast %mul3A_1675 : vector<16xf32> to vector<1x16xf32>
        tpu.vector_store %arg16[%swap3A_1676, %swap3A_1677], %swap3A_1680 {strides = array<i32>} : memref<64x128xf32, #tpu.memory_space<vmem>>, vector<1x16xf32>,
        %get3A_1681 = arith.index_cast %add3A_1669 : i32 to index
        %get3A_1682 = arith.constant 16 : index
        %get3A_1683 = tpu.vector_load %arg16[%get3A_1681, %get3A_1682] {strides = array<i32>} : memref<64x128xf32, #tpu.memory_space<vmem>>, vector<1x16xf32>,
        %get3A_1684 = vector.shape_cast %get3A_1683 : vector<1x16xf32> to vector<16xf32>
        %mul3A_1685 = vector.broadcast %squeeze3A_1665 : f32 to vector<16xf32>
        %mul3A_1686 = arith.mulf %get3A_1684, %mul3A_1685 : vector<16xf32>
        %swap3A_1687 = arith.index_cast %add3A_1669 : i32 to index
        %swap3A_1688 = arith.constant 16 : index
        %swap3A_1689 = tpu.vector_load %arg16[%swap3A_1687, %swap3A_1688] {strides = array<i32>} : memref<64x128xf32, #tpu.memory_space<vmem>>, vector<1x16xf32>,
        %swap3A_1690 = vector.shape_cast %swap3A_1689 : vector<1x16xf32> to vector<16xf32>
        %swap3A_1691 = vector.shape_cast %mul3A_1686 : vector<16xf32> to vector<1x16xf32>
        tpu.vector_store %arg16[%swap3A_1687, %swap3A_1688], %swap3A_1691 {strides = array<i32>} : memref<64x128xf32, #tpu.memory_space<vmem>>, vector<1x16xf32>,
        %get3A_1692 = arith.index_cast %add3A_1669 : i32 to index
        %get3A_1693 = arith.constant 32 : index
        %get3A_1694 = tpu.vector_load %arg16[%get3A_1692, %get3A_1693] {strides = array<i32>} : memref<64x128xf32, #tpu.memory_space<vmem>>, vector<1x16xf32>,
        %get3A_1695 = vector.shape_cast %get3A_1694 : vector<1x16xf32> to vector<16xf32>
        %mul3A_1696 = vector.broadcast %squeeze3A_1665 : f32 to vector<16xf32>
        %mul3A_1697 = arith.mulf %get3A_1695, %mul3A_1696 : vector<16xf32>
        %swap3A_1698 = arith.index_cast %add3A_1669 : i32 to index
        %swap3A_1699 = arith.constant 32 : index
        %swap3A_1700 = tpu.vector_load %arg16[%swap3A_1698, %swap3A_1699] {strides = array<i32>} : memref<64x128xf32, #tpu.memory_space<vmem>>, vector<1x16xf32>,
        %swap3A_1701 = vector.shape_cast %swap3A_1700 : vector<1x16xf32> to vector<16xf32>
        %swap3A_1702 = vector.shape_cast %mul3A_1697 : vector<16xf32> to vector<1x16xf32>
        tpu.vector_store %arg16[%swap3A_1698, %swap3A_1699], %swap3A_1702 {strides = array<i32>} : memref<64x128xf32, #tpu.memory_space<vmem>>, vector<1x16xf32>,
        %get3A_1703 = arith.index_cast %add3A_1669 : i32 to index
        %get3A_1704 = arith.constant 48 : index
        %get3A_1705 = tpu.vector_load %arg16[%get3A_1703, %get3A_1704] {strides = array<i32>} : memref<64x128xf32, #tpu.memory_space<vmem>>, vector<1x16xf32>,
        %get3A_1706 = vector.shape_cast %get3A_1705 : vector<1x16xf32> to vector<16xf32>
        %mul3A_1707 = vector.broadcast %squeeze3A_1665 : f32 to vector<16xf32>
        %mul3A_1708 = arith.mulf %get3A_1706, %mul3A_1707 : vector<16xf32>
        %swap3A_1709 = arith.index_cast %add3A_1669 : i32 to index
        %swap3A_1710 = arith.constant 48 : index
        %swap3A_1711 = tpu.vector_load %arg16[%swap3A_1709, %swap3A_1710] {strides = array<i32>} : memref<64x128xf32, #tpu.memory_space<vmem>>, vector<1x16xf32>,
        %swap3A_1712 = vector.shape_cast %swap3A_1711 : vector<1x16xf32> to vector<16xf32>
        %swap3A_1713 = vector.shape_cast %mul3A_1708 : vector<16xf32> to vector<1x16xf32>
        tpu.vector_store %arg16[%swap3A_1709, %swap3A_1710], %swap3A_1713 {strides = array<i32>} : memref<64x128xf32, #tpu.memory_space<vmem>>, vector<1x16xf32>,
        %get3A_1714 = arith.index_cast %add3A_1669 : i32 to index
        %get3A_1715 = arith.constant 64 : index
        %get3A_1716 = tpu.vector_load %arg16[%get3A_1714, %get3A_1715] {strides = array<i32>} : memref<64x128xf32, #tpu.memory_space<vmem>>, vector<1x16xf32>,
        %get3A_1717 = vector.shape_cast %get3A_1716 : vector<1x16xf32> to vector<16xf32>
        %mul3A_1718 = vector.broadcast %squeeze3A_1665 : f32 to vector<16xf32>
        %mul3A_1719 = arith.mulf %get3A_1717, %mul3A_1718 : vector<16xf32>
        %swap3A_1720 = arith.index_cast %add3A_1669 : i32 to index
        %swap3A_1721 = arith.constant 64 : index
        %swap3A_1722 = tpu.vector_load %arg16[%swap3A_1720, %swap3A_1721] {strides = array<i32>} : memref<64x128xf32, #tpu.memory_space<vmem>>, vector<1x16xf32>,
        %swap3A_1723 = vector.shape_cast %swap3A_1722 : vector<1x16xf32> to vector<16xf32>
        %swap3A_1724 = vector.shape_cast %mul3A_1719 : vector<16xf32> to vector<1x16xf32>
        tpu.vector_store %arg16[%swap3A_1720, %swap3A_1721], %swap3A_1724 {strides = array<i32>} : memref<64x128xf32, #tpu.memory_space<vmem>>, vector<1x16xf32>,
        %get3A_1725 = arith.index_cast %add3A_1669 : i32 to index
        %get3A_1726 = arith.constant 80 : index
        %get3A_1727 = tpu.vector_load %arg16[%get3A_1725, %get3A_1726] {strides = array<i32>} : memref<64x128xf32, #tpu.memory_space<vmem>>, vector<1x16xf32>,
        %get3A_1728 = vector.shape_cast %get3A_1727 : vector<1x16xf32> to vector<16xf32>
        %mul3A_1729 = vector.broadcast %squeeze3A_1665 : f32 to vector<16xf32>
        %mul3A_1730 = arith.mulf %get3A_1728, %mul3A_1729 : vector<16xf32>
        %swap3A_1731 = arith.index_cast %add3A_1669 : i32 to index
        %swap3A_1732 = arith.constant 80 : index
        %swap3A_1733 = tpu.vector_load %arg16[%swap3A_1731, %swap3A_1732] {strides = array<i32>} : memref<64x128xf32, #tpu.memory_space<vmem>>, vector<1x16xf32>,
        %swap3A_1734 = vector.shape_cast %swap3A_1733 : vector<1x16xf32> to vector<16xf32>
        %swap3A_1735 = vector.shape_cast %mul3A_1730 : vector<16xf32> to vector<1x16xf32>
        tpu.vector_store %arg16[%swap3A_1731, %swap3A_1732], %swap3A_1735 {strides = array<i32>} : memref<64x128xf32, #tpu.memory_space<vmem>>, vector<1x16xf32>,
        %get3A_1736 = arith.index_cast %add3A_1669 : i32 to index
        %get3A_1737 = arith.constant 96 : index
        %get3A_1738 = tpu.vector_load %arg16[%get3A_1736, %get3A_1737] {strides = array<i32>} : memref<64x128xf32, #tpu.memory_space<vmem>>, vector<1x16xf32>,
        %get3A_1739 = vector.shape_cast %get3A_1738 : vector<1x16xf32> to vector<16xf32>
        %mul3A_1740 = vector.broadcast %squeeze3A_1665 : f32 to vector<16xf32>
        %mul3A_1741 = arith.mulf %get3A_1739, %mul3A_1740 : vector<16xf32>
        %swap3A_1742 = arith.index_cast %add3A_1669 : i32 to index
        %swap3A_1743 = arith.constant 96 : index
        %swap3A_1744 = tpu.vector_load %arg16[%swap3A_1742, %swap3A_1743] {strides = array<i32>} : memref<64x128xf32, #tpu.memory_space<vmem>>, vector<1x16xf32>,
        %swap3A_1745 = vector.shape_cast %swap3A_1744 : vector<1x16xf32> to vector<16xf32>
        %swap3A_1746 = vector.shape_cast %mul3A_1741 : vector<16xf32> to vector<1x16xf32>
        tpu.vector_store %arg16[%swap3A_1742, %swap3A_1743], %swap3A_1746 {strides = array<i32>} : memref<64x128xf32, #tpu.memory_space<vmem>>, vector<1x16xf32>,
        %get3A_1747 = arith.index_cast %add3A_1669 : i32 to index
        %get3A_1748 = arith.constant 112 : index
        %get3A_1749 = tpu.vector_load %arg16[%get3A_1747, %get3A_1748] {strides = array<i32>} : memref<64x128xf32, #tpu.memory_space<vmem>>, vector<1x16xf32>,
        %get3A_1750 = vector.shape_cast %get3A_1749 : vector<1x16xf32> to vector<16xf32>
        %mul3A_1751 = vector.broadcast %squeeze3A_1665 : f32 to vector<16xf32>
        %mul3A_1752 = arith.mulf %get3A_1750, %mul3A_1751 : vector<16xf32>
        %swap3A_1753 = arith.index_cast %add3A_1669 : i32 to index
        %swap3A_1754 = arith.constant 112 : index
        %swap3A_1755 = tpu.vector_load %arg16[%swap3A_1753, %swap3A_1754] {strides = array<i32>} : memref<64x128xf32, #tpu.memory_space<vmem>>, vector<1x16xf32>,
        %swap3A_1756 = vector.shape_cast %swap3A_1755 : vector<1x16xf32> to vector<16xf32>
        %swap3A_1757 = vector.shape_cast %mul3A_1752 : vector<16xf32> to vector<1x16xf32>
        tpu.vector_store %arg16[%swap3A_1753, %swap3A_1754], %swap3A_1757 {strides = array<i32>} : memref<64x128xf32, #tpu.memory_space<vmem>>, vector<1x16xf32>,
        %slice3A_1758 = vector.extract_strided_slice %get3A_1005 {offsets = [8], sizes = [1], strides = [1]} : vector<16xf32> to vector<1xf32>
        %squeeze3A_1759 = vector.extract %slice3A_1758[0] : f32 from vector<1xf32>
        %mul3A_1760 = arith.constant 16 : i32
        %mul3A_1761 = arith.muli %scan3A_998, %mul3A_1760 : i32
        %add3A_1762 = arith.constant 8 : i32
        %add3A_1763 = arith.addi %mul3A_1761, %add3A_1762 : i32
        %get3A_1764 = arith.index_cast %add3A_1763 : i32 to index
        %get3A_1765 = arith.constant 0 : index
        %get3A_1766 = tpu.vector_load %arg16[%get3A_1764, %get3A_1765] {strides = array<i32>} : memref<64x128xf32, #tpu.memory_space<vmem>>, vector<1x16xf32>,
        %get3A_1767 = vector.shape_cast %get3A_1766 : vector<1x16xf32> to vector<16xf32>
        %mul3A_1768 = vector.broadcast %squeeze3A_1759 : f32 to vector<16xf32>
        %mul3A_1769 = arith.mulf %get3A_1767, %mul3A_1768 : vector<16xf32>
        %swap3A_1770 = arith.index_cast %add3A_1763 : i32 to index
        %swap3A_1771 = arith.constant 0 : index
        %swap3A_1772 = tpu.vector_load %arg16[%swap3A_1770, %swap3A_1771] {strides = array<i32>} : memref<64x128xf32, #tpu.memory_space<vmem>>, vector<1x16xf32>,
        %swap3A_1773 = vector.shape_cast %swap3A_1772 : vector<1x16xf32> to vector<16xf32>
        %swap3A_1774 = vector.shape_cast %mul3A_1769 : vector<16xf32> to vector<1x16xf32>
        tpu.vector_store %arg16[%swap3A_1770, %swap3A_1771], %swap3A_1774 {strides = array<i32>} : memref<64x128xf32, #tpu.memory_space<vmem>>, vector<1x16xf32>,
        %get3A_1775 = arith.index_cast %add3A_1763 : i32 to index
        %get3A_1776 = arith.constant 16 : index
        %get3A_1777 = tpu.vector_load %arg16[%get3A_1775, %get3A_1776] {strides = array<i32>} : memref<64x128xf32, #tpu.memory_space<vmem>>, vector<1x16xf32>,
        %get3A_1778 = vector.shape_cast %get3A_1777 : vector<1x16xf32> to vector<16xf32>
        %mul3A_1779 = vector.broadcast %squeeze3A_1759 : f32 to vector<16xf32>
        %mul3A_1780 = arith.mulf %get3A_1778, %mul3A_1779 : vector<16xf32>
        %swap3A_1781 = arith.index_cast %add3A_1763 : i32 to index
        %swap3A_1782 = arith.constant 16 : index
        %swap3A_1783 = tpu.vector_load %arg16[%swap3A_1781, %swap3A_1782] {strides = array<i32>} : memref<64x128xf32, #tpu.memory_space<vmem>>, vector<1x16xf32>,
        %swap3A_1784 = vector.shape_cast %swap3A_1783 : vector<1x16xf32> to vector<16xf32>
        %swap3A_1785 = vector.shape_cast %mul3A_1780 : vector<16xf32> to vector<1x16xf32>
        tpu.vector_store %arg16[%swap3A_1781, %swap3A_1782], %swap3A_1785 {strides = array<i32>} : memref<64x128xf32, #tpu.memory_space<vmem>>, vector<1x16xf32>,
        %get3A_1786 = arith.index_cast %add3A_1763 : i32 to index
        %get3A_1787 = arith.constant 32 : index
        %get3A_1788 = tpu.vector_load %arg16[%get3A_1786, %get3A_1787] {strides = array<i32>} : memref<64x128xf32, #tpu.memory_space<vmem>>, vector<1x16xf32>,
        %get3A_1789 = vector.shape_cast %get3A_1788 : vector<1x16xf32> to vector<16xf32>
        %mul3A_1790 = vector.broadcast %squeeze3A_1759 : f32 to vector<16xf32>
        %mul3A_1791 = arith.mulf %get3A_1789, %mul3A_1790 : vector<16xf32>
        %swap3A_1792 = arith.index_cast %add3A_1763 : i32 to index
        %swap3A_1793 = arith.constant 32 : index
        %swap3A_1794 = tpu.vector_load %arg16[%swap3A_1792, %swap3A_1793] {strides = array<i32>} : memref<64x128xf32, #tpu.memory_space<vmem>>, vector<1x16xf32>,
        %swap3A_1795 = vector.shape_cast %swap3A_1794 : vector<1x16xf32> to vector<16xf32>
        %swap3A_1796 = vector.shape_cast %mul3A_1791 : vector<16xf32> to vector<1x16xf32>
        tpu.vector_store %arg16[%swap3A_1792, %swap3A_1793], %swap3A_1796 {strides = array<i32>} : memref<64x128xf32, #tpu.memory_space<vmem>>, vector<1x16xf32>,
        %get3A_1797 = arith.index_cast %add3A_1763 : i32 to index
        %get3A_1798 = arith.constant 48 : index
        %get3A_1799 = tpu.vector_load %arg16[%get3A_1797, %get3A_1798] {strides = array<i32>} : memref<64x128xf32, #tpu.memory_space<vmem>>, vector<1x16xf32>,
        %get3A_1800 = vector.shape_cast %get3A_1799 : vector<1x16xf32> to vector<16xf32>
        %mul3A_1801 = vector.broadcast %squeeze3A_1759 : f32 to vector<16xf32>
        %mul3A_1802 = arith.mulf %get3A_1800, %mul3A_1801 : vector<16xf32>
        %swap3A_1803 = arith.index_cast %add3A_1763 : i32 to index
        %swap3A_1804 = arith.constant 48 : index
        %swap3A_1805 = tpu.vector_load %arg16[%swap3A_1803, %swap3A_1804] {strides = array<i32>} : memref<64x128xf32, #tpu.memory_space<vmem>>, vector<1x16xf32>,
        %swap3A_1806 = vector.shape_cast %swap3A_1805 : vector<1x16xf32> to vector<16xf32>
        %swap3A_1807 = vector.shape_cast %mul3A_1802 : vector<16xf32> to vector<1x16xf32>
        tpu.vector_store %arg16[%swap3A_1803, %swap3A_1804], %swap3A_1807 {strides = array<i32>} : memref<64x128xf32, #tpu.memory_space<vmem>>, vector<1x16xf32>,
        %get3A_1808 = arith.index_cast %add3A_1763 : i32 to index
        %get3A_1809 = arith.constant 64 : index
        %get3A_1810 = tpu.vector_load %arg16[%get3A_1808, %get3A_1809] {strides = array<i32>} : memref<64x128xf32, #tpu.memory_space<vmem>>, vector<1x16xf32>,
        %get3A_1811 = vector.shape_cast %get3A_1810 : vector<1x16xf32> to vector<16xf32>
        %mul3A_1812 = vector.broadcast %squeeze3A_1759 : f32 to vector<16xf32>
        %mul3A_1813 = arith.mulf %get3A_1811, %mul3A_1812 : vector<16xf32>
        %swap3A_1814 = arith.index_cast %add3A_1763 : i32 to index
        %swap3A_1815 = arith.constant 64 : index
        %swap3A_1816 = tpu.vector_load %arg16[%swap3A_1814, %swap3A_1815] {strides = array<i32>} : memref<64x128xf32, #tpu.memory_space<vmem>>, vector<1x16xf32>,
        %swap3A_1817 = vector.shape_cast %swap3A_1816 : vector<1x16xf32> to vector<16xf32>
        %swap3A_1818 = vector.shape_cast %mul3A_1813 : vector<16xf32> to vector<1x16xf32>
        tpu.vector_store %arg16[%swap3A_1814, %swap3A_1815], %swap3A_1818 {strides = array<i32>} : memref<64x128xf32, #tpu.memory_space<vmem>>, vector<1x16xf32>,
        %get3A_1819 = arith.index_cast %add3A_1763 : i32 to index
        %get3A_1820 = arith.constant 80 : index
        %get3A_1821 = tpu.vector_load %arg16[%get3A_1819, %get3A_1820] {strides = array<i32>} : memref<64x128xf32, #tpu.memory_space<vmem>>, vector<1x16xf32>,
        %get3A_1822 = vector.shape_cast %get3A_1821 : vector<1x16xf32> to vector<16xf32>
        %mul3A_1823 = vector.broadcast %squeeze3A_1759 : f32 to vector<16xf32>
        %mul3A_1824 = arith.mulf %get3A_1822, %mul3A_1823 : vector<16xf32>
        %swap3A_1825 = arith.index_cast %add3A_1763 : i32 to index
        %swap3A_1826 = arith.constant 80 : index
        %swap3A_1827 = tpu.vector_load %arg16[%swap3A_1825, %swap3A_1826] {strides = array<i32>} : memref<64x128xf32, #tpu.memory_space<vmem>>, vector<1x16xf32>,
        %swap3A_1828 = vector.shape_cast %swap3A_1827 : vector<1x16xf32> to vector<16xf32>
        %swap3A_1829 = vector.shape_cast %mul3A_1824 : vector<16xf32> to vector<1x16xf32>
        tpu.vector_store %arg16[%swap3A_1825, %swap3A_1826], %swap3A_1829 {strides = array<i32>} : memref<64x128xf32, #tpu.memory_space<vmem>>, vector<1x16xf32>,
        %get3A_1830 = arith.index_cast %add3A_1763 : i32 to index
        %get3A_1831 = arith.constant 96 : index
        %get3A_1832 = tpu.vector_load %arg16[%get3A_1830, %get3A_1831] {strides = array<i32>} : memref<64x128xf32, #tpu.memory_space<vmem>>, vector<1x16xf32>,
        %get3A_1833 = vector.shape_cast %get3A_1832 : vector<1x16xf32> to vector<16xf32>
        %mul3A_1834 = vector.broadcast %squeeze3A_1759 : f32 to vector<16xf32>
        %mul3A_1835 = arith.mulf %get3A_1833, %mul3A_1834 : vector<16xf32>
        %swap3A_1836 = arith.index_cast %add3A_1763 : i32 to index
        %swap3A_1837 = arith.constant 96 : index
        %swap3A_1838 = tpu.vector_load %arg16[%swap3A_1836, %swap3A_1837] {strides = array<i32>} : memref<64x128xf32, #tpu.memory_space<vmem>>, vector<1x16xf32>,
        %swap3A_1839 = vector.shape_cast %swap3A_1838 : vector<1x16xf32> to vector<16xf32>
        %swap3A_1840 = vector.shape_cast %mul3A_1835 : vector<16xf32> to vector<1x16xf32>
        tpu.vector_store %arg16[%swap3A_1836, %swap3A_1837], %swap3A_1840 {strides = array<i32>} : memref<64x128xf32, #tpu.memory_space<vmem>>, vector<1x16xf32>,
        %get3A_1841 = arith.index_cast %add3A_1763 : i32 to index
        %get3A_1842 = arith.constant 112 : index
        %get3A_1843 = tpu.vector_load %arg16[%get3A_1841, %get3A_1842] {strides = array<i32>} : memref<64x128xf32, #tpu.memory_space<vmem>>, vector<1x16xf32>,
        %get3A_1844 = vector.shape_cast %get3A_1843 : vector<1x16xf32> to vector<16xf32>
        %mul3A_1845 = vector.broadcast %squeeze3A_1759 : f32 to vector<16xf32>
        %mul3A_1846 = arith.mulf %get3A_1844, %mul3A_1845 : vector<16xf32>
        %swap3A_1847 = arith.index_cast %add3A_1763 : i32 to index
        %swap3A_1848 = arith.constant 112 : index
        %swap3A_1849 = tpu.vector_load %arg16[%swap3A_1847, %swap3A_1848] {strides = array<i32>} : memref<64x128xf32, #tpu.memory_space<vmem>>, vector<1x16xf32>,
        %swap3A_1850 = vector.shape_cast %swap3A_1849 : vector<1x16xf32> to vector<16xf32>
        %swap3A_1851 = vector.shape_cast %mul3A_1846 : vector<16xf32> to vector<1x16xf32>
        tpu.vector_store %arg16[%swap3A_1847, %swap3A_1848], %swap3A_1851 {strides = array<i32>} : memref<64x128xf32, #tpu.memory_space<vmem>>, vector<1x16xf32>,
        %slice3A_1852 = vector.extract_strided_slice %get3A_1005 {offsets = [9], sizes = [1], strides = [1]} : vector<16xf32> to vector<1xf32>
        %squeeze3A_1853 = vector.extract %slice3A_1852[0] : f32 from vector<1xf32>
        %mul3A_1854 = arith.constant 16 : i32
        %mul3A_1855 = arith.muli %scan3A_998, %mul3A_1854 : i32
        %add3A_1856 = arith.constant 9 : i32
        %add3A_1857 = arith.addi %mul3A_1855, %add3A_1856 : i32
        %get3A_1858 = arith.index_cast %add3A_1857 : i32 to index
        %get3A_1859 = arith.constant 0 : index
        %get3A_1860 = tpu.vector_load %arg16[%get3A_1858, %get3A_1859] {strides = array<i32>} : memref<64x128xf32, #tpu.memory_space<vmem>>, vector<1x16xf32>,
        %get3A_1861 = vector.shape_cast %get3A_1860 : vector<1x16xf32> to vector<16xf32>
        %mul3A_1862 = vector.broadcast %squeeze3A_1853 : f32 to vector<16xf32>
        %mul3A_1863 = arith.mulf %get3A_1861, %mul3A_1862 : vector<16xf32>
        %swap3A_1864 = arith.index_cast %add3A_1857 : i32 to index
        %swap3A_1865 = arith.constant 0 : index
        %swap3A_1866 = tpu.vector_load %arg16[%swap3A_1864, %swap3A_1865] {strides = array<i32>} : memref<64x128xf32, #tpu.memory_space<vmem>>, vector<1x16xf32>,
        %swap3A_1867 = vector.shape_cast %swap3A_1866 : vector<1x16xf32> to vector<16xf32>
        %swap3A_1868 = vector.shape_cast %mul3A_1863 : vector<16xf32> to vector<1x16xf32>
        tpu.vector_store %arg16[%swap3A_1864, %swap3A_1865], %swap3A_1868 {strides = array<i32>} : memref<64x128xf32, #tpu.memory_space<vmem>>, vector<1x16xf32>,
        %get3A_1869 = arith.index_cast %add3A_1857 : i32 to index
        %get3A_1870 = arith.constant 16 : index
        %get3A_1871 = tpu.vector_load %arg16[%get3A_1869, %get3A_1870] {strides = array<i32>} : memref<64x128xf32, #tpu.memory_space<vmem>>, vector<1x16xf32>,
        %get3A_1872 = vector.shape_cast %get3A_1871 : vector<1x16xf32> to vector<16xf32>
        %mul3A_1873 = vector.broadcast %squeeze3A_1853 : f32 to vector<16xf32>
        %mul3A_1874 = arith.mulf %get3A_1872, %mul3A_1873 : vector<16xf32>
        %swap3A_1875 = arith.index_cast %add3A_1857 : i32 to index
        %swap3A_1876 = arith.constant 16 : index
        %swap3A_1877 = tpu.vector_load %arg16[%swap3A_1875, %swap3A_1876] {strides = array<i32>} : memref<64x128xf32, #tpu.memory_space<vmem>>, vector<1x16xf32>,
        %swap3A_1878 = vector.shape_cast %swap3A_1877 : vector<1x16xf32> to vector<16xf32>
        %swap3A_1879 = vector.shape_cast %mul3A_1874 : vector<16xf32> to vector<1x16xf32>
        tpu.vector_store %arg16[%swap3A_1875, %swap3A_1876], %swap3A_1879 {strides = array<i32>} : memref<64x128xf32, #tpu.memory_space<vmem>>, vector<1x16xf32>,
        %get3A_1880 = arith.index_cast %add3A_1857 : i32 to index
        %get3A_1881 = arith.constant 32 : index
        %get3A_1882 = tpu.vector_load %arg16[%get3A_1880, %get3A_1881] {strides = array<i32>} : memref<64x128xf32, #tpu.memory_space<vmem>>, vector<1x16xf32>,
        %get3A_1883 = vector.shape_cast %get3A_1882 : vector<1x16xf32> to vector<16xf32>
        %mul3A_1884 = vector.broadcast %squeeze3A_1853 : f32 to vector<16xf32>
        %mul3A_1885 = arith.mulf %get3A_1883, %mul3A_1884 : vector<16xf32>
        %swap3A_1886 = arith.index_cast %add3A_1857 : i32 to index
        %swap3A_1887 = arith.constant 32 : index
        %swap3A_1888 = tpu.vector_load %arg16[%swap3A_1886, %swap3A_1887] {strides = array<i32>} : memref<64x128xf32, #tpu.memory_space<vmem>>, vector<1x16xf32>,
        %swap3A_1889 = vector.shape_cast %swap3A_1888 : vector<1x16xf32> to vector<16xf32>
        %swap3A_1890 = vector.shape_cast %mul3A_1885 : vector<16xf32> to vector<1x16xf32>
        tpu.vector_store %arg16[%swap3A_1886, %swap3A_1887], %swap3A_1890 {strides = array<i32>} : memref<64x128xf32, #tpu.memory_space<vmem>>, vector<1x16xf32>,
        %get3A_1891 = arith.index_cast %add3A_1857 : i32 to index
        %get3A_1892 = arith.constant 48 : index
        %get3A_1893 = tpu.vector_load %arg16[%get3A_1891, %get3A_1892] {strides = array<i32>} : memref<64x128xf32, #tpu.memory_space<vmem>>, vector<1x16xf32>,
        %get3A_1894 = vector.shape_cast %get3A_1893 : vector<1x16xf32> to vector<16xf32>
        %mul3A_1895 = vector.broadcast %squeeze3A_1853 : f32 to vector<16xf32>
        %mul3A_1896 = arith.mulf %get3A_1894, %mul3A_1895 : vector<16xf32>
        %swap3A_1897 = arith.index_cast %add3A_1857 : i32 to index
        %swap3A_1898 = arith.constant 48 : index
        %swap3A_1899 = tpu.vector_load %arg16[%swap3A_1897, %swap3A_1898] {strides = array<i32>} : memref<64x128xf32, #tpu.memory_space<vmem>>, vector<1x16xf32>,
        %swap3A_1900 = vector.shape_cast %swap3A_1899 : vector<1x16xf32> to vector<16xf32>
        %swap3A_1901 = vector.shape_cast %mul3A_1896 : vector<16xf32> to vector<1x16xf32>
        tpu.vector_store %arg16[%swap3A_1897, %swap3A_1898], %swap3A_1901 {strides = array<i32>} : memref<64x128xf32, #tpu.memory_space<vmem>>, vector<1x16xf32>,
        %get3A_1902 = arith.index_cast %add3A_1857 : i32 to index
        %get3A_1903 = arith.constant 64 : index
        %get3A_1904 = tpu.vector_load %arg16[%get3A_1902, %get3A_1903] {strides = array<i32>} : memref<64x128xf32, #tpu.memory_space<vmem>>, vector<1x16xf32>,
        %get3A_1905 = vector.shape_cast %get3A_1904 : vector<1x16xf32> to vector<16xf32>
        %mul3A_1906 = vector.broadcast %squeeze3A_1853 : f32 to vector<16xf32>
        %mul3A_1907 = arith.mulf %get3A_1905, %mul3A_1906 : vector<16xf32>
        %swap3A_1908 = arith.index_cast %add3A_1857 : i32 to index
        %swap3A_1909 = arith.constant 64 : index
        %swap3A_1910 = tpu.vector_load %arg16[%swap3A_1908, %swap3A_1909] {strides = array<i32>} : memref<64x128xf32, #tpu.memory_space<vmem>>, vector<1x16xf32>,
        %swap3A_1911 = vector.shape_cast %swap3A_1910 : vector<1x16xf32> to vector<16xf32>
        %swap3A_1912 = vector.shape_cast %mul3A_1907 : vector<16xf32> to vector<1x16xf32>
        tpu.vector_store %arg16[%swap3A_1908, %swap3A_1909], %swap3A_1912 {strides = array<i32>} : memref<64x128xf32, #tpu.memory_space<vmem>>, vector<1x16xf32>,
        %get3A_1913 = arith.index_cast %add3A_1857 : i32 to index
        %get3A_1914 = arith.constant 80 : index
        %get3A_1915 = tpu.vector_load %arg16[%get3A_1913, %get3A_1914] {strides = array<i32>} : memref<64x128xf32, #tpu.memory_space<vmem>>, vector<1x16xf32>,
        %get3A_1916 = vector.shape_cast %get3A_1915 : vector<1x16xf32> to vector<16xf32>
        %mul3A_1917 = vector.broadcast %squeeze3A_1853 : f32 to vector<16xf32>
        %mul3A_1918 = arith.mulf %get3A_1916, %mul3A_1917 : vector<16xf32>
        %swap3A_1919 = arith.index_cast %add3A_1857 : i32 to index
        %swap3A_1920 = arith.constant 80 : index
        %swap3A_1921 = tpu.vector_load %arg16[%swap3A_1919, %swap3A_1920] {strides = array<i32>} : memref<64x128xf32, #tpu.memory_space<vmem>>, vector<1x16xf32>,
        %swap3A_1922 = vector.shape_cast %swap3A_1921 : vector<1x16xf32> to vector<16xf32>
        %swap3A_1923 = vector.shape_cast %mul3A_1918 : vector<16xf32> to vector<1x16xf32>
        tpu.vector_store %arg16[%swap3A_1919, %swap3A_1920], %swap3A_1923 {strides = array<i32>} : memref<64x128xf32, #tpu.memory_space<vmem>>, vector<1x16xf32>,
        %get3A_1924 = arith.index_cast %add3A_1857 : i32 to index
        %get3A_1925 = arith.constant 96 : index
        %get3A_1926 = tpu.vector_load %arg16[%get3A_1924, %get3A_1925] {strides = array<i32>} : memref<64x128xf32, #tpu.memory_space<vmem>>, vector<1x16xf32>,
        %get3A_1927 = vector.shape_cast %get3A_1926 : vector<1x16xf32> to vector<16xf32>
        %mul3A_1928 = vector.broadcast %squeeze3A_1853 : f32 to vector<16xf32>
        %mul3A_1929 = arith.mulf %get3A_1927, %mul3A_1928 : vector<16xf32>
        %swap3A_1930 = arith.index_cast %add3A_1857 : i32 to index
        %swap3A_1931 = arith.constant 96 : index
        %swap3A_1932 = tpu.vector_load %arg16[%swap3A_1930, %swap3A_1931] {strides = array<i32>} : memref<64x128xf32, #tpu.memory_space<vmem>>, vector<1x16xf32>,
        %swap3A_1933 = vector.shape_cast %swap3A_1932 : vector<1x16xf32> to vector<16xf32>
        %swap3A_1934 = vector.shape_cast %mul3A_1929 : vector<16xf32> to vector<1x16xf32>
        tpu.vector_store %arg16[%swap3A_1930, %swap3A_1931], %swap3A_1934 {strides = array<i32>} : memref<64x128xf32, #tpu.memory_space<vmem>>, vector<1x16xf32>,
        %get3A_1935 = arith.index_cast %add3A_1857 : i32 to index
        %get3A_1936 = arith.constant 112 : index
        %get3A_1937 = tpu.vector_load %arg16[%get3A_1935, %get3A_1936] {strides = array<i32>} : memref<64x128xf32, #tpu.memory_space<vmem>>, vector<1x16xf32>,
        %get3A_1938 = vector.shape_cast %get3A_1937 : vector<1x16xf32> to vector<16xf32>
        %mul3A_1939 = vector.broadcast %squeeze3A_1853 : f32 to vector<16xf32>
        %mul3A_1940 = arith.mulf %get3A_1938, %mul3A_1939 : vector<16xf32>
        %swap3A_1941 = arith.index_cast %add3A_1857 : i32 to index
        %swap3A_1942 = arith.constant 112 : index
        %swap3A_1943 = tpu.vector_load %arg16[%swap3A_1941, %swap3A_1942] {strides = array<i32>} : memref<64x128xf32, #tpu.memory_space<vmem>>, vector<1x16xf32>,
        %swap3A_1944 = vector.shape_cast %swap3A_1943 : vector<1x16xf32> to vector<16xf32>
        %swap3A_1945 = vector.shape_cast %mul3A_1940 : vector<16xf32> to vector<1x16xf32>
        tpu.vector_store %arg16[%swap3A_1941, %swap3A_1942], %swap3A_1945 {strides = array<i32>} : memref<64x128xf32, #tpu.memory_space<vmem>>, vector<1x16xf32>,
        %slice3A_1946 = vector.extract_strided_slice %get3A_1005 {offsets = [10], sizes = [1], strides = [1]} : vector<16xf32> to vector<1xf32>
        %squeeze3A_1947 = vector.extract %slice3A_1946[0] : f32 from vector<1xf32>
        %mul3A_1948 = arith.constant 16 : i32
        %mul3A_1949 = arith.muli %scan3A_998, %mul3A_1948 : i32
        %add3A_1950 = arith.constant 10 : i32
        %add3A_1951 = arith.addi %mul3A_1949, %add3A_1950 : i32
        %get3A_1952 = arith.index_cast %add3A_1951 : i32 to index
        %get3A_1953 = arith.constant 0 : index
        %get3A_1954 = tpu.vector_load %arg16[%get3A_1952, %get3A_1953] {strides = array<i32>} : memref<64x128xf32, #tpu.memory_space<vmem>>, vector<1x16xf32>,
        %get3A_1955 = vector.shape_cast %get3A_1954 : vector<1x16xf32> to vector<16xf32>
        %mul3A_1956 = vector.broadcast %squeeze3A_1947 : f32 to vector<16xf32>
        %mul3A_1957 = arith.mulf %get3A_1955, %mul3A_1956 : vector<16xf32>
        %swap3A_1958 = arith.index_cast %add3A_1951 : i32 to index
        %swap3A_1959 = arith.constant 0 : index
        %swap3A_1960 = tpu.vector_load %arg16[%swap3A_1958, %swap3A_1959] {strides = array<i32>} : memref<64x128xf32, #tpu.memory_space<vmem>>, vector<1x16xf32>,
        %swap3A_1961 = vector.shape_cast %swap3A_1960 : vector<1x16xf32> to vector<16xf32>
        %swap3A_1962 = vector.shape_cast %mul3A_1957 : vector<16xf32> to vector<1x16xf32>
        tpu.vector_store %arg16[%swap3A_1958, %swap3A_1959], %swap3A_1962 {strides = array<i32>} : memref<64x128xf32, #tpu.memory_space<vmem>>, vector<1x16xf32>,
        %get3A_1963 = arith.index_cast %add3A_1951 : i32 to index
        %get3A_1964 = arith.constant 16 : index
        %get3A_1965 = tpu.vector_load %arg16[%get3A_1963, %get3A_1964] {strides = array<i32>} : memref<64x128xf32, #tpu.memory_space<vmem>>, vector<1x16xf32>,
        %get3A_1966 = vector.shape_cast %get3A_1965 : vector<1x16xf32> to vector<16xf32>
        %mul3A_1967 = vector.broadcast %squeeze3A_1947 : f32 to vector<16xf32>
        %mul3A_1968 = arith.mulf %get3A_1966, %mul3A_1967 : vector<16xf32>
        %swap3A_1969 = arith.index_cast %add3A_1951 : i32 to index
        %swap3A_1970 = arith.constant 16 : index
        %swap3A_1971 = tpu.vector_load %arg16[%swap3A_1969, %swap3A_1970] {strides = array<i32>} : memref<64x128xf32, #tpu.memory_space<vmem>>, vector<1x16xf32>,
        %swap3A_1972 = vector.shape_cast %swap3A_1971 : vector<1x16xf32> to vector<16xf32>
        %swap3A_1973 = vector.shape_cast %mul3A_1968 : vector<16xf32> to vector<1x16xf32>
        tpu.vector_store %arg16[%swap3A_1969, %swap3A_1970], %swap3A_1973 {strides = array<i32>} : memref<64x128xf32, #tpu.memory_space<vmem>>, vector<1x16xf32>,
        %get3A_1974 = arith.index_cast %add3A_1951 : i32 to index
        %get3A_1975 = arith.constant 32 : index
        %get3A_1976 = tpu.vector_load %arg16[%get3A_1974, %get3A_1975] {strides = array<i32>} : memref<64x128xf32, #tpu.memory_space<vmem>>, vector<1x16xf32>,
        %get3A_1977 = vector.shape_cast %get3A_1976 : vector<1x16xf32> to vector<16xf32>
        %mul3A_1978 = vector.broadcast %squeeze3A_1947 : f32 to vector<16xf32>
        %mul3A_1979 = arith.mulf %get3A_1977, %mul3A_1978 : vector<16xf32>
        %swap3A_1980 = arith.index_cast %add3A_1951 : i32 to index
        %swap3A_1981 = arith.constant 32 : index
        %swap3A_1982 = tpu.vector_load %arg16[%swap3A_1980, %swap3A_1981] {strides = array<i32>} : memref<64x128xf32, #tpu.memory_space<vmem>>, vector<1x16xf32>,
        %swap3A_1983 = vector.shape_cast %swap3A_1982 : vector<1x16xf32> to vector<16xf32>
        %swap3A_1984 = vector.shape_cast %mul3A_1979 : vector<16xf32> to vector<1x16xf32>
        tpu.vector_store %arg16[%swap3A_1980, %swap3A_1981], %swap3A_1984 {strides = array<i32>} : memref<64x128xf32, #tpu.memory_space<vmem>>, vector<1x16xf32>,
        %get3A_1985 = arith.index_cast %add3A_1951 : i32 to index
        %get3A_1986 = arith.constant 48 : index
        %get3A_1987 = tpu.vector_load %arg16[%get3A_1985, %get3A_1986] {strides = array<i32>} : memref<64x128xf32, #tpu.memory_space<vmem>>, vector<1x16xf32>,
        %get3A_1988 = vector.shape_cast %get3A_1987 : vector<1x16xf32> to vector<16xf32>
        %mul3A_1989 = vector.broadcast %squeeze3A_1947 : f32 to vector<16xf32>
        %mul3A_1990 = arith.mulf %get3A_1988, %mul3A_1989 : vector<16xf32>
        %swap3A_1991 = arith.index_cast %add3A_1951 : i32 to index
        %swap3A_1992 = arith.constant 48 : index
        %swap3A_1993 = tpu.vector_load %arg16[%swap3A_1991, %swap3A_1992] {strides = array<i32>} : memref<64x128xf32, #tpu.memory_space<vmem>>, vector<1x16xf32>,
        %swap3A_1994 = vector.shape_cast %swap3A_1993 : vector<1x16xf32> to vector<16xf32>
        %swap3A_1995 = vector.shape_cast %mul3A_1990 : vector<16xf32> to vector<1x16xf32>
        tpu.vector_store %arg16[%swap3A_1991, %swap3A_1992], %swap3A_1995 {strides = array<i32>} : memref<64x128xf32, #tpu.memory_space<vmem>>, vector<1x16xf32>,
        %get3A_1996 = arith.index_cast %add3A_1951 : i32 to index
        %get3A_1997 = arith.constant 64 : index
        %get3A_1998 = tpu.vector_load %arg16[%get3A_1996, %get3A_1997] {strides = array<i32>} : memref<64x128xf32, #tpu.memory_space<vmem>>, vector<1x16xf32>,
        %get3A_1999 = vector.shape_cast %get3A_1998 : vector<1x16xf32> to vector<16xf32>
        %mul3A_2000 = vector.broadcast %squeeze3A_1947 : f32 to vector<16xf32>
        %mul3A_2001 = arith.mulf %get3A_1999, %mul3A_2000 : vector<16xf32>
        %swap3A_2002 = arith.index_cast %add3A_1951 : i32 to index
        %swap3A_2003 = arith.constant 64 : index
        %swap3A_2004 = tpu.vector_load %arg16[%swap3A_2002, %swap3A_2003] {strides = array<i32>} : memref<64x128xf32, #tpu.memory_space<vmem>>, vector<1x16xf32>,
        %swap3A_2005 = vector.shape_cast %swap3A_2004 : vector<1x16xf32> to vector<16xf32>
        %swap3A_2006 = vector.shape_cast %mul3A_2001 : vector<16xf32> to vector<1x16xf32>
        tpu.vector_store %arg16[%swap3A_2002, %swap3A_2003], %swap3A_2006 {strides = array<i32>} : memref<64x128xf32, #tpu.memory_space<vmem>>, vector<1x16xf32>,
        %get3A_2007 = arith.index_cast %add3A_1951 : i32 to index
        %get3A_2008 = arith.constant 80 : index
        %get3A_2009 = tpu.vector_load %arg16[%get3A_2007, %get3A_2008] {strides = array<i32>} : memref<64x128xf32, #tpu.memory_space<vmem>>, vector<1x16xf32>,
        %get3A_2010 = vector.shape_cast %get3A_2009 : vector<1x16xf32> to vector<16xf32>
        %mul3A_2011 = vector.broadcast %squeeze3A_1947 : f32 to vector<16xf32>
        %mul3A_2012 = arith.mulf %get3A_2010, %mul3A_2011 : vector<16xf32>
        %swap3A_2013 = arith.index_cast %add3A_1951 : i32 to index
        %swap3A_2014 = arith.constant 80 : index
        %swap3A_2015 = tpu.vector_load %arg16[%swap3A_2013, %swap3A_2014] {strides = array<i32>} : memref<64x128xf32, #tpu.memory_space<vmem>>, vector<1x16xf32>,
        %swap3A_2016 = vector.shape_cast %swap3A_2015 : vector<1x16xf32> to vector<16xf32>
        %swap3A_2017 = vector.shape_cast %mul3A_2012 : vector<16xf32> to vector<1x16xf32>
        tpu.vector_store %arg16[%swap3A_2013, %swap3A_2014], %swap3A_2017 {strides = array<i32>} : memref<64x128xf32, #tpu.memory_space<vmem>>, vector<1x16xf32>,
        %get3A_2018 = arith.index_cast %add3A_1951 : i32 to index
        %get3A_2019 = arith.constant 96 : index
        %get3A_2020 = tpu.vector_load %arg16[%get3A_2018, %get3A_2019] {strides = array<i32>} : memref<64x128xf32, #tpu.memory_space<vmem>>, vector<1x16xf32>,
        %get3A_2021 = vector.shape_cast %get3A_2020 : vector<1x16xf32> to vector<16xf32>
        %mul3A_2022 = vector.broadcast %squeeze3A_1947 : f32 to vector<16xf32>
        %mul3A_2023 = arith.mulf %get3A_2021, %mul3A_2022 : vector<16xf32>
        %swap3A_2024 = arith.index_cast %add3A_1951 : i32 to index
        %swap3A_2025 = arith.constant 96 : index
        %swap3A_2026 = tpu.vector_load %arg16[%swap3A_2024, %swap3A_2025] {strides = array<i32>} : memref<64x128xf32, #tpu.memory_space<vmem>>, vector<1x16xf32>,
        %swap3A_2027 = vector.shape_cast %swap3A_2026 : vector<1x16xf32> to vector<16xf32>
        %swap3A_2028 = vector.shape_cast %mul3A_2023 : vector<16xf32> to vector<1x16xf32>
        tpu.vector_store %arg16[%swap3A_2024, %swap3A_2025], %swap3A_2028 {strides = array<i32>} : memref<64x128xf32, #tpu.memory_space<vmem>>, vector<1x16xf32>,
        %get3A_2029 = arith.index_cast %add3A_1951 : i32 to index
        %get3A_2030 = arith.constant 112 : index
        %get3A_2031 = tpu.vector_load %arg16[%get3A_2029, %get3A_2030] {strides = array<i32>} : memref<64x128xf32, #tpu.memory_space<vmem>>, vector<1x16xf32>,
        %get3A_2032 = vector.shape_cast %get3A_2031 : vector<1x16xf32> to vector<16xf32>
        %mul3A_2033 = vector.broadcast %squeeze3A_1947 : f32 to vector<16xf32>
        %mul3A_2034 = arith.mulf %get3A_2032, %mul3A_2033 : vector<16xf32>
        %swap3A_2035 = arith.index_cast %add3A_1951 : i32 to index
        %swap3A_2036 = arith.constant 112 : index
        %swap3A_2037 = tpu.vector_load %arg16[%swap3A_2035, %swap3A_2036] {strides = array<i32>} : memref<64x128xf32, #tpu.memory_space<vmem>>, vector<1x16xf32>,
        %swap3A_2038 = vector.shape_cast %swap3A_2037 : vector<1x16xf32> to vector<16xf32>
        %swap3A_2039 = vector.shape_cast %mul3A_2034 : vector<16xf32> to vector<1x16xf32>
        tpu.vector_store %arg16[%swap3A_2035, %swap3A_2036], %swap3A_2039 {strides = array<i32>} : memref<64x128xf32, #tpu.memory_space<vmem>>, vector<1x16xf32>,
        %slice3A_2040 = vector.extract_strided_slice %get3A_1005 {offsets = [11], sizes = [1], strides = [1]} : vector<16xf32> to vector<1xf32>
        %squeeze3A_2041 = vector.extract %slice3A_2040[0] : f32 from vector<1xf32>
        %mul3A_2042 = arith.constant 16 : i32
        %mul3A_2043 = arith.muli %scan3A_998, %mul3A_2042 : i32
        %add3A_2044 = arith.constant 11 : i32
        %add3A_2045 = arith.addi %mul3A_2043, %add3A_2044 : i32
        %get3A_2046 = arith.index_cast %add3A_2045 : i32 to index
        %get3A_2047 = arith.constant 0 : index
        %get3A_2048 = tpu.vector_load %arg16[%get3A_2046, %get3A_2047] {strides = array<i32>} : memref<64x128xf32, #tpu.memory_space<vmem>>, vector<1x16xf32>,
        %get3A_2049 = vector.shape_cast %get3A_2048 : vector<1x16xf32> to vector<16xf32>
        %mul3A_2050 = vector.broadcast %squeeze3A_2041 : f32 to vector<16xf32>
        %mul3A_2051 = arith.mulf %get3A_2049, %mul3A_2050 : vector<16xf32>
        %swap3A_2052 = arith.index_cast %add3A_2045 : i32 to index
        %swap3A_2053 = arith.constant 0 : index
        %swap3A_2054 = tpu.vector_load %arg16[%swap3A_2052, %swap3A_2053] {strides = array<i32>} : memref<64x128xf32, #tpu.memory_space<vmem>>, vector<1x16xf32>,
        %swap3A_2055 = vector.shape_cast %swap3A_2054 : vector<1x16xf32> to vector<16xf32>
        %swap3A_2056 = vector.shape_cast %mul3A_2051 : vector<16xf32> to vector<1x16xf32>
        tpu.vector_store %arg16[%swap3A_2052, %swap3A_2053], %swap3A_2056 {strides = array<i32>} : memref<64x128xf32, #tpu.memory_space<vmem>>, vector<1x16xf32>,
        %get3A_2057 = arith.index_cast %add3A_2045 : i32 to index
        %get3A_2058 = arith.constant 16 : index
        %get3A_2059 = tpu.vector_load %arg16[%get3A_2057, %get3A_2058] {strides = array<i32>} : memref<64x128xf32, #tpu.memory_space<vmem>>, vector<1x16xf32>,
        %get3A_2060 = vector.shape_cast %get3A_2059 : vector<1x16xf32> to vector<16xf32>
        %mul3A_2061 = vector.broadcast %squeeze3A_2041 : f32 to vector<16xf32>
        %mul3A_2062 = arith.mulf %get3A_2060, %mul3A_2061 : vector<16xf32>
        %swap3A_2063 = arith.index_cast %add3A_2045 : i32 to index
        %swap3A_2064 = arith.constant 16 : index
        %swap3A_2065 = tpu.vector_load %arg16[%swap3A_2063, %swap3A_2064] {strides = array<i32>} : memref<64x128xf32, #tpu.memory_space<vmem>>, vector<1x16xf32>,
        %swap3A_2066 = vector.shape_cast %swap3A_2065 : vector<1x16xf32> to vector<16xf32>
        %swap3A_2067 = vector.shape_cast %mul3A_2062 : vector<16xf32> to vector<1x16xf32>
        tpu.vector_store %arg16[%swap3A_2063, %swap3A_2064], %swap3A_2067 {strides = array<i32>} : memref<64x128xf32, #tpu.memory_space<vmem>>, vector<1x16xf32>,
        %get3A_2068 = arith.index_cast %add3A_2045 : i32 to index
        %get3A_2069 = arith.constant 32 : index
        %get3A_2070 = tpu.vector_load %arg16[%get3A_2068, %get3A_2069] {strides = array<i32>} : memref<64x128xf32, #tpu.memory_space<vmem>>, vector<1x16xf32>,
        %get3A_2071 = vector.shape_cast %get3A_2070 : vector<1x16xf32> to vector<16xf32>
        %mul3A_2072 = vector.broadcast %squeeze3A_2041 : f32 to vector<16xf32>
        %mul3A_2073 = arith.mulf %get3A_2071, %mul3A_2072 : vector<16xf32>
        %swap3A_2074 = arith.index_cast %add3A_2045 : i32 to index
        %swap3A_2075 = arith.constant 32 : index
        %swap3A_2076 = tpu.vector_load %arg16[%swap3A_2074, %swap3A_2075] {strides = array<i32>} : memref<64x128xf32, #tpu.memory_space<vmem>>, vector<1x16xf32>,
        %swap3A_2077 = vector.shape_cast %swap3A_2076 : vector<1x16xf32> to vector<16xf32>
        %swap3A_2078 = vector.shape_cast %mul3A_2073 : vector<16xf32> to vector<1x16xf32>
        tpu.vector_store %arg16[%swap3A_2074, %swap3A_2075], %swap3A_2078 {strides = array<i32>} : memref<64x128xf32, #tpu.memory_space<vmem>>, vector<1x16xf32>,
        %get3A_2079 = arith.index_cast %add3A_2045 : i32 to index
        %get3A_2080 = arith.constant 48 : index
        %get3A_2081 = tpu.vector_load %arg16[%get3A_2079, %get3A_2080] {strides = array<i32>} : memref<64x128xf32, #tpu.memory_space<vmem>>, vector<1x16xf32>,
        %get3A_2082 = vector.shape_cast %get3A_2081 : vector<1x16xf32> to vector<16xf32>
        %mul3A_2083 = vector.broadcast %squeeze3A_2041 : f32 to vector<16xf32>
        %mul3A_2084 = arith.mulf %get3A_2082, %mul3A_2083 : vector<16xf32>
        %swap3A_2085 = arith.index_cast %add3A_2045 : i32 to index
        %swap3A_2086 = arith.constant 48 : index
        %swap3A_2087 = tpu.vector_load %arg16[%swap3A_2085, %swap3A_2086] {strides = array<i32>} : memref<64x128xf32, #tpu.memory_space<vmem>>, vector<1x16xf32>,
        %swap3A_2088 = vector.shape_cast %swap3A_2087 : vector<1x16xf32> to vector<16xf32>
        %swap3A_2089 = vector.shape_cast %mul3A_2084 : vector<16xf32> to vector<1x16xf32>
        tpu.vector_store %arg16[%swap3A_2085, %swap3A_2086], %swap3A_2089 {strides = array<i32>} : memref<64x128xf32, #tpu.memory_space<vmem>>, vector<1x16xf32>,
        %get3A_2090 = arith.index_cast %add3A_2045 : i32 to index
        %get3A_2091 = arith.constant 64 : index
        %get3A_2092 = tpu.vector_load %arg16[%get3A_2090, %get3A_2091] {strides = array<i32>} : memref<64x128xf32, #tpu.memory_space<vmem>>, vector<1x16xf32>,
        %get3A_2093 = vector.shape_cast %get3A_2092 : vector<1x16xf32> to vector<16xf32>
        %mul3A_2094 = vector.broadcast %squeeze3A_2041 : f32 to vector<16xf32>
        %mul3A_2095 = arith.mulf %get3A_2093, %mul3A_2094 : vector<16xf32>
        %swap3A_2096 = arith.index_cast %add3A_2045 : i32 to index
        %swap3A_2097 = arith.constant 64 : index
        %swap3A_2098 = tpu.vector_load %arg16[%swap3A_2096, %swap3A_2097] {strides = array<i32>} : memref<64x128xf32, #tpu.memory_space<vmem>>, vector<1x16xf32>,
        %swap3A_2099 = vector.shape_cast %swap3A_2098 : vector<1x16xf32> to vector<16xf32>
        %swap3A_2100 = vector.shape_cast %mul3A_2095 : vector<16xf32> to vector<1x16xf32>
        tpu.vector_store %arg16[%swap3A_2096, %swap3A_2097], %swap3A_2100 {strides = array<i32>} : memref<64x128xf32, #tpu.memory_space<vmem>>, vector<1x16xf32>,
        %get3A_2101 = arith.index_cast %add3A_2045 : i32 to index
        %get3A_2102 = arith.constant 80 : index
        %get3A_2103 = tpu.vector_load %arg16[%get3A_2101, %get3A_2102] {strides = array<i32>} : memref<64x128xf32, #tpu.memory_space<vmem>>, vector<1x16xf32>,
        %get3A_2104 = vector.shape_cast %get3A_2103 : vector<1x16xf32> to vector<16xf32>
        %mul3A_2105 = vector.broadcast %squeeze3A_2041 : f32 to vector<16xf32>
        %mul3A_2106 = arith.mulf %get3A_2104, %mul3A_2105 : vector<16xf32>
        %swap3A_2107 = arith.index_cast %add3A_2045 : i32 to index
        %swap3A_2108 = arith.constant 80 : index
        %swap3A_2109 = tpu.vector_load %arg16[%swap3A_2107, %swap3A_2108] {strides = array<i32>} : memref<64x128xf32, #tpu.memory_space<vmem>>, vector<1x16xf32>,
        %swap3A_2110 = vector.shape_cast %swap3A_2109 : vector<1x16xf32> to vector<16xf32>
        %swap3A_2111 = vector.shape_cast %mul3A_2106 : vector<16xf32> to vector<1x16xf32>
        tpu.vector_store %arg16[%swap3A_2107, %swap3A_2108], %swap3A_2111 {strides = array<i32>} : memref<64x128xf32, #tpu.memory_space<vmem>>, vector<1x16xf32>,
        %get3A_2112 = arith.index_cast %add3A_2045 : i32 to index
        %get3A_2113 = arith.constant 96 : index
        %get3A_2114 = tpu.vector_load %arg16[%get3A_2112, %get3A_2113] {strides = array<i32>} : memref<64x128xf32, #tpu.memory_space<vmem>>, vector<1x16xf32>,
        %get3A_2115 = vector.shape_cast %get3A_2114 : vector<1x16xf32> to vector<16xf32>
        %mul3A_2116 = vector.broadcast %squeeze3A_2041 : f32 to vector<16xf32>
        %mul3A_2117 = arith.mulf %get3A_2115, %mul3A_2116 : vector<16xf32>
        %swap3A_2118 = arith.index_cast %add3A_2045 : i32 to index
        %swap3A_2119 = arith.constant 96 : index
        %swap3A_2120 = tpu.vector_load %arg16[%swap3A_2118, %swap3A_2119] {strides = array<i32>} : memref<64x128xf32, #tpu.memory_space<vmem>>, vector<1x16xf32>,
        %swap3A_2121 = vector.shape_cast %swap3A_2120 : vector<1x16xf32> to vector<16xf32>
        %swap3A_2122 = vector.shape_cast %mul3A_2117 : vector<16xf32> to vector<1x16xf32>
        tpu.vector_store %arg16[%swap3A_2118, %swap3A_2119], %swap3A_2122 {strides = array<i32>} : memref<64x128xf32, #tpu.memory_space<vmem>>, vector<1x16xf32>,
        %get3A_2123 = arith.index_cast %add3A_2045 : i32 to index
        %get3A_2124 = arith.constant 112 : index
        %get3A_2125 = tpu.vector_load %arg16[%get3A_2123, %get3A_2124] {strides = array<i32>} : memref<64x128xf32, #tpu.memory_space<vmem>>, vector<1x16xf32>,
        %get3A_2126 = vector.shape_cast %get3A_2125 : vector<1x16xf32> to vector<16xf32>
        %mul3A_2127 = vector.broadcast %squeeze3A_2041 : f32 to vector<16xf32>
        %mul3A_2128 = arith.mulf %get3A_2126, %mul3A_2127 : vector<16xf32>
        %swap3A_2129 = arith.index_cast %add3A_2045 : i32 to index
        %swap3A_2130 = arith.constant 112 : index
        %swap3A_2131 = tpu.vector_load %arg16[%swap3A_2129, %swap3A_2130] {strides = array<i32>} : memref<64x128xf32, #tpu.memory_space<vmem>>, vector<1x16xf32>,
        %swap3A_2132 = vector.shape_cast %swap3A_2131 : vector<1x16xf32> to vector<16xf32>
        %swap3A_2133 = vector.shape_cast %mul3A_2128 : vector<16xf32> to vector<1x16xf32>
        tpu.vector_store %arg16[%swap3A_2129, %swap3A_2130], %swap3A_2133 {strides = array<i32>} : memref<64x128xf32, #tpu.memory_space<vmem>>, vector<1x16xf32>,
        %slice3A_2134 = vector.extract_strided_slice %get3A_1005 {offsets = [12], sizes = [1], strides = [1]} : vector<16xf32> to vector<1xf32>
        %squeeze3A_2135 = vector.extract %slice3A_2134[0] : f32 from vector<1xf32>
        %mul3A_2136 = arith.constant 16 : i32
        %mul3A_2137 = arith.muli %scan3A_998, %mul3A_2136 : i32
        %add3A_2138 = arith.constant 12 : i32
        %add3A_2139 = arith.addi %mul3A_2137, %add3A_2138 : i32
        %get3A_2140 = arith.index_cast %add3A_2139 : i32 to index
        %get3A_2141 = arith.constant 0 : index
        %get3A_2142 = tpu.vector_load %arg16[%get3A_2140, %get3A_2141] {strides = array<i32>} : memref<64x128xf32, #tpu.memory_space<vmem>>, vector<1x16xf32>,
        %get3A_2143 = vector.shape_cast %get3A_2142 : vector<1x16xf32> to vector<16xf32>
        %mul3A_2144 = vector.broadcast %squeeze3A_2135 : f32 to vector<16xf32>
        %mul3A_2145 = arith.mulf %get3A_2143, %mul3A_2144 : vector<16xf32>
        %swap3A_2146 = arith.index_cast %add3A_2139 : i32 to index
        %swap3A_2147 = arith.constant 0 : index
        %swap3A_2148 = tpu.vector_load %arg16[%swap3A_2146, %swap3A_2147] {strides = array<i32>} : memref<64x128xf32, #tpu.memory_space<vmem>>, vector<1x16xf32>,
        %swap3A_2149 = vector.shape_cast %swap3A_2148 : vector<1x16xf32> to vector<16xf32>
        %swap3A_2150 = vector.shape_cast %mul3A_2145 : vector<16xf32> to vector<1x16xf32>
        tpu.vector_store %arg16[%swap3A_2146, %swap3A_2147], %swap3A_2150 {strides = array<i32>} : memref<64x128xf32, #tpu.memory_space<vmem>>, vector<1x16xf32>,
        %get3A_2151 = arith.index_cast %add3A_2139 : i32 to index
        %get3A_2152 = arith.constant 16 : index
        %get3A_2153 = tpu.vector_load %arg16[%get3A_2151, %get3A_2152] {strides = array<i32>} : memref<64x128xf32, #tpu.memory_space<vmem>>, vector<1x16xf32>,
        %get3A_2154 = vector.shape_cast %get3A_2153 : vector<1x16xf32> to vector<16xf32>
        %mul3A_2155 = vector.broadcast %squeeze3A_2135 : f32 to vector<16xf32>
        %mul3A_2156 = arith.mulf %get3A_2154, %mul3A_2155 : vector<16xf32>
        %swap3A_2157 = arith.index_cast %add3A_2139 : i32 to index
        %swap3A_2158 = arith.constant 16 : index
        %swap3A_2159 = tpu.vector_load %arg16[%swap3A_2157, %swap3A_2158] {strides = array<i32>} : memref<64x128xf32, #tpu.memory_space<vmem>>, vector<1x16xf32>,
        %swap3A_2160 = vector.shape_cast %swap3A_2159 : vector<1x16xf32> to vector<16xf32>
        %swap3A_2161 = vector.shape_cast %mul3A_2156 : vector<16xf32> to vector<1x16xf32>
        tpu.vector_store %arg16[%swap3A_2157, %swap3A_2158], %swap3A_2161 {strides = array<i32>} : memref<64x128xf32, #tpu.memory_space<vmem>>, vector<1x16xf32>,
        %get3A_2162 = arith.index_cast %add3A_2139 : i32 to index
        %get3A_2163 = arith.constant 32 : index
        %get3A_2164 = tpu.vector_load %arg16[%get3A_2162, %get3A_2163] {strides = array<i32>} : memref<64x128xf32, #tpu.memory_space<vmem>>, vector<1x16xf32>,
        %get3A_2165 = vector.shape_cast %get3A_2164 : vector<1x16xf32> to vector<16xf32>
        %mul3A_2166 = vector.broadcast %squeeze3A_2135 : f32 to vector<16xf32>
        %mul3A_2167 = arith.mulf %get3A_2165, %mul3A_2166 : vector<16xf32>
        %swap3A_2168 = arith.index_cast %add3A_2139 : i32 to index
        %swap3A_2169 = arith.constant 32 : index
        %swap3A_2170 = tpu.vector_load %arg16[%swap3A_2168, %swap3A_2169] {strides = array<i32>} : memref<64x128xf32, #tpu.memory_space<vmem>>, vector<1x16xf32>,
        %swap3A_2171 = vector.shape_cast %swap3A_2170 : vector<1x16xf32> to vector<16xf32>
        %swap3A_2172 = vector.shape_cast %mul3A_2167 : vector<16xf32> to vector<1x16xf32>
        tpu.vector_store %arg16[%swap3A_2168, %swap3A_2169], %swap3A_2172 {strides = array<i32>} : memref<64x128xf32, #tpu.memory_space<vmem>>, vector<1x16xf32>,
        %get3A_2173 = arith.index_cast %add3A_2139 : i32 to index
        %get3A_2174 = arith.constant 48 : index
        %get3A_2175 = tpu.vector_load %arg16[%get3A_2173, %get3A_2174] {strides = array<i32>} : memref<64x128xf32, #tpu.memory_space<vmem>>, vector<1x16xf32>,
        %get3A_2176 = vector.shape_cast %get3A_2175 : vector<1x16xf32> to vector<16xf32>
        %mul3A_2177 = vector.broadcast %squeeze3A_2135 : f32 to vector<16xf32>
        %mul3A_2178 = arith.mulf %get3A_2176, %mul3A_2177 : vector<16xf32>
        %swap3A_2179 = arith.index_cast %add3A_2139 : i32 to index
        %swap3A_2180 = arith.constant 48 : index
        %swap3A_2181 = tpu.vector_load %arg16[%swap3A_2179, %swap3A_2180] {strides = array<i32>} : memref<64x128xf32, #tpu.memory_space<vmem>>, vector<1x16xf32>,
        %swap3A_2182 = vector.shape_cast %swap3A_2181 : vector<1x16xf32> to vector<16xf32>
        %swap3A_2183 = vector.shape_cast %mul3A_2178 : vector<16xf32> to vector<1x16xf32>
        tpu.vector_store %arg16[%swap3A_2179, %swap3A_2180], %swap3A_2183 {strides = array<i32>} : memref<64x128xf32, #tpu.memory_space<vmem>>, vector<1x16xf32>,
        %get3A_2184 = arith.index_cast %add3A_2139 : i32 to index
        %get3A_2185 = arith.constant 64 : index
        %get3A_2186 = tpu.vector_load %arg16[%get3A_2184, %get3A_2185] {strides = array<i32>} : memref<64x128xf32, #tpu.memory_space<vmem>>, vector<1x16xf32>,
        %get3A_2187 = vector.shape_cast %get3A_2186 : vector<1x16xf32> to vector<16xf32>
        %mul3A_2188 = vector.broadcast %squeeze3A_2135 : f32 to vector<16xf32>
        %mul3A_2189 = arith.mulf %get3A_2187, %mul3A_2188 : vector<16xf32>
        %swap3A_2190 = arith.index_cast %add3A_2139 : i32 to index
        %swap3A_2191 = arith.constant 64 : index
        %swap3A_2192 = tpu.vector_load %arg16[%swap3A_2190, %swap3A_2191] {strides = array<i32>} : memref<64x128xf32, #tpu.memory_space<vmem>>, vector<1x16xf32>,
        %swap3A_2193 = vector.shape_cast %swap3A_2192 : vector<1x16xf32> to vector<16xf32>
        %swap3A_2194 = vector.shape_cast %mul3A_2189 : vector<16xf32> to vector<1x16xf32>
        tpu.vector_store %arg16[%swap3A_2190, %swap3A_2191], %swap3A_2194 {strides = array<i32>} : memref<64x128xf32, #tpu.memory_space<vmem>>, vector<1x16xf32>,
        %get3A_2195 = arith.index_cast %add3A_2139 : i32 to index
        %get3A_2196 = arith.constant 80 : index
        %get3A_2197 = tpu.vector_load %arg16[%get3A_2195, %get3A_2196] {strides = array<i32>} : memref<64x128xf32, #tpu.memory_space<vmem>>, vector<1x16xf32>,
        %get3A_2198 = vector.shape_cast %get3A_2197 : vector<1x16xf32> to vector<16xf32>
        %mul3A_2199 = vector.broadcast %squeeze3A_2135 : f32 to vector<16xf32>
        %mul3A_2200 = arith.mulf %get3A_2198, %mul3A_2199 : vector<16xf32>
        %swap3A_2201 = arith.index_cast %add3A_2139 : i32 to index
        %swap3A_2202 = arith.constant 80 : index
        %swap3A_2203 = tpu.vector_load %arg16[%swap3A_2201, %swap3A_2202] {strides = array<i32>} : memref<64x128xf32, #tpu.memory_space<vmem>>, vector<1x16xf32>,
        %swap3A_2204 = vector.shape_cast %swap3A_2203 : vector<1x16xf32> to vector<16xf32>
        %swap3A_2205 = vector.shape_cast %mul3A_2200 : vector<16xf32> to vector<1x16xf32>
        tpu.vector_store %arg16[%swap3A_2201, %swap3A_2202], %swap3A_2205 {strides = array<i32>} : memref<64x128xf32, #tpu.memory_space<vmem>>, vector<1x16xf32>,
        %get3A_2206 = arith.index_cast %add3A_2139 : i32 to index
        %get3A_2207 = arith.constant 96 : index
        %get3A_2208 = tpu.vector_load %arg16[%get3A_2206, %get3A_2207] {strides = array<i32>} : memref<64x128xf32, #tpu.memory_space<vmem>>, vector<1x16xf32>,
        %get3A_2209 = vector.shape_cast %get3A_2208 : vector<1x16xf32> to vector<16xf32>
        %mul3A_2210 = vector.broadcast %squeeze3A_2135 : f32 to vector<16xf32>
        %mul3A_2211 = arith.mulf %get3A_2209, %mul3A_2210 : vector<16xf32>
        %swap3A_2212 = arith.index_cast %add3A_2139 : i32 to index
        %swap3A_2213 = arith.constant 96 : index
        %swap3A_2214 = tpu.vector_load %arg16[%swap3A_2212, %swap3A_2213] {strides = array<i32>} : memref<64x128xf32, #tpu.memory_space<vmem>>, vector<1x16xf32>,
        %swap3A_2215 = vector.shape_cast %swap3A_2214 : vector<1x16xf32> to vector<16xf32>
        %swap3A_2216 = vector.shape_cast %mul3A_2211 : vector<16xf32> to vector<1x16xf32>
        tpu.vector_store %arg16[%swap3A_2212, %swap3A_2213], %swap3A_2216 {strides = array<i32>} : memref<64x128xf32, #tpu.memory_space<vmem>>, vector<1x16xf32>,
        %get3A_2217 = arith.index_cast %add3A_2139 : i32 to index
        %get3A_2218 = arith.constant 112 : index
        %get3A_2219 = tpu.vector_load %arg16[%get3A_2217, %get3A_2218] {strides = array<i32>} : memref<64x128xf32, #tpu.memory_space<vmem>>, vector<1x16xf32>,
        %get3A_2220 = vector.shape_cast %get3A_2219 : vector<1x16xf32> to vector<16xf32>
        %mul3A_2221 = vector.broadcast %squeeze3A_2135 : f32 to vector<16xf32>
        %mul3A_2222 = arith.mulf %get3A_2220, %mul3A_2221 : vector<16xf32>
        %swap3A_2223 = arith.index_cast %add3A_2139 : i32 to index
        %swap3A_2224 = arith.constant 112 : index
        %swap3A_2225 = tpu.vector_load %arg16[%swap3A_2223, %swap3A_2224] {strides = array<i32>} : memref<64x128xf32, #tpu.memory_space<vmem>>, vector<1x16xf32>,
        %swap3A_2226 = vector.shape_cast %swap3A_2225 : vector<1x16xf32> to vector<16xf32>
        %swap3A_2227 = vector.shape_cast %mul3A_2222 : vector<16xf32> to vector<1x16xf32>
        tpu.vector_store %arg16[%swap3A_2223, %swap3A_2224], %swap3A_2227 {strides = array<i32>} : memref<64x128xf32, #tpu.memory_space<vmem>>, vector<1x16xf32>,
        %slice3A_2228 = vector.extract_strided_slice %get3A_1005 {offsets = [13], sizes = [1], strides = [1]} : vector<16xf32> to vector<1xf32>
        %squeeze3A_2229 = vector.extract %slice3A_2228[0] : f32 from vector<1xf32>
        %mul3A_2230 = arith.constant 16 : i32
        %mul3A_2231 = arith.muli %scan3A_998, %mul3A_2230 : i32
        %add3A_2232 = arith.constant 13 : i32
        %add3A_2233 = arith.addi %mul3A_2231, %add3A_2232 : i32
        %get3A_2234 = arith.index_cast %add3A_2233 : i32 to index
        %get3A_2235 = arith.constant 0 : index
        %get3A_2236 = tpu.vector_load %arg16[%get3A_2234, %get3A_2235] {strides = array<i32>} : memref<64x128xf32, #tpu.memory_space<vmem>>, vector<1x16xf32>,
        %get3A_2237 = vector.shape_cast %get3A_2236 : vector<1x16xf32> to vector<16xf32>
        %mul3A_2238 = vector.broadcast %squeeze3A_2229 : f32 to vector<16xf32>
        %mul3A_2239 = arith.mulf %get3A_2237, %mul3A_2238 : vector<16xf32>
        %swap3A_2240 = arith.index_cast %add3A_2233 : i32 to index
        %swap3A_2241 = arith.constant 0 : index
        %swap3A_2242 = tpu.vector_load %arg16[%swap3A_2240, %swap3A_2241] {strides = array<i32>} : memref<64x128xf32, #tpu.memory_space<vmem>>, vector<1x16xf32>,
        %swap3A_2243 = vector.shape_cast %swap3A_2242 : vector<1x16xf32> to vector<16xf32>
        %swap3A_2244 = vector.shape_cast %mul3A_2239 : vector<16xf32> to vector<1x16xf32>
        tpu.vector_store %arg16[%swap3A_2240, %swap3A_2241], %swap3A_2244 {strides = array<i32>} : memref<64x128xf32, #tpu.memory_space<vmem>>, vector<1x16xf32>,
        %get3A_2245 = arith.index_cast %add3A_2233 : i32 to index
        %get3A_2246 = arith.constant 16 : index
        %get3A_2247 = tpu.vector_load %arg16[%get3A_2245, %get3A_2246] {strides = array<i32>} : memref<64x128xf32, #tpu.memory_space<vmem>>, vector<1x16xf32>,
        %get3A_2248 = vector.shape_cast %get3A_2247 : vector<1x16xf32> to vector<16xf32>
        %mul3A_2249 = vector.broadcast %squeeze3A_2229 : f32 to vector<16xf32>
        %mul3A_2250 = arith.mulf %get3A_2248, %mul3A_2249 : vector<16xf32>
        %swap3A_2251 = arith.index_cast %add3A_2233 : i32 to index
        %swap3A_2252 = arith.constant 16 : index
        %swap3A_2253 = tpu.vector_load %arg16[%swap3A_2251, %swap3A_2252] {strides = array<i32>} : memref<64x128xf32, #tpu.memory_space<vmem>>, vector<1x16xf32>,
        %swap3A_2254 = vector.shape_cast %swap3A_2253 : vector<1x16xf32> to vector<16xf32>
        %swap3A_2255 = vector.shape_cast %mul3A_2250 : vector<16xf32> to vector<1x16xf32>
        tpu.vector_store %arg16[%swap3A_2251, %swap3A_2252], %swap3A_2255 {strides = array<i32>} : memref<64x128xf32, #tpu.memory_space<vmem>>, vector<1x16xf32>,
        %get3A_2256 = arith.index_cast %add3A_2233 : i32 to index
        %get3A_2257 = arith.constant 32 : index
        %get3A_2258 = tpu.vector_load %arg16[%get3A_2256, %get3A_2257] {strides = array<i32>} : memref<64x128xf32, #tpu.memory_space<vmem>>, vector<1x16xf32>,
        %get3A_2259 = vector.shape_cast %get3A_2258 : vector<1x16xf32> to vector<16xf32>
        %mul3A_2260 = vector.broadcast %squeeze3A_2229 : f32 to vector<16xf32>
        %mul3A_2261 = arith.mulf %get3A_2259, %mul3A_2260 : vector<16xf32>
        %swap3A_2262 = arith.index_cast %add3A_2233 : i32 to index
        %swap3A_2263 = arith.constant 32 : index
        %swap3A_2264 = tpu.vector_load %arg16[%swap3A_2262, %swap3A_2263] {strides = array<i32>} : memref<64x128xf32, #tpu.memory_space<vmem>>, vector<1x16xf32>,
        %swap3A_2265 = vector.shape_cast %swap3A_2264 : vector<1x16xf32> to vector<16xf32>
        %swap3A_2266 = vector.shape_cast %mul3A_2261 : vector<16xf32> to vector<1x16xf32>
        tpu.vector_store %arg16[%swap3A_2262, %swap3A_2263], %swap3A_2266 {strides = array<i32>} : memref<64x128xf32, #tpu.memory_space<vmem>>, vector<1x16xf32>,
        %get3A_2267 = arith.index_cast %add3A_2233 : i32 to index
        %get3A_2268 = arith.constant 48 : index
        %get3A_2269 = tpu.vector_load %arg16[%get3A_2267, %get3A_2268] {strides = array<i32>} : memref<64x128xf32, #tpu.memory_space<vmem>>, vector<1x16xf32>,
        %get3A_2270 = vector.shape_cast %get3A_2269 : vector<1x16xf32> to vector<16xf32>
        %mul3A_2271 = vector.broadcast %squeeze3A_2229 : f32 to vector<16xf32>
        %mul3A_2272 = arith.mulf %get3A_2270, %mul3A_2271 : vector<16xf32>
        %swap3A_2273 = arith.index_cast %add3A_2233 : i32 to index
        %swap3A_2274 = arith.constant 48 : index
        %swap3A_2275 = tpu.vector_load %arg16[%swap3A_2273, %swap3A_2274] {strides = array<i32>} : memref<64x128xf32, #tpu.memory_space<vmem>>, vector<1x16xf32>,
        %swap3A_2276 = vector.shape_cast %swap3A_2275 : vector<1x16xf32> to vector<16xf32>
        %swap3A_2277 = vector.shape_cast %mul3A_2272 : vector<16xf32> to vector<1x16xf32>
        tpu.vector_store %arg16[%swap3A_2273, %swap3A_2274], %swap3A_2277 {strides = array<i32>} : memref<64x128xf32, #tpu.memory_space<vmem>>, vector<1x16xf32>,
        %get3A_2278 = arith.index_cast %add3A_2233 : i32 to index
        %get3A_2279 = arith.constant 64 : index
        %get3A_2280 = tpu.vector_load %arg16[%get3A_2278, %get3A_2279] {strides = array<i32>} : memref<64x128xf32, #tpu.memory_space<vmem>>, vector<1x16xf32>,
        %get3A_2281 = vector.shape_cast %get3A_2280 : vector<1x16xf32> to vector<16xf32>
        %mul3A_2282 = vector.broadcast %squeeze3A_2229 : f32 to vector<16xf32>
        %mul3A_2283 = arith.mulf %get3A_2281, %mul3A_2282 : vector<16xf32>
        %swap3A_2284 = arith.index_cast %add3A_2233 : i32 to index
        %swap3A_2285 = arith.constant 64 : index
        %swap3A_2286 = tpu.vector_load %arg16[%swap3A_2284, %swap3A_2285] {strides = array<i32>} : memref<64x128xf32, #tpu.memory_space<vmem>>, vector<1x16xf32>,
        %swap3A_2287 = vector.shape_cast %swap3A_2286 : vector<1x16xf32> to vector<16xf32>
        %swap3A_2288 = vector.shape_cast %mul3A_2283 : vector<16xf32> to vector<1x16xf32>
        tpu.vector_store %arg16[%swap3A_2284, %swap3A_2285], %swap3A_2288 {strides = array<i32>} : memref<64x128xf32, #tpu.memory_space<vmem>>, vector<1x16xf32>,
        %get3A_2289 = arith.index_cast %add3A_2233 : i32 to index
        %get3A_2290 = arith.constant 80 : index
        %get3A_2291 = tpu.vector_load %arg16[%get3A_2289, %get3A_2290] {strides = array<i32>} : memref<64x128xf32, #tpu.memory_space<vmem>>, vector<1x16xf32>,
        %get3A_2292 = vector.shape_cast %get3A_2291 : vector<1x16xf32> to vector<16xf32>
        %mul3A_2293 = vector.broadcast %squeeze3A_2229 : f32 to vector<16xf32>
        %mul3A_2294 = arith.mulf %get3A_2292, %mul3A_2293 : vector<16xf32>
        %swap3A_2295 = arith.index_cast %add3A_2233 : i32 to index
        %swap3A_2296 = arith.constant 80 : index
        %swap3A_2297 = tpu.vector_load %arg16[%swap3A_2295, %swap3A_2296] {strides = array<i32>} : memref<64x128xf32, #tpu.memory_space<vmem>>, vector<1x16xf32>,
        %swap3A_2298 = vector.shape_cast %swap3A_2297 : vector<1x16xf32> to vector<16xf32>
        %swap3A_2299 = vector.shape_cast %mul3A_2294 : vector<16xf32> to vector<1x16xf32>
        tpu.vector_store %arg16[%swap3A_2295, %swap3A_2296], %swap3A_2299 {strides = array<i32>} : memref<64x128xf32, #tpu.memory_space<vmem>>, vector<1x16xf32>,
        %get3A_2300 = arith.index_cast %add3A_2233 : i32 to index
        %get3A_2301 = arith.constant 96 : index
        %get3A_2302 = tpu.vector_load %arg16[%get3A_2300, %get3A_2301] {strides = array<i32>} : memref<64x128xf32, #tpu.memory_space<vmem>>, vector<1x16xf32>,
        %get3A_2303 = vector.shape_cast %get3A_2302 : vector<1x16xf32> to vector<16xf32>
        %mul3A_2304 = vector.broadcast %squeeze3A_2229 : f32 to vector<16xf32>
        %mul3A_2305 = arith.mulf %get3A_2303, %mul3A_2304 : vector<16xf32>
        %swap3A_2306 = arith.index_cast %add3A_2233 : i32 to index
        %swap3A_2307 = arith.constant 96 : index
        %swap3A_2308 = tpu.vector_load %arg16[%swap3A_2306, %swap3A_2307] {strides = array<i32>} : memref<64x128xf32, #tpu.memory_space<vmem>>, vector<1x16xf32>,
        %swap3A_2309 = vector.shape_cast %swap3A_2308 : vector<1x16xf32> to vector<16xf32>
        %swap3A_2310 = vector.shape_cast %mul3A_2305 : vector<16xf32> to vector<1x16xf32>
        tpu.vector_store %arg16[%swap3A_2306, %swap3A_2307], %swap3A_2310 {strides = array<i32>} : memref<64x128xf32, #tpu.memory_space<vmem>>, vector<1x16xf32>,
        %get3A_2311 = arith.index_cast %add3A_2233 : i32 to index
        %get3A_2312 = arith.constant 112 : index
        %get3A_2313 = tpu.vector_load %arg16[%get3A_2311, %get3A_2312] {strides = array<i32>} : memref<64x128xf32, #tpu.memory_space<vmem>>, vector<1x16xf32>,
        %get3A_2314 = vector.shape_cast %get3A_2313 : vector<1x16xf32> to vector<16xf32>
        %mul3A_2315 = vector.broadcast %squeeze3A_2229 : f32 to vector<16xf32>
        %mul3A_2316 = arith.mulf %get3A_2314, %mul3A_2315 : vector<16xf32>
        %swap3A_2317 = arith.index_cast %add3A_2233 : i32 to index
        %swap3A_2318 = arith.constant 112 : index
        %swap3A_2319 = tpu.vector_load %arg16[%swap3A_2317, %swap3A_2318] {strides = array<i32>} : memref<64x128xf32, #tpu.memory_space<vmem>>, vector<1x16xf32>,
        %swap3A_2320 = vector.shape_cast %swap3A_2319 : vector<1x16xf32> to vector<16xf32>
        %swap3A_2321 = vector.shape_cast %mul3A_2316 : vector<16xf32> to vector<1x16xf32>
        tpu.vector_store %arg16[%swap3A_2317, %swap3A_2318], %swap3A_2321 {strides = array<i32>} : memref<64x128xf32, #tpu.memory_space<vmem>>, vector<1x16xf32>,
        %slice3A_2322 = vector.extract_strided_slice %get3A_1005 {offsets = [14], sizes = [1], strides = [1]} : vector<16xf32> to vector<1xf32>
        %squeeze3A_2323 = vector.extract %slice3A_2322[0] : f32 from vector<1xf32>
        %mul3A_2324 = arith.constant 16 : i32
        %mul3A_2325 = arith.muli %scan3A_998, %mul3A_2324 : i32
        %add3A_2326 = arith.constant 14 : i32
        %add3A_2327 = arith.addi %mul3A_2325, %add3A_2326 : i32
        %get3A_2328 = arith.index_cast %add3A_2327 : i32 to index
        %get3A_2329 = arith.constant 0 : index
        %get3A_2330 = tpu.vector_load %arg16[%get3A_2328, %get3A_2329] {strides = array<i32>} : memref<64x128xf32, #tpu.memory_space<vmem>>, vector<1x16xf32>,
        %get3A_2331 = vector.shape_cast %get3A_2330 : vector<1x16xf32> to vector<16xf32>
        %mul3A_2332 = vector.broadcast %squeeze3A_2323 : f32 to vector<16xf32>
        %mul3A_2333 = arith.mulf %get3A_2331, %mul3A_2332 : vector<16xf32>
        %swap3A_2334 = arith.index_cast %add3A_2327 : i32 to index
        %swap3A_2335 = arith.constant 0 : index
        %swap3A_2336 = tpu.vector_load %arg16[%swap3A_2334, %swap3A_2335] {strides = array<i32>} : memref<64x128xf32, #tpu.memory_space<vmem>>, vector<1x16xf32>,
        %swap3A_2337 = vector.shape_cast %swap3A_2336 : vector<1x16xf32> to vector<16xf32>
        %swap3A_2338 = vector.shape_cast %mul3A_2333 : vector<16xf32> to vector<1x16xf32>
        tpu.vector_store %arg16[%swap3A_2334, %swap3A_2335], %swap3A_2338 {strides = array<i32>} : memref<64x128xf32, #tpu.memory_space<vmem>>, vector<1x16xf32>,
        %get3A_2339 = arith.index_cast %add3A_2327 : i32 to index
        %get3A_2340 = arith.constant 16 : index
        %get3A_2341 = tpu.vector_load %arg16[%get3A_2339, %get3A_2340] {strides = array<i32>} : memref<64x128xf32, #tpu.memory_space<vmem>>, vector<1x16xf32>,
        %get3A_2342 = vector.shape_cast %get3A_2341 : vector<1x16xf32> to vector<16xf32>
        %mul3A_2343 = vector.broadcast %squeeze3A_2323 : f32 to vector<16xf32>
        %mul3A_2344 = arith.mulf %get3A_2342, %mul3A_2343 : vector<16xf32>
        %swap3A_2345 = arith.index_cast %add3A_2327 : i32 to index
        %swap3A_2346 = arith.constant 16 : index
        %swap3A_2347 = tpu.vector_load %arg16[%swap3A_2345, %swap3A_2346] {strides = array<i32>} : memref<64x128xf32, #tpu.memory_space<vmem>>, vector<1x16xf32>,
        %swap3A_2348 = vector.shape_cast %swap3A_2347 : vector<1x16xf32> to vector<16xf32>
        %swap3A_2349 = vector.shape_cast %mul3A_2344 : vector<16xf32> to vector<1x16xf32>
        tpu.vector_store %arg16[%swap3A_2345, %swap3A_2346], %swap3A_2349 {strides = array<i32>} : memref<64x128xf32, #tpu.memory_space<vmem>>, vector<1x16xf32>,
        %get3A_2350 = arith.index_cast %add3A_2327 : i32 to index
        %get3A_2351 = arith.constant 32 : index
        %get3A_2352 = tpu.vector_load %arg16[%get3A_2350, %get3A_2351] {strides = array<i32>} : memref<64x128xf32, #tpu.memory_space<vmem>>, vector<1x16xf32>,
        %get3A_2353 = vector.shape_cast %get3A_2352 : vector<1x16xf32> to vector<16xf32>
        %mul3A_2354 = vector.broadcast %squeeze3A_2323 : f32 to vector<16xf32>
        %mul3A_2355 = arith.mulf %get3A_2353, %mul3A_2354 : vector<16xf32>
        %swap3A_2356 = arith.index_cast %add3A_2327 : i32 to index
        %swap3A_2357 = arith.constant 32 : index
        %swap3A_2358 = tpu.vector_load %arg16[%swap3A_2356, %swap3A_2357] {strides = array<i32>} : memref<64x128xf32, #tpu.memory_space<vmem>>, vector<1x16xf32>,
        %swap3A_2359 = vector.shape_cast %swap3A_2358 : vector<1x16xf32> to vector<16xf32>
        %swap3A_2360 = vector.shape_cast %mul3A_2355 : vector<16xf32> to vector<1x16xf32>
        tpu.vector_store %arg16[%swap3A_2356, %swap3A_2357], %swap3A_2360 {strides = array<i32>} : memref<64x128xf32, #tpu.memory_space<vmem>>, vector<1x16xf32>,
        %get3A_2361 = arith.index_cast %add3A_2327 : i32 to index
        %get3A_2362 = arith.constant 48 : index
        %get3A_2363 = tpu.vector_load %arg16[%get3A_2361, %get3A_2362] {strides = array<i32>} : memref<64x128xf32, #tpu.memory_space<vmem>>, vector<1x16xf32>,
        %get3A_2364 = vector.shape_cast %get3A_2363 : vector<1x16xf32> to vector<16xf32>
        %mul3A_2365 = vector.broadcast %squeeze3A_2323 : f32 to vector<16xf32>
        %mul3A_2366 = arith.mulf %get3A_2364, %mul3A_2365 : vector<16xf32>
        %swap3A_2367 = arith.index_cast %add3A_2327 : i32 to index
        %swap3A_2368 = arith.constant 48 : index
        %swap3A_2369 = tpu.vector_load %arg16[%swap3A_2367, %swap3A_2368] {strides = array<i32>} : memref<64x128xf32, #tpu.memory_space<vmem>>, vector<1x16xf32>,
        %swap3A_2370 = vector.shape_cast %swap3A_2369 : vector<1x16xf32> to vector<16xf32>
        %swap3A_2371 = vector.shape_cast %mul3A_2366 : vector<16xf32> to vector<1x16xf32>
        tpu.vector_store %arg16[%swap3A_2367, %swap3A_2368], %swap3A_2371 {strides = array<i32>} : memref<64x128xf32, #tpu.memory_space<vmem>>, vector<1x16xf32>,
        %get3A_2372 = arith.index_cast %add3A_2327 : i32 to index
        %get3A_2373 = arith.constant 64 : index
        %get3A_2374 = tpu.vector_load %arg16[%get3A_2372, %get3A_2373] {strides = array<i32>} : memref<64x128xf32, #tpu.memory_space<vmem>>, vector<1x16xf32>,
        %get3A_2375 = vector.shape_cast %get3A_2374 : vector<1x16xf32> to vector<16xf32>
        %mul3A_2376 = vector.broadcast %squeeze3A_2323 : f32 to vector<16xf32>
        %mul3A_2377 = arith.mulf %get3A_2375, %mul3A_2376 : vector<16xf32>
        %swap3A_2378 = arith.index_cast %add3A_2327 : i32 to index
        %swap3A_2379 = arith.constant 64 : index
        %swap3A_2380 = tpu.vector_load %arg16[%swap3A_2378, %swap3A_2379] {strides = array<i32>} : memref<64x128xf32, #tpu.memory_space<vmem>>, vector<1x16xf32>,
        %swap3A_2381 = vector.shape_cast %swap3A_2380 : vector<1x16xf32> to vector<16xf32>
        %swap3A_2382 = vector.shape_cast %mul3A_2377 : vector<16xf32> to vector<1x16xf32>
        tpu.vector_store %arg16[%swap3A_2378, %swap3A_2379], %swap3A_2382 {strides = array<i32>} : memref<64x128xf32, #tpu.memory_space<vmem>>, vector<1x16xf32>,
        %get3A_2383 = arith.index_cast %add3A_2327 : i32 to index
        %get3A_2384 = arith.constant 80 : index
        %get3A_2385 = tpu.vector_load %arg16[%get3A_2383, %get3A_2384] {strides = array<i32>} : memref<64x128xf32, #tpu.memory_space<vmem>>, vector<1x16xf32>,
        %get3A_2386 = vector.shape_cast %get3A_2385 : vector<1x16xf32> to vector<16xf32>
        %mul3A_2387 = vector.broadcast %squeeze3A_2323 : f32 to vector<16xf32>
        %mul3A_2388 = arith.mulf %get3A_2386, %mul3A_2387 : vector<16xf32>
        %swap3A_2389 = arith.index_cast %add3A_2327 : i32 to index
        %swap3A_2390 = arith.constant 80 : index
        %swap3A_2391 = tpu.vector_load %arg16[%swap3A_2389, %swap3A_2390] {strides = array<i32>} : memref<64x128xf32, #tpu.memory_space<vmem>>, vector<1x16xf32>,
        %swap3A_2392 = vector.shape_cast %swap3A_2391 : vector<1x16xf32> to vector<16xf32>
        %swap3A_2393 = vector.shape_cast %mul3A_2388 : vector<16xf32> to vector<1x16xf32>
        tpu.vector_store %arg16[%swap3A_2389, %swap3A_2390], %swap3A_2393 {strides = array<i32>} : memref<64x128xf32, #tpu.memory_space<vmem>>, vector<1x16xf32>,
        %get3A_2394 = arith.index_cast %add3A_2327 : i32 to index
        %get3A_2395 = arith.constant 96 : index
        %get3A_2396 = tpu.vector_load %arg16[%get3A_2394, %get3A_2395] {strides = array<i32>} : memref<64x128xf32, #tpu.memory_space<vmem>>, vector<1x16xf32>,
        %get3A_2397 = vector.shape_cast %get3A_2396 : vector<1x16xf32> to vector<16xf32>
        %mul3A_2398 = vector.broadcast %squeeze3A_2323 : f32 to vector<16xf32>
        %mul3A_2399 = arith.mulf %get3A_2397, %mul3A_2398 : vector<16xf32>
        %swap3A_2400 = arith.index_cast %add3A_2327 : i32 to index
        %swap3A_2401 = arith.constant 96 : index
        %swap3A_2402 = tpu.vector_load %arg16[%swap3A_2400, %swap3A_2401] {strides = array<i32>} : memref<64x128xf32, #tpu.memory_space<vmem>>, vector<1x16xf32>,
        %swap3A_2403 = vector.shape_cast %swap3A_2402 : vector<1x16xf32> to vector<16xf32>
        %swap3A_2404 = vector.shape_cast %mul3A_2399 : vector<16xf32> to vector<1x16xf32>
        tpu.vector_store %arg16[%swap3A_2400, %swap3A_2401], %swap3A_2404 {strides = array<i32>} : memref<64x128xf32, #tpu.memory_space<vmem>>, vector<1x16xf32>,
        %get3A_2405 = arith.index_cast %add3A_2327 : i32 to index
        %get3A_2406 = arith.constant 112 : index
        %get3A_2407 = tpu.vector_load %arg16[%get3A_2405, %get3A_2406] {strides = array<i32>} : memref<64x128xf32, #tpu.memory_space<vmem>>, vector<1x16xf32>,
        %get3A_2408 = vector.shape_cast %get3A_2407 : vector<1x16xf32> to vector<16xf32>
        %mul3A_2409 = vector.broadcast %squeeze3A_2323 : f32 to vector<16xf32>
        %mul3A_2410 = arith.mulf %get3A_2408, %mul3A_2409 : vector<16xf32>
        %swap3A_2411 = arith.index_cast %add3A_2327 : i32 to index
        %swap3A_2412 = arith.constant 112 : index
        %swap3A_2413 = tpu.vector_load %arg16[%swap3A_2411, %swap3A_2412] {strides = array<i32>} : memref<64x128xf32, #tpu.memory_space<vmem>>, vector<1x16xf32>,
        %swap3A_2414 = vector.shape_cast %swap3A_2413 : vector<1x16xf32> to vector<16xf32>
        %swap3A_2415 = vector.shape_cast %mul3A_2410 : vector<16xf32> to vector<1x16xf32>
        tpu.vector_store %arg16[%swap3A_2411, %swap3A_2412], %swap3A_2415 {strides = array<i32>} : memref<64x128xf32, #tpu.memory_space<vmem>>, vector<1x16xf32>,
        %slice3A_2416 = vector.extract_strided_slice %get3A_1005 {offsets = [15], sizes = [1], strides = [1]} : vector<16xf32> to vector<1xf32>
        %squeeze3A_2417 = vector.extract %slice3A_2416[0] : f32 from vector<1xf32>
        %mul3A_2418 = arith.constant 16 : i32
        %mul3A_2419 = arith.muli %scan3A_998, %mul3A_2418 : i32
        %add3A_2420 = arith.constant 15 : i32
        %add3A_2421 = arith.addi %mul3A_2419, %add3A_2420 : i32
        %get3A_2422 = arith.index_cast %add3A_2421 : i32 to index
        %get3A_2423 = arith.constant 0 : index
        %get3A_2424 = tpu.vector_load %arg16[%get3A_2422, %get3A_2423] {strides = array<i32>} : memref<64x128xf32, #tpu.memory_space<vmem>>, vector<1x16xf32>,
        %get3A_2425 = vector.shape_cast %get3A_2424 : vector<1x16xf32> to vector<16xf32>
        %mul3A_2426 = vector.broadcast %squeeze3A_2417 : f32 to vector<16xf32>
        %mul3A_2427 = arith.mulf %get3A_2425, %mul3A_2426 : vector<16xf32>
        %swap3A_2428 = arith.index_cast %add3A_2421 : i32 to index
        %swap3A_2429 = arith.constant 0 : index
        %swap3A_2430 = tpu.vector_load %arg16[%swap3A_2428, %swap3A_2429] {strides = array<i32>} : memref<64x128xf32, #tpu.memory_space<vmem>>, vector<1x16xf32>,
        %swap3A_2431 = vector.shape_cast %swap3A_2430 : vector<1x16xf32> to vector<16xf32>
        %swap3A_2432 = vector.shape_cast %mul3A_2427 : vector<16xf32> to vector<1x16xf32>
        tpu.vector_store %arg16[%swap3A_2428, %swap3A_2429], %swap3A_2432 {strides = array<i32>} : memref<64x128xf32, #tpu.memory_space<vmem>>, vector<1x16xf32>,
        %get3A_2433 = arith.index_cast %add3A_2421 : i32 to index
        %get3A_2434 = arith.constant 16 : index
        %get3A_2435 = tpu.vector_load %arg16[%get3A_2433, %get3A_2434] {strides = array<i32>} : memref<64x128xf32, #tpu.memory_space<vmem>>, vector<1x16xf32>,
        %get3A_2436 = vector.shape_cast %get3A_2435 : vector<1x16xf32> to vector<16xf32>
        %mul3A_2437 = vector.broadcast %squeeze3A_2417 : f32 to vector<16xf32>
        %mul3A_2438 = arith.mulf %get3A_2436, %mul3A_2437 : vector<16xf32>
        %swap3A_2439 = arith.index_cast %add3A_2421 : i32 to index
        %swap3A_2440 = arith.constant 16 : index
        %swap3A_2441 = tpu.vector_load %arg16[%swap3A_2439, %swap3A_2440] {strides = array<i32>} : memref<64x128xf32, #tpu.memory_space<vmem>>, vector<1x16xf32>,
        %swap3A_2442 = vector.shape_cast %swap3A_2441 : vector<1x16xf32> to vector<16xf32>
        %swap3A_2443 = vector.shape_cast %mul3A_2438 : vector<16xf32> to vector<1x16xf32>
        tpu.vector_store %arg16[%swap3A_2439, %swap3A_2440], %swap3A_2443 {strides = array<i32>} : memref<64x128xf32, #tpu.memory_space<vmem>>, vector<1x16xf32>,
        %get3A_2444 = arith.index_cast %add3A_2421 : i32 to index
        %get3A_2445 = arith.constant 32 : index
        %get3A_2446 = tpu.vector_load %arg16[%get3A_2444, %get3A_2445] {strides = array<i32>} : memref<64x128xf32, #tpu.memory_space<vmem>>, vector<1x16xf32>,
        %get3A_2447 = vector.shape_cast %get3A_2446 : vector<1x16xf32> to vector<16xf32>
        %mul3A_2448 = vector.broadcast %squeeze3A_2417 : f32 to vector<16xf32>
        %mul3A_2449 = arith.mulf %get3A_2447, %mul3A_2448 : vector<16xf32>
        %swap3A_2450 = arith.index_cast %add3A_2421 : i32 to index
        %swap3A_2451 = arith.constant 32 : index
        %swap3A_2452 = tpu.vector_load %arg16[%swap3A_2450, %swap3A_2451] {strides = array<i32>} : memref<64x128xf32, #tpu.memory_space<vmem>>, vector<1x16xf32>,
        %swap3A_2453 = vector.shape_cast %swap3A_2452 : vector<1x16xf32> to vector<16xf32>
        %swap3A_2454 = vector.shape_cast %mul3A_2449 : vector<16xf32> to vector<1x16xf32>
        tpu.vector_store %arg16[%swap3A_2450, %swap3A_2451], %swap3A_2454 {strides = array<i32>} : memref<64x128xf32, #tpu.memory_space<vmem>>, vector<1x16xf32>,
        %get3A_2455 = arith.index_cast %add3A_2421 : i32 to index
        %get3A_2456 = arith.constant 48 : index
        %get3A_2457 = tpu.vector_load %arg16[%get3A_2455, %get3A_2456] {strides = array<i32>} : memref<64x128xf32, #tpu.memory_space<vmem>>, vector<1x16xf32>,
        %get3A_2458 = vector.shape_cast %get3A_2457 : vector<1x16xf32> to vector<16xf32>
        %mul3A_2459 = vector.broadcast %squeeze3A_2417 : f32 to vector<16xf32>
        %mul3A_2460 = arith.mulf %get3A_2458, %mul3A_2459 : vector<16xf32>
        %swap3A_2461 = arith.index_cast %add3A_2421 : i32 to index
        %swap3A_2462 = arith.constant 48 : index
        %swap3A_2463 = tpu.vector_load %arg16[%swap3A_2461, %swap3A_2462] {strides = array<i32>} : memref<64x128xf32, #tpu.memory_space<vmem>>, vector<1x16xf32>,
        %swap3A_2464 = vector.shape_cast %swap3A_2463 : vector<1x16xf32> to vector<16xf32>
        %swap3A_2465 = vector.shape_cast %mul3A_2460 : vector<16xf32> to vector<1x16xf32>
        tpu.vector_store %arg16[%swap3A_2461, %swap3A_2462], %swap3A_2465 {strides = array<i32>} : memref<64x128xf32, #tpu.memory_space<vmem>>, vector<1x16xf32>,
        %get3A_2466 = arith.index_cast %add3A_2421 : i32 to index
        %get3A_2467 = arith.constant 64 : index
        %get3A_2468 = tpu.vector_load %arg16[%get3A_2466, %get3A_2467] {strides = array<i32>} : memref<64x128xf32, #tpu.memory_space<vmem>>, vector<1x16xf32>,
        %get3A_2469 = vector.shape_cast %get3A_2468 : vector<1x16xf32> to vector<16xf32>
        %mul3A_2470 = vector.broadcast %squeeze3A_2417 : f32 to vector<16xf32>
        %mul3A_2471 = arith.mulf %get3A_2469, %mul3A_2470 : vector<16xf32>
        %swap3A_2472 = arith.index_cast %add3A_2421 : i32 to index
        %swap3A_2473 = arith.constant 64 : index
        %swap3A_2474 = tpu.vector_load %arg16[%swap3A_2472, %swap3A_2473] {strides = array<i32>} : memref<64x128xf32, #tpu.memory_space<vmem>>, vector<1x16xf32>,
        %swap3A_2475 = vector.shape_cast %swap3A_2474 : vector<1x16xf32> to vector<16xf32>
        %swap3A_2476 = vector.shape_cast %mul3A_2471 : vector<16xf32> to vector<1x16xf32>
        tpu.vector_store %arg16[%swap3A_2472, %swap3A_2473], %swap3A_2476 {strides = array<i32>} : memref<64x128xf32, #tpu.memory_space<vmem>>, vector<1x16xf32>,
        %get3A_2477 = arith.index_cast %add3A_2421 : i32 to index
        %get3A_2478 = arith.constant 80 : index
        %get3A_2479 = tpu.vector_load %arg16[%get3A_2477, %get3A_2478] {strides = array<i32>} : memref<64x128xf32, #tpu.memory_space<vmem>>, vector<1x16xf32>,
        %get3A_2480 = vector.shape_cast %get3A_2479 : vector<1x16xf32> to vector<16xf32>
        %mul3A_2481 = vector.broadcast %squeeze3A_2417 : f32 to vector<16xf32>
        %mul3A_2482 = arith.mulf %get3A_2480, %mul3A_2481 : vector<16xf32>
        %swap3A_2483 = arith.index_cast %add3A_2421 : i32 to index
        %swap3A_2484 = arith.constant 80 : index
        %swap3A_2485 = tpu.vector_load %arg16[%swap3A_2483, %swap3A_2484] {strides = array<i32>} : memref<64x128xf32, #tpu.memory_space<vmem>>, vector<1x16xf32>,
        %swap3A_2486 = vector.shape_cast %swap3A_2485 : vector<1x16xf32> to vector<16xf32>
        %swap3A_2487 = vector.shape_cast %mul3A_2482 : vector<16xf32> to vector<1x16xf32>
        tpu.vector_store %arg16[%swap3A_2483, %swap3A_2484], %swap3A_2487 {strides = array<i32>} : memref<64x128xf32, #tpu.memory_space<vmem>>, vector<1x16xf32>,
        %get3A_2488 = arith.index_cast %add3A_2421 : i32 to index
        %get3A_2489 = arith.constant 96 : index
        %get3A_2490 = tpu.vector_load %arg16[%get3A_2488, %get3A_2489] {strides = array<i32>} : memref<64x128xf32, #tpu.memory_space<vmem>>, vector<1x16xf32>,
        %get3A_2491 = vector.shape_cast %get3A_2490 : vector<1x16xf32> to vector<16xf32>
        %mul3A_2492 = vector.broadcast %squeeze3A_2417 : f32 to vector<16xf32>
        %mul3A_2493 = arith.mulf %get3A_2491, %mul3A_2492 : vector<16xf32>
        %swap3A_2494 = arith.index_cast %add3A_2421 : i32 to index
        %swap3A_2495 = arith.constant 96 : index
        %swap3A_2496 = tpu.vector_load %arg16[%swap3A_2494, %swap3A_2495] {strides = array<i32>} : memref<64x128xf32, #tpu.memory_space<vmem>>, vector<1x16xf32>,
        %swap3A_2497 = vector.shape_cast %swap3A_2496 : vector<1x16xf32> to vector<16xf32>
        %swap3A_2498 = vector.shape_cast %mul3A_2493 : vector<16xf32> to vector<1x16xf32>
        tpu.vector_store %arg16[%swap3A_2494, %swap3A_2495], %swap3A_2498 {strides = array<i32>} : memref<64x128xf32, #tpu.memory_space<vmem>>, vector<1x16xf32>,
        %get3A_2499 = arith.index_cast %add3A_2421 : i32 to index
        %get3A_2500 = arith.constant 112 : index
        %get3A_2501 = tpu.vector_load %arg16[%get3A_2499, %get3A_2500] {strides = array<i32>} : memref<64x128xf32, #tpu.memory_space<vmem>>, vector<1x16xf32>,
        %get3A_2502 = vector.shape_cast %get3A_2501 : vector<1x16xf32> to vector<16xf32>
        %mul3A_2503 = vector.broadcast %squeeze3A_2417 : f32 to vector<16xf32>
        %mul3A_2504 = arith.mulf %get3A_2502, %mul3A_2503 : vector<16xf32>
        %swap3A_2505 = arith.index_cast %add3A_2421 : i32 to index
        %swap3A_2506 = arith.constant 112 : index
        %swap3A_2507 = tpu.vector_load %arg16[%swap3A_2505, %swap3A_2506] {strides = array<i32>} : memref<64x128xf32, #tpu.memory_space<vmem>>, vector<1x16xf32>,
        %swap3A_2508 = vector.shape_cast %swap3A_2507 : vector<1x16xf32> to vector<16xf32>
        %swap3A_2509 = vector.shape_cast %mul3A_2504 : vector<16xf32> to vector<1x16xf32>
        tpu.vector_store %arg16[%swap3A_2505, %swap3A_2506], %swap3A_2509 {strides = array<i32>} : memref<64x128xf32, #tpu.memory_space<vmem>>, vector<1x16xf32>,
        %scan3A_2510 = arith.constant 0 : i32
        scf.yield %scan3A_2510 : i32
      }
      %scan3A_953 = arith.constant 4 : i32
      %mul3A_954 = arith.constant 64 : i32
      %mul3A_955 = arith.muli %add3A_938, %mul3A_954 : i32
      %add3A_956 = arith.constant 0 : i32
      %add3A_957 = arith.addi %mul3A_955, %add3A_956 : i32
      %get3A_958 = arith.index_cast %add3A_957 : i32 to index
      %get3A_959 = tpu.vector_load %arg9[%get3A_958] {strides = array<i32>} : memref<4992xi32, #tpu.memory_space<vmem>>, vector<16xi32>,
      %get3A_960 = vector.shape_cast %get3A_959 : vector<16xi32> to vector<16xi32>
      %swap3A_961 = arith.constant 0 : index
      %swap3A_962 = tpu.vector_load %arg14[%swap3A_961] {strides = array<i32>} : memref<64xi32, #tpu.memory_space<vmem>>, vector<16xi32>,
      %swap3A_963 = vector.shape_cast %swap3A_962 : vector<16xi32> to vector<16xi32>
      %swap3A_964 = vector.shape_cast %get3A_960 : vector<16xi32> to vector<16xi32>
      tpu.vector_store %arg14[%swap3A_961], %swap3A_964 {strides = array<i32>} : memref<64xi32, #tpu.memory_space<vmem>>, vector<16xi32>,
      %add3A_965 = arith.constant 16 : i32
      %add3A_966 = arith.addi %mul3A_955, %add3A_965 : i32
      %get3A_967 = arith.index_cast %add3A_966 : i32 to index
      %get3A_968 = tpu.vector_load %arg9[%get3A_967] {strides = array<i32>} : memref<4992xi32, #tpu.memory_space<vmem>>, vector<16xi32>,
      %get3A_969 = vector.shape_cast %get3A_968 : vector<16xi32> to vector<16xi32>
      %swap3A_970 = arith.constant 16 : index
      %swap3A_971 = tpu.vector_load %arg14[%swap3A_970] {strides = array<i32>} : memref<64xi32, #tpu.memory_space<vmem>>, vector<16xi32>,
      %swap3A_972 = vector.shape_cast %swap3A_971 : vector<16xi32> to vector<16xi32>
      %swap3A_973 = vector.shape_cast %get3A_969 : vector<16xi32> to vector<16xi32>
      tpu.vector_store %arg14[%swap3A_970], %swap3A_973 {strides = array<i32>} : memref<64xi32, #tpu.memory_space<vmem>>, vector<16xi32>,
      %add3A_974 = arith.constant 32 : i32
      %add3A_975 = arith.addi %mul3A_955, %add3A_974 : i32
      %get3A_976 = arith.index_cast %add3A_975 : i32 to index
      %get3A_977 = tpu.vector_load %arg9[%get3A_976] {strides = array<i32>} : memref<4992xi32, #tpu.memory_space<vmem>>, vector<16xi32>,
      %get3A_978 = vector.shape_cast %get3A_977 : vector<16xi32> to vector<16xi32>
      %swap3A_979 = arith.constant 32 : index
      %swap3A_980 = tpu.vector_load %arg14[%swap3A_979] {strides = array<i32>} : memref<64xi32, #tpu.memory_space<vmem>>, vector<16xi32>,
      %swap3A_981 = vector.shape_cast %swap3A_980 : vector<16xi32> to vector<16xi32>
      %swap3A_982 = vector.shape_cast %get3A_978 : vector<16xi32> to vector<16xi32>
      tpu.vector_store %arg14[%swap3A_979], %swap3A_982 {strides = array<i32>} : memref<64xi32, #tpu.memory_space<vmem>>, vector<16xi32>,
      %add3A_983 = arith.constant 48 : i32
      %add3A_984 = arith.addi %mul3A_955, %add3A_983 : i32
      %get3A_985 = arith.index_cast %add3A_984 : i32 to index
      %get3A_986 = tpu.vector_load %arg9[%get3A_985] {strides = array<i32>} : memref<4992xi32, #tpu.memory_space<vmem>>, vector<16xi32>,
      %get3A_987 = vector.shape_cast %get3A_986 : vector<16xi32> to vector<16xi32>
      %swap3A_988 = arith.constant 48 : index
      %swap3A_989 = tpu.vector_load %arg14[%swap3A_988] {strides = array<i32>} : memref<64xi32, #tpu.memory_space<vmem>>, vector<16xi32>,
      %swap3A_990 = vector.shape_cast %swap3A_989 : vector<16xi32> to vector<16xi32>
      %swap3A_991 = vector.shape_cast %get3A_987 : vector<16xi32> to vector<16xi32>
      tpu.vector_store %arg14[%swap3A_988], %swap3A_991 {strides = array<i32>} : memref<64xi32, #tpu.memory_space<vmem>>, vector<16xi32>,
      "tpu.region"() ({
        %run_scoped3A = tpu.sem_alloc : memref<!tpu.dma_semaphore, #tpu.memory_space<semaphore_mem>>
        %dma_start3A_998 = arith.constant 0 : i32
        %dma_start3A_999 = arith.constant 0 : i32
        %dma_start3A_1000 = tpu.memref_slice %arg21[%dma_start3A_998, %dma_start3A_999] : memref<10000x128xf32, #tpu.memory_space<vmem_shared>> -> memref<10000x128xf32, #tpu.memory_space<vmem_shared>>
        tpu.enqueue_indirect_dma source(%arg16 : memref<64x128xf32, #tpu.memory_space<vmem>>) target(%dma_start3A_1000 : memref<10000x128xf32, #tpu.memory_space<vmem_shared>>) offsets(%arg14 : memref<64xi32, #tpu.memory_space<vmem>>) semaphore(%run_scoped3A : memref<!tpu.dma_semaphore, #tpu.memory_space<semaphore_mem>>) {add = true}
        %dma_wait3A_1001 = arith.constant 0 : i32
        %dma_wait3A_1002 = arith.constant 0 : i32
        %dma_wait3A_1003 = tpu.memref_slice %arg21[%dma_wait3A_1001, %dma_wait3A_1002] : memref<10000x128xf32, #tpu.memory_space<vmem_shared>> -> memref<10000x128xf32, #tpu.memory_space<vmem_shared>>
        tpu.wait_indirect_dma semaphore(%run_scoped3A : memref<!tpu.dma_semaphore, #tpu.memory_space<semaphore_mem>>) src(%arg16 : memref<64x128xf32, #tpu.memory_space<vmem>>) dst(%dma_wait3A_1003 : memref<10000x128xf32, #tpu.memory_space<vmem_shared>>)
        tpu.yield
      }) : () -> ()
      %lt3A_992 = arith.constant 38 : i32
      %lt3A_993 = arith.cmpi slt, %scan3A_874, %lt3A_992 : i32
      %convert_element_type3A_994 = arith.extui %lt3A_993 : i1 to i32
      %cond3A_995 = arith.constant 0 : i32
      %cond3A_996 = arith.cmpi ne, %convert_element_type3A_994, %cond3A_995 : i32
      scf.if %cond3A_996 {
        %add3A_998 = arith.constant 2 : i32
        %add3A_999 = arith.addi %add3A_938, %add3A_998 : i32
        %mul3A_1000 = arith.constant 64 : i32
        %mul3A_1001 = arith.muli %add3A_999, %mul3A_1000 : i32
        %add3A_1002 = arith.constant 0 : i32
        %add3A_1003 = arith.addi %mul3A_1001, %add3A_1002 : i32
        %get3A_1004 = arith.index_cast %add3A_1003 : i32 to index
        %get3A_1005 = tpu.vector_load %arg8[%get3A_1004] {strides = array<i32>} : memref<4992xi32, #tpu.memory_space<vmem>>, vector<16xi32>,
        %get3A_1006 = vector.shape_cast %get3A_1005 : vector<16xi32> to vector<16xi32>
        %swap3A_1007 = arith.constant 0 : index
        %swap3A_1008 = tpu.vector_load %arg12[%swap3A_1007] {strides = array<i32>} : memref<64xi32, #tpu.memory_space<vmem>>, vector<16xi32>,
        %swap3A_1009 = vector.shape_cast %swap3A_1008 : vector<16xi32> to vector<16xi32>
        %swap3A_1010 = vector.shape_cast %get3A_1006 : vector<16xi32> to vector<16xi32>
        tpu.vector_store %arg12[%swap3A_1007], %swap3A_1010 {strides = array<i32>} : memref<64xi32, #tpu.memory_space<vmem>>, vector<16xi32>,
        %add3A_1011 = arith.constant 16 : i32
        %add3A_1012 = arith.addi %mul3A_1001, %add3A_1011 : i32
        %get3A_1013 = arith.index_cast %add3A_1012 : i32 to index
        %get3A_1014 = tpu.vector_load %arg8[%get3A_1013] {strides = array<i32>} : memref<4992xi32, #tpu.memory_space<vmem>>, vector<16xi32>,
        %get3A_1015 = vector.shape_cast %get3A_1014 : vector<16xi32> to vector<16xi32>
        %swap3A_1016 = arith.constant 16 : index
        %swap3A_1017 = tpu.vector_load %arg12[%swap3A_1016] {strides = array<i32>} : memref<64xi32, #tpu.memory_space<vmem>>, vector<16xi32>,
        %swap3A_1018 = vector.shape_cast %swap3A_1017 : vector<16xi32> to vector<16xi32>
        %swap3A_1019 = vector.shape_cast %get3A_1015 : vector<16xi32> to vector<16xi32>
        tpu.vector_store %arg12[%swap3A_1016], %swap3A_1019 {strides = array<i32>} : memref<64xi32, #tpu.memory_space<vmem>>, vector<16xi32>,
        %add3A_1020 = arith.constant 32 : i32
        %add3A_1021 = arith.addi %mul3A_1001, %add3A_1020 : i32
        %get3A_1022 = arith.index_cast %add3A_1021 : i32 to index
        %get3A_1023 = tpu.vector_load %arg8[%get3A_1022] {strides = array<i32>} : memref<4992xi32, #tpu.memory_space<vmem>>, vector<16xi32>,
        %get3A_1024 = vector.shape_cast %get3A_1023 : vector<16xi32> to vector<16xi32>
        %swap3A_1025 = arith.constant 32 : index
        %swap3A_1026 = tpu.vector_load %arg12[%swap3A_1025] {strides = array<i32>} : memref<64xi32, #tpu.memory_space<vmem>>, vector<16xi32>,
        %swap3A_1027 = vector.shape_cast %swap3A_1026 : vector<16xi32> to vector<16xi32>
        %swap3A_1028 = vector.shape_cast %get3A_1024 : vector<16xi32> to vector<16xi32>
        tpu.vector_store %arg12[%swap3A_1025], %swap3A_1028 {strides = array<i32>} : memref<64xi32, #tpu.memory_space<vmem>>, vector<16xi32>,
        %add3A_1029 = arith.constant 48 : i32
        %add3A_1030 = arith.addi %mul3A_1001, %add3A_1029 : i32
        %get3A_1031 = arith.index_cast %add3A_1030 : i32 to index
        %get3A_1032 = tpu.vector_load %arg8[%get3A_1031] {strides = array<i32>} : memref<4992xi32, #tpu.memory_space<vmem>>, vector<16xi32>,
        %get3A_1033 = vector.shape_cast %get3A_1032 : vector<16xi32> to vector<16xi32>
        %swap3A_1034 = arith.constant 48 : index
        %swap3A_1035 = tpu.vector_load %arg12[%swap3A_1034] {strides = array<i32>} : memref<64xi32, #tpu.memory_space<vmem>>, vector<16xi32>,
        %swap3A_1036 = vector.shape_cast %swap3A_1035 : vector<16xi32> to vector<16xi32>
        %swap3A_1037 = vector.shape_cast %get3A_1033 : vector<16xi32> to vector<16xi32>
        tpu.vector_store %arg12[%swap3A_1034], %swap3A_1037 {strides = array<i32>} : memref<64xi32, #tpu.memory_space<vmem>>, vector<16xi32>,
        %dma_start3A_1038 = arith.constant 0 : i32
        %dma_start3A_1039 = arith.constant 0 : i32
        %dma_start3A_1040 = tpu.memref_slice %arg2[%dma_start3A_1038, %dma_start3A_1039] : memref<10000x128xf32, #tpu.memory_space<hbm>> -> memref<10000x128xf32, #tpu.memory_space<hbm>>
        tpu.enqueue_indirect_dma source(%dma_start3A_1040 : memref<10000x128xf32, #tpu.memory_space<hbm>>) target(%arg16 : memref<64x128xf32, #tpu.memory_space<vmem>>) offsets(%arg12 : memref<64xi32, #tpu.memory_space<vmem>>) semaphore(%arg23 : memref<!tpu.dma_semaphore, #tpu.memory_space<semaphore_mem>>)
      } else {
      }
      %scan3A_997 = arith.constant 0 : i32
      scf.yield %scan3A_997 : i32
    }
    %scan3A_69 = arith.constant 39 : i32
    %add3A_70 = arith.constant 4992 : i32
    %add3A_71 = arith.addi %mul3A_4, %add3A_70 : i32
    "tpu.region"() ({
      %run_scoped3A = tpu.sem_alloc : memref<!tpu.dma_semaphore, #tpu.memory_space<semaphore_mem>>
      %dma_start3A_874 = tpu.memref_slice %arg3[%add3A_71] : memref<160000xi32, #tpu.memory_space<hbm>> -> memref<8xi32, #tpu.memory_space<hbm>>
      %dma_start3A_875 = tpu.memref_slice %arg3[%add3A_71] : memref<160000xi32, #tpu.memory_space<hbm>> -> memref<8xi32, #tpu.memory_space<hbm>>
      tpu.enqueue_dma source(%dma_start3A_875 : memref<8xi32, #tpu.memory_space<hbm>>) target(%arg17 : memref<8xi32, #tpu.memory_space<vmem>>) target_semaphore(%run_scoped3A : memref<!tpu.dma_semaphore, #tpu.memory_space<semaphore_mem>>)
      %dma_wait3A_876 = tpu.memref_slice %arg3[%add3A_71] : memref<160000xi32, #tpu.memory_space<hbm>> -> memref<8xi32, #tpu.memory_space<hbm>>
      %dma_wait3A_877 = tpu.memref_slice %arg3[%add3A_71] : memref<160000xi32, #tpu.memory_space<hbm>> -> memref<8xi32, #tpu.memory_space<hbm>>
      tpu.wait_dma2 semaphore(%run_scoped3A : memref<!tpu.dma_semaphore, #tpu.memory_space<semaphore_mem>>) src(%dma_wait3A_877 : memref<8xi32, #tpu.memory_space<hbm>>) dst(%arg17 : memref<8xi32, #tpu.memory_space<vmem>>)
      tpu.yield
    }) : () -> ()
    "tpu.region"() ({
      %run_scoped3A = tpu.sem_alloc : memref<!tpu.dma_semaphore, #tpu.memory_space<semaphore_mem>>
      %dma_start3A_874 = tpu.memref_slice %arg4[%add3A_71] : memref<160000xi32, #tpu.memory_space<hbm>> -> memref<8xi32, #tpu.memory_space<hbm>>
      %dma_start3A_875 = tpu.memref_slice %arg4[%add3A_71] : memref<160000xi32, #tpu.memory_space<hbm>> -> memref<8xi32, #tpu.memory_space<hbm>>
      tpu.enqueue_dma source(%dma_start3A_875 : memref<8xi32, #tpu.memory_space<hbm>>) target(%arg18 : memref<8xi32, #tpu.memory_space<vmem>>) target_semaphore(%run_scoped3A : memref<!tpu.dma_semaphore, #tpu.memory_space<semaphore_mem>>)
      %dma_wait3A_876 = tpu.memref_slice %arg4[%add3A_71] : memref<160000xi32, #tpu.memory_space<hbm>> -> memref<8xi32, #tpu.memory_space<hbm>>
      %dma_wait3A_877 = tpu.memref_slice %arg4[%add3A_71] : memref<160000xi32, #tpu.memory_space<hbm>> -> memref<8xi32, #tpu.memory_space<hbm>>
      tpu.wait_dma2 semaphore(%run_scoped3A : memref<!tpu.dma_semaphore, #tpu.memory_space<semaphore_mem>>) src(%dma_wait3A_877 : memref<8xi32, #tpu.memory_space<hbm>>) dst(%arg18 : memref<8xi32, #tpu.memory_space<vmem>>)
      tpu.yield
    }) : () -> ()
    "tpu.region"() ({
      %run_scoped3A = tpu.sem_alloc : memref<!tpu.dma_semaphore, #tpu.memory_space<semaphore_mem>>
      %dma_start3A_874 = arith.constant 0 : i32
      %dma_start3A_875 = tpu.memref_slice %arg19[%dma_start3A_874] : memref<16xf32, #tpu.memory_space<vmem>> -> memref<8xf32, #tpu.memory_space<vmem>>
      %dma_start3A_876 = tpu.memref_slice %arg5[%add3A_71] : memref<160000xf32, #tpu.memory_space<hbm>> -> memref<8xf32, #tpu.memory_space<hbm>>
      %dma_start3A_877 = arith.constant 0 : i32
      %dma_start3A_878 = tpu.memref_slice %arg19[%dma_start3A_877] : memref<16xf32, #tpu.memory_space<vmem>> -> memref<8xf32, #tpu.memory_space<vmem>>
      %dma_start3A_879 = tpu.memref_slice %arg5[%add3A_71] : memref<160000xf32, #tpu.memory_space<hbm>> -> memref<8xf32, #tpu.memory_space<hbm>>
      tpu.enqueue_dma source(%dma_start3A_879 : memref<8xf32, #tpu.memory_space<hbm>>) target(%dma_start3A_878 : memref<8xf32, #tpu.memory_space<vmem>>) target_semaphore(%run_scoped3A : memref<!tpu.dma_semaphore, #tpu.memory_space<semaphore_mem>>)
      %dma_wait3A_880 = arith.constant 0 : i32
      %dma_wait3A_881 = tpu.memref_slice %arg19[%dma_wait3A_880] : memref<16xf32, #tpu.memory_space<vmem>> -> memref<8xf32, #tpu.memory_space<vmem>>
      %dma_wait3A_882 = tpu.memref_slice %arg5[%add3A_71] : memref<160000xf32, #tpu.memory_space<hbm>> -> memref<8xf32, #tpu.memory_space<hbm>>
      %dma_wait3A_883 = arith.constant 0 : i32
      %dma_wait3A_884 = tpu.memref_slice %arg19[%dma_wait3A_883] : memref<16xf32, #tpu.memory_space<vmem>> -> memref<8xf32, #tpu.memory_space<vmem>>
      %dma_wait3A_885 = tpu.memref_slice %arg5[%add3A_71] : memref<160000xf32, #tpu.memory_space<hbm>> -> memref<8xf32, #tpu.memory_space<hbm>>
      tpu.wait_dma2 semaphore(%run_scoped3A : memref<!tpu.dma_semaphore, #tpu.memory_space<semaphore_mem>>) src(%dma_wait3A_885 : memref<8xf32, #tpu.memory_space<hbm>>) dst(%dma_wait3A_884 : memref<8xf32, #tpu.memory_space<vmem>>)
      tpu.yield
    }) : () -> ()
    %dma_start3A_72 = arith.constant 0 : i32
    %dma_start3A_73 = arith.constant 0 : i32
    %dma_start3A_74 = tpu.memref_slice %arg2[%dma_start3A_72, %dma_start3A_73] : memref<10000x128xf32, #tpu.memory_space<hbm>> -> memref<10000x128xf32, #tpu.memory_space<hbm>>
    tpu.enqueue_indirect_dma source(%dma_start3A_74 : memref<10000x128xf32, #tpu.memory_space<hbm>>) target(%arg20 : memref<8x128xf32, #tpu.memory_space<vmem>>) offsets(%arg17 : memref<8xi32, #tpu.memory_space<vmem>>) semaphore(%arg24 : memref<!tpu.dma_semaphore, #tpu.memory_space<semaphore_mem>>)
    %dma_wait3A = arith.constant 0 : i32
    %dma_wait3A_75 = arith.constant 0 : i32
    %dma_wait3A_76 = tpu.memref_slice %arg2[%dma_wait3A, %dma_wait3A_75] : memref<10000x128xf32, #tpu.memory_space<hbm>> -> memref<10000x128xf32, #tpu.memory_space<hbm>>
    tpu.wait_indirect_dma semaphore(%arg24 : memref<!tpu.dma_semaphore, #tpu.memory_space<semaphore_mem>>) src(%dma_wait3A_76 : memref<10000x128xf32, #tpu.memory_space<hbm>>) dst(%arg20 : memref<8x128xf32, #tpu.memory_space<vmem>>)
    %scan3A_77 = arith.constant 0 : i32
    %scan3A_78 = arith.constant 0 : i32
    %mul3A_79 = arith.constant 16 : i32
    %mul3A_80 = arith.muli %scan3A_78, %mul3A_79 : i32
    %add3A_81 = arith.constant 0 : i32
    %add3A_82 = arith.addi %add3A_81, %mul3A_80 : i32
    %get3A_83 = arith.index_cast %add3A_82 : i32 to index
    %get3A_84 = tpu.vector_load %arg19[%get3A_83] {strides = array<i32>} : memref<16xf32, #tpu.memory_space<vmem>>, vector<16xf32>,
    %get3A_85 = vector.shape_cast %get3A_84 : vector<16xf32> to vector<16xf32>
    %slice3A = vector.extract_strided_slice %get3A_85 {offsets = [0], sizes = [1], strides = [1]} : vector<16xf32> to vector<1xf32>
    %squeeze3A = vector.extract %slice3A[0] : f32 from vector<1xf32>
    %mul3A_86 = arith.constant 16 : i32
    %mul3A_87 = arith.muli %scan3A_78, %mul3A_86 : i32
    %add3A_88 = arith.constant 0 : i32
    %add3A_89 = arith.addi %mul3A_87, %add3A_88 : i32
    %get3A_90 = arith.index_cast %add3A_89 : i32 to index
    %get3A_91 = arith.constant 0 : index
    %get3A_92 = tpu.vector_load %arg20[%get3A_90, %get3A_91] {strides = array<i32>} : memref<8x128xf32, #tpu.memory_space<vmem>>, vector<1x16xf32>,
    %get3A_93 = vector.shape_cast %get3A_92 : vector<1x16xf32> to vector<16xf32>
    %mul3A_94 = vector.broadcast %squeeze3A : f32 to vector<16xf32>
    %mul3A_95 = arith.mulf %get3A_93, %mul3A_94 : vector<16xf32>
    %swap3A_96 = arith.index_cast %add3A_89 : i32 to index
    %swap3A_97 = arith.constant 0 : index
    %swap3A_98 = tpu.vector_load %arg20[%swap3A_96, %swap3A_97] {strides = array<i32>} : memref<8x128xf32, #tpu.memory_space<vmem>>, vector<1x16xf32>,
    %swap3A_99 = vector.shape_cast %swap3A_98 : vector<1x16xf32> to vector<16xf32>
    %swap3A_100 = vector.shape_cast %mul3A_95 : vector<16xf32> to vector<1x16xf32>
    tpu.vector_store %arg20[%swap3A_96, %swap3A_97], %swap3A_100 {strides = array<i32>} : memref<8x128xf32, #tpu.memory_space<vmem>>, vector<1x16xf32>,
    %get3A_101 = arith.index_cast %add3A_89 : i32 to index
    %get3A_102 = arith.constant 16 : index
    %get3A_103 = tpu.vector_load %arg20[%get3A_101, %get3A_102] {strides = array<i32>} : memref<8x128xf32, #tpu.memory_space<vmem>>, vector<1x16xf32>,
    %get3A_104 = vector.shape_cast %get3A_103 : vector<1x16xf32> to vector<16xf32>
    %mul3A_105 = vector.broadcast %squeeze3A : f32 to vector<16xf32>
    %mul3A_106 = arith.mulf %get3A_104, %mul3A_105 : vector<16xf32>
    %swap3A_107 = arith.index_cast %add3A_89 : i32 to index
    %swap3A_108 = arith.constant 16 : index
    %swap3A_109 = tpu.vector_load %arg20[%swap3A_107, %swap3A_108] {strides = array<i32>} : memref<8x128xf32, #tpu.memory_space<vmem>>, vector<1x16xf32>,
    %swap3A_110 = vector.shape_cast %swap3A_109 : vector<1x16xf32> to vector<16xf32>
    %swap3A_111 = vector.shape_cast %mul3A_106 : vector<16xf32> to vector<1x16xf32>
    tpu.vector_store %arg20[%swap3A_107, %swap3A_108], %swap3A_111 {strides = array<i32>} : memref<8x128xf32, #tpu.memory_space<vmem>>, vector<1x16xf32>,
    %get3A_112 = arith.index_cast %add3A_89 : i32 to index
    %get3A_113 = arith.constant 32 : index
    %get3A_114 = tpu.vector_load %arg20[%get3A_112, %get3A_113] {strides = array<i32>} : memref<8x128xf32, #tpu.memory_space<vmem>>, vector<1x16xf32>,
    %get3A_115 = vector.shape_cast %get3A_114 : vector<1x16xf32> to vector<16xf32>
    %mul3A_116 = vector.broadcast %squeeze3A : f32 to vector<16xf32>
    %mul3A_117 = arith.mulf %get3A_115, %mul3A_116 : vector<16xf32>
    %swap3A_118 = arith.index_cast %add3A_89 : i32 to index
    %swap3A_119 = arith.constant 32 : index
    %swap3A_120 = tpu.vector_load %arg20[%swap3A_118, %swap3A_119] {strides = array<i32>} : memref<8x128xf32, #tpu.memory_space<vmem>>, vector<1x16xf32>,
    %swap3A_121 = vector.shape_cast %swap3A_120 : vector<1x16xf32> to vector<16xf32>
    %swap3A_122 = vector.shape_cast %mul3A_117 : vector<16xf32> to vector<1x16xf32>
    tpu.vector_store %arg20[%swap3A_118, %swap3A_119], %swap3A_122 {strides = array<i32>} : memref<8x128xf32, #tpu.memory_space<vmem>>, vector<1x16xf32>,
    %get3A_123 = arith.index_cast %add3A_89 : i32 to index
    %get3A_124 = arith.constant 48 : index
    %get3A_125 = tpu.vector_load %arg20[%get3A_123, %get3A_124] {strides = array<i32>} : memref<8x128xf32, #tpu.memory_space<vmem>>, vector<1x16xf32>,
    %get3A_126 = vector.shape_cast %get3A_125 : vector<1x16xf32> to vector<16xf32>
    %mul3A_127 = vector.broadcast %squeeze3A : f32 to vector<16xf32>
    %mul3A_128 = arith.mulf %get3A_126, %mul3A_127 : vector<16xf32>
    %swap3A_129 = arith.index_cast %add3A_89 : i32 to index
    %swap3A_130 = arith.constant 48 : index
    %swap3A_131 = tpu.vector_load %arg20[%swap3A_129, %swap3A_130] {strides = array<i32>} : memref<8x128xf32, #tpu.memory_space<vmem>>, vector<1x16xf32>,
    %swap3A_132 = vector.shape_cast %swap3A_131 : vector<1x16xf32> to vector<16xf32>
    %swap3A_133 = vector.shape_cast %mul3A_128 : vector<16xf32> to vector<1x16xf32>
    tpu.vector_store %arg20[%swap3A_129, %swap3A_130], %swap3A_133 {strides = array<i32>} : memref<8x128xf32, #tpu.memory_space<vmem>>, vector<1x16xf32>,
    %get3A_134 = arith.index_cast %add3A_89 : i32 to index
    %get3A_135 = arith.constant 64 : index
    %get3A_136 = tpu.vector_load %arg20[%get3A_134, %get3A_135] {strides = array<i32>} : memref<8x128xf32, #tpu.memory_space<vmem>>, vector<1x16xf32>,
    %get3A_137 = vector.shape_cast %get3A_136 : vector<1x16xf32> to vector<16xf32>
    %mul3A_138 = vector.broadcast %squeeze3A : f32 to vector<16xf32>
    %mul3A_139 = arith.mulf %get3A_137, %mul3A_138 : vector<16xf32>
    %swap3A_140 = arith.index_cast %add3A_89 : i32 to index
    %swap3A_141 = arith.constant 64 : index
    %swap3A_142 = tpu.vector_load %arg20[%swap3A_140, %swap3A_141] {strides = array<i32>} : memref<8x128xf32, #tpu.memory_space<vmem>>, vector<1x16xf32>,
    %swap3A_143 = vector.shape_cast %swap3A_142 : vector<1x16xf32> to vector<16xf32>
    %swap3A_144 = vector.shape_cast %mul3A_139 : vector<16xf32> to vector<1x16xf32>
    tpu.vector_store %arg20[%swap3A_140, %swap3A_141], %swap3A_144 {strides = array<i32>} : memref<8x128xf32, #tpu.memory_space<vmem>>, vector<1x16xf32>,
    %get3A_145 = arith.index_cast %add3A_89 : i32 to index
    %get3A_146 = arith.constant 80 : index
    %get3A_147 = tpu.vector_load %arg20[%get3A_145, %get3A_146] {strides = array<i32>} : memref<8x128xf32, #tpu.memory_space<vmem>>, vector<1x16xf32>,
    %get3A_148 = vector.shape_cast %get3A_147 : vector<1x16xf32> to vector<16xf32>
    %mul3A_149 = vector.broadcast %squeeze3A : f32 to vector<16xf32>
    %mul3A_150 = arith.mulf %get3A_148, %mul3A_149 : vector<16xf32>
    %swap3A_151 = arith.index_cast %add3A_89 : i32 to index
    %swap3A_152 = arith.constant 80 : index
    %swap3A_153 = tpu.vector_load %arg20[%swap3A_151, %swap3A_152] {strides = array<i32>} : memref<8x128xf32, #tpu.memory_space<vmem>>, vector<1x16xf32>,
    %swap3A_154 = vector.shape_cast %swap3A_153 : vector<1x16xf32> to vector<16xf32>
    %swap3A_155 = vector.shape_cast %mul3A_150 : vector<16xf32> to vector<1x16xf32>
    tpu.vector_store %arg20[%swap3A_151, %swap3A_152], %swap3A_155 {strides = array<i32>} : memref<8x128xf32, #tpu.memory_space<vmem>>, vector<1x16xf32>,
    %get3A_156 = arith.index_cast %add3A_89 : i32 to index
    %get3A_157 = arith.constant 96 : index
    %get3A_158 = tpu.vector_load %arg20[%get3A_156, %get3A_157] {strides = array<i32>} : memref<8x128xf32, #tpu.memory_space<vmem>>, vector<1x16xf32>,
    %get3A_159 = vector.shape_cast %get3A_158 : vector<1x16xf32> to vector<16xf32>
    %mul3A_160 = vector.broadcast %squeeze3A : f32 to vector<16xf32>
    %mul3A_161 = arith.mulf %get3A_159, %mul3A_160 : vector<16xf32>
    %swap3A_162 = arith.index_cast %add3A_89 : i32 to index
    %swap3A_163 = arith.constant 96 : index
    %swap3A_164 = tpu.vector_load %arg20[%swap3A_162, %swap3A_163] {strides = array<i32>} : memref<8x128xf32, #tpu.memory_space<vmem>>, vector<1x16xf32>,
    %swap3A_165 = vector.shape_cast %swap3A_164 : vector<1x16xf32> to vector<16xf32>
    %swap3A_166 = vector.shape_cast %mul3A_161 : vector<16xf32> to vector<1x16xf32>
    tpu.vector_store %arg20[%swap3A_162, %swap3A_163], %swap3A_166 {strides = array<i32>} : memref<8x128xf32, #tpu.memory_space<vmem>>, vector<1x16xf32>,
    %get3A_167 = arith.index_cast %add3A_89 : i32 to index
    %get3A_168 = arith.constant 112 : index
    %get3A_169 = tpu.vector_load %arg20[%get3A_167, %get3A_168] {strides = array<i32>} : memref<8x128xf32, #tpu.memory_space<vmem>>, vector<1x16xf32>,
    %get3A_170 = vector.shape_cast %get3A_169 : vector<1x16xf32> to vector<16xf32>
    %mul3A_171 = vector.broadcast %squeeze3A : f32 to vector<16xf32>
    %mul3A_172 = arith.mulf %get3A_170, %mul3A_171 : vector<16xf32>
    %swap3A_173 = arith.index_cast %add3A_89 : i32 to index
    %swap3A_174 = arith.constant 112 : index
    %swap3A_175 = tpu.vector_load %arg20[%swap3A_173, %swap3A_174] {strides = array<i32>} : memref<8x128xf32, #tpu.memory_space<vmem>>, vector<1x16xf32>,
    %swap3A_176 = vector.shape_cast %swap3A_175 : vector<1x16xf32> to vector<16xf32>
    %swap3A_177 = vector.shape_cast %mul3A_172 : vector<16xf32> to vector<1x16xf32>
    tpu.vector_store %arg20[%swap3A_173, %swap3A_174], %swap3A_177 {strides = array<i32>} : memref<8x128xf32, #tpu.memory_space<vmem>>, vector<1x16xf32>,
    %slice3A_178 = vector.extract_strided_slice %get3A_85 {offsets = [1], sizes = [1], strides = [1]} : vector<16xf32> to vector<1xf32>
    %squeeze3A_179 = vector.extract %slice3A_178[0] : f32 from vector<1xf32>
    %mul3A_180 = arith.constant 16 : i32
    %mul3A_181 = arith.muli %scan3A_78, %mul3A_180 : i32
    %add3A_182 = arith.constant 1 : i32
    %add3A_183 = arith.addi %mul3A_181, %add3A_182 : i32
    %get3A_184 = arith.index_cast %add3A_183 : i32 to index
    %get3A_185 = arith.constant 0 : index
    %get3A_186 = tpu.vector_load %arg20[%get3A_184, %get3A_185] {strides = array<i32>} : memref<8x128xf32, #tpu.memory_space<vmem>>, vector<1x16xf32>,
    %get3A_187 = vector.shape_cast %get3A_186 : vector<1x16xf32> to vector<16xf32>
    %mul3A_188 = vector.broadcast %squeeze3A_179 : f32 to vector<16xf32>
    %mul3A_189 = arith.mulf %get3A_187, %mul3A_188 : vector<16xf32>
    %swap3A_190 = arith.index_cast %add3A_183 : i32 to index
    %swap3A_191 = arith.constant 0 : index
    %swap3A_192 = tpu.vector_load %arg20[%swap3A_190, %swap3A_191] {strides = array<i32>} : memref<8x128xf32, #tpu.memory_space<vmem>>, vector<1x16xf32>,
    %swap3A_193 = vector.shape_cast %swap3A_192 : vector<1x16xf32> to vector<16xf32>
    %swap3A_194 = vector.shape_cast %mul3A_189 : vector<16xf32> to vector<1x16xf32>
    tpu.vector_store %arg20[%swap3A_190, %swap3A_191], %swap3A_194 {strides = array<i32>} : memref<8x128xf32, #tpu.memory_space<vmem>>, vector<1x16xf32>,
    %get3A_195 = arith.index_cast %add3A_183 : i32 to index
    %get3A_196 = arith.constant 16 : index
    %get3A_197 = tpu.vector_load %arg20[%get3A_195, %get3A_196] {strides = array<i32>} : memref<8x128xf32, #tpu.memory_space<vmem>>, vector<1x16xf32>,
    %get3A_198 = vector.shape_cast %get3A_197 : vector<1x16xf32> to vector<16xf32>
    %mul3A_199 = vector.broadcast %squeeze3A_179 : f32 to vector<16xf32>
    %mul3A_200 = arith.mulf %get3A_198, %mul3A_199 : vector<16xf32>
    %swap3A_201 = arith.index_cast %add3A_183 : i32 to index
    %swap3A_202 = arith.constant 16 : index
    %swap3A_203 = tpu.vector_load %arg20[%swap3A_201, %swap3A_202] {strides = array<i32>} : memref<8x128xf32, #tpu.memory_space<vmem>>, vector<1x16xf32>,
    %swap3A_204 = vector.shape_cast %swap3A_203 : vector<1x16xf32> to vector<16xf32>
    %swap3A_205 = vector.shape_cast %mul3A_200 : vector<16xf32> to vector<1x16xf32>
    tpu.vector_store %arg20[%swap3A_201, %swap3A_202], %swap3A_205 {strides = array<i32>} : memref<8x128xf32, #tpu.memory_space<vmem>>, vector<1x16xf32>,
    %get3A_206 = arith.index_cast %add3A_183 : i32 to index
    %get3A_207 = arith.constant 32 : index
    %get3A_208 = tpu.vector_load %arg20[%get3A_206, %get3A_207] {strides = array<i32>} : memref<8x128xf32, #tpu.memory_space<vmem>>, vector<1x16xf32>,
    %get3A_209 = vector.shape_cast %get3A_208 : vector<1x16xf32> to vector<16xf32>
    %mul3A_210 = vector.broadcast %squeeze3A_179 : f32 to vector<16xf32>
    %mul3A_211 = arith.mulf %get3A_209, %mul3A_210 : vector<16xf32>
    %swap3A_212 = arith.index_cast %add3A_183 : i32 to index
    %swap3A_213 = arith.constant 32 : index
    %swap3A_214 = tpu.vector_load %arg20[%swap3A_212, %swap3A_213] {strides = array<i32>} : memref<8x128xf32, #tpu.memory_space<vmem>>, vector<1x16xf32>,
    %swap3A_215 = vector.shape_cast %swap3A_214 : vector<1x16xf32> to vector<16xf32>
    %swap3A_216 = vector.shape_cast %mul3A_211 : vector<16xf32> to vector<1x16xf32>
    tpu.vector_store %arg20[%swap3A_212, %swap3A_213], %swap3A_216 {strides = array<i32>} : memref<8x128xf32, #tpu.memory_space<vmem>>, vector<1x16xf32>,
    %get3A_217 = arith.index_cast %add3A_183 : i32 to index
    %get3A_218 = arith.constant 48 : index
    %get3A_219 = tpu.vector_load %arg20[%get3A_217, %get3A_218] {strides = array<i32>} : memref<8x128xf32, #tpu.memory_space<vmem>>, vector<1x16xf32>,
    %get3A_220 = vector.shape_cast %get3A_219 : vector<1x16xf32> to vector<16xf32>
    %mul3A_221 = vector.broadcast %squeeze3A_179 : f32 to vector<16xf32>
    %mul3A_222 = arith.mulf %get3A_220, %mul3A_221 : vector<16xf32>
    %swap3A_223 = arith.index_cast %add3A_183 : i32 to index
    %swap3A_224 = arith.constant 48 : index
    %swap3A_225 = tpu.vector_load %arg20[%swap3A_223, %swap3A_224] {strides = array<i32>} : memref<8x128xf32, #tpu.memory_space<vmem>>, vector<1x16xf32>,
    %swap3A_226 = vector.shape_cast %swap3A_225 : vector<1x16xf32> to vector<16xf32>
    %swap3A_227 = vector.shape_cast %mul3A_222 : vector<16xf32> to vector<1x16xf32>
    tpu.vector_store %arg20[%swap3A_223, %swap3A_224], %swap3A_227 {strides = array<i32>} : memref<8x128xf32, #tpu.memory_space<vmem>>, vector<1x16xf32>,
    %get3A_228 = arith.index_cast %add3A_183 : i32 to index
    %get3A_229 = arith.constant 64 : index
    %get3A_230 = tpu.vector_load %arg20[%get3A_228, %get3A_229] {strides = array<i32>} : memref<8x128xf32, #tpu.memory_space<vmem>>, vector<1x16xf32>,
    %get3A_231 = vector.shape_cast %get3A_230 : vector<1x16xf32> to vector<16xf32>
    %mul3A_232 = vector.broadcast %squeeze3A_179 : f32 to vector<16xf32>
    %mul3A_233 = arith.mulf %get3A_231, %mul3A_232 : vector<16xf32>
    %swap3A_234 = arith.index_cast %add3A_183 : i32 to index
    %swap3A_235 = arith.constant 64 : index
    %swap3A_236 = tpu.vector_load %arg20[%swap3A_234, %swap3A_235] {strides = array<i32>} : memref<8x128xf32, #tpu.memory_space<vmem>>, vector<1x16xf32>,
    %swap3A_237 = vector.shape_cast %swap3A_236 : vector<1x16xf32> to vector<16xf32>
    %swap3A_238 = vector.shape_cast %mul3A_233 : vector<16xf32> to vector<1x16xf32>
    tpu.vector_store %arg20[%swap3A_234, %swap3A_235], %swap3A_238 {strides = array<i32>} : memref<8x128xf32, #tpu.memory_space<vmem>>, vector<1x16xf32>,
    %get3A_239 = arith.index_cast %add3A_183 : i32 to index
    %get3A_240 = arith.constant 80 : index
    %get3A_241 = tpu.vector_load %arg20[%get3A_239, %get3A_240] {strides = array<i32>} : memref<8x128xf32, #tpu.memory_space<vmem>>, vector<1x16xf32>,
    %get3A_242 = vector.shape_cast %get3A_241 : vector<1x16xf32> to vector<16xf32>
    %mul3A_243 = vector.broadcast %squeeze3A_179 : f32 to vector<16xf32>
    %mul3A_244 = arith.mulf %get3A_242, %mul3A_243 : vector<16xf32>
    %swap3A_245 = arith.index_cast %add3A_183 : i32 to index
    %swap3A_246 = arith.constant 80 : index
    %swap3A_247 = tpu.vector_load %arg20[%swap3A_245, %swap3A_246] {strides = array<i32>} : memref<8x128xf32, #tpu.memory_space<vmem>>, vector<1x16xf32>,
    %swap3A_248 = vector.shape_cast %swap3A_247 : vector<1x16xf32> to vector<16xf32>
    %swap3A_249 = vector.shape_cast %mul3A_244 : vector<16xf32> to vector<1x16xf32>
    tpu.vector_store %arg20[%swap3A_245, %swap3A_246], %swap3A_249 {strides = array<i32>} : memref<8x128xf32, #tpu.memory_space<vmem>>, vector<1x16xf32>,
    %get3A_250 = arith.index_cast %add3A_183 : i32 to index
    %get3A_251 = arith.constant 96 : index
    %get3A_252 = tpu.vector_load %arg20[%get3A_250, %get3A_251] {strides = array<i32>} : memref<8x128xf32, #tpu.memory_space<vmem>>, vector<1x16xf32>,
    %get3A_253 = vector.shape_cast %get3A_252 : vector<1x16xf32> to vector<16xf32>
    %mul3A_254 = vector.broadcast %squeeze3A_179 : f32 to vector<16xf32>
    %mul3A_255 = arith.mulf %get3A_253, %mul3A_254 : vector<16xf32>
    %swap3A_256 = arith.index_cast %add3A_183 : i32 to index
    %swap3A_257 = arith.constant 96 : index
    %swap3A_258 = tpu.vector_load %arg20[%swap3A_256, %swap3A_257] {strides = array<i32>} : memref<8x128xf32, #tpu.memory_space<vmem>>, vector<1x16xf32>,
    %swap3A_259 = vector.shape_cast %swap3A_258 : vector<1x16xf32> to vector<16xf32>
    %swap3A_260 = vector.shape_cast %mul3A_255 : vector<16xf32> to vector<1x16xf32>
    tpu.vector_store %arg20[%swap3A_256, %swap3A_257], %swap3A_260 {strides = array<i32>} : memref<8x128xf32, #tpu.memory_space<vmem>>, vector<1x16xf32>,
    %get3A_261 = arith.index_cast %add3A_183 : i32 to index
    %get3A_262 = arith.constant 112 : index
    %get3A_263 = tpu.vector_load %arg20[%get3A_261, %get3A_262] {strides = array<i32>} : memref<8x128xf32, #tpu.memory_space<vmem>>, vector<1x16xf32>,
    %get3A_264 = vector.shape_cast %get3A_263 : vector<1x16xf32> to vector<16xf32>
    %mul3A_265 = vector.broadcast %squeeze3A_179 : f32 to vector<16xf32>
    %mul3A_266 = arith.mulf %get3A_264, %mul3A_265 : vector<16xf32>
    %swap3A_267 = arith.index_cast %add3A_183 : i32 to index
    %swap3A_268 = arith.constant 112 : index
    %swap3A_269 = tpu.vector_load %arg20[%swap3A_267, %swap3A_268] {strides = array<i32>} : memref<8x128xf32, #tpu.memory_space<vmem>>, vector<1x16xf32>,
    %swap3A_270 = vector.shape_cast %swap3A_269 : vector<1x16xf32> to vector<16xf32>
    %swap3A_271 = vector.shape_cast %mul3A_266 : vector<16xf32> to vector<1x16xf32>
    tpu.vector_store %arg20[%swap3A_267, %swap3A_268], %swap3A_271 {strides = array<i32>} : memref<8x128xf32, #tpu.memory_space<vmem>>, vector<1x16xf32>,
    %slice3A_272 = vector.extract_strided_slice %get3A_85 {offsets = [2], sizes = [1], strides = [1]} : vector<16xf32> to vector<1xf32>
    %squeeze3A_273 = vector.extract %slice3A_272[0] : f32 from vector<1xf32>
    %mul3A_274 = arith.constant 16 : i32
    %mul3A_275 = arith.muli %scan3A_78, %mul3A_274 : i32
    %add3A_276 = arith.constant 2 : i32
    %add3A_277 = arith.addi %mul3A_275, %add3A_276 : i32
    %get3A_278 = arith.index_cast %add3A_277 : i32 to index
    %get3A_279 = arith.constant 0 : index
    %get3A_280 = tpu.vector_load %arg20[%get3A_278, %get3A_279] {strides = array<i32>} : memref<8x128xf32, #tpu.memory_space<vmem>>, vector<1x16xf32>,
    %get3A_281 = vector.shape_cast %get3A_280 : vector<1x16xf32> to vector<16xf32>
    %mul3A_282 = vector.broadcast %squeeze3A_273 : f32 to vector<16xf32>
    %mul3A_283 = arith.mulf %get3A_281, %mul3A_282 : vector<16xf32>
    %swap3A_284 = arith.index_cast %add3A_277 : i32 to index
    %swap3A_285 = arith.constant 0 : index
    %swap3A_286 = tpu.vector_load %arg20[%swap3A_284, %swap3A_285] {strides = array<i32>} : memref<8x128xf32, #tpu.memory_space<vmem>>, vector<1x16xf32>,
    %swap3A_287 = vector.shape_cast %swap3A_286 : vector<1x16xf32> to vector<16xf32>
    %swap3A_288 = vector.shape_cast %mul3A_283 : vector<16xf32> to vector<1x16xf32>
    tpu.vector_store %arg20[%swap3A_284, %swap3A_285], %swap3A_288 {strides = array<i32>} : memref<8x128xf32, #tpu.memory_space<vmem>>, vector<1x16xf32>,
    %get3A_289 = arith.index_cast %add3A_277 : i32 to index
    %get3A_290 = arith.constant 16 : index
    %get3A_291 = tpu.vector_load %arg20[%get3A_289, %get3A_290] {strides = array<i32>} : memref<8x128xf32, #tpu.memory_space<vmem>>, vector<1x16xf32>,
    %get3A_292 = vector.shape_cast %get3A_291 : vector<1x16xf32> to vector<16xf32>
    %mul3A_293 = vector.broadcast %squeeze3A_273 : f32 to vector<16xf32>
    %mul3A_294 = arith.mulf %get3A_292, %mul3A_293 : vector<16xf32>
    %swap3A_295 = arith.index_cast %add3A_277 : i32 to index
    %swap3A_296 = arith.constant 16 : index
    %swap3A_297 = tpu.vector_load %arg20[%swap3A_295, %swap3A_296] {strides = array<i32>} : memref<8x128xf32, #tpu.memory_space<vmem>>, vector<1x16xf32>,
    %swap3A_298 = vector.shape_cast %swap3A_297 : vector<1x16xf32> to vector<16xf32>
    %swap3A_299 = vector.shape_cast %mul3A_294 : vector<16xf32> to vector<1x16xf32>
    tpu.vector_store %arg20[%swap3A_295, %swap3A_296], %swap3A_299 {strides = array<i32>} : memref<8x128xf32, #tpu.memory_space<vmem>>, vector<1x16xf32>,
    %get3A_300 = arith.index_cast %add3A_277 : i32 to index
    %get3A_301 = arith.constant 32 : index
    %get3A_302 = tpu.vector_load %arg20[%get3A_300, %get3A_301] {strides = array<i32>} : memref<8x128xf32, #tpu.memory_space<vmem>>, vector<1x16xf32>,
    %get3A_303 = vector.shape_cast %get3A_302 : vector<1x16xf32> to vector<16xf32>
    %mul3A_304 = vector.broadcast %squeeze3A_273 : f32 to vector<16xf32>
    %mul3A_305 = arith.mulf %get3A_303, %mul3A_304 : vector<16xf32>
    %swap3A_306 = arith.index_cast %add3A_277 : i32 to index
    %swap3A_307 = arith.constant 32 : index
    %swap3A_308 = tpu.vector_load %arg20[%swap3A_306, %swap3A_307] {strides = array<i32>} : memref<8x128xf32, #tpu.memory_space<vmem>>, vector<1x16xf32>,
    %swap3A_309 = vector.shape_cast %swap3A_308 : vector<1x16xf32> to vector<16xf32>
    %swap3A_310 = vector.shape_cast %mul3A_305 : vector<16xf32> to vector<1x16xf32>
    tpu.vector_store %arg20[%swap3A_306, %swap3A_307], %swap3A_310 {strides = array<i32>} : memref<8x128xf32, #tpu.memory_space<vmem>>, vector<1x16xf32>,
    %get3A_311 = arith.index_cast %add3A_277 : i32 to index
    %get3A_312 = arith.constant 48 : index
    %get3A_313 = tpu.vector_load %arg20[%get3A_311, %get3A_312] {strides = array<i32>} : memref<8x128xf32, #tpu.memory_space<vmem>>, vector<1x16xf32>,
    %get3A_314 = vector.shape_cast %get3A_313 : vector<1x16xf32> to vector<16xf32>
    %mul3A_315 = vector.broadcast %squeeze3A_273 : f32 to vector<16xf32>
    %mul3A_316 = arith.mulf %get3A_314, %mul3A_315 : vector<16xf32>
    %swap3A_317 = arith.index_cast %add3A_277 : i32 to index
    %swap3A_318 = arith.constant 48 : index
    %swap3A_319 = tpu.vector_load %arg20[%swap3A_317, %swap3A_318] {strides = array<i32>} : memref<8x128xf32, #tpu.memory_space<vmem>>, vector<1x16xf32>,
    %swap3A_320 = vector.shape_cast %swap3A_319 : vector<1x16xf32> to vector<16xf32>
    %swap3A_321 = vector.shape_cast %mul3A_316 : vector<16xf32> to vector<1x16xf32>
    tpu.vector_store %arg20[%swap3A_317, %swap3A_318], %swap3A_321 {strides = array<i32>} : memref<8x128xf32, #tpu.memory_space<vmem>>, vector<1x16xf32>,
    %get3A_322 = arith.index_cast %add3A_277 : i32 to index
    %get3A_323 = arith.constant 64 : index
    %get3A_324 = tpu.vector_load %arg20[%get3A_322, %get3A_323] {strides = array<i32>} : memref<8x128xf32, #tpu.memory_space<vmem>>, vector<1x16xf32>,
    %get3A_325 = vector.shape_cast %get3A_324 : vector<1x16xf32> to vector<16xf32>
    %mul3A_326 = vector.broadcast %squeeze3A_273 : f32 to vector<16xf32>
    %mul3A_327 = arith.mulf %get3A_325, %mul3A_326 : vector<16xf32>
    %swap3A_328 = arith.index_cast %add3A_277 : i32 to index
    %swap3A_329 = arith.constant 64 : index
    %swap3A_330 = tpu.vector_load %arg20[%swap3A_328, %swap3A_329] {strides = array<i32>} : memref<8x128xf32, #tpu.memory_space<vmem>>, vector<1x16xf32>,
    %swap3A_331 = vector.shape_cast %swap3A_330 : vector<1x16xf32> to vector<16xf32>
    %swap3A_332 = vector.shape_cast %mul3A_327 : vector<16xf32> to vector<1x16xf32>
    tpu.vector_store %arg20[%swap3A_328, %swap3A_329], %swap3A_332 {strides = array<i32>} : memref<8x128xf32, #tpu.memory_space<vmem>>, vector<1x16xf32>,
    %get3A_333 = arith.index_cast %add3A_277 : i32 to index
    %get3A_334 = arith.constant 80 : index
    %get3A_335 = tpu.vector_load %arg20[%get3A_333, %get3A_334] {strides = array<i32>} : memref<8x128xf32, #tpu.memory_space<vmem>>, vector<1x16xf32>,
    %get3A_336 = vector.shape_cast %get3A_335 : vector<1x16xf32> to vector<16xf32>
    %mul3A_337 = vector.broadcast %squeeze3A_273 : f32 to vector<16xf32>
    %mul3A_338 = arith.mulf %get3A_336, %mul3A_337 : vector<16xf32>
    %swap3A_339 = arith.index_cast %add3A_277 : i32 to index
    %swap3A_340 = arith.constant 80 : index
    %swap3A_341 = tpu.vector_load %arg20[%swap3A_339, %swap3A_340] {strides = array<i32>} : memref<8x128xf32, #tpu.memory_space<vmem>>, vector<1x16xf32>,
    %swap3A_342 = vector.shape_cast %swap3A_341 : vector<1x16xf32> to vector<16xf32>
    %swap3A_343 = vector.shape_cast %mul3A_338 : vector<16xf32> to vector<1x16xf32>
    tpu.vector_store %arg20[%swap3A_339, %swap3A_340], %swap3A_343 {strides = array<i32>} : memref<8x128xf32, #tpu.memory_space<vmem>>, vector<1x16xf32>,
    %get3A_344 = arith.index_cast %add3A_277 : i32 to index
    %get3A_345 = arith.constant 96 : index
    %get3A_346 = tpu.vector_load %arg20[%get3A_344, %get3A_345] {strides = array<i32>} : memref<8x128xf32, #tpu.memory_space<vmem>>, vector<1x16xf32>,
    %get3A_347 = vector.shape_cast %get3A_346 : vector<1x16xf32> to vector<16xf32>
    %mul3A_348 = vector.broadcast %squeeze3A_273 : f32 to vector<16xf32>
    %mul3A_349 = arith.mulf %get3A_347, %mul3A_348 : vector<16xf32>
    %swap3A_350 = arith.index_cast %add3A_277 : i32 to index
    %swap3A_351 = arith.constant 96 : index
    %swap3A_352 = tpu.vector_load %arg20[%swap3A_350, %swap3A_351] {strides = array<i32>} : memref<8x128xf32, #tpu.memory_space<vmem>>, vector<1x16xf32>,
    %swap3A_353 = vector.shape_cast %swap3A_352 : vector<1x16xf32> to vector<16xf32>
    %swap3A_354 = vector.shape_cast %mul3A_349 : vector<16xf32> to vector<1x16xf32>
    tpu.vector_store %arg20[%swap3A_350, %swap3A_351], %swap3A_354 {strides = array<i32>} : memref<8x128xf32, #tpu.memory_space<vmem>>, vector<1x16xf32>,
    %get3A_355 = arith.index_cast %add3A_277 : i32 to index
    %get3A_356 = arith.constant 112 : index
    %get3A_357 = tpu.vector_load %arg20[%get3A_355, %get3A_356] {strides = array<i32>} : memref<8x128xf32, #tpu.memory_space<vmem>>, vector<1x16xf32>,
    %get3A_358 = vector.shape_cast %get3A_357 : vector<1x16xf32> to vector<16xf32>
    %mul3A_359 = vector.broadcast %squeeze3A_273 : f32 to vector<16xf32>
    %mul3A_360 = arith.mulf %get3A_358, %mul3A_359 : vector<16xf32>
    %swap3A_361 = arith.index_cast %add3A_277 : i32 to index
    %swap3A_362 = arith.constant 112 : index
    %swap3A_363 = tpu.vector_load %arg20[%swap3A_361, %swap3A_362] {strides = array<i32>} : memref<8x128xf32, #tpu.memory_space<vmem>>, vector<1x16xf32>,
    %swap3A_364 = vector.shape_cast %swap3A_363 : vector<1x16xf32> to vector<16xf32>
    %swap3A_365 = vector.shape_cast %mul3A_360 : vector<16xf32> to vector<1x16xf32>
    tpu.vector_store %arg20[%swap3A_361, %swap3A_362], %swap3A_365 {strides = array<i32>} : memref<8x128xf32, #tpu.memory_space<vmem>>, vector<1x16xf32>,
    %slice3A_366 = vector.extract_strided_slice %get3A_85 {offsets = [3], sizes = [1], strides = [1]} : vector<16xf32> to vector<1xf32>
    %squeeze3A_367 = vector.extract %slice3A_366[0] : f32 from vector<1xf32>
    %mul3A_368 = arith.constant 16 : i32
    %mul3A_369 = arith.muli %scan3A_78, %mul3A_368 : i32
    %add3A_370 = arith.constant 3 : i32
    %add3A_371 = arith.addi %mul3A_369, %add3A_370 : i32
    %get3A_372 = arith.index_cast %add3A_371 : i32 to index
    %get3A_373 = arith.constant 0 : index
    %get3A_374 = tpu.vector_load %arg20[%get3A_372, %get3A_373] {strides = array<i32>} : memref<8x128xf32, #tpu.memory_space<vmem>>, vector<1x16xf32>,
    %get3A_375 = vector.shape_cast %get3A_374 : vector<1x16xf32> to vector<16xf32>
    %mul3A_376 = vector.broadcast %squeeze3A_367 : f32 to vector<16xf32>
    %mul3A_377 = arith.mulf %get3A_375, %mul3A_376 : vector<16xf32>
    %swap3A_378 = arith.index_cast %add3A_371 : i32 to index
    %swap3A_379 = arith.constant 0 : index
    %swap3A_380 = tpu.vector_load %arg20[%swap3A_378, %swap3A_379] {strides = array<i32>} : memref<8x128xf32, #tpu.memory_space<vmem>>, vector<1x16xf32>,
    %swap3A_381 = vector.shape_cast %swap3A_380 : vector<1x16xf32> to vector<16xf32>
    %swap3A_382 = vector.shape_cast %mul3A_377 : vector<16xf32> to vector<1x16xf32>
    tpu.vector_store %arg20[%swap3A_378, %swap3A_379], %swap3A_382 {strides = array<i32>} : memref<8x128xf32, #tpu.memory_space<vmem>>, vector<1x16xf32>,
    %get3A_383 = arith.index_cast %add3A_371 : i32 to index
    %get3A_384 = arith.constant 16 : index
    %get3A_385 = tpu.vector_load %arg20[%get3A_383, %get3A_384] {strides = array<i32>} : memref<8x128xf32, #tpu.memory_space<vmem>>, vector<1x16xf32>,
    %get3A_386 = vector.shape_cast %get3A_385 : vector<1x16xf32> to vector<16xf32>
    %mul3A_387 = vector.broadcast %squeeze3A_367 : f32 to vector<16xf32>
    %mul3A_388 = arith.mulf %get3A_386, %mul3A_387 : vector<16xf32>
    %swap3A_389 = arith.index_cast %add3A_371 : i32 to index
    %swap3A_390 = arith.constant 16 : index
    %swap3A_391 = tpu.vector_load %arg20[%swap3A_389, %swap3A_390] {strides = array<i32>} : memref<8x128xf32, #tpu.memory_space<vmem>>, vector<1x16xf32>,
    %swap3A_392 = vector.shape_cast %swap3A_391 : vector<1x16xf32> to vector<16xf32>
    %swap3A_393 = vector.shape_cast %mul3A_388 : vector<16xf32> to vector<1x16xf32>
    tpu.vector_store %arg20[%swap3A_389, %swap3A_390], %swap3A_393 {strides = array<i32>} : memref<8x128xf32, #tpu.memory_space<vmem>>, vector<1x16xf32>,
    %get3A_394 = arith.index_cast %add3A_371 : i32 to index
    %get3A_395 = arith.constant 32 : index
    %get3A_396 = tpu.vector_load %arg20[%get3A_394, %get3A_395] {strides = array<i32>} : memref<8x128xf32, #tpu.memory_space<vmem>>, vector<1x16xf32>,
    %get3A_397 = vector.shape_cast %get3A_396 : vector<1x16xf32> to vector<16xf32>
    %mul3A_398 = vector.broadcast %squeeze3A_367 : f32 to vector<16xf32>
    %mul3A_399 = arith.mulf %get3A_397, %mul3A_398 : vector<16xf32>
    %swap3A_400 = arith.index_cast %add3A_371 : i32 to index
    %swap3A_401 = arith.constant 32 : index
    %swap3A_402 = tpu.vector_load %arg20[%swap3A_400, %swap3A_401] {strides = array<i32>} : memref<8x128xf32, #tpu.memory_space<vmem>>, vector<1x16xf32>,
    %swap3A_403 = vector.shape_cast %swap3A_402 : vector<1x16xf32> to vector<16xf32>
    %swap3A_404 = vector.shape_cast %mul3A_399 : vector<16xf32> to vector<1x16xf32>
    tpu.vector_store %arg20[%swap3A_400, %swap3A_401], %swap3A_404 {strides = array<i32>} : memref<8x128xf32, #tpu.memory_space<vmem>>, vector<1x16xf32>,
    %get3A_405 = arith.index_cast %add3A_371 : i32 to index
    %get3A_406 = arith.constant 48 : index
    %get3A_407 = tpu.vector_load %arg20[%get3A_405, %get3A_406] {strides = array<i32>} : memref<8x128xf32, #tpu.memory_space<vmem>>, vector<1x16xf32>,
    %get3A_408 = vector.shape_cast %get3A_407 : vector<1x16xf32> to vector<16xf32>
    %mul3A_409 = vector.broadcast %squeeze3A_367 : f32 to vector<16xf32>
    %mul3A_410 = arith.mulf %get3A_408, %mul3A_409 : vector<16xf32>
    %swap3A_411 = arith.index_cast %add3A_371 : i32 to index
    %swap3A_412 = arith.constant 48 : index
    %swap3A_413 = tpu.vector_load %arg20[%swap3A_411, %swap3A_412] {strides = array<i32>} : memref<8x128xf32, #tpu.memory_space<vmem>>, vector<1x16xf32>,
    %swap3A_414 = vector.shape_cast %swap3A_413 : vector<1x16xf32> to vector<16xf32>
    %swap3A_415 = vector.shape_cast %mul3A_410 : vector<16xf32> to vector<1x16xf32>
    tpu.vector_store %arg20[%swap3A_411, %swap3A_412], %swap3A_415 {strides = array<i32>} : memref<8x128xf32, #tpu.memory_space<vmem>>, vector<1x16xf32>,
    %get3A_416 = arith.index_cast %add3A_371 : i32 to index
    %get3A_417 = arith.constant 64 : index
    %get3A_418 = tpu.vector_load %arg20[%get3A_416, %get3A_417] {strides = array<i32>} : memref<8x128xf32, #tpu.memory_space<vmem>>, vector<1x16xf32>,
    %get3A_419 = vector.shape_cast %get3A_418 : vector<1x16xf32> to vector<16xf32>
    %mul3A_420 = vector.broadcast %squeeze3A_367 : f32 to vector<16xf32>
    %mul3A_421 = arith.mulf %get3A_419, %mul3A_420 : vector<16xf32>
    %swap3A_422 = arith.index_cast %add3A_371 : i32 to index
    %swap3A_423 = arith.constant 64 : index
    %swap3A_424 = tpu.vector_load %arg20[%swap3A_422, %swap3A_423] {strides = array<i32>} : memref<8x128xf32, #tpu.memory_space<vmem>>, vector<1x16xf32>,
    %swap3A_425 = vector.shape_cast %swap3A_424 : vector<1x16xf32> to vector<16xf32>
    %swap3A_426 = vector.shape_cast %mul3A_421 : vector<16xf32> to vector<1x16xf32>
    tpu.vector_store %arg20[%swap3A_422, %swap3A_423], %swap3A_426 {strides = array<i32>} : memref<8x128xf32, #tpu.memory_space<vmem>>, vector<1x16xf32>,
    %get3A_427 = arith.index_cast %add3A_371 : i32 to index
    %get3A_428 = arith.constant 80 : index
    %get3A_429 = tpu.vector_load %arg20[%get3A_427, %get3A_428] {strides = array<i32>} : memref<8x128xf32, #tpu.memory_space<vmem>>, vector<1x16xf32>,
    %get3A_430 = vector.shape_cast %get3A_429 : vector<1x16xf32> to vector<16xf32>
    %mul3A_431 = vector.broadcast %squeeze3A_367 : f32 to vector<16xf32>
    %mul3A_432 = arith.mulf %get3A_430, %mul3A_431 : vector<16xf32>
    %swap3A_433 = arith.index_cast %add3A_371 : i32 to index
    %swap3A_434 = arith.constant 80 : index
    %swap3A_435 = tpu.vector_load %arg20[%swap3A_433, %swap3A_434] {strides = array<i32>} : memref<8x128xf32, #tpu.memory_space<vmem>>, vector<1x16xf32>,
    %swap3A_436 = vector.shape_cast %swap3A_435 : vector<1x16xf32> to vector<16xf32>
    %swap3A_437 = vector.shape_cast %mul3A_432 : vector<16xf32> to vector<1x16xf32>
    tpu.vector_store %arg20[%swap3A_433, %swap3A_434], %swap3A_437 {strides = array<i32>} : memref<8x128xf32, #tpu.memory_space<vmem>>, vector<1x16xf32>,
    %get3A_438 = arith.index_cast %add3A_371 : i32 to index
    %get3A_439 = arith.constant 96 : index
    %get3A_440 = tpu.vector_load %arg20[%get3A_438, %get3A_439] {strides = array<i32>} : memref<8x128xf32, #tpu.memory_space<vmem>>, vector<1x16xf32>,
    %get3A_441 = vector.shape_cast %get3A_440 : vector<1x16xf32> to vector<16xf32>
    %mul3A_442 = vector.broadcast %squeeze3A_367 : f32 to vector<16xf32>
    %mul3A_443 = arith.mulf %get3A_441, %mul3A_442 : vector<16xf32>
    %swap3A_444 = arith.index_cast %add3A_371 : i32 to index
    %swap3A_445 = arith.constant 96 : index
    %swap3A_446 = tpu.vector_load %arg20[%swap3A_444, %swap3A_445] {strides = array<i32>} : memref<8x128xf32, #tpu.memory_space<vmem>>, vector<1x16xf32>,
    %swap3A_447 = vector.shape_cast %swap3A_446 : vector<1x16xf32> to vector<16xf32>
    %swap3A_448 = vector.shape_cast %mul3A_443 : vector<16xf32> to vector<1x16xf32>
    tpu.vector_store %arg20[%swap3A_444, %swap3A_445], %swap3A_448 {strides = array<i32>} : memref<8x128xf32, #tpu.memory_space<vmem>>, vector<1x16xf32>,
    %get3A_449 = arith.index_cast %add3A_371 : i32 to index
    %get3A_450 = arith.constant 112 : index
    %get3A_451 = tpu.vector_load %arg20[%get3A_449, %get3A_450] {strides = array<i32>} : memref<8x128xf32, #tpu.memory_space<vmem>>, vector<1x16xf32>,
    %get3A_452 = vector.shape_cast %get3A_451 : vector<1x16xf32> to vector<16xf32>
    %mul3A_453 = vector.broadcast %squeeze3A_367 : f32 to vector<16xf32>
    %mul3A_454 = arith.mulf %get3A_452, %mul3A_453 : vector<16xf32>
    %swap3A_455 = arith.index_cast %add3A_371 : i32 to index
    %swap3A_456 = arith.constant 112 : index
    %swap3A_457 = tpu.vector_load %arg20[%swap3A_455, %swap3A_456] {strides = array<i32>} : memref<8x128xf32, #tpu.memory_space<vmem>>, vector<1x16xf32>,
    %swap3A_458 = vector.shape_cast %swap3A_457 : vector<1x16xf32> to vector<16xf32>
    %swap3A_459 = vector.shape_cast %mul3A_454 : vector<16xf32> to vector<1x16xf32>
    tpu.vector_store %arg20[%swap3A_455, %swap3A_456], %swap3A_459 {strides = array<i32>} : memref<8x128xf32, #tpu.memory_space<vmem>>, vector<1x16xf32>,
    %slice3A_460 = vector.extract_strided_slice %get3A_85 {offsets = [4], sizes = [1], strides = [1]} : vector<16xf32> to vector<1xf32>
    %squeeze3A_461 = vector.extract %slice3A_460[0] : f32 from vector<1xf32>
    %mul3A_462 = arith.constant 16 : i32
    %mul3A_463 = arith.muli %scan3A_78, %mul3A_462 : i32
    %add3A_464 = arith.constant 4 : i32
    %add3A_465 = arith.addi %mul3A_463, %add3A_464 : i32
    %get3A_466 = arith.index_cast %add3A_465 : i32 to index
    %get3A_467 = arith.constant 0 : index
    %get3A_468 = tpu.vector_load %arg20[%get3A_466, %get3A_467] {strides = array<i32>} : memref<8x128xf32, #tpu.memory_space<vmem>>, vector<1x16xf32>,
    %get3A_469 = vector.shape_cast %get3A_468 : vector<1x16xf32> to vector<16xf32>
    %mul3A_470 = vector.broadcast %squeeze3A_461 : f32 to vector<16xf32>
    %mul3A_471 = arith.mulf %get3A_469, %mul3A_470 : vector<16xf32>
    %swap3A_472 = arith.index_cast %add3A_465 : i32 to index
    %swap3A_473 = arith.constant 0 : index
    %swap3A_474 = tpu.vector_load %arg20[%swap3A_472, %swap3A_473] {strides = array<i32>} : memref<8x128xf32, #tpu.memory_space<vmem>>, vector<1x16xf32>,
    %swap3A_475 = vector.shape_cast %swap3A_474 : vector<1x16xf32> to vector<16xf32>
    %swap3A_476 = vector.shape_cast %mul3A_471 : vector<16xf32> to vector<1x16xf32>
    tpu.vector_store %arg20[%swap3A_472, %swap3A_473], %swap3A_476 {strides = array<i32>} : memref<8x128xf32, #tpu.memory_space<vmem>>, vector<1x16xf32>,
    %get3A_477 = arith.index_cast %add3A_465 : i32 to index
    %get3A_478 = arith.constant 16 : index
    %get3A_479 = tpu.vector_load %arg20[%get3A_477, %get3A_478] {strides = array<i32>} : memref<8x128xf32, #tpu.memory_space<vmem>>, vector<1x16xf32>,
    %get3A_480 = vector.shape_cast %get3A_479 : vector<1x16xf32> to vector<16xf32>
    %mul3A_481 = vector.broadcast %squeeze3A_461 : f32 to vector<16xf32>
    %mul3A_482 = arith.mulf %get3A_480, %mul3A_481 : vector<16xf32>
    %swap3A_483 = arith.index_cast %add3A_465 : i32 to index
    %swap3A_484 = arith.constant 16 : index
    %swap3A_485 = tpu.vector_load %arg20[%swap3A_483, %swap3A_484] {strides = array<i32>} : memref<8x128xf32, #tpu.memory_space<vmem>>, vector<1x16xf32>,
    %swap3A_486 = vector.shape_cast %swap3A_485 : vector<1x16xf32> to vector<16xf32>
    %swap3A_487 = vector.shape_cast %mul3A_482 : vector<16xf32> to vector<1x16xf32>
    tpu.vector_store %arg20[%swap3A_483, %swap3A_484], %swap3A_487 {strides = array<i32>} : memref<8x128xf32, #tpu.memory_space<vmem>>, vector<1x16xf32>,
    %get3A_488 = arith.index_cast %add3A_465 : i32 to index
    %get3A_489 = arith.constant 32 : index
    %get3A_490 = tpu.vector_load %arg20[%get3A_488, %get3A_489] {strides = array<i32>} : memref<8x128xf32, #tpu.memory_space<vmem>>, vector<1x16xf32>,
    %get3A_491 = vector.shape_cast %get3A_490 : vector<1x16xf32> to vector<16xf32>
    %mul3A_492 = vector.broadcast %squeeze3A_461 : f32 to vector<16xf32>
    %mul3A_493 = arith.mulf %get3A_491, %mul3A_492 : vector<16xf32>
    %swap3A_494 = arith.index_cast %add3A_465 : i32 to index
    %swap3A_495 = arith.constant 32 : index
    %swap3A_496 = tpu.vector_load %arg20[%swap3A_494, %swap3A_495] {strides = array<i32>} : memref<8x128xf32, #tpu.memory_space<vmem>>, vector<1x16xf32>,
    %swap3A_497 = vector.shape_cast %swap3A_496 : vector<1x16xf32> to vector<16xf32>
    %swap3A_498 = vector.shape_cast %mul3A_493 : vector<16xf32> to vector<1x16xf32>
    tpu.vector_store %arg20[%swap3A_494, %swap3A_495], %swap3A_498 {strides = array<i32>} : memref<8x128xf32, #tpu.memory_space<vmem>>, vector<1x16xf32>,
    %get3A_499 = arith.index_cast %add3A_465 : i32 to index
    %get3A_500 = arith.constant 48 : index
    %get3A_501 = tpu.vector_load %arg20[%get3A_499, %get3A_500] {strides = array<i32>} : memref<8x128xf32, #tpu.memory_space<vmem>>, vector<1x16xf32>,
    %get3A_502 = vector.shape_cast %get3A_501 : vector<1x16xf32> to vector<16xf32>
    %mul3A_503 = vector.broadcast %squeeze3A_461 : f32 to vector<16xf32>
    %mul3A_504 = arith.mulf %get3A_502, %mul3A_503 : vector<16xf32>
    %swap3A_505 = arith.index_cast %add3A_465 : i32 to index
    %swap3A_506 = arith.constant 48 : index
    %swap3A_507 = tpu.vector_load %arg20[%swap3A_505, %swap3A_506] {strides = array<i32>} : memref<8x128xf32, #tpu.memory_space<vmem>>, vector<1x16xf32>,
    %swap3A_508 = vector.shape_cast %swap3A_507 : vector<1x16xf32> to vector<16xf32>
    %swap3A_509 = vector.shape_cast %mul3A_504 : vector<16xf32> to vector<1x16xf32>
    tpu.vector_store %arg20[%swap3A_505, %swap3A_506], %swap3A_509 {strides = array<i32>} : memref<8x128xf32, #tpu.memory_space<vmem>>, vector<1x16xf32>,
    %get3A_510 = arith.index_cast %add3A_465 : i32 to index
    %get3A_511 = arith.constant 64 : index
    %get3A_512 = tpu.vector_load %arg20[%get3A_510, %get3A_511] {strides = array<i32>} : memref<8x128xf32, #tpu.memory_space<vmem>>, vector<1x16xf32>,
    %get3A_513 = vector.shape_cast %get3A_512 : vector<1x16xf32> to vector<16xf32>
    %mul3A_514 = vector.broadcast %squeeze3A_461 : f32 to vector<16xf32>
    %mul3A_515 = arith.mulf %get3A_513, %mul3A_514 : vector<16xf32>
    %swap3A_516 = arith.index_cast %add3A_465 : i32 to index
    %swap3A_517 = arith.constant 64 : index
    %swap3A_518 = tpu.vector_load %arg20[%swap3A_516, %swap3A_517] {strides = array<i32>} : memref<8x128xf32, #tpu.memory_space<vmem>>, vector<1x16xf32>,
    %swap3A_519 = vector.shape_cast %swap3A_518 : vector<1x16xf32> to vector<16xf32>
    %swap3A_520 = vector.shape_cast %mul3A_515 : vector<16xf32> to vector<1x16xf32>
    tpu.vector_store %arg20[%swap3A_516, %swap3A_517], %swap3A_520 {strides = array<i32>} : memref<8x128xf32, #tpu.memory_space<vmem>>, vector<1x16xf32>,
    %get3A_521 = arith.index_cast %add3A_465 : i32 to index
    %get3A_522 = arith.constant 80 : index
    %get3A_523 = tpu.vector_load %arg20[%get3A_521, %get3A_522] {strides = array<i32>} : memref<8x128xf32, #tpu.memory_space<vmem>>, vector<1x16xf32>,
    %get3A_524 = vector.shape_cast %get3A_523 : vector<1x16xf32> to vector<16xf32>
    %mul3A_525 = vector.broadcast %squeeze3A_461 : f32 to vector<16xf32>
    %mul3A_526 = arith.mulf %get3A_524, %mul3A_525 : vector<16xf32>
    %swap3A_527 = arith.index_cast %add3A_465 : i32 to index
    %swap3A_528 = arith.constant 80 : index
    %swap3A_529 = tpu.vector_load %arg20[%swap3A_527, %swap3A_528] {strides = array<i32>} : memref<8x128xf32, #tpu.memory_space<vmem>>, vector<1x16xf32>,
    %swap3A_530 = vector.shape_cast %swap3A_529 : vector<1x16xf32> to vector<16xf32>
    %swap3A_531 = vector.shape_cast %mul3A_526 : vector<16xf32> to vector<1x16xf32>
    tpu.vector_store %arg20[%swap3A_527, %swap3A_528], %swap3A_531 {strides = array<i32>} : memref<8x128xf32, #tpu.memory_space<vmem>>, vector<1x16xf32>,
    %get3A_532 = arith.index_cast %add3A_465 : i32 to index
    %get3A_533 = arith.constant 96 : index
    %get3A_534 = tpu.vector_load %arg20[%get3A_532, %get3A_533] {strides = array<i32>} : memref<8x128xf32, #tpu.memory_space<vmem>>, vector<1x16xf32>,
    %get3A_535 = vector.shape_cast %get3A_534 : vector<1x16xf32> to vector<16xf32>
    %mul3A_536 = vector.broadcast %squeeze3A_461 : f32 to vector<16xf32>
    %mul3A_537 = arith.mulf %get3A_535, %mul3A_536 : vector<16xf32>
    %swap3A_538 = arith.index_cast %add3A_465 : i32 to index
    %swap3A_539 = arith.constant 96 : index
    %swap3A_540 = tpu.vector_load %arg20[%swap3A_538, %swap3A_539] {strides = array<i32>} : memref<8x128xf32, #tpu.memory_space<vmem>>, vector<1x16xf32>,
    %swap3A_541 = vector.shape_cast %swap3A_540 : vector<1x16xf32> to vector<16xf32>
    %swap3A_542 = vector.shape_cast %mul3A_537 : vector<16xf32> to vector<1x16xf32>
    tpu.vector_store %arg20[%swap3A_538, %swap3A_539], %swap3A_542 {strides = array<i32>} : memref<8x128xf32, #tpu.memory_space<vmem>>, vector<1x16xf32>,
    %get3A_543 = arith.index_cast %add3A_465 : i32 to index
    %get3A_544 = arith.constant 112 : index
    %get3A_545 = tpu.vector_load %arg20[%get3A_543, %get3A_544] {strides = array<i32>} : memref<8x128xf32, #tpu.memory_space<vmem>>, vector<1x16xf32>,
    %get3A_546 = vector.shape_cast %get3A_545 : vector<1x16xf32> to vector<16xf32>
    %mul3A_547 = vector.broadcast %squeeze3A_461 : f32 to vector<16xf32>
    %mul3A_548 = arith.mulf %get3A_546, %mul3A_547 : vector<16xf32>
    %swap3A_549 = arith.index_cast %add3A_465 : i32 to index
    %swap3A_550 = arith.constant 112 : index
    %swap3A_551 = tpu.vector_load %arg20[%swap3A_549, %swap3A_550] {strides = array<i32>} : memref<8x128xf32, #tpu.memory_space<vmem>>, vector<1x16xf32>,
    %swap3A_552 = vector.shape_cast %swap3A_551 : vector<1x16xf32> to vector<16xf32>
    %swap3A_553 = vector.shape_cast %mul3A_548 : vector<16xf32> to vector<1x16xf32>
    tpu.vector_store %arg20[%swap3A_549, %swap3A_550], %swap3A_553 {strides = array<i32>} : memref<8x128xf32, #tpu.memory_space<vmem>>, vector<1x16xf32>,
    %slice3A_554 = vector.extract_strided_slice %get3A_85 {offsets = [5], sizes = [1], strides = [1]} : vector<16xf32> to vector<1xf32>
    %squeeze3A_555 = vector.extract %slice3A_554[0] : f32 from vector<1xf32>
    %mul3A_556 = arith.constant 16 : i32
    %mul3A_557 = arith.muli %scan3A_78, %mul3A_556 : i32
    %add3A_558 = arith.constant 5 : i32
    %add3A_559 = arith.addi %mul3A_557, %add3A_558 : i32
    %get3A_560 = arith.index_cast %add3A_559 : i32 to index
    %get3A_561 = arith.constant 0 : index
    %get3A_562 = tpu.vector_load %arg20[%get3A_560, %get3A_561] {strides = array<i32>} : memref<8x128xf32, #tpu.memory_space<vmem>>, vector<1x16xf32>,
    %get3A_563 = vector.shape_cast %get3A_562 : vector<1x16xf32> to vector<16xf32>
    %mul3A_564 = vector.broadcast %squeeze3A_555 : f32 to vector<16xf32>
    %mul3A_565 = arith.mulf %get3A_563, %mul3A_564 : vector<16xf32>
    %swap3A_566 = arith.index_cast %add3A_559 : i32 to index
    %swap3A_567 = arith.constant 0 : index
    %swap3A_568 = tpu.vector_load %arg20[%swap3A_566, %swap3A_567] {strides = array<i32>} : memref<8x128xf32, #tpu.memory_space<vmem>>, vector<1x16xf32>,
    %swap3A_569 = vector.shape_cast %swap3A_568 : vector<1x16xf32> to vector<16xf32>
    %swap3A_570 = vector.shape_cast %mul3A_565 : vector<16xf32> to vector<1x16xf32>
    tpu.vector_store %arg20[%swap3A_566, %swap3A_567], %swap3A_570 {strides = array<i32>} : memref<8x128xf32, #tpu.memory_space<vmem>>, vector<1x16xf32>,
    %get3A_571 = arith.index_cast %add3A_559 : i32 to index
    %get3A_572 = arith.constant 16 : index
    %get3A_573 = tpu.vector_load %arg20[%get3A_571, %get3A_572] {strides = array<i32>} : memref<8x128xf32, #tpu.memory_space<vmem>>, vector<1x16xf32>,
    %get3A_574 = vector.shape_cast %get3A_573 : vector<1x16xf32> to vector<16xf32>
    %mul3A_575 = vector.broadcast %squeeze3A_555 : f32 to vector<16xf32>
    %mul3A_576 = arith.mulf %get3A_574, %mul3A_575 : vector<16xf32>
    %swap3A_577 = arith.index_cast %add3A_559 : i32 to index
    %swap3A_578 = arith.constant 16 : index
    %swap3A_579 = tpu.vector_load %arg20[%swap3A_577, %swap3A_578] {strides = array<i32>} : memref<8x128xf32, #tpu.memory_space<vmem>>, vector<1x16xf32>,
    %swap3A_580 = vector.shape_cast %swap3A_579 : vector<1x16xf32> to vector<16xf32>
    %swap3A_581 = vector.shape_cast %mul3A_576 : vector<16xf32> to vector<1x16xf32>
    tpu.vector_store %arg20[%swap3A_577, %swap3A_578], %swap3A_581 {strides = array<i32>} : memref<8x128xf32, #tpu.memory_space<vmem>>, vector<1x16xf32>,
    %get3A_582 = arith.index_cast %add3A_559 : i32 to index
    %get3A_583 = arith.constant 32 : index
    %get3A_584 = tpu.vector_load %arg20[%get3A_582, %get3A_583] {strides = array<i32>} : memref<8x128xf32, #tpu.memory_space<vmem>>, vector<1x16xf32>,
    %get3A_585 = vector.shape_cast %get3A_584 : vector<1x16xf32> to vector<16xf32>
    %mul3A_586 = vector.broadcast %squeeze3A_555 : f32 to vector<16xf32>
    %mul3A_587 = arith.mulf %get3A_585, %mul3A_586 : vector<16xf32>
    %swap3A_588 = arith.index_cast %add3A_559 : i32 to index
    %swap3A_589 = arith.constant 32 : index
    %swap3A_590 = tpu.vector_load %arg20[%swap3A_588, %swap3A_589] {strides = array<i32>} : memref<8x128xf32, #tpu.memory_space<vmem>>, vector<1x16xf32>,
    %swap3A_591 = vector.shape_cast %swap3A_590 : vector<1x16xf32> to vector<16xf32>
    %swap3A_592 = vector.shape_cast %mul3A_587 : vector<16xf32> to vector<1x16xf32>
    tpu.vector_store %arg20[%swap3A_588, %swap3A_589], %swap3A_592 {strides = array<i32>} : memref<8x128xf32, #tpu.memory_space<vmem>>, vector<1x16xf32>,
    %get3A_593 = arith.index_cast %add3A_559 : i32 to index
    %get3A_594 = arith.constant 48 : index
    %get3A_595 = tpu.vector_load %arg20[%get3A_593, %get3A_594] {strides = array<i32>} : memref<8x128xf32, #tpu.memory_space<vmem>>, vector<1x16xf32>,
    %get3A_596 = vector.shape_cast %get3A_595 : vector<1x16xf32> to vector<16xf32>
    %mul3A_597 = vector.broadcast %squeeze3A_555 : f32 to vector<16xf32>
    %mul3A_598 = arith.mulf %get3A_596, %mul3A_597 : vector<16xf32>
    %swap3A_599 = arith.index_cast %add3A_559 : i32 to index
    %swap3A_600 = arith.constant 48 : index
    %swap3A_601 = tpu.vector_load %arg20[%swap3A_599, %swap3A_600] {strides = array<i32>} : memref<8x128xf32, #tpu.memory_space<vmem>>, vector<1x16xf32>,
    %swap3A_602 = vector.shape_cast %swap3A_601 : vector<1x16xf32> to vector<16xf32>
    %swap3A_603 = vector.shape_cast %mul3A_598 : vector<16xf32> to vector<1x16xf32>
    tpu.vector_store %arg20[%swap3A_599, %swap3A_600], %swap3A_603 {strides = array<i32>} : memref<8x128xf32, #tpu.memory_space<vmem>>, vector<1x16xf32>,
    %get3A_604 = arith.index_cast %add3A_559 : i32 to index
    %get3A_605 = arith.constant 64 : index
    %get3A_606 = tpu.vector_load %arg20[%get3A_604, %get3A_605] {strides = array<i32>} : memref<8x128xf32, #tpu.memory_space<vmem>>, vector<1x16xf32>,
    %get3A_607 = vector.shape_cast %get3A_606 : vector<1x16xf32> to vector<16xf32>
    %mul3A_608 = vector.broadcast %squeeze3A_555 : f32 to vector<16xf32>
    %mul3A_609 = arith.mulf %get3A_607, %mul3A_608 : vector<16xf32>
    %swap3A_610 = arith.index_cast %add3A_559 : i32 to index
    %swap3A_611 = arith.constant 64 : index
    %swap3A_612 = tpu.vector_load %arg20[%swap3A_610, %swap3A_611] {strides = array<i32>} : memref<8x128xf32, #tpu.memory_space<vmem>>, vector<1x16xf32>,
    %swap3A_613 = vector.shape_cast %swap3A_612 : vector<1x16xf32> to vector<16xf32>
    %swap3A_614 = vector.shape_cast %mul3A_609 : vector<16xf32> to vector<1x16xf32>
    tpu.vector_store %arg20[%swap3A_610, %swap3A_611], %swap3A_614 {strides = array<i32>} : memref<8x128xf32, #tpu.memory_space<vmem>>, vector<1x16xf32>,
    %get3A_615 = arith.index_cast %add3A_559 : i32 to index
    %get3A_616 = arith.constant 80 : index
    %get3A_617 = tpu.vector_load %arg20[%get3A_615, %get3A_616] {strides = array<i32>} : memref<8x128xf32, #tpu.memory_space<vmem>>, vector<1x16xf32>,
    %get3A_618 = vector.shape_cast %get3A_617 : vector<1x16xf32> to vector<16xf32>
    %mul3A_619 = vector.broadcast %squeeze3A_555 : f32 to vector<16xf32>
    %mul3A_620 = arith.mulf %get3A_618, %mul3A_619 : vector<16xf32>
    %swap3A_621 = arith.index_cast %add3A_559 : i32 to index
    %swap3A_622 = arith.constant 80 : index
    %swap3A_623 = tpu.vector_load %arg20[%swap3A_621, %swap3A_622] {strides = array<i32>} : memref<8x128xf32, #tpu.memory_space<vmem>>, vector<1x16xf32>,
    %swap3A_624 = vector.shape_cast %swap3A_623 : vector<1x16xf32> to vector<16xf32>
    %swap3A_625 = vector.shape_cast %mul3A_620 : vector<16xf32> to vector<1x16xf32>
    tpu.vector_store %arg20[%swap3A_621, %swap3A_622], %swap3A_625 {strides = array<i32>} : memref<8x128xf32, #tpu.memory_space<vmem>>, vector<1x16xf32>,
    %get3A_626 = arith.index_cast %add3A_559 : i32 to index
    %get3A_627 = arith.constant 96 : index
    %get3A_628 = tpu.vector_load %arg20[%get3A_626, %get3A_627] {strides = array<i32>} : memref<8x128xf32, #tpu.memory_space<vmem>>, vector<1x16xf32>,
    %get3A_629 = vector.shape_cast %get3A_628 : vector<1x16xf32> to vector<16xf32>
    %mul3A_630 = vector.broadcast %squeeze3A_555 : f32 to vector<16xf32>
    %mul3A_631 = arith.mulf %get3A_629, %mul3A_630 : vector<16xf32>
    %swap3A_632 = arith.index_cast %add3A_559 : i32 to index
    %swap3A_633 = arith.constant 96 : index
    %swap3A_634 = tpu.vector_load %arg20[%swap3A_632, %swap3A_633] {strides = array<i32>} : memref<8x128xf32, #tpu.memory_space<vmem>>, vector<1x16xf32>,
    %swap3A_635 = vector.shape_cast %swap3A_634 : vector<1x16xf32> to vector<16xf32>
    %swap3A_636 = vector.shape_cast %mul3A_631 : vector<16xf32> to vector<1x16xf32>
    tpu.vector_store %arg20[%swap3A_632, %swap3A_633], %swap3A_636 {strides = array<i32>} : memref<8x128xf32, #tpu.memory_space<vmem>>, vector<1x16xf32>,
    %get3A_637 = arith.index_cast %add3A_559 : i32 to index
    %get3A_638 = arith.constant 112 : index
    %get3A_639 = tpu.vector_load %arg20[%get3A_637, %get3A_638] {strides = array<i32>} : memref<8x128xf32, #tpu.memory_space<vmem>>, vector<1x16xf32>,
    %get3A_640 = vector.shape_cast %get3A_639 : vector<1x16xf32> to vector<16xf32>
    %mul3A_641 = vector.broadcast %squeeze3A_555 : f32 to vector<16xf32>
    %mul3A_642 = arith.mulf %get3A_640, %mul3A_641 : vector<16xf32>
    %swap3A_643 = arith.index_cast %add3A_559 : i32 to index
    %swap3A_644 = arith.constant 112 : index
    %swap3A_645 = tpu.vector_load %arg20[%swap3A_643, %swap3A_644] {strides = array<i32>} : memref<8x128xf32, #tpu.memory_space<vmem>>, vector<1x16xf32>,
    %swap3A_646 = vector.shape_cast %swap3A_645 : vector<1x16xf32> to vector<16xf32>
    %swap3A_647 = vector.shape_cast %mul3A_642 : vector<16xf32> to vector<1x16xf32>
    tpu.vector_store %arg20[%swap3A_643, %swap3A_644], %swap3A_647 {strides = array<i32>} : memref<8x128xf32, #tpu.memory_space<vmem>>, vector<1x16xf32>,
    %slice3A_648 = vector.extract_strided_slice %get3A_85 {offsets = [6], sizes = [1], strides = [1]} : vector<16xf32> to vector<1xf32>
    %squeeze3A_649 = vector.extract %slice3A_648[0] : f32 from vector<1xf32>
    %mul3A_650 = arith.constant 16 : i32
    %mul3A_651 = arith.muli %scan3A_78, %mul3A_650 : i32
    %add3A_652 = arith.constant 6 : i32
    %add3A_653 = arith.addi %mul3A_651, %add3A_652 : i32
    %get3A_654 = arith.index_cast %add3A_653 : i32 to index
    %get3A_655 = arith.constant 0 : index
    %get3A_656 = tpu.vector_load %arg20[%get3A_654, %get3A_655] {strides = array<i32>} : memref<8x128xf32, #tpu.memory_space<vmem>>, vector<1x16xf32>,
    %get3A_657 = vector.shape_cast %get3A_656 : vector<1x16xf32> to vector<16xf32>
    %mul3A_658 = vector.broadcast %squeeze3A_649 : f32 to vector<16xf32>
    %mul3A_659 = arith.mulf %get3A_657, %mul3A_658 : vector<16xf32>
    %swap3A_660 = arith.index_cast %add3A_653 : i32 to index
    %swap3A_661 = arith.constant 0 : index
    %swap3A_662 = tpu.vector_load %arg20[%swap3A_660, %swap3A_661] {strides = array<i32>} : memref<8x128xf32, #tpu.memory_space<vmem>>, vector<1x16xf32>,
    %swap3A_663 = vector.shape_cast %swap3A_662 : vector<1x16xf32> to vector<16xf32>
    %swap3A_664 = vector.shape_cast %mul3A_659 : vector<16xf32> to vector<1x16xf32>
    tpu.vector_store %arg20[%swap3A_660, %swap3A_661], %swap3A_664 {strides = array<i32>} : memref<8x128xf32, #tpu.memory_space<vmem>>, vector<1x16xf32>,
    %get3A_665 = arith.index_cast %add3A_653 : i32 to index
    %get3A_666 = arith.constant 16 : index
    %get3A_667 = tpu.vector_load %arg20[%get3A_665, %get3A_666] {strides = array<i32>} : memref<8x128xf32, #tpu.memory_space<vmem>>, vector<1x16xf32>,
    %get3A_668 = vector.shape_cast %get3A_667 : vector<1x16xf32> to vector<16xf32>
    %mul3A_669 = vector.broadcast %squeeze3A_649 : f32 to vector<16xf32>
    %mul3A_670 = arith.mulf %get3A_668, %mul3A_669 : vector<16xf32>
    %swap3A_671 = arith.index_cast %add3A_653 : i32 to index
    %swap3A_672 = arith.constant 16 : index
    %swap3A_673 = tpu.vector_load %arg20[%swap3A_671, %swap3A_672] {strides = array<i32>} : memref<8x128xf32, #tpu.memory_space<vmem>>, vector<1x16xf32>,
    %swap3A_674 = vector.shape_cast %swap3A_673 : vector<1x16xf32> to vector<16xf32>
    %swap3A_675 = vector.shape_cast %mul3A_670 : vector<16xf32> to vector<1x16xf32>
    tpu.vector_store %arg20[%swap3A_671, %swap3A_672], %swap3A_675 {strides = array<i32>} : memref<8x128xf32, #tpu.memory_space<vmem>>, vector<1x16xf32>,
    %get3A_676 = arith.index_cast %add3A_653 : i32 to index
    %get3A_677 = arith.constant 32 : index
    %get3A_678 = tpu.vector_load %arg20[%get3A_676, %get3A_677] {strides = array<i32>} : memref<8x128xf32, #tpu.memory_space<vmem>>, vector<1x16xf32>,
    %get3A_679 = vector.shape_cast %get3A_678 : vector<1x16xf32> to vector<16xf32>
    %mul3A_680 = vector.broadcast %squeeze3A_649 : f32 to vector<16xf32>
    %mul3A_681 = arith.mulf %get3A_679, %mul3A_680 : vector<16xf32>
    %swap3A_682 = arith.index_cast %add3A_653 : i32 to index
    %swap3A_683 = arith.constant 32 : index
    %swap3A_684 = tpu.vector_load %arg20[%swap3A_682, %swap3A_683] {strides = array<i32>} : memref<8x128xf32, #tpu.memory_space<vmem>>, vector<1x16xf32>,
    %swap3A_685 = vector.shape_cast %swap3A_684 : vector<1x16xf32> to vector<16xf32>
    %swap3A_686 = vector.shape_cast %mul3A_681 : vector<16xf32> to vector<1x16xf32>
    tpu.vector_store %arg20[%swap3A_682, %swap3A_683], %swap3A_686 {strides = array<i32>} : memref<8x128xf32, #tpu.memory_space<vmem>>, vector<1x16xf32>,
    %get3A_687 = arith.index_cast %add3A_653 : i32 to index
    %get3A_688 = arith.constant 48 : index
    %get3A_689 = tpu.vector_load %arg20[%get3A_687, %get3A_688] {strides = array<i32>} : memref<8x128xf32, #tpu.memory_space<vmem>>, vector<1x16xf32>,
    %get3A_690 = vector.shape_cast %get3A_689 : vector<1x16xf32> to vector<16xf32>
    %mul3A_691 = vector.broadcast %squeeze3A_649 : f32 to vector<16xf32>
    %mul3A_692 = arith.mulf %get3A_690, %mul3A_691 : vector<16xf32>
    %swap3A_693 = arith.index_cast %add3A_653 : i32 to index
    %swap3A_694 = arith.constant 48 : index
    %swap3A_695 = tpu.vector_load %arg20[%swap3A_693, %swap3A_694] {strides = array<i32>} : memref<8x128xf32, #tpu.memory_space<vmem>>, vector<1x16xf32>,
    %swap3A_696 = vector.shape_cast %swap3A_695 : vector<1x16xf32> to vector<16xf32>
    %swap3A_697 = vector.shape_cast %mul3A_692 : vector<16xf32> to vector<1x16xf32>
    tpu.vector_store %arg20[%swap3A_693, %swap3A_694], %swap3A_697 {strides = array<i32>} : memref<8x128xf32, #tpu.memory_space<vmem>>, vector<1x16xf32>,
    %get3A_698 = arith.index_cast %add3A_653 : i32 to index
    %get3A_699 = arith.constant 64 : index
    %get3A_700 = tpu.vector_load %arg20[%get3A_698, %get3A_699] {strides = array<i32>} : memref<8x128xf32, #tpu.memory_space<vmem>>, vector<1x16xf32>,
    %get3A_701 = vector.shape_cast %get3A_700 : vector<1x16xf32> to vector<16xf32>
    %mul3A_702 = vector.broadcast %squeeze3A_649 : f32 to vector<16xf32>
    %mul3A_703 = arith.mulf %get3A_701, %mul3A_702 : vector<16xf32>
    %swap3A_704 = arith.index_cast %add3A_653 : i32 to index
    %swap3A_705 = arith.constant 64 : index
    %swap3A_706 = tpu.vector_load %arg20[%swap3A_704, %swap3A_705] {strides = array<i32>} : memref<8x128xf32, #tpu.memory_space<vmem>>, vector<1x16xf32>,
    %swap3A_707 = vector.shape_cast %swap3A_706 : vector<1x16xf32> to vector<16xf32>
    %swap3A_708 = vector.shape_cast %mul3A_703 : vector<16xf32> to vector<1x16xf32>
    tpu.vector_store %arg20[%swap3A_704, %swap3A_705], %swap3A_708 {strides = array<i32>} : memref<8x128xf32, #tpu.memory_space<vmem>>, vector<1x16xf32>,
    %get3A_709 = arith.index_cast %add3A_653 : i32 to index
    %get3A_710 = arith.constant 80 : index
    %get3A_711 = tpu.vector_load %arg20[%get3A_709, %get3A_710] {strides = array<i32>} : memref<8x128xf32, #tpu.memory_space<vmem>>, vector<1x16xf32>,
    %get3A_712 = vector.shape_cast %get3A_711 : vector<1x16xf32> to vector<16xf32>
    %mul3A_713 = vector.broadcast %squeeze3A_649 : f32 to vector<16xf32>
    %mul3A_714 = arith.mulf %get3A_712, %mul3A_713 : vector<16xf32>
    %swap3A_715 = arith.index_cast %add3A_653 : i32 to index
    %swap3A_716 = arith.constant 80 : index
    %swap3A_717 = tpu.vector_load %arg20[%swap3A_715, %swap3A_716] {strides = array<i32>} : memref<8x128xf32, #tpu.memory_space<vmem>>, vector<1x16xf32>,
    %swap3A_718 = vector.shape_cast %swap3A_717 : vector<1x16xf32> to vector<16xf32>
    %swap3A_719 = vector.shape_cast %mul3A_714 : vector<16xf32> to vector<1x16xf32>
    tpu.vector_store %arg20[%swap3A_715, %swap3A_716], %swap3A_719 {strides = array<i32>} : memref<8x128xf32, #tpu.memory_space<vmem>>, vector<1x16xf32>,
    %get3A_720 = arith.index_cast %add3A_653 : i32 to index
    %get3A_721 = arith.constant 96 : index
    %get3A_722 = tpu.vector_load %arg20[%get3A_720, %get3A_721] {strides = array<i32>} : memref<8x128xf32, #tpu.memory_space<vmem>>, vector<1x16xf32>,
    %get3A_723 = vector.shape_cast %get3A_722 : vector<1x16xf32> to vector<16xf32>
    %mul3A_724 = vector.broadcast %squeeze3A_649 : f32 to vector<16xf32>
    %mul3A_725 = arith.mulf %get3A_723, %mul3A_724 : vector<16xf32>
    %swap3A_726 = arith.index_cast %add3A_653 : i32 to index
    %swap3A_727 = arith.constant 96 : index
    %swap3A_728 = tpu.vector_load %arg20[%swap3A_726, %swap3A_727] {strides = array<i32>} : memref<8x128xf32, #tpu.memory_space<vmem>>, vector<1x16xf32>,
    %swap3A_729 = vector.shape_cast %swap3A_728 : vector<1x16xf32> to vector<16xf32>
    %swap3A_730 = vector.shape_cast %mul3A_725 : vector<16xf32> to vector<1x16xf32>
    tpu.vector_store %arg20[%swap3A_726, %swap3A_727], %swap3A_730 {strides = array<i32>} : memref<8x128xf32, #tpu.memory_space<vmem>>, vector<1x16xf32>,
    %get3A_731 = arith.index_cast %add3A_653 : i32 to index
    %get3A_732 = arith.constant 112 : index
    %get3A_733 = tpu.vector_load %arg20[%get3A_731, %get3A_732] {strides = array<i32>} : memref<8x128xf32, #tpu.memory_space<vmem>>, vector<1x16xf32>,
    %get3A_734 = vector.shape_cast %get3A_733 : vector<1x16xf32> to vector<16xf32>
    %mul3A_735 = vector.broadcast %squeeze3A_649 : f32 to vector<16xf32>
    %mul3A_736 = arith.mulf %get3A_734, %mul3A_735 : vector<16xf32>
    %swap3A_737 = arith.index_cast %add3A_653 : i32 to index
    %swap3A_738 = arith.constant 112 : index
    %swap3A_739 = tpu.vector_load %arg20[%swap3A_737, %swap3A_738] {strides = array<i32>} : memref<8x128xf32, #tpu.memory_space<vmem>>, vector<1x16xf32>,
    %swap3A_740 = vector.shape_cast %swap3A_739 : vector<1x16xf32> to vector<16xf32>
    %swap3A_741 = vector.shape_cast %mul3A_736 : vector<16xf32> to vector<1x16xf32>
    tpu.vector_store %arg20[%swap3A_737, %swap3A_738], %swap3A_741 {strides = array<i32>} : memref<8x128xf32, #tpu.memory_space<vmem>>, vector<1x16xf32>,
    %slice3A_742 = vector.extract_strided_slice %get3A_85 {offsets = [7], sizes = [1], strides = [1]} : vector<16xf32> to vector<1xf32>
    %squeeze3A_743 = vector.extract %slice3A_742[0] : f32 from vector<1xf32>
    %mul3A_744 = arith.constant 16 : i32
    %mul3A_745 = arith.muli %scan3A_78, %mul3A_744 : i32
    %add3A_746 = arith.constant 7 : i32
    %add3A_747 = arith.addi %mul3A_745, %add3A_746 : i32
    %get3A_748 = arith.index_cast %add3A_747 : i32 to index
    %get3A_749 = arith.constant 0 : index
    %get3A_750 = tpu.vector_load %arg20[%get3A_748, %get3A_749] {strides = array<i32>} : memref<8x128xf32, #tpu.memory_space<vmem>>, vector<1x16xf32>,
    %get3A_751 = vector.shape_cast %get3A_750 : vector<1x16xf32> to vector<16xf32>
    %mul3A_752 = vector.broadcast %squeeze3A_743 : f32 to vector<16xf32>
    %mul3A_753 = arith.mulf %get3A_751, %mul3A_752 : vector<16xf32>
    %swap3A_754 = arith.index_cast %add3A_747 : i32 to index
    %swap3A_755 = arith.constant 0 : index
    %swap3A_756 = tpu.vector_load %arg20[%swap3A_754, %swap3A_755] {strides = array<i32>} : memref<8x128xf32, #tpu.memory_space<vmem>>, vector<1x16xf32>,
    %swap3A_757 = vector.shape_cast %swap3A_756 : vector<1x16xf32> to vector<16xf32>
    %swap3A_758 = vector.shape_cast %mul3A_753 : vector<16xf32> to vector<1x16xf32>
    tpu.vector_store %arg20[%swap3A_754, %swap3A_755], %swap3A_758 {strides = array<i32>} : memref<8x128xf32, #tpu.memory_space<vmem>>, vector<1x16xf32>,
    %get3A_759 = arith.index_cast %add3A_747 : i32 to index
    %get3A_760 = arith.constant 16 : index
    %get3A_761 = tpu.vector_load %arg20[%get3A_759, %get3A_760] {strides = array<i32>} : memref<8x128xf32, #tpu.memory_space<vmem>>, vector<1x16xf32>,
    %get3A_762 = vector.shape_cast %get3A_761 : vector<1x16xf32> to vector<16xf32>
    %mul3A_763 = vector.broadcast %squeeze3A_743 : f32 to vector<16xf32>
    %mul3A_764 = arith.mulf %get3A_762, %mul3A_763 : vector<16xf32>
    %swap3A_765 = arith.index_cast %add3A_747 : i32 to index
    %swap3A_766 = arith.constant 16 : index
    %swap3A_767 = tpu.vector_load %arg20[%swap3A_765, %swap3A_766] {strides = array<i32>} : memref<8x128xf32, #tpu.memory_space<vmem>>, vector<1x16xf32>,
    %swap3A_768 = vector.shape_cast %swap3A_767 : vector<1x16xf32> to vector<16xf32>
    %swap3A_769 = vector.shape_cast %mul3A_764 : vector<16xf32> to vector<1x16xf32>
    tpu.vector_store %arg20[%swap3A_765, %swap3A_766], %swap3A_769 {strides = array<i32>} : memref<8x128xf32, #tpu.memory_space<vmem>>, vector<1x16xf32>,
    %get3A_770 = arith.index_cast %add3A_747 : i32 to index
    %get3A_771 = arith.constant 32 : index
    %get3A_772 = tpu.vector_load %arg20[%get3A_770, %get3A_771] {strides = array<i32>} : memref<8x128xf32, #tpu.memory_space<vmem>>, vector<1x16xf32>,
    %get3A_773 = vector.shape_cast %get3A_772 : vector<1x16xf32> to vector<16xf32>
    %mul3A_774 = vector.broadcast %squeeze3A_743 : f32 to vector<16xf32>
    %mul3A_775 = arith.mulf %get3A_773, %mul3A_774 : vector<16xf32>
    %swap3A_776 = arith.index_cast %add3A_747 : i32 to index
    %swap3A_777 = arith.constant 32 : index
    %swap3A_778 = tpu.vector_load %arg20[%swap3A_776, %swap3A_777] {strides = array<i32>} : memref<8x128xf32, #tpu.memory_space<vmem>>, vector<1x16xf32>,
    %swap3A_779 = vector.shape_cast %swap3A_778 : vector<1x16xf32> to vector<16xf32>
    %swap3A_780 = vector.shape_cast %mul3A_775 : vector<16xf32> to vector<1x16xf32>
    tpu.vector_store %arg20[%swap3A_776, %swap3A_777], %swap3A_780 {strides = array<i32>} : memref<8x128xf32, #tpu.memory_space<vmem>>, vector<1x16xf32>,
    %get3A_781 = arith.index_cast %add3A_747 : i32 to index
    %get3A_782 = arith.constant 48 : index
    %get3A_783 = tpu.vector_load %arg20[%get3A_781, %get3A_782] {strides = array<i32>} : memref<8x128xf32, #tpu.memory_space<vmem>>, vector<1x16xf32>,
    %get3A_784 = vector.shape_cast %get3A_783 : vector<1x16xf32> to vector<16xf32>
    %mul3A_785 = vector.broadcast %squeeze3A_743 : f32 to vector<16xf32>
    %mul3A_786 = arith.mulf %get3A_784, %mul3A_785 : vector<16xf32>
    %swap3A_787 = arith.index_cast %add3A_747 : i32 to index
    %swap3A_788 = arith.constant 48 : index
    %swap3A_789 = tpu.vector_load %arg20[%swap3A_787, %swap3A_788] {strides = array<i32>} : memref<8x128xf32, #tpu.memory_space<vmem>>, vector<1x16xf32>,
    %swap3A_790 = vector.shape_cast %swap3A_789 : vector<1x16xf32> to vector<16xf32>
    %swap3A_791 = vector.shape_cast %mul3A_786 : vector<16xf32> to vector<1x16xf32>
    tpu.vector_store %arg20[%swap3A_787, %swap3A_788], %swap3A_791 {strides = array<i32>} : memref<8x128xf32, #tpu.memory_space<vmem>>, vector<1x16xf32>,
    %get3A_792 = arith.index_cast %add3A_747 : i32 to index
    %get3A_793 = arith.constant 64 : index
    %get3A_794 = tpu.vector_load %arg20[%get3A_792, %get3A_793] {strides = array<i32>} : memref<8x128xf32, #tpu.memory_space<vmem>>, vector<1x16xf32>,
    %get3A_795 = vector.shape_cast %get3A_794 : vector<1x16xf32> to vector<16xf32>
    %mul3A_796 = vector.broadcast %squeeze3A_743 : f32 to vector<16xf32>
    %mul3A_797 = arith.mulf %get3A_795, %mul3A_796 : vector<16xf32>
    %swap3A_798 = arith.index_cast %add3A_747 : i32 to index
    %swap3A_799 = arith.constant 64 : index
    %swap3A_800 = tpu.vector_load %arg20[%swap3A_798, %swap3A_799] {strides = array<i32>} : memref<8x128xf32, #tpu.memory_space<vmem>>, vector<1x16xf32>,
    %swap3A_801 = vector.shape_cast %swap3A_800 : vector<1x16xf32> to vector<16xf32>
    %swap3A_802 = vector.shape_cast %mul3A_797 : vector<16xf32> to vector<1x16xf32>
    tpu.vector_store %arg20[%swap3A_798, %swap3A_799], %swap3A_802 {strides = array<i32>} : memref<8x128xf32, #tpu.memory_space<vmem>>, vector<1x16xf32>,
    %get3A_803 = arith.index_cast %add3A_747 : i32 to index
    %get3A_804 = arith.constant 80 : index
    %get3A_805 = tpu.vector_load %arg20[%get3A_803, %get3A_804] {strides = array<i32>} : memref<8x128xf32, #tpu.memory_space<vmem>>, vector<1x16xf32>,
    %get3A_806 = vector.shape_cast %get3A_805 : vector<1x16xf32> to vector<16xf32>
    %mul3A_807 = vector.broadcast %squeeze3A_743 : f32 to vector<16xf32>
    %mul3A_808 = arith.mulf %get3A_806, %mul3A_807 : vector<16xf32>
    %swap3A_809 = arith.index_cast %add3A_747 : i32 to index
    %swap3A_810 = arith.constant 80 : index
    %swap3A_811 = tpu.vector_load %arg20[%swap3A_809, %swap3A_810] {strides = array<i32>} : memref<8x128xf32, #tpu.memory_space<vmem>>, vector<1x16xf32>,
    %swap3A_812 = vector.shape_cast %swap3A_811 : vector<1x16xf32> to vector<16xf32>
    %swap3A_813 = vector.shape_cast %mul3A_808 : vector<16xf32> to vector<1x16xf32>
    tpu.vector_store %arg20[%swap3A_809, %swap3A_810], %swap3A_813 {strides = array<i32>} : memref<8x128xf32, #tpu.memory_space<vmem>>, vector<1x16xf32>,
    %get3A_814 = arith.index_cast %add3A_747 : i32 to index
    %get3A_815 = arith.constant 96 : index
    %get3A_816 = tpu.vector_load %arg20[%get3A_814, %get3A_815] {strides = array<i32>} : memref<8x128xf32, #tpu.memory_space<vmem>>, vector<1x16xf32>,
    %get3A_817 = vector.shape_cast %get3A_816 : vector<1x16xf32> to vector<16xf32>
    %mul3A_818 = vector.broadcast %squeeze3A_743 : f32 to vector<16xf32>
    %mul3A_819 = arith.mulf %get3A_817, %mul3A_818 : vector<16xf32>
    %swap3A_820 = arith.index_cast %add3A_747 : i32 to index
    %swap3A_821 = arith.constant 96 : index
    %swap3A_822 = tpu.vector_load %arg20[%swap3A_820, %swap3A_821] {strides = array<i32>} : memref<8x128xf32, #tpu.memory_space<vmem>>, vector<1x16xf32>,
    %swap3A_823 = vector.shape_cast %swap3A_822 : vector<1x16xf32> to vector<16xf32>
    %swap3A_824 = vector.shape_cast %mul3A_819 : vector<16xf32> to vector<1x16xf32>
    tpu.vector_store %arg20[%swap3A_820, %swap3A_821], %swap3A_824 {strides = array<i32>} : memref<8x128xf32, #tpu.memory_space<vmem>>, vector<1x16xf32>,
    %get3A_825 = arith.index_cast %add3A_747 : i32 to index
    %get3A_826 = arith.constant 112 : index
    %get3A_827 = tpu.vector_load %arg20[%get3A_825, %get3A_826] {strides = array<i32>} : memref<8x128xf32, #tpu.memory_space<vmem>>, vector<1x16xf32>,
    %get3A_828 = vector.shape_cast %get3A_827 : vector<1x16xf32> to vector<16xf32>
    %mul3A_829 = vector.broadcast %squeeze3A_743 : f32 to vector<16xf32>
    %mul3A_830 = arith.mulf %get3A_828, %mul3A_829 : vector<16xf32>
    %swap3A_831 = arith.index_cast %add3A_747 : i32 to index
    %swap3A_832 = arith.constant 112 : index
    %swap3A_833 = tpu.vector_load %arg20[%swap3A_831, %swap3A_832] {strides = array<i32>} : memref<8x128xf32, #tpu.memory_space<vmem>>, vector<1x16xf32>,
    %swap3A_834 = vector.shape_cast %swap3A_833 : vector<1x16xf32> to vector<16xf32>
    %swap3A_835 = vector.shape_cast %mul3A_830 : vector<16xf32> to vector<1x16xf32>
    tpu.vector_store %arg20[%swap3A_831, %swap3A_832], %swap3A_835 {strides = array<i32>} : memref<8x128xf32, #tpu.memory_space<vmem>>, vector<1x16xf32>,
    %scan3A_836 = arith.constant 0 : i32
    %scan3A_837 = arith.constant 1 : i32
    "tpu.region"() ({
      %run_scoped3A = tpu.sem_alloc : memref<!tpu.dma_semaphore, #tpu.memory_space<semaphore_mem>>
      %dma_start3A_874 = arith.constant 0 : i32
      %dma_start3A_875 = arith.constant 0 : i32
      %dma_start3A_876 = tpu.memref_slice %arg21[%dma_start3A_874, %dma_start3A_875] : memref<10000x128xf32, #tpu.memory_space<vmem_shared>> -> memref<10000x128xf32, #tpu.memory_space<vmem_shared>>
      tpu.enqueue_indirect_dma source(%arg20 : memref<8x128xf32, #tpu.memory_space<vmem>>) target(%dma_start3A_876 : memref<10000x128xf32, #tpu.memory_space<vmem_shared>>) offsets(%arg18 : memref<8xi32, #tpu.memory_space<vmem>>) semaphore(%run_scoped3A : memref<!tpu.dma_semaphore, #tpu.memory_space<semaphore_mem>>) {add = true}
      %dma_wait3A_877 = arith.constant 0 : i32
      %dma_wait3A_878 = arith.constant 0 : i32
      %dma_wait3A_879 = tpu.memref_slice %arg21[%dma_wait3A_877, %dma_wait3A_878] : memref<10000x128xf32, #tpu.memory_space<vmem_shared>> -> memref<10000x128xf32, #tpu.memory_space<vmem_shared>>
      tpu.wait_indirect_dma semaphore(%run_scoped3A : memref<!tpu.dma_semaphore, #tpu.memory_space<semaphore_mem>>) src(%arg20 : memref<8x128xf32, #tpu.memory_space<vmem>>) dst(%dma_wait3A_879 : memref<10000x128xf32, #tpu.memory_space<vmem_shared>>)
      tpu.yield
    }) : () -> ()
    %barrier3A_838 = arith.constant 0 : index
    tpu.barrier barrier_id(%barrier3A_838)
    %add3A_839 = arith.constant 0 : i32
    %add3A_840 = arith.addi %mul3A_2, %add3A_839 : i32
    %mul3A_841 = arith.constant 10000 : i32
    %mul3A_842 = arith.muli %arg0, %mul3A_841 : i32
    %add3A_843 = arith.addi %mul3A_842, %mul3A_2 : i32
    %add3A_844 = arith.constant 0 : i32
    %add3A_845 = arith.addi %add3A_843, %add3A_844 : i32
    "tpu.region"() ({
      %run_scoped3A = tpu.sem_alloc : memref<!tpu.dma_semaphore, #tpu.memory_space<semaphore_mem>>
      %dma_start3A_874 = arith.constant 0 : i32
      %dma_start3A_875 = tpu.memref_slice %arg7[%add3A_845, %dma_start3A_874] : memref<20000x128xf32, #tpu.memory_space<hbm>> -> memref<128x128xf32, #tpu.memory_space<hbm>>
      %dma_start3A_876 = arith.constant 0 : i32
      %dma_start3A_877 = tpu.memref_slice %arg21[%add3A_840, %dma_start3A_876] : memref<10000x128xf32, #tpu.memory_space<vmem_shared>> -> memref<128x128xf32, #tpu.memory_space<vmem_shared>>
      tpu.enqueue_dma source(%dma_start3A_877 : memref<128x128xf32, #tpu.memory_space<vmem_shared>>) target(%dma_start3A_875 : memref<128x128xf32, #tpu.memory_space<hbm>>) target_semaphore(%run_scoped3A : memref<!tpu.dma_semaphore, #tpu.memory_space<semaphore_mem>>)
      %dma_wait3A_878 = arith.constant 0 : i32
      %dma_wait3A_879 = tpu.memref_slice %arg7[%add3A_845, %dma_wait3A_878] : memref<20000x128xf32, #tpu.memory_space<hbm>> -> memref<128x128xf32, #tpu.memory_space<hbm>>
      %dma_wait3A_880 = arith.constant 0 : i32
      %dma_wait3A_881 = tpu.memref_slice %arg21[%add3A_840, %dma_wait3A_880] : memref<10000x128xf32, #tpu.memory_space<vmem_shared>> -> memref<128x128xf32, #tpu.memory_space<vmem_shared>>
      tpu.wait_dma2 semaphore(%run_scoped3A : memref<!tpu.dma_semaphore, #tpu.memory_space<semaphore_mem>>) src(%dma_wait3A_881 : memref<128x128xf32, #tpu.memory_space<vmem_shared>>) dst(%dma_wait3A_879 : memref<128x128xf32, #tpu.memory_space<hbm>>)
      tpu.yield
    }) : () -> ()
    %add3A_846 = arith.constant 128 : i32
    %add3A_847 = arith.addi %mul3A_2, %add3A_846 : i32
    %mul3A_848 = arith.constant 10000 : i32
    %mul3A_849 = arith.muli %arg0, %mul3A_848 : i32
    %add3A_850 = arith.addi %mul3A_849, %mul3A_2 : i32
    %add3A_851 = arith.constant 128 : i32
    %add3A_852 = arith.addi %add3A_850, %add3A_851 : i32
    "tpu.region"() ({
      %run_scoped3A = tpu.sem_alloc : memref<!tpu.dma_semaphore, #tpu.memory_space<semaphore_mem>>
      %dma_start3A_874 = arith.constant 0 : i32
      %dma_start3A_875 = tpu.memref_slice %arg7[%add3A_852, %dma_start3A_874] : memref<20000x128xf32, #tpu.memory_space<hbm>> -> memref<128x128xf32, #tpu.memory_space<hbm>>
      %dma_start3A_876 = arith.constant 0 : i32
      %dma_start3A_877 = tpu.memref_slice %arg21[%add3A_847, %dma_start3A_876] : memref<10000x128xf32, #tpu.memory_space<vmem_shared>> -> memref<128x128xf32, #tpu.memory_space<vmem_shared>>
      tpu.enqueue_dma source(%dma_start3A_877 : memref<128x128xf32, #tpu.memory_space<vmem_shared>>) target(%dma_start3A_875 : memref<128x128xf32, #tpu.memory_space<hbm>>) target_semaphore(%run_scoped3A : memref<!tpu.dma_semaphore, #tpu.memory_space<semaphore_mem>>)
      %dma_wait3A_878 = arith.constant 0 : i32
      %dma_wait3A_879 = tpu.memref_slice %arg7[%add3A_852, %dma_wait3A_878] : memref<20000x128xf32, #tpu.memory_space<hbm>> -> memref<128x128xf32, #tpu.memory_space<hbm>>
      %dma_wait3A_880 = arith.constant 0 : i32
      %dma_wait3A_881 = tpu.memref_slice %arg21[%add3A_847, %dma_wait3A_880] : memref<10000x128xf32, #tpu.memory_space<vmem_shared>> -> memref<128x128xf32, #tpu.memory_space<vmem_shared>>
      tpu.wait_dma2 semaphore(%run_scoped3A : memref<!tpu.dma_semaphore, #tpu.memory_space<semaphore_mem>>) src(%dma_wait3A_881 : memref<128x128xf32, #tpu.memory_space<vmem_shared>>) dst(%dma_wait3A_879 : memref<128x128xf32, #tpu.memory_space<hbm>>)
      tpu.yield
    }) : () -> ()
    %add3A_853 = arith.constant 256 : i32
    %add3A_854 = arith.addi %mul3A_2, %add3A_853 : i32
    %mul3A_855 = arith.constant 10000 : i32
    %mul3A_856 = arith.muli %arg0, %mul3A_855 : i32
    %add3A_857 = arith.addi %mul3A_856, %mul3A_2 : i32
    %add3A_858 = arith.constant 256 : i32
    %add3A_859 = arith.addi %add3A_857, %add3A_858 : i32
    "tpu.region"() ({
      %run_scoped3A = tpu.sem_alloc : memref<!tpu.dma_semaphore, #tpu.memory_space<semaphore_mem>>
      %dma_start3A_874 = arith.constant 0 : i32
      %dma_start3A_875 = tpu.memref_slice %arg7[%add3A_859, %dma_start3A_874] : memref<20000x128xf32, #tpu.memory_space<hbm>> -> memref<128x128xf32, #tpu.memory_space<hbm>>
      %dma_start3A_876 = arith.constant 0 : i32
      %dma_start3A_877 = tpu.memref_slice %arg21[%add3A_854, %dma_start3A_876] : memref<10000x128xf32, #tpu.memory_space<vmem_shared>> -> memref<128x128xf32, #tpu.memory_space<vmem_shared>>
      tpu.enqueue_dma source(%dma_start3A_877 : memref<128x128xf32, #tpu.memory_space<vmem_shared>>) target(%dma_start3A_875 : memref<128x128xf32, #tpu.memory_space<hbm>>) target_semaphore(%run_scoped3A : memref<!tpu.dma_semaphore, #tpu.memory_space<semaphore_mem>>)
      %dma_wait3A_878 = arith.constant 0 : i32
      %dma_wait3A_879 = tpu.memref_slice %arg7[%add3A_859, %dma_wait3A_878] : memref<20000x128xf32, #tpu.memory_space<hbm>> -> memref<128x128xf32, #tpu.memory_space<hbm>>
      %dma_wait3A_880 = arith.constant 0 : i32
      %dma_wait3A_881 = tpu.memref_slice %arg21[%add3A_854, %dma_wait3A_880] : memref<10000x128xf32, #tpu.memory_space<vmem_shared>> -> memref<128x128xf32, #tpu.memory_space<vmem_shared>>
      tpu.wait_dma2 semaphore(%run_scoped3A : memref<!tpu.dma_semaphore, #tpu.memory_space<semaphore_mem>>) src(%dma_wait3A_881 : memref<128x128xf32, #tpu.memory_space<vmem_shared>>) dst(%dma_wait3A_879 : memref<128x128xf32, #tpu.memory_space<hbm>>)
      tpu.yield
    }) : () -> ()
    %add3A_860 = arith.constant 384 : i32
    %add3A_861 = arith.addi %mul3A_2, %add3A_860 : i32
    %mul3A_862 = arith.constant 10000 : i32
    %mul3A_863 = arith.muli %arg0, %mul3A_862 : i32
    %add3A_864 = arith.addi %mul3A_863, %mul3A_2 : i32
    %add3A_865 = arith.constant 384 : i32
    %add3A_866 = arith.addi %add3A_864, %add3A_865 : i32
    "tpu.region"() ({
      %run_scoped3A = tpu.sem_alloc : memref<!tpu.dma_semaphore, #tpu.memory_space<semaphore_mem>>
      %dma_start3A_874 = arith.constant 0 : i32
      %dma_start3A_875 = tpu.memref_slice %arg7[%add3A_866, %dma_start3A_874] : memref<20000x128xf32, #tpu.memory_space<hbm>> -> memref<128x128xf32, #tpu.memory_space<hbm>>
      %dma_start3A_876 = arith.constant 0 : i32
      %dma_start3A_877 = tpu.memref_slice %arg21[%add3A_861, %dma_start3A_876] : memref<10000x128xf32, #tpu.memory_space<vmem_shared>> -> memref<128x128xf32, #tpu.memory_space<vmem_shared>>
      tpu.enqueue_dma source(%dma_start3A_877 : memref<128x128xf32, #tpu.memory_space<vmem_shared>>) target(%dma_start3A_875 : memref<128x128xf32, #tpu.memory_space<hbm>>) target_semaphore(%run_scoped3A : memref<!tpu.dma_semaphore, #tpu.memory_space<semaphore_mem>>)
      %dma_wait3A_878 = arith.constant 0 : i32
      %dma_wait3A_879 = tpu.memref_slice %arg7[%add3A_866, %dma_wait3A_878] : memref<20000x128xf32, #tpu.memory_space<hbm>> -> memref<128x128xf32, #tpu.memory_space<hbm>>
      %dma_wait3A_880 = arith.constant 0 : i32
      %dma_wait3A_881 = tpu.memref_slice %arg21[%add3A_861, %dma_wait3A_880] : memref<10000x128xf32, #tpu.memory_space<vmem_shared>> -> memref<128x128xf32, #tpu.memory_space<vmem_shared>>
      tpu.wait_dma2 semaphore(%run_scoped3A : memref<!tpu.dma_semaphore, #tpu.memory_space<semaphore_mem>>) src(%dma_wait3A_881 : memref<128x128xf32, #tpu.memory_space<vmem_shared>>) dst(%dma_wait3A_879 : memref<128x128xf32, #tpu.memory_space<hbm>>)
      tpu.yield
    }) : () -> ()
    %add3A_867 = arith.constant 512 : i32
    %add3A_868 = arith.addi %mul3A_2, %add3A_867 : i32
    %mul3A_869 = arith.constant 10000 : i32
    %mul3A_870 = arith.muli %arg0, %mul3A_869 : i32
    %add3A_871 = arith.addi %mul3A_870, %mul3A_2 : i32
    %add3A_872 = arith.constant 512 : i32
    %add3A_873 = arith.addi %add3A_871, %add3A_872 : i32
    "tpu.region"() ({
      %run_scoped3A = tpu.sem_alloc : memref<!tpu.dma_semaphore, #tpu.memory_space<semaphore_mem>>
      %dma_start3A_874 = arith.constant 0 : i32
      %dma_start3A_875 = tpu.memref_slice %arg7[%add3A_873, %dma_start3A_874] : memref<20000x128xf32, #tpu.memory_space<hbm>> -> memref<128x128xf32, #tpu.memory_space<hbm>>
      %dma_start3A_876 = arith.constant 0 : i32
      %dma_start3A_877 = tpu.memref_slice %arg21[%add3A_868, %dma_start3A_876] : memref<10000x128xf32, #tpu.memory_space<vmem_shared>> -> memref<128x128xf32, #tpu.memory_space<vmem_shared>>
      tpu.enqueue_dma source(%dma_start3A_877 : memref<128x128xf32, #tpu.memory_space<vmem_shared>>) target(%dma_start3A_875 : memref<128x128xf32, #tpu.memory_space<hbm>>) target_semaphore(%run_scoped3A : memref<!tpu.dma_semaphore, #tpu.memory_space<semaphore_mem>>)
      %dma_wait3A_878 = arith.constant 0 : i32
      %dma_wait3A_879 = tpu.memref_slice %arg7[%add3A_873, %dma_wait3A_878] : memref<20000x128xf32, #tpu.memory_space<hbm>> -> memref<128x128xf32, #tpu.memory_space<hbm>>
      %dma_wait3A_880 = arith.constant 0 : i32
      %dma_wait3A_881 = tpu.memref_slice %arg21[%add3A_868, %dma_wait3A_880] : memref<10000x128xf32, #tpu.memory_space<vmem_shared>> -> memref<128x128xf32, #tpu.memory_space<vmem_shared>>
      tpu.wait_dma2 semaphore(%run_scoped3A : memref<!tpu.dma_semaphore, #tpu.memory_space<semaphore_mem>>) src(%dma_wait3A_881 : memref<128x128xf32, #tpu.memory_space<vmem_shared>>) dst(%dma_wait3A_879 : memref<128x128xf32, #tpu.memory_space<hbm>>)
      tpu.yield
    }) : () -> ()
    return
  }
}

module attributes {stable_mosaic.version = 14 : i64} {
  func.func @body(%arg0: i32, %arg1: memref<400x128xf32, #tpu.memory_space<vmem>>, %arg2: memref<10000x128xf32, #tpu.memory_space<vmem>>, %arg3: memref<400x10128xf32, #tpu.memory_space<vmem>>) attributes {dimension_semantics = [#tpu.dimension_semantics<arbitrary>], iteration_bounds = array<i64: 25>, scalar_prefetch = 0 : i64, scratch_operands = 0 : i64, tpu.core_type = #tpu.core_type<tc>, window_params = [{transform_indices = @transform_0, window_bounds = array<i64: 400, 128>}, {pipeline_mode = #tpu.pipeline_mode<synchronous>, transform_indices = @transform_1, window_bounds = array<i64: 10000, 128>}, {transform_indices = @transform_2, window_bounds = array<i64: 400, 10128>}]} {
    %get3A = arith.constant 0 : index
    %get3A_0 = arith.constant 0 : index
    %get3A_1 = vector.load %arg1[%get3A, %get3A_0] : memref<400x128xf32, #tpu.memory_space<vmem>>, vector<400x128xf32>
    %get3A_2 = arith.constant 0 : index
    %get3A_3 = arith.constant 0 : index
    %get3A_4 = vector.load %arg2[%get3A_2, %get3A_3] : memref<10000x128xf32, #tpu.memory_space<vmem>>, vector<10000x128xf32>
    %dot_general3A = arith.constant dense<0.000000e+00> : vector<400x10000xf32>
    %dot_general3A_5 = tpu.matmul %get3A_1, %get3A_4, %dot_general3A {dimension_numbers = #tpu.dot_dimension_numbers<[1], [1], [0], [0], [0, 0, 1, 0], [], []>, transpose_lhs_hint = false} : vector<400x128xf32>, vector<10000x128xf32>, vector<400x10000xf32> -> vector<400x10000xf32>
    %swap3A = arith.constant 0 : index
    %swap3A_6 = arith.constant 128 : index
    %swap3A_7 = vector.load %arg3[%swap3A, %swap3A_6] : memref<400x10128xf32, #tpu.memory_space<vmem>>, vector<400x10000xf32>
    tpu.vector_store %arg3[%swap3A, %swap3A_6], %dot_general3A_5 {strides = array<i32>} : memref<400x10128xf32, #tpu.memory_space<vmem>>, vector<400x10000xf32>,
    return
  }
  func.func @transform_0(%arg0: i32) -> (i32, i32) {
    %c0_i32 = arith.constant 0 : i32
    %c0_i32_0 = arith.constant 0 : i32
    return %arg0, %c0_i32 : i32, i32
  }
  func.func @transform_1(%arg0: i32) -> (i32, i32) {
    %c0_i32 = arith.constant 0 : i32
    %c0_i32_0 = arith.constant 0 : i32
    %c0_i32_1 = arith.constant 0 : i32
    return %c0_i32, %c0_i32_0 : i32, i32
  }
  func.func @transform_2(%arg0: i32) -> (i32, i32) {
    %c0_i32 = arith.constant 0 : i32
    %c0_i32_0 = arith.constant 0 : i32
    return %arg0, %c0_i32 : i32, i32
  }
}

module attributes {stable_mosaic.version = 14 : i64} {
  func.func @body(%arg0: i32, %arg1: memref<10000x10128xf32, #tpu.memory_space<any>>, %arg2: memref<10000x128xf32, #tpu.memory_space<vmem>>, %arg3: memref<10000x128xf32, #tpu.memory_space<vmem>>, %arg4: memref<10000x128xf32, #tpu.memory_space<vmem>>) attributes {dimension_semantics = [#tpu.dimension_semantics<arbitrary>], iteration_bounds = array<i64: 1>, scalar_prefetch = 0 : i64, scratch_operands = 0 : i64, tpu.core_type = #tpu.core_type<tc>, window_params = [{}, {transform_indices = @transform_1, window_bounds = array<i64: 10000, 128>}, {transform_indices = @transform_2, window_bounds = array<i64: 10000, 128>}, {transform_indices = @transform_3, window_bounds = array<i64: 10000, 128>}]} {
    %get3A = arith.constant 0 : index
    %get3A_0 = arith.constant 0 : index
    %get3A_1 = vector.load %arg2[%get3A, %get3A_0] : memref<10000x128xf32, #tpu.memory_space<vmem>>, vector<10000x128xf32>
    %get3A_2 = arith.constant 0 : index
    %get3A_3 = arith.constant 0 : index
    %get3A_4 = vector.load %arg3[%get3A_2, %get3A_3] : memref<10000x128xf32, #tpu.memory_space<vmem>>, vector<10000x128xf32>
    %add3A = arith.addf %get3A_1, %get3A_4 : vector<10000x128xf32>
    %swap3A = arith.constant 0 : index
    %swap3A_5 = arith.constant 0 : index
    %swap3A_6 = vector.load %arg4[%swap3A, %swap3A_5] : memref<10000x128xf32, #tpu.memory_space<vmem>>, vector<10000x128xf32>
    tpu.vector_store %arg4[%swap3A, %swap3A_5], %add3A {strides = array<i32>} : memref<10000x128xf32, #tpu.memory_space<vmem>>, vector<10000x128xf32>,
    return
  }
  func.func @transform_1(%arg0: i32) -> (i32, i32) {
    %c0_i32 = arith.constant 0 : i32
    %c0_i32_0 = arith.constant 0 : i32
    %c0_i32_1 = arith.constant 0 : i32
    return %c0_i32, %c0_i32_0 : i32, i32
  }
  func.func @transform_2(%arg0: i32) -> (i32, i32) {
    %c1_i32 = arith.constant 1 : i32
    %c0_i32 = arith.constant 0 : i32
    %c0_i32_0 = arith.constant 0 : i32
    return %c1_i32, %c0_i32 : i32, i32
  }
  func.func @transform_3(%arg0: i32) -> (i32, i32) {
    %c0_i32 = arith.constant 0 : i32
    %c0_i32_0 = arith.constant 0 : i32
    %c0_i32_1 = arith.constant 0 : i32
    return %c0_i32, %c0_i32_0 : i32, i32
  }
}

</mosaic_0001>

<sc_bundles>
// kernel: kernel.5.cloned.1.call-start
scs
__scs_entry_jumppad:
0x0: {  	(pc) =	sbr.rel $0x88, $3  }
0x1: {  	(tag) =	ssettag $0x0;
	lr =	simm.s32 $0x1  }
0x2: {  	[smem:$0x3F9E] =	sst lr;
	_ =	strace $0xD0000000  }
0x3: {  	_ = 	snop  }
0x4: {  	_ = 	snop  }
0x5: {  	_ = 	snop  }
0x6: {  	_ = 	snop  }
0x7: {  	_ = 	snop  }
__scs_overlays_trampoline_lowered:
0x8: {  	[smem:$0x3FAD] =	sst s0  }
0x9: {  	[smem:$0x3FAE] =	sst s1  }
0xa: {  	[smem:$0x3FAF] =	sst s2  }
0xb: {  	[smem:$0x3FB0] =	sst s3  }
0xc: {  	[smem:$0x3FB1] =	sst s4  }
0xd: {  	[smem:$0x3FB2] =	sst s5  }
0xe: {  	[smem:$0x3FB3] =	sst s6  }
0xf: {  	[smem:$0x3FB4] =	sst s7  }
0x10: {  	[smem:$0x3FB5] =	sst s8  }
0x11: {  	[smem:$0x3FB6] =	sst s9;
	s0 =	simm.s32 @!p0 $0x0  }
0x12: {  	s1 =	sld [smem:$0x3F9C];
	s0 =	simm.s32 @p0 $0x1  }
0x13: {  	[smem:$0x3FB7] =	sst s0;
	s0 =	simm.s32 @!p1 $0x0  }
0x14: {  	s2 =	sld [smem:$0x3F9B];
	s0 =	simm.s32 @p1 $0x1  }
0x15: {  	[smem:$0x3FB8] =	sst s0;
	s0 =	simm.s32 @!p2 $0x0  }
0x16: {  	s3 =	sld [smem:$0x3FDB];
	s0 =	simm.s32 @p2 $0x1  }
0x17: {  	s4 =	simm.s32 $0x1BF5;
	[smem:$0x3FBA] =	sst s0  }
0x18: {  	s0 =	sld [smem:$0x3F9D];
	_ =	swait.ge [sflag:s4], $0x0  }
0x19: {  	s7 =	sld [smem:$0x3F9E]  }
0x1a: {  	s8 =	sadd.s32 $0xFFFFE003, lr  }
0x1b: {  	s9 =	sadd.s32 $0xFFFFFEF7, lr;
	s5 =	simm.s32 $0xFFFFFFFF;
	p2 =	slt.u32 s8, $0xFFFFF086  }
0x1c: {  	p1 =	slt.u32 s9, $0xF7A;
	s5 =	simm.s32 @!p2 $0x0  }
0x1d: {  	s5 =	simm.s32 @p1 $0x1;
	p0 =	seq.s32 s7, s2  }
0x1e: {  	s7 =	smul.u32 @!p0 $0xF7A, s2;
	p2 =	seq.s32 @!p0 s5, $0x0  }
0x1f: {  	s9 =	smul.u32 $0xF7A, s1;
	s8 =	simm.s32 @!p0 $0x1BF5;
	p2 =	por !p2, p0  }
0x20: {  	[sflag:s8] =	ssyncset.s32 @!p0 $0xFFFFF086;
	s6 =	sadd.s32 @!p0 s3, s7;
	s7 =	simm.s32 @!p0 $0x108  }
0x21: {  	s3 =	sadd.s32 s3, s9;
	s6 =	sadd.s32 @!p0 $0x88, s6;
	s7 =	simm.s32 @p2 $0x1082  }
0x22: {  	[simem:s7], [sflag:s8] =	dma.local @!p0 [hbm:s6], $0xF7A  }
0x23: {  	s9 =	sor.u32 $0xD0000000, s2;
	s6 =	simm.s32 $0x108;
	_ =	swait.ge @!p0 [sflag:s8], $0x0  }
0x24: {  	s3 =	sadd.s32 $0x88, s3;
	s6 =	simm.s32 @!p1 $0x1082;
	[sflag:s4] =	ssyncset.s32 $0xFFFFF086  }
0x25: {  	[simem:s6], [sflag:s4] =	dma.local [hbm:s3], $0xF7A  }
0x26: {  	[smem:$0x3F9E] =	sst s1;
	(tag) =	ssettag s2;
	_ =	strace s9  }
0x27: {  	s1 =	sld [smem:$0x3FAE]  }
0x28: {  	s2 =	sld [smem:$0x3FAF]  }
0x29: {  	s4 =	sld [smem:$0x3FB1]  }
0x2a: {  	p0 =	seq.s32 s5, $0x0;
	s5 =	sld [smem:$0x3FB2]  }
0x2b: {  	s6 =	sld [smem:$0x3FB3]  }
0x2c: {  	s7 =	sld [smem:$0x3FB4]  }
0x2d: {  	s3 =	simm.s32 $0x108;
	s8 =	sld [smem:$0x3FB5]  }
0x2e: {  	s3 =	simm.s32 @!p0 $0x1082;
	s9 =	sld [smem:$0x3FB6]  }
0x2f: {  	lr =	sadd.s32 s0, s3;
	s0 =	sld [smem:$0x3FAD]  }
0x30: {  	s3 =	sld [smem:$0x3FB0]  }
0x31: {  	[smem:$0x3FB9] =	sst s10  }
0x32: {  	s10 =	sld [smem:$0x3FB7];
	_ =	sdelay $0x3  }
0x33: {  	p0 =	seq.s32 s10, $0x1;
	s10 =	sld [smem:$0x3FB9];
	_ =	sdelay $0x3  }
0x34: {  	[smem:$0x3FB9] =	sst s10  }
0x35: {  	s10 =	sld [smem:$0x3FB8];
	_ =	sdelay $0x3  }
0x36: {  	p1 =	seq.s32 s10, $0x1;
	s10 =	sld [smem:$0x3FB9];
	_ =	sdelay $0x3  }
0x37: {  	[smem:$0x3FB9] =	sst s10  }
0x38: {  	s10 =	sld [smem:$0x3FBA]  }
0x39: {  	_ = 	snop;
	(pc) =	sbr.ind lr, $3  }
0x3a: {  	_ = 	snop  }
0x3b: {  	_ = 	snop  }
0x3c: {  	p2 =	seq.s32 s10, $0x1;
	s10 =	sld [smem:$0x3FB9]  }
0x3d: {  	_ =	shalt  }
0x3e: {  	_ =	shalt  }
0x3f: {  	_ =	shalt  }
0x40: {  	_ =	shalt  }
0x41: {  	_ =	shalt  }
0x42: {  	_ =	shalt  }
0x43: {  	_ =	shalt  }
0x44: {  	_ =	shalt  }
0x45: {  	_ =	shalt  }
0x46: {  	_ =	shalt  }
0x47: {  	_ =	shalt  }
0x48: {  	_ =	shalt  }
0x49: {  	_ =	shalt  }
0x4a: {  	_ =	shalt  }
0x4b: {  	_ =	shalt  }
0x4c: {  	_ =	shalt  }
0x4d: {  	_ =	shalt  }
0x4e: {  	_ =	shalt  }
0x4f: {  	_ =	shalt  }
0x50: {  	_ =	shalt  }
0x51: {  	_ =	shalt  }
0x52: {  	_ =	shalt  }
0x53: {  	_ =	shalt  }
0x54: {  	_ =	shalt  }
0x55: {  	_ =	shalt  }
0x56: {  	_ =	shalt  }
0x57: {  	_ =	shalt  }
0x58: {  	_ =	shalt  }
0x59: {  	_ =	shalt  }
0x5a: {  	_ =	shalt  }
0x5b: {  	_ =	shalt  }
0x5c: {  	_ =	shalt  }
0x5d: {  	_ =	shalt  }
0x5e: {  	_ =	shalt  }
0x5f: {  	_ =	shalt  }
0x60: {  	_ =	shalt  }
0x61: {  	_ =	shalt  }
0x62: {  	_ =	shalt  }
0x63: {  	_ =	shalt  }
0x64: {  	_ =	shalt  }
0x65: {  	_ =	shalt  }
0x66: {  	_ =	shalt  }
0x67: {  	_ =	shalt  }
0x68: {  	_ =	shalt  }
0x69: {  	_ =	shalt  }
0x6a: {  	_ =	shalt  }
0x6b: {  	_ =	shalt  }
0x6c: {  	_ =	shalt  }
0x6d: {  	_ =	shalt  }
0x6e: {  	_ =	shalt  }
0x6f: {  	_ =	shalt  }
0x70: {  	_ =	shalt  }
0x71: {  	_ =	shalt  }
0x72: {  	_ =	shalt  }
0x73: {  	_ =	shalt  }
0x74: {  	_ =	shalt  }
0x75: {  	_ =	shalt  }
0x76: {  	_ =	shalt  }
0x77: {  	_ =	shalt  }
0x78: {  	_ =	shalt  }
0x79: {  	_ =	shalt  }
0x7a: {  	_ =	shalt  }
0x7b: {  	_ =	shalt  }
0x7c: {  	_ =	shalt  }
0x7d: {  	_ =	shalt  }
0x7e: {  	_ =	shalt  }
0x7f: {  	_ =	shalt  }
0x80: {  	_ =	shalt  }
0x81: {  	_ =	shalt  }
0x82: {  	_ =	shalt  }
0x83: {  	_ =	shalt  }
0x84: {  	_ =	shalt  }
0x85: {  	_ =	shalt  }
0x86: {  	_ =	shalt  }
0x87: {  	_ =	shalt  }
.Lfunc_end0:
.L_simem_size_0:
called_computation_lowered:
.L_overlay_start_0:
0x88: {  	s2 =	sld [smem:$0x3FD9]  }
0x89: {  	s3 =	sld [smem:$0x3FFE];
	_ =	sdelay $0x1  }
0x8a: {  	s1 =	srdreg.scid  }
0x8b: {  	s0 =	sand.u32 $0x1, s1  }
0x8c: {  	s16 =	sshll.u32 s0, $0xA;
	s2 =	sadd.s32 s3, s2  }
0x8d: {  	s2 =	sadd.s32 s2, s16  }
0x8e: {  	[smem:$0x3FC5] =	sst s2  }
0x8f: {  	_ = 	snop  }
0x90: {  	(tm) =	ssettm $0x1  }
0x91: {  	s17 =	sld [smem:$0x3FFB];
	_ =	sdelay $0x3  }
0x92: {  	_ =	strace s17  }
0x93: {  	s2 =	sld [smem:$0x3FFC];
	_ =	sdelay $0x3  }
0x94: {  	_ =	strace s2  }
0x95: {  	s2 =	sld [smem:$0x3FFD];
	_ =	sdelay $0x3  }
0x96: {  	_ =	strace s2  }
0x97: {  	_ =	strace $0x8FFFFFFF  }
0x98: {  	s18 =	sld [smem:$0x3FDB];
	_ =	sdelay $0x1  }
0x99: {  	s19 =	simm.s32 $_scs_section_size  }
0x9a: {  	s4 =	simm.s32 $_size__tile_overlayer_lowered;
	s5 =	simm.s32 $_tile_overlayer_lowered  }
0x9b: {  	s22 =	simm.s32 $0x1BFF;
	s21 =	sshll.u32 s5, $0x1;
	s2 =	sadd.s32 s19, s18  }
0x9c: {  	s6 =	simm.s32 $0x0;
	s20 =	sshll.u32 s4, $0x1;
	s4 =	sadd.s32 s21, s2  }
0x9d: {  	[timem:s6], [sflag:s22] =	dma.local [hbm:s4], s20  }
0x9e: {  	_ =	swait.ge [sflag:s22], s20  }
0x9f: {  	s3 =	ssub.s32 $0x0, s20;
	[sflag:s22] =	ssyncset.done $0x0  }
0xa0: {  	[sflag:s22] =	ssyncadd.s32 s3;
	_ =	sdelay $0x1  }
0xa1: {  	s23 =	simm.s32 $0x1B8B  }
0xa2: {  	_ =	swait.ge [sflag:s23], $0x1  }
0xa3: {  	[sflag:s23] =	ssyncset.done $0x0  }
0xa4: {  	s25 =	simm.s32 $0x1B8E;
	s24 =	sld [smem:$0x3FFE];
	[sflag:s23] =	ssyncadd.s32 $0xFFFFFFFF  }
0xa5: {  	s26 =	simm.s32 $execute0_lowered;
	[smem:$0x3FD2] =	sst s25  }
0xa6: {  	s4 =	sshll.u32 s26, $0x1;
	_ =	strace $0x80000046;
	[dreg:$0x1] =	wrdreg $0xFFFFFFFF  }
0xa7: {  	s28 =	simm.s32 $_size_execute0_lowered;
	s2 =	sadd.s32 s2, s4;
	[dreg:$0x0] =	wrdreg $0x0  }
0xa8: {  	s4 =	sshll.u32 s28, $0x1;
	[dreg:$0x2] =	wrdreg s2  }
0xa9: {  	[dreg:$0x3] =	wrdreg s4  }
0xaa: {  	[dreg:$0x4] =	wrdreg $0xC0  }
0xab: {  	_ =	task [dreg:s6], $0x5FFFF  }
0xac: {  	[dreg:$0x1] =	wrdreg $0xFFFFFFFF  }
0xad: {  	[dreg:$0x0] =	wrdreg $0x60  }
0xae: {  	[dreg:$0x2] =	wrdreg s24  }
0xaf: {  	[dreg:$0x3] =	wrdreg $0x82000  }
0xb0: {  	[dreg:$0x4] =	wrdreg $0x9  }
0xb1: {  	_ =	task.clear_ibuf [dreg:s6], $0x5FFFF;
	_ =	strace $0x90000046  }
0xb2: {  	s29 =	simm.s32 $0x9;
	_ =	strace $0x80000048  }
0xb3: {  	_ =	swait.ge [sflag:s29], $0x1  }
0xb4: {  	[sflag:s29] =	ssyncadd.s32 $0xFFFFFFFF  }
0xb5: {  	_ =	strace $0x90000048  }
0xb6: {  	_ =	sfence  }
0xb7: {  	s30 =	sld [smem:$0x0];
	_ =	sdelay $0x2  }
0xb8: {  	s31 =	sshll.u32 s1, $0xD;
	s1 =	sshrl.u32 s1, $0x2  }
0xb9: {  	s3 =	sand.u32 $0x4000, s31;
	s1 =	sadd.s32 s1, s30  }
0xba: {  	s0 =	sor.u32 s3, s0;
	s1 =	sshll.u32 s1, $0x11  }
0xbb: {  	s0 =	sor.u32 s1, s0  }
0xbc: {  	s0 =	sadd.s32 $0x8F2B, s0  }
0xbd: {  	[sflag:s0] =	ssyncadd.remote.s32 $0x1  }
0xbe: {  	_ =	sfence.sel $0xFFFF  }
0xbf: {  	[dreg:$0x0] =	wrdreg $0xFFFFFFFF;
	(pc) =	sbr.abs _section_cstart, $3  }
0xc0: {  	[dreg:$0x1] =	wrdreg $0xFFFFFFFF  }
0xc1: {  	_ =	task.clear_ibuf [dreg:s6], $0x2FFFF;
	_ =	strace $0x9FFFFFFF  }
0xc2: {  	(tm) =	ssettm $0x7FFFFFFF  }
0xc3: {  	_ =	shalt  }
tec
execute0_lowered:
.L_overlay_start_1:
0x0: {  	(tag) =	ssettag $0x1  }
0x1: {  	s0 =	rddreg [dreg:$0x0]  }
0x2: {  	s2 =	rddreg [dreg:$0x1];
	s3 =	simm.s32 $0x0  }
0x3: {  	s1 =	srdreg.scid;
	s12 =	stileid.u32;
	s28 =	simm.s32 $0x40  }
0x4: {  	s30 =	simm.s32 $0x3C80;
	s31 =	simm.s32 $0x3B00;
	s29 =	simm.s32 $0x3C00  }
0x5: {  	[smem:$0x7FF] =	sst s3;
	s1 =	sand.u32 $0x1, s1;
	s5 =	smul.u32 $0x270, s12  }
0x6: {  	s4 =	sadd.s32 $0xA200, s0;
	s8 =	sadd.s32 $0x5200, s0;
	s9 =	sadd.s32 $0x200, s0  }
0x7: {  	s10 =	sadd.s32 $0x31400, s0;
	s13 =	sshll.u32 s12, $0x1;
	s14 =	smul.u32 $0x4E000, s12  }
0x8: {  	s16 =	sshll.u32 s12, $0x6;
	_ =	strace $0x80000047;
	s6 =	smul.u32 $0x2710, s1  }
0x9: {  	s7 =	ssub.s32 $0x2, s1;
	s1 =	sor.u32 s1, s13;
	s13 =	sadd.s32 $0x36400, s0  }
0xa: {  	s11 =	sshrl.u32 s7, $0x1;
	s1 =	smul.u32 $0x1388, s1;
	[dreg:$0x3] =	wrdreg s13  }
0xb: {  	s5 =	sadd.s32 s5, s6;
	s15 =	ssub.s32 s7, s11;
	s6 =	sshrl.u32 s14, $0x2  }
0xc: {  	s7 =	sor.u32 $0x1C04, s16;
	s5 =	sshll.u32 s5, $0x4;
	s1 =	sshrl.u32 s1, $0x3  }
0xd: {  	s6 =	sadd.s32 s6, s2;
	s0 =	sadd.s32 s5, s0;
	s17 =	sadd.s32 s8, s1  }
0xe: {  	s18 =	sadd.s32 s9, s1;
	s19 =	sadd.s32 s10, s1;
	s1 =	sadd.s32 $0x270, s1  }
0xf: {  	s22 =	sadd.s32 $0x4000, s6;
	s24 =	sadd.s32 $0x8000, s6;
	[dreg:$0x4] =	wrdreg s17  }
0x10: {  	s25 =	sadd.s32 $0xC000, s6;
	s26 =	sadd.s32 $0x10000, s6;
	[dreg:$0x5] =	wrdreg s18  }
0x11: {  	s5 =	simm.s32 $0x3;
	[dreg:$0x6] =	wrdreg s19;
	s8 =	sadd.s32 s8, s1  }
0x12: {  	s20 =	sadd.s32 s9, s1;
	s1 =	sadd.s32 s10, s1;
	s21 =	sadd.s32 $0x38C00, s0  }
0x13: {  	s23 =	sadd.s32 $0x39400, s0;
	s16 =	sadd.s32 $0x39C00, s0;
	[dreg:$0x7] =	wrdreg s8  }
0x14: {  	s17 =	sadd.s32 $0x3A400, s0;
	s18 =	sadd.s32 $0x3AC00, s0;
	[dreg:$0x8] =	wrdreg s20  }
.Ltmp0:
0x15: {  	s19 =	smax.u32 s15, $0x1;
	[dreg:$0x9] =	wrdreg s1;
	(pc) =	sbr.rel .LBB2_1-.Ltmp0, $4  }
0x16: {  	s22 =	sshrl.u32 s22, $0x3;
	s0 =	simm.s32 $0x5C80;
	[dreg:$0xa] =	wrdreg s21  }
0x17: {  	s9 =	simm.s32 $0x0;
	[dreg:$0xb] =	wrdreg s23;
	s20 =	simm.s32 $0x4  }
0x18: {  	s23 =	sshrl.u32 s24, $0x3;
	s24 =	sshrl.u32 s25, $0x3;
	s25 =	sshrl.u32 s26, $0x3  }
0x19: {  	s1 =	simm.s32 $0x1;
	s21 =	simm.s32 $0x3B80;
	s26 =	simm.s32 $0x2  }
.LBB2_8:
0x1a: {  	s10 =	rddreg [dreg:$0x7];
	s11 =	simm.s32 $0x7C80  }
0x1b: {  	[tilespmem:s11], [sflag:$0x4] =	stream.linear.gather [hbm4b:s10+s3], $0x8, $0x38;
	[tilespmem:$0x1BA80] =	vst v63  }
0x1c: {  	_ =	swait.ge [sflag:s20], $0x8  }
0x1d: {  	[sflag:s20] =	ssyncset.done $0x0  }
0x1e: {  	s12 =	simm.s32 $0x7D00;
	s14 =	rddreg [dreg:$0x8];
	[sflag:s20] =	ssyncadd.s32 $0xFFFFFFF8  }
0x1f: {  	[tilespmem:s12], [sflag:$0x4] =	stream.linear.gather [hbm4b:s14+s3], $0x8, $0x38;
	[tilespmem:$0x1BA80] =	vst v63  }
0x20: {  	_ =	swait.ge [sflag:s20], $0x8  }
0x21: {  	[sflag:s20] =	ssyncset.done $0x0  }
0x22: {  	s13 =	simm.s32 $0x7D80;
	s15 =	rddreg [dreg:$0x9];
	[sflag:s20] =	ssyncadd.s32 $0xFFFFFFF8  }
0x23: {  	[tilespmem:s13], [sflag:$0x4] =	stream.linear.gather [hbm4b:s15+s3], $0x8, $0x38;
	[tilespmem:$0x1BA80] =	vst v63  }
0x24: {  	_ =	swait.ge [sflag:s20], $0x8  }
0x25: {  	[sflag:s20] =	ssyncset.done $0x0  }
0x26: {  	s14 =	simm.s32 $0x8;
	s15 =	simm.s32 $0x7E00;
	[sflag:s20] =	ssyncadd.s32 $0xFFFFFFF8  }
0x27: {  	[tilespmem:s15], [sflag:$0x3] =	stream.indirect.gather [hbm4b:s4+s14], $0x80, s11, s14, $0xb8;
	[tilespmem:$0x1BA80] =	vst v63  }
0x28: {  	_ =	swait.ge [sflag:s5], $0x400  }
0x29: {  	[sflag:s5] =	ssyncset.done $0x0  }
0x2a: {  	[sflag:s5] =	ssyncadd.s32 $0xFFFFFC00  }
0x2b: {  	v0 =	vld [tilespmem:$0x7D80];
	_ =	sdelay $0x1  }
0x2c: {  	v1 =	vld [tilespmem:$0x7E00]  }
0x2d: {  	v2 =	vld [tilespmem:$0x7E10]  }
0x2e: {  	v3 =	vld [tilespmem:$0x7E20]  }
0x2f: {  	v5 =	vld [tilespmem:$0x7E30];
	v4 =	vbroadcast v0, $0x0  }
0x30: {  	v6 =	vld [tilespmem:$0x7E40]  }
0x31: {  	v7 =	vld [tilespmem:$0x7E50];
	v1 =	vmul.f32 v4, v1  }
0x32: {  	v8 =	vld [tilespmem:$0x7E60];
	v2 =	vmul.f32 v2, v4  }
0x33: {  	v47 =	vld [tilespmem:$0x7E70];
	v46 =	vmul.f32 v3, v4;
	[tilespmem:$0x7E00] =	vst v1  }
0x34: {  	v49 =	vld [tilespmem:$0x7E80];
	v48 =	vmul.f32 v5, v4;
	[tilespmem:$0x7E10] =	vst v2  }
0x35: {  	v51 =	vld [tilespmem:$0x7E90];
	v50 =	vmul.f32 v6, v4;
	[tilespmem:$0x7E20] =	vst v46  }
0x36: {  	v53 =	vld [tilespmem:$0x7EA0];
	v52 =	vmul.f32 v7, v4;
	[tilespmem:$0x7E30] =	vst v48  }
0x37: {  	v9 =	vld [tilespmem:$0x7EB0];
	v55 =	vbroadcast v0, $0x1;
	v54 =	vmul.f32 v8, v4;
	[tilespmem:$0x7E40] =	vst v50  }
0x38: {  	v57 =	vld [tilespmem:$0x7EC0];
	v56 =	vmul.f32 v47, v4;
	[tilespmem:$0x7E50] =	vst v52  }
0x39: {  	v59 =	vld [tilespmem:$0x7ED0];
	v58 =	vmul.f32 v49, v55;
	[tilespmem:$0x7E60] =	vst v54  }
0x3a: {  	v61 =	vld [tilespmem:$0x7EE0];
	v60 =	vmul.f32 v51, v55;
	[tilespmem:$0x7E70] =	vst v56  }
0x3b: {  	v63 =	vld [tilespmem:$0x7EF0];
	v62 =	vmul.f32 v53, v55;
	[tilespmem:$0x7E80] =	vst v58  }
0x3c: {  	v12 =	vld [tilespmem:$0x7F00];
	v11 =	vmul.f32 v9, v55;
	[tilespmem:$0x7E90] =	vst v60  }
0x3d: {  	v14 =	vld [tilespmem:$0x7F10];
	v13 =	vmul.f32 v57, v55;
	[tilespmem:$0x7EA0] =	vst v62  }
0x3e: {  	v16 =	vld [tilespmem:$0x7F20];
	v15 =	vmul.f32 v59, v55;
	[tilespmem:$0x7EB0] =	vst v11  }
0x3f: {  	v19 =	vld [tilespmem:$0x7F30];
	v18 =	vbroadcast v0, $0x2;
	v17 =	vmul.f32 v61, v55;
	[tilespmem:$0x7EC0] =	vst v13  }
0x40: {  	v21 =	vld [tilespmem:$0x7F40];
	v20 =	vmul.f32 v63, v55;
	[tilespmem:$0x7ED0] =	vst v15  }
0x41: {  	v23 =	vld [tilespmem:$0x7F50];
	v22 =	vmul.f32 v12, v18;
	[tilespmem:$0x7EE0] =	vst v17  }
0x42: {  	v25 =	vld [tilespmem:$0x7F60];
	v24 =	vmul.f32 v14, v18;
	[tilespmem:$0x7EF0] =	vst v20  }
0x43: {  	v27 =	vld [tilespmem:$0x7F70];
	v26 =	vmul.f32 v16, v18;
	[tilespmem:$0x7F00] =	vst v22  }
0x44: {  	v29 =	vld [tilespmem:$0x7F80];
	v28 =	vmul.f32 v19, v18;
	[tilespmem:$0x7F10] =	vst v24  }
0x45: {  	v31 =	vld [tilespmem:$0x7F90];
	v30 =	vmul.f32 v21, v18;
	[tilespmem:$0x7F20] =	vst v26  }
0x46: {  	v33 =	vld [tilespmem:$0x7FA0];
	v32 =	vmul.f32 v23, v18;
	[tilespmem:$0x7F30] =	vst v28  }
0x47: {  	v36 =	vld [tilespmem:$0x7FB0];
	v35 =	vbroadcast v0, $0x3;
	v34 =	vmul.f32 v25, v18;
	[tilespmem:$0x7F40] =	vst v30  }
0x48: {  	v38 =	vld [tilespmem:$0x7FC0];
	v37 =	vmul.f32 v27, v18;
	[tilespmem:$0x7F50] =	vst v32  }
0x49: {  	v40 =	vld [tilespmem:$0x7FD0];
	v39 =	vmul.f32 v29, v35;
	[tilespmem:$0x7F60] =	vst v34  }
0x4a: {  	v42 =	vld [tilespmem:$0x7FE0];
	v41 =	vmul.f32 v31, v35;
	[tilespmem:$0x7F70] =	vst v37  }
0x4b: {  	v44 =	vld [tilespmem:$0x7FF0];
	v43 =	vmul.f32 v33, v35;
	[tilespmem:$0x7F80] =	vst v39  }
0x4c: {  	v45 =	vmul.f32 v36, v35;
	v53 =	vld [tilespmem:$0x8030];
	[tilespmem:$0x7F90] =	vst v41  }
0x4d: {  	v47 =	vmul.f32 v38, v35;
	v55 =	vld [tilespmem:$0x8040];
	[tilespmem:$0x7FA0] =	vst v43  }
0x4e: {  	v49 =	vmul.f32 v40, v35;
	v57 =	vld [tilespmem:$0x8050];
	[tilespmem:$0x7FB0] =	vst v45  }
0x4f: {  	v51 =	vmul.f32 v42, v35;
	v59 =	vld [tilespmem:$0x8060];
	[tilespmem:$0x7FC0] =	vst v47;
	v52 =	vbroadcast v0, $0x4  }
0x50: {  	v61 =	vld [tilespmem:$0x8070];
	[tilespmem:$0x7FD0] =	vst v49;
	v54 =	vmul.f32 v44, v35  }
0x51: {  	v63 =	vld [tilespmem:$0x8080];
	[tilespmem:$0x7FE0] =	vst v51;
	v62 =	vmul.f32 v53, v52  }
0x52: {  	v18 =	vld [tilespmem:$0x80B0];
	[tilespmem:$0x7FF0] =	vst v54;
	v12 =	vmul.f32 v55, v52  }
0x53: {  	v46 =	vld [tilespmem:$0x8000];
	v14 =	vmul.f32 v57, v52;
	[tilespmem:$0x8030] =	vst v62  }
0x54: {  	v48 =	vld [tilespmem:$0x8010];
	v17 =	vbroadcast v0, $0x5;
	v16 =	vmul.f32 v59, v52;
	[tilespmem:$0x8040] =	vst v12  }
0x55: {  	v50 =	vld [tilespmem:$0x8020];
	v19 =	vmul.f32 v61, v52;
	[tilespmem:$0x8050] =	vst v14  }
0x56: {  	v13 =	vld [tilespmem:$0x8090];
	v21 =	vmul.f32 v63, v17;
	[tilespmem:$0x8060] =	vst v16  }
0x57: {  	v15 =	vld [tilespmem:$0x80A0];
	v27 =	vmul.f32 v18, v17;
	[tilespmem:$0x8070] =	vst v19  }
0x58: {  	v20 =	vld [tilespmem:$0x80C0];
	v56 =	vmul.f32 v46, v52;
	[tilespmem:$0x8080] =	vst v21  }
0x59: {  	v22 =	vld [tilespmem:$0x80D0];
	v58 =	vmul.f32 v48, v52;
	[tilespmem:$0x80B0] =	vst v27  }
0x5a: {  	v24 =	vld [tilespmem:$0x80E0];
	v60 =	vmul.f32 v50, v52;
	[tilespmem:$0x8000] =	vst v56  }
0x5b: {  	v26 =	vld [tilespmem:$0x80F0];
	v23 =	vmul.f32 v13, v17;
	[tilespmem:$0x8010] =	vst v58  }
0x5c: {  	v28 =	vld [tilespmem:$0x8100];
	v25 =	vmul.f32 v15, v17;
	[tilespmem:$0x8020] =	vst v60  }
0x5d: {  	v30 =	vld [tilespmem:$0x8110];
	v29 =	vmul.f32 v20, v17;
	[tilespmem:$0x8090] =	vst v23  }
0x5e: {  	v32 =	vld [tilespmem:$0x8120];
	v31 =	vmul.f32 v22, v17;
	[tilespmem:$0x80A0] =	vst v25  }
0x5f: {  	v34 =	vbroadcast v0, $0x6;
	v35 =	vld [tilespmem:$0x8130];
	v33 =	vmul.f32 v24, v17;
	[tilespmem:$0x80C0] =	vst v29  }
0x60: {  	v37 =	vld [tilespmem:$0x8140];
	v36 =	vmul.f32 v26, v17;
	[tilespmem:$0x80D0] =	vst v31  }
0x61: {  	v39 =	vld [tilespmem:$0x8150];
	v38 =	vmul.f32 v28, v34;
	[tilespmem:$0x80E0] =	vst v33  }
0x62: {  	v41 =	vld [tilespmem:$0x8160];
	v40 =	vmul.f32 v30, v34;
	[tilespmem:$0x80F0] =	vst v36  }
0x63: {  	v43 =	vld [tilespmem:$0x8170];
	v42 =	vmul.f32 v32, v34;
	[tilespmem:$0x8100] =	vst v38  }
0x64: {  	v45 =	vld [tilespmem:$0x8180];
	v44 =	vmul.f32 v35, v34;
	[tilespmem:$0x8110] =	vst v40  }
0x65: {  	v47 =	vld [tilespmem:$0x8190];
	v46 =	vmul.f32 v37, v34;
	[tilespmem:$0x8120] =	vst v42  }
0x66: {  	v49 =	vld [tilespmem:$0x81A0];
	v48 =	vmul.f32 v39, v34;
	[tilespmem:$0x8130] =	vst v44  }
0x67: {  	v0 =	vbroadcast v0, $0x7;
	v51 =	vld [tilespmem:$0x81B0];
	v50 =	vmul.f32 v41, v34;
	[tilespmem:$0x8140] =	vst v46  }
0x68: {  	v53 =	vld [tilespmem:$0x81C0];
	v52 =	vmul.f32 v43, v34;
	[tilespmem:$0x8150] =	vst v48  }
0x69: {  	v55 =	vld [tilespmem:$0x81D0];
	v54 =	vmul.f32 v45, v0;
	[tilespmem:$0x8160] =	vst v50  }
0x6a: {  	v57 =	vld [tilespmem:$0x81E0];
	[tilespmem:$0x8170] =	vst v52;
	v56 =	vmul.f32 v47, v0  }
0x6b: {  	v59 =	vld [tilespmem:$0x81F0];
	[tilespmem:$0x8180] =	vst v54;
	v58 =	vmul.f32 v49, v0  }
0x6c: {  	v60 =	vmul.f32 v51, v0;
	[tilespmem:$0x8190] =	vst v56  }
0x6d: {  	v61 =	vmul.f32 v53, v0;
	[tilespmem:$0x81A0] =	vst v58  }
0x6e: {  	v62 =	vmul.f32 v55, v0;
	[tilespmem:$0x81B0] =	vst v60  }
0x6f: {  	v63 =	vmul.f32 v57, v0;
	[tilespmem:$0x81C0] =	vst v61  }
0x70: {  	v0 =	vmul.f32 v59, v0;
	[tilespmem:$0x81D0] =	vst v62  }
0x71: {  	[tilespmem:$0x81E0] =	vst v63  }
0x72: {  	[tilespmem:$0x81F0] =	vst v0  }
0x73: {  	[spmem:s2] =	stream.indirect.scatter.add.f32 [tilespmem:s15], [sflag:$0x4], $0x80, s12, s14, $0xb8;
	[tilespmem:$0x1BA80] =	vst v63  }
0x74: {  	_ =	swait.ge [sflag:s20], $0x400  }
0x75: {  	[sflag:s20] =	ssyncset.done $0x0  }
0x76: {  	[sflag:s20] =	ssyncadd.s32 $0xFFFFFC00  }
0x77: {  	[bflag:$0x0] =	sbarrier.arrive $0xFFFF  }
0x78: {  	s14 =	rddreg [dreg:$0xa]  }
0x79: {  	[hbm:s14], [sflag:s7] =	dma.local [spmem:s8], $0x800  }
0x7a: {  	_ =	swait.ge [sflag:s20], $0x800  }
0x7b: {  	[sflag:s20] =	ssyncset.done $0x0  }
0x7c: {  	s15 =	rddreg [dreg:$0xb];
	[sflag:s20] =	ssyncadd.s32 $0xFFFFF800  }
0x7d: {  	[hbm:s15], [sflag:s7] =	dma.local [spmem:s22], $0x800  }
0x7e: {  	_ =	swait.ge [sflag:s20], $0x800  }
0x7f: {  	[sflag:s20] =	ssyncset.done $0x0  }
0x80: {  	[sflag:s20] =	ssyncadd.s32 $0xFFFFF800  }
0x81: {  	[hbm:s16], [sflag:s7] =	dma.local [spmem:s23], $0x800  }
0x82: {  	_ =	swait.ge [sflag:s20], $0x800  }
0x83: {  	[sflag:s20] =	ssyncset.done $0x0  }
0x84: {  	[sflag:s20] =	ssyncadd.s32 $0xFFFFF800  }
0x85: {  	[hbm:s17], [sflag:s7] =	dma.local [spmem:s24], $0x800  }
0x86: {  	s9 =	sadd.s32 $0x1, s9;
	_ =	swait.ge [sflag:s20], $0x800  }
0x87: {  	p0 =	sne.s32 s9, s19;
	[sflag:s20] =	ssyncset.done $0x0  }
.Ltmp1:
0x88: {  	[sflag:s20] =	ssyncadd.s32 $0xFFFFF800;
	(pc) =	sbr.rel @!p0 .LBB2_9-.Ltmp1, $4  }
0x89: {  	[hbm:s18], [sflag:s7] =	dma.local [spmem:s25], $0x800  }
0x8a: {  	_ =	swait.ge [sflag:s20], $0x800  }
0x8b: {  	[sflag:s20] =	ssyncset.done $0x0  }
0x8c: {  	[sflag:s20] =	ssyncadd.s32 $0xFFFFF800  }
.LBB2_1:
0x8d: {  	s8 =	sshrl.u32 s6, $0x3;
	s10 =	rddreg [dreg:$0x3]  }
0x8e: {  	[spmem:s8], [sflag:s7] =	dma.local [hbm:s10], $0x2800  }
0x8f: {  	_ =	swait.ge [sflag:s20], $0x2800  }
0x90: {  	[sflag:s20] =	ssyncset.done $0x0  }
0x91: {  	s11 =	rddreg [dreg:$0x4];
	[sflag:s20] =	ssyncadd.s32 $0xFFFFD800  }
0x92: {  	[tilespmem:s3], [sflag:$0x4] =	stream.linear.gather [hbm4b:s11+s3], $0x1380, $0x38;
	[tilespmem:$0x1BA80] =	vst v63  }
0x93: {  	_ =	swait.ge [sflag:s20], $0x1380  }
0x94: {  	[sflag:s20] =	ssyncset.done $0x0  }
0x95: {  	s11 =	simm.s32 $0x1380;
	s12 =	rddreg [dreg:$0x5];
	[sflag:s20] =	ssyncadd.s32 $0xFFFFEC80  }
0x96: {  	[tilespmem:s11], [sflag:$0x4] =	stream.linear.gather [hbm4b:s12+s3], $0x1380, $0x38;
	[tilespmem:$0x1BA80] =	vst v63  }
0x97: {  	_ =	swait.ge [sflag:s20], $0x1380  }
0x98: {  	[sflag:s20] =	ssyncset.done $0x0  }
0x99: {  	s14 =	simm.s32 $0x2700;
	s13 =	rddreg [dreg:$0x6];
	[sflag:s20] =	ssyncadd.s32 $0xFFFFEC80  }
0x9a: {  	[tilespmem:s14], [sflag:$0x4] =	stream.linear.gather [hbm4b:s13+s3], $0x1380, $0x38;
	[tilespmem:$0x1BA80] =	vst v63  }
0x9b: {  	_ =	swait.ge [sflag:s20], $0x1380  }
0x9c: {  	[sflag:s20] =	ssyncset.done $0x0  }
0x9d: {  	[sflag:s20] =	ssyncadd.s32 $0xFFFFEC80  }
0x9e: {  	[bflag:$0x0] =	sbarrier.arrive $0xFFFF  }
0x9f: {  	v0 =	vld [tilespmem:$0x0]  }
0xa0: {  	v1 =	vld [tilespmem:$0x10]  }
0xa1: {  	v2 =	vld [tilespmem:$0x20]  }
0xa2: {  	v3 =	vld [tilespmem:$0x30];
	_ =	sdelay $0x1  }
0xa3: {  	[tilespmem:$0x3A80] =	vst v0  }
0xa4: {  	[tilespmem:$0x3A90] =	vst v1  }
0xa5: {  	[tilespmem:$0x3AA0] =	vst v2  }
0xa6: {  	s15 =	simm.s32 $0x3A80;
	[tilespmem:$0x3AB0] =	vst v3  }
0xa7: {  	[tilespmem:s30], [sflag:$0x1] =	stream.indirect.gather [hbm4b:s4+s28], $0x80, s15, s28, $0xb8;
	[tilespmem:$0x1BA80] =	vst v63  }
0xa8: {  	v60 =	vld [tilespmem:$0x40]  }
0xa9: {  	v61 =	vld [tilespmem:$0x50]  }
0xaa: {  	v62 =	vld [tilespmem:$0x60]  }
0xab: {  	v63 =	vld [tilespmem:$0x70];
	_ =	sdelay $0x1  }
0xac: {  	[tilespmem:$0x3B00] =	vst v60  }
0xad: {  	[tilespmem:$0x3B10] =	vst v61  }
0xae: {  	[tilespmem:$0x3B20] =	vst v62  }
0xaf: {  	s10 =	simm.s32 $0x0;
	[tilespmem:$0x3B30] =	vst v63  }
0xb0: {  	[tilespmem:s0], [sflag:$0x2] =	stream.indirect.gather [hbm4b:s4+s28], $0x80, s31, s28, $0xb8;
	[tilespmem:$0x1BA80] =	vst v63  }
.LBB2_2:
0xb1: {  	s11 =	sshll.u32 s10, $0x9  }
0xb2: {  	s11 =	sshrl.u32 s11, $0x2  }
0xb3: {  	s12 =	sadd.s32 $0x2700, s11  }
0xb4: {  	v0 =	vmov s12;
	_ =	sdelay $0x1  }
0xb5: {  	_ =	swait.ge [sflag:s1], $0x2000  }
0xb6: {  	s15 =	simm.s32 $0x0;
	[sflag:s1] =	ssyncset.done $0x0  }
0xb7: {  	[sflag:s1] =	ssyncadd.s32 $0xFFFFE000;
	s12 =	sand.u32 $0x3FFFFFF0, s15  }
0xb8: {  	s13 =	simm.s32 $0x0;
	v1 =	vld.idx.msk [tilespmem:v0+s12+$0x0 ss:$0x1], $0xffff  }
0xb9: {  	s12 =	sand.u32 $0x3FFFF800, s13  }
0xba: {  	v3 =	vld [tilespmem:s12+$0x3CA0]  }
0xbb: {  	v4 =	vld [tilespmem:s12+$0x3CB0]  }
0xbc: {  	v10 =	vld [tilespmem:s12+$0x3CE0]  }
0xbd: {  	v11 =	vld [tilespmem:s12+$0x3CF0];
	v2 =	vbroadcast v1, $0x0  }
0xbe: {  	v12 =	vld [tilespmem:s12+$0x3D00]  }
0xbf: {  	v13 =	vld [tilespmem:s12+$0x3D10];
	v3 =	vmul.f32 v3, v2  }
0xc0: {  	v14 =	vld [tilespmem:s12+$0x3D20];
	v4 =	vmul.f32 v4, v2  }
0xc1: {  	v9 =	vld [tilespmem:s12+$0x3D30];
	v23 =	vbroadcast v1, $0x1;
	v22 =	vmul.f32 v10, v2;
	[tilespmem:s12+$0x3CA0] =	vst v3  }
0xc2: {  	v7 =	vld [tilespmem:s12+$0x3D40];
	v11 =	vmul.f32 v11, v2;
	[tilespmem:s12+$0x3CB0] =	vst v4  }
0xc3: {  	v8 =	vld [tilespmem:s12+$0x3D50];
	v12 =	vmul.f32 v12, v23;
	[tilespmem:s12+$0x3CE0] =	vst v22  }
0xc4: {  	v25 =	vld [tilespmem:s12+$0x3D70];
	v13 =	vmul.f32 v13, v23;
	[tilespmem:s12+$0x3CF0] =	vst v11  }
0xc5: {  	v26 =	vld [tilespmem:s12+$0x3D80];
	v14 =	vmul.f32 v14, v23;
	[tilespmem:s12+$0x3D00] =	vst v12  }
0xc6: {  	v27 =	vld [tilespmem:s12+$0x3D90];
	v9 =	vmul.f32 v9, v23;
	[tilespmem:s12+$0x3D10] =	vst v13  }
0xc7: {  	v6 =	vld [tilespmem:s12+$0x41F0];
	v7 =	vmul.f32 v7, v23;
	[tilespmem:s12+$0x3D20] =	vst v14  }
0xc8: {  	v24 =	vld [tilespmem:s12+$0x3D60];
	v15 =	vbroadcast v1, $0x2;
	v8 =	vmul.f32 v8, v23;
	[tilespmem:s12+$0x3D30] =	vst v9  }
0xc9: {  	v28 =	vld [tilespmem:s12+$0x3DA0];
	v10 =	vmul.f32 v25, v23;
	[tilespmem:s12+$0x3D40] =	vst v7  }
0xca: {  	v29 =	vld [tilespmem:s12+$0x3DB0];
	v5 =	vbroadcast v1, $0xA;
	v32 =	vmul.f32 v26, v15;
	[tilespmem:s12+$0x3D50] =	vst v8  }
0xcb: {  	v30 =	vld [tilespmem:s12+$0x3DC0];
	v34 =	vmul.f32 v27, v15;
	[tilespmem:s12+$0x3D70] =	vst v10  }
0xcc: {  	v33 =	vld [tilespmem:s12+$0x3DE0];
	v3 =	vmul.f32 v6, v5;
	[tilespmem:s12+$0x3D80] =	vst v32  }
0xcd: {  	v35 =	vld [tilespmem:s12+$0x3DF0];
	v11 =	vmul.f32 v24, v23;
	[tilespmem:s12+$0x3D90] =	vst v34  }
0xce: {  	v36 =	vld [tilespmem:s12+$0x3E00];
	v9 =	vmul.f32 v28, v15;
	[tilespmem:s12+$0x41F0] =	vst v3  }
0xcf: {  	v31 =	vld [tilespmem:s12+$0x3DD0];
	v7 =	vmul.f32 v29, v15;
	[tilespmem:s12+$0x3D60] =	vst v11  }
0xd0: {  	v37 =	vld [tilespmem:s12+$0x3E10];
	v8 =	vmul.f32 v30, v15;
	[tilespmem:s12+$0x3DA0] =	vst v9  }
0xd1: {  	v38 =	vld [tilespmem:s12+$0x3E20];
	v41 =	vbroadcast v1, $0x3;
	v10 =	vmul.f32 v33, v15;
	[tilespmem:s12+$0x3DB0] =	vst v7  }
0xd2: {  	v39 =	vld [tilespmem:s12+$0x3E30];
	v12 =	vmul.f32 v35, v15;
	[tilespmem:s12+$0x3DC0] =	vst v8  }
0xd3: {  	v42 =	vld [tilespmem:s12+$0x3E50];
	v13 =	vmul.f32 v36, v41;
	[tilespmem:s12+$0x3DE0] =	vst v10  }
0xd4: {  	v43 =	vld [tilespmem:s12+$0x3E60];
	v11 =	vmul.f32 v31, v15;
	[tilespmem:s12+$0x3DF0] =	vst v12  }
0xd5: {  	v44 =	vld [tilespmem:s12+$0x3E70];
	v9 =	vmul.f32 v37, v41;
	[tilespmem:s12+$0x3E00] =	vst v13  }
0xd6: {  	v40 =	vld [tilespmem:s12+$0x3E40];
	v7 =	vmul.f32 v38, v41;
	[tilespmem:s12+$0x3DD0] =	vst v11  }
0xd7: {  	v45 =	vld [tilespmem:s12+$0x3E80];
	v8 =	vmul.f32 v39, v41;
	[tilespmem:s12+$0x3E10] =	vst v9  }
0xd8: {  	v46 =	vld [tilespmem:s12+$0x3E90];
	v10 =	vmul.f32 v42, v41;
	[tilespmem:s12+$0x3E20] =	vst v7  }
0xd9: {  	v47 =	vld [tilespmem:s12+$0x3EA0];
	v12 =	vmul.f32 v43, v41;
	[tilespmem:s12+$0x3E30] =	vst v8  }
0xda: {  	v49 =	vld [tilespmem:s12+$0x3EC0];
	v50 =	vbroadcast v1, $0x4;
	v13 =	vmul.f32 v44, v41;
	[tilespmem:s12+$0x3E50] =	vst v10  }
0xdb: {  	v51 =	vld [tilespmem:s12+$0x3ED0];
	v11 =	vmul.f32 v40, v41;
	[tilespmem:s12+$0x3E60] =	vst v12  }
0xdc: {  	v52 =	vld [tilespmem:s12+$0x3EE0];
	v9 =	vmul.f32 v45, v50;
	[tilespmem:s12+$0x3E70] =	vst v13  }
0xdd: {  	v48 =	vld [tilespmem:s12+$0x3EB0];
	v7 =	vmul.f32 v46, v50;
	[tilespmem:s12+$0x3E40] =	vst v11  }
0xde: {  	v53 =	vld [tilespmem:s12+$0x3EF0];
	v8 =	vmul.f32 v47, v50;
	[tilespmem:s12+$0x3E80] =	vst v9  }
0xdf: {  	v54 =	vld [tilespmem:s12+$0x3F00];
	v10 =	vmul.f32 v49, v50;
	[tilespmem:s12+$0x3E90] =	vst v7  }
0xe0: {  	v55 =	vld [tilespmem:s12+$0x3F10];
	v12 =	vmul.f32 v51, v50;
	[tilespmem:s12+$0x3EA0] =	vst v8  }
0xe1: {  	v57 =	vld [tilespmem:s12+$0x3F30];
	v13 =	vmul.f32 v52, v50;
	[tilespmem:s12+$0x3EC0] =	vst v10  }
0xe2: {  	v58 =	vld [tilespmem:s12+$0x3F40];
	v59 =	vbroadcast v1, $0x5;
	v11 =	vmul.f32 v48, v50;
	[tilespmem:s12+$0x3ED0] =	vst v12  }
0xe3: {  	v60 =	vld [tilespmem:s12+$0x3F50];
	v9 =	vmul.f32 v53, v50;
	[tilespmem:s12+$0x3EE0] =	vst v13  }
0xe4: {  	v56 =	vld [tilespmem:s12+$0x3F20];
	v7 =	vmul.f32 v54, v59;
	[tilespmem:s12+$0x3EB0] =	vst v11  }
0xe5: {  	v61 =	vld [tilespmem:s12+$0x3F60];
	v8 =	vmul.f32 v55, v59;
	[tilespmem:s12+$0x3EF0] =	vst v9  }
0xe6: {  	v62 =	vld [tilespmem:s12+$0x3F70];
	v10 =	vmul.f32 v57, v59;
	[tilespmem:s12+$0x3F00] =	vst v7  }
0xe7: {  	v63 =	vld [tilespmem:s12+$0x3F80];
	v12 =	vmul.f32 v58, v59;
	[tilespmem:s12+$0x3F10] =	vst v8  }
0xe8: {  	v19 =	vld [tilespmem:s12+$0x3FA0];
	v13 =	vmul.f32 v60, v59;
	[tilespmem:s12+$0x3F30] =	vst v10  }
0xe9: {  	v20 =	vld [tilespmem:s12+$0x3FB0];
	v11 =	vmul.f32 v56, v59;
	[tilespmem:s12+$0x3F40] =	vst v12  }
0xea: {  	v21 =	vld [tilespmem:s12+$0x3FC0];
	v22 =	vbroadcast v1, $0x6;
	v9 =	vmul.f32 v61, v59;
	[tilespmem:s12+$0x3F50] =	vst v13  }
0xeb: {  	v18 =	vld [tilespmem:s12+$0x3F90];
	v7 =	vmul.f32 v62, v59;
	[tilespmem:s12+$0x3F20] =	vst v11  }
0xec: {  	v23 =	vld [tilespmem:s12+$0x3FD0];
	v8 =	vmul.f32 v63, v22;
	[tilespmem:s12+$0x3F60] =	vst v9  }
0xed: {  	v24 =	vld [tilespmem:s12+$0x3FE0];
	v10 =	vmul.f32 v19, v22;
	[tilespmem:s12+$0x3F70] =	vst v7  }
0xee: {  	v25 =	vld [tilespmem:s12+$0x3FF0];
	v12 =	vmul.f32 v20, v22;
	[tilespmem:s12+$0x3F80] =	vst v8  }
0xef: {  	v27 =	vld [tilespmem:s12+$0x4010];
	v13 =	vmul.f32 v21, v22;
	[tilespmem:s12+$0x3FA0] =	vst v10  }
0xf0: {  	v28 =	vld [tilespmem:s12+$0x4020];
	v11 =	vmul.f32 v18, v22;
	[tilespmem:s12+$0x3FB0] =	vst v12  }
0xf1: {  	v29 =	vld [tilespmem:s12+$0x4030];
	v9 =	vmul.f32 v23, v22;
	[tilespmem:s12+$0x3FC0] =	vst v13  }
0xf2: {  	v31 =	vbroadcast v1, $0x7;
	v53 =	vld [tilespmem:s12+$0x4180];
	v7 =	vmul.f32 v24, v22;
	[tilespmem:s12+$0x3F90] =	vst v11  }
0xf3: {  	v57 =	vld [tilespmem:s12+$0x41C0];
	v8 =	vmul.f32 v25, v22;
	[tilespmem:s12+$0x3FD0] =	vst v9  }
0xf4: {  	v58 =	vld [tilespmem:s12+$0x41D0];
	v10 =	vmul.f32 v27, v31;
	[tilespmem:s12+$0x3FE0] =	vst v7  }
0xf5: {  	v26 =	vld [tilespmem:s12+$0x4000];
	v12 =	vmul.f32 v28, v31;
	[tilespmem:s12+$0x3FF0] =	vst v8  }
0xf6: {  	v30 =	vld [tilespmem:s12+$0x4040];
	v13 =	vmul.f32 v29, v31;
	[tilespmem:s12+$0x4010] =	vst v10  }
0xf7: {  	v32 =	vld [tilespmem:s12+$0x4050];
	v59 =	vmul.f32 v53, v5;
	[tilespmem:s12+$0x4020] =	vst v12  }
0xf8: {  	v33 =	vld [tilespmem:s12+$0x4060];
	v18 =	vmul.f32 v57, v5;
	[tilespmem:s12+$0x4030] =	vst v13  }
0xf9: {  	v35 =	vld [tilespmem:s12+$0x4080];
	v20 =	vmul.f32 v58, v5;
	[tilespmem:s12+$0x4180] =	vst v59  }
0xfa: {  	v36 =	vld [tilespmem:s12+$0x4090];
	v11 =	vmul.f32 v26, v31;
	[tilespmem:s12+$0x41C0] =	vst v18  }
0xfb: {  	v37 =	vld [tilespmem:s12+$0x40A0];
	v9 =	vmul.f32 v30, v31;
	[tilespmem:s12+$0x41D0] =	vst v20  }
0xfc: {  	v4 =	vld [tilespmem:s12+$0x4200];
	v40 =	vbroadcast v1, $0x8;
	v7 =	vmul.f32 v32, v31;
	[tilespmem:s12+$0x4000] =	vst v11  }
0xfd: {  	v6 =	vld [tilespmem:s12+$0x4210];
	v8 =	vmul.f32 v33, v31;
	[tilespmem:s12+$0x4040] =	vst v9  }
0xfe: {  	v3 =	vld [tilespmem:s12+$0x4450];
	v10 =	vmul.f32 v35, v40;
	[tilespmem:s12+$0x4050] =	vst v7  }
0xff: {  	v61 =	vld [tilespmem:s12+$0x3C80];
	v23 =	vbroadcast v1, $0xB;
	v12 =	vmul.f32 v36, v40;
	[tilespmem:s12+$0x4060] =	vst v8  }
0x100: {  	v34 =	vld [tilespmem:s12+$0x4070];
	v13 =	vmul.f32 v37, v40;
	[tilespmem:s12+$0x4080] =	vst v10  }
0x101: {  	v38 =	vld [tilespmem:s12+$0x40B0];
	v27 =	vbroadcast v1, $0xF;
	v4 =	vmul.f32 v4, v23;
	[tilespmem:s12+$0x4090] =	vst v12  }
0x102: {  	v39 =	vld [tilespmem:s12+$0x40C0];
	v6 =	vmul.f32 v6, v23;
	[tilespmem:s12+$0x40A0] =	vst v13  }
0x103: {  	v41 =	vld [tilespmem:s12+$0x40D0];
	v3 =	vmul.f32 v3, v27;
	[tilespmem:s12+$0x4200] =	vst v4  }
0x104: {  	v43 =	vld [tilespmem:s12+$0x40F0];
	v24 =	vmul.f32 v2, v61;
	[tilespmem:s12+$0x4210] =	vst v6  }
0x105: {  	v44 =	vld [tilespmem:s12+$0x4100];
	v11 =	vmul.f32 v34, v31;
	[tilespmem:s12+$0x4450] =	vst v3  }
0x106: {  	v45 =	vld [tilespmem:s12+$0x4110];
	v9 =	vmul.f32 v38, v40;
	[tilespmem:s12+$0x3C80] =	vst v24  }
0x107: {  	v63 =	vld [tilespmem:s12+$0x3CC0];
	v7 =	vmul.f32 v39, v40;
	[tilespmem:s12+$0x4070] =	vst v11  }
0x108: {  	v49 =	vbroadcast v1, $0x9;
	v29 =	vld [tilespmem:s12+$0x4270];
	v8 =	vmul.f32 v41, v40;
	[tilespmem:s12+$0x40B0] =	vst v9  }
0x109: {  	v42 =	vld [tilespmem:s12+$0x40E0];
	v10 =	vmul.f32 v43, v40;
	[tilespmem:s12+$0x40C0] =	vst v7  }
0x10a: {  	v46 =	vld [tilespmem:s12+$0x4120];
	v12 =	vmul.f32 v44, v49;
	[tilespmem:s12+$0x40D0] =	vst v8  }
0x10b: {  	v47 =	vld [tilespmem:s12+$0x4130];
	v13 =	vmul.f32 v45, v49;
	[tilespmem:s12+$0x40F0] =	vst v10  }
0x10c: {  	v48 =	vld [tilespmem:s12+$0x4140];
	v3 =	vmul.f32 v63, v2;
	[tilespmem:s12+$0x4100] =	vst v12  }
0x10d: {  	v51 =	vld [tilespmem:s12+$0x4160];
	v6 =	vmul.f32 v29, v23;
	[tilespmem:s12+$0x4110] =	vst v13  }
0x10e: {  	v52 =	vld [tilespmem:s12+$0x4170];
	v11 =	vmul.f32 v42, v40;
	[tilespmem:s12+$0x3CC0] =	vst v3  }
0x10f: {  	v28 =	vld [tilespmem:s12+$0x4260];
	v9 =	vmul.f32 v46, v49;
	[tilespmem:s12+$0x4270] =	vst v6  }
0x110: {  	v26 =	vld [tilespmem:s12+$0x4250];
	v7 =	vmul.f32 v47, v49;
	[tilespmem:s12+$0x40E0] =	vst v11  }
0x111: {  	v30 =	vld [tilespmem:s12+$0x4280];
	v8 =	vmul.f32 v48, v49;
	[tilespmem:s12+$0x4120] =	vst v9  }
0x112: {  	v50 =	vld [tilespmem:s12+$0x4150];
	v10 =	vmul.f32 v51, v49;
	[tilespmem:s12+$0x4130] =	vst v7  }
0x113: {  	v54 =	vld [tilespmem:s12+$0x4190];
	v12 =	vmul.f32 v52, v49;
	[tilespmem:s12+$0x4140] =	vst v8  }
0x114: {  	v55 =	vld [tilespmem:s12+$0x41A0];
	v35 =	vbroadcast v1, $0xC;
	v40 =	vmul.f32 v28, v23;
	[tilespmem:s12+$0x4160] =	vst v10  }
0x115: {  	v56 =	vld [tilespmem:s12+$0x41B0];
	v32 =	vmul.f32 v26, v23;
	[tilespmem:s12+$0x4170] =	vst v12  }
0x116: {  	v60 =	vld [tilespmem:s12+$0x41E0];
	v15 =	vmul.f32 v30, v35;
	[tilespmem:s12+$0x4260] =	vst v40  }
0x117: {  	v62 =	vld [tilespmem:s12+$0x3C90];
	v11 =	vmul.f32 v50, v49;
	[tilespmem:s12+$0x4250] =	vst v32  }
0x118: {  	v19 =	vld [tilespmem:s12+$0x3CD0];
	v9 =	vmul.f32 v54, v5;
	[tilespmem:s12+$0x4280] =	vst v15  }
0x119: {  	v33 =	vld [tilespmem:s12+$0x42B0];
	v7 =	vmul.f32 v55, v5;
	[tilespmem:s12+$0x4150] =	vst v11  }
0x11a: {  	v61 =	vld [tilespmem:s12+$0x4470];
	v8 =	vmul.f32 v56, v5;
	[tilespmem:s12+$0x4190] =	vst v9  }
0x11b: {  	v38 =	vld [tilespmem:s12+$0x42F0];
	v5 =	vmul.f32 v60, v5;
	[tilespmem:s12+$0x41A0] =	vst v7  }
0x11c: {  	v21 =	vld [tilespmem:s12+$0x4220];
	v12 =	vmul.f32 v62, v2;
	[tilespmem:s12+$0x41B0] =	vst v8  }
0x11d: {  	v22 =	vld [tilespmem:s12+$0x4230];
	v2 =	vmul.f32 v19, v2;
	[tilespmem:s12+$0x41E0] =	vst v5  }
0x11e: {  	v25 =	vld [tilespmem:s12+$0x4240];
	v62 =	vmul.f32 v33, v35;
	[tilespmem:s12+$0x3C90] =	vst v12  }
0x11f: {  	v31 =	vld [tilespmem:s12+$0x4290];
	v63 =	vmul.f32 v61, v27;
	[tilespmem:s12+$0x3CD0] =	vst v2  }
0x120: {  	v34 =	vld [tilespmem:s12+$0x42C0];
	v15 =	vmul.f32 v38, v35;
	[tilespmem:s12+$0x42B0] =	vst v62  }
0x121: {  	v41 =	vld [tilespmem:s12+$0x4320];
	v7 =	vmul.f32 v21, v23;
	[tilespmem:s12+$0x4470] =	vst v63  }
0x122: {  	v46 =	vld [tilespmem:s12+$0x4360];
	v8 =	vmul.f32 v22, v23;
	[tilespmem:s12+$0x42F0] =	vst v15  }
0x123: {  	v36 =	vld [tilespmem:s12+$0x42D0];
	v5 =	vmul.f32 v25, v23;
	[tilespmem:s12+$0x4220] =	vst v7  }
0x124: {  	v44 =	vbroadcast v1, $0xD;
	v9 =	vmul.f32 v31, v35;
	v2 =	vld [tilespmem:s12+$0x4310];
	[tilespmem:s12+$0x4230] =	vst v8  }
0x125: {  	v37 =	vld [tilespmem:s12+$0x42E0];
	v12 =	vmul.f32 v34, v35;
	[tilespmem:s12+$0x4240] =	vst v5  }
0x126: {  	v39 =	vld [tilespmem:s12+$0x4300];
	v11 =	vmul.f32 v41, v44;
	[tilespmem:s12+$0x4290] =	vst v9  }
0x127: {  	v42 =	vld [tilespmem:s12+$0x4330];
	v51 =	vmul.f32 v46, v44;
	[tilespmem:s12+$0x42C0] =	vst v12  }
0x128: {  	v48 =	vld [tilespmem:s12+$0x4390];
	v8 =	vmul.f32 v36, v35;
	[tilespmem:s12+$0x4320] =	vst v11  }
0x129: {  	v49 =	vld [tilespmem:s12+$0x43A0];
	[tilespmem:s12+$0x4360] =	vst v51;
	v2 =	vmul.f32 v2, v44  }
0x12a: {  	v50 =	vld [tilespmem:s12+$0x43B0];
	v5 =	vmul.f32 v37, v35;
	[tilespmem:s12+$0x42D0] =	vst v8  }
0x12b: {  	v1 =	vbroadcast v1, $0xE;
	v9 =	vmul.f32 v39, v44;
	[tilespmem:s12+$0x4310] =	vst v2;
	v2 =	vld [tilespmem:s12+$0x4380]  }
0x12c: {  	v60 =	vld [tilespmem:s12+$0x4460];
	v12 =	vmul.f32 v42, v44;
	[tilespmem:s12+$0x42E0] =	vst v5  }
0x12d: {  	v45 =	vld [tilespmem:s12+$0x4350];
	v11 =	vmul.f32 v48, v1;
	[tilespmem:s12+$0x4300] =	vst v9  }
0x12e: {  	v47 =	vld [tilespmem:s12+$0x4370];
	v10 =	vmul.f32 v49, v1;
	[tilespmem:s12+$0x4330] =	vst v12  }
0x12f: {  	v43 =	vld [tilespmem:s12+$0x4340];
	v6 =	vmul.f32 v50, v1;
	[tilespmem:s12+$0x4390] =	vst v11  }
0x130: {  	v55 =	vld [tilespmem:s12+$0x4400];
	[tilespmem:s12+$0x43A0] =	vst v10;
	v2 =	vmul.f32 v2, v1  }
0x131: {  	v57 =	vld [tilespmem:s12+$0x4420];
	v4 =	vmul.f32 v60, v27;
	[tilespmem:s12+$0x43B0] =	vst v6  }
0x132: {  	v5 =	vmul.f32 v45, v44;
	[tilespmem:s12+$0x4380] =	vst v2;
	v2 =	vld [tilespmem:s12+$0x43F0]  }
0x133: {  	v52 =	vld [tilespmem:s12+$0x43C0];
	v9 =	vmul.f32 v47, v44;
	[tilespmem:s12+$0x4460] =	vst v4  }
0x134: {  	v56 =	vld [tilespmem:s12+$0x4410];
	v8 =	vmul.f32 v43, v44;
	[tilespmem:s12+$0x4350] =	vst v5  }
0x135: {  	v54 =	vld [tilespmem:s12+$0x43E0];
	v11 =	vmul.f32 v55, v27;
	[tilespmem:s12+$0x4370] =	vst v9  }
0x136: {  	v58 =	vld [tilespmem:s12+$0x4430];
	v6 =	vmul.f32 v57, v27;
	[tilespmem:s12+$0x4340] =	vst v8  }
0x137: {  	v53 =	vld [tilespmem:s12+$0x43D0];
	[tilespmem:s12+$0x4400] =	vst v11;
	v2 =	vmul.f32 v2, v1  }
0x138: {  	v59 =	vld [tilespmem:s12+$0x4440];
	v5 =	vmul.f32 v52, v1;
	[tilespmem:s12+$0x4420] =	vst v6  }
0x139: {  	[tilespmem:s12+$0x43F0] =	vst v2;
	v2 =	vmul.f32 v56, v27  }
0x13a: {  	v3 =	vld [tilespmem:s12+$0x42A0];
	v9 =	vmul.f32 v54, v1;
	[tilespmem:s12+$0x43C0] =	vst v5  }
0x13b: {  	[tilespmem:s12+$0x4410] =	vst v2;
	v2 =	vmul.f32 v58, v27  }
0x13c: {  	[tilespmem:s12+$0x43E0] =	vst v9;
	v1 =	vmul.f32 v53, v1  }
0x13d: {  	[tilespmem:s12+$0x4430] =	vst v2;
	v2 =	vmul.f32 v59, v27  }
0x13e: {  	[tilespmem:s12+$0x43D0] =	vst v1  }
0x13f: {  	s13 =	simm.s32 $0x1;
	[tilespmem:s12+$0x4440] =	vst v2;
	v2 =	vmul.f32 v3, v35  }
.LBB2_3:
0x140: {  	s14 =	sshll.u32 s13, $0x4  }
0x141: {  	p0 =	sne.s32 s13, $0x3;
	[tilespmem:s12+$0x42A0] =	vst v2;
	s12 =	smov.u32 s13;
	s13 =	sadd.s32 $0x1, s13  }
0x142: {  	s14 =	sand.u32 $0x3FFFFFF0, s14  }
0x143: {  	v1 =	vld.idx.msk [tilespmem:v0+s14+$0x0 ss:$0x1], $0xffff  }
0x144: {  	s12 =	sshll.u32 s12, $0xB  }
0x145: {  	s12 =	sand.u32 $0x3FFFF800, s12  }
0x146: {  	v8 =	vld [tilespmem:s12+$0x3D40]  }
0x147: {  	v9 =	vld [tilespmem:s12+$0x3D50]  }
0x148: {  	v10 =	vld [tilespmem:s12+$0x3D30]  }
0x149: {  	v2 =	vbroadcast v1, $0x0;
	v7 =	vbroadcast v1, $0x4;
	v3 =	vld [tilespmem:s12+$0x3CA0]  }
0x14a: {  	v5 =	vld [tilespmem:s12+$0x3CB0]  }
0x14b: {  	v6 =	vld [tilespmem:s12+$0x41F0]  }
0x14c: {  	v11 =	vld [tilespmem:s12+$0x3CE0]  }
0x14d: {  	v12 =	vld [tilespmem:s12+$0x3CF0]  }
0x14e: {  	v4 =	vbroadcast v1, $0xA;
	v3 =	vmul.f32 v3, v2;
	v13 =	vld [tilespmem:s12+$0x3D00]  }
0x14f: {  	v5 =	vmul.f32 v5, v2;
	v14 =	vld [tilespmem:s12+$0x3D10]  }
0x150: {  	[tilespmem:s12+$0x3CA0] =	vst v3;
	v15 =	vld [tilespmem:s12+$0x3D20];
	v3 =	vmul.f32 v6, v4  }
0x151: {  	[tilespmem:s12+$0x3CB0] =	vst v5;
	v6 =	vmul.f32 v11, v2;
	v11 =	vbroadcast v1, $0x1;
	v5 =	vld [tilespmem:s12+$0x4200]  }
0x152: {  	v12 =	vmul.f32 v12, v2;
	[tilespmem:s12+$0x41F0] =	vst v3;
	v3 =	vld [tilespmem:s12+$0x4450]  }
0x153: {  	[tilespmem:s12+$0x3CE0] =	vst v6;
	v13 =	vmul.f32 v13, v11;
	v6 =	vld [tilespmem:s12+$0x4210]  }
0x154: {  	[tilespmem:s12+$0x3CF0] =	vst v12;
	v12 =	vmul.f32 v14, v11;
	v14 =	vld [tilespmem:s12+$0x3D60]  }
0x155: {  	[tilespmem:s12+$0x3D00] =	vst v13;
	v13 =	vmul.f32 v15, v11;
	v15 =	vld [tilespmem:s12+$0x3D70]  }
0x156: {  	v10 =	vmul.f32 v10, v11;
	[tilespmem:s12+$0x3D10] =	vst v12;
	v12 =	vld [tilespmem:s12+$0x3D80]  }
0x157: {  	v8 =	vmul.f32 v8, v11;
	[tilespmem:s12+$0x3D20] =	vst v13;
	v13 =	vld [tilespmem:s12+$0x3D90]  }
0x158: {  	v9 =	vmul.f32 v9, v11;
	[tilespmem:s12+$0x3D30] =	vst v10;
	v10 =	vld [tilespmem:s12+$0x3DA0]  }
0x159: {  	[tilespmem:s12+$0x3D40] =	vst v8;
	v8 =	vmul.f32 v14, v11;
	v14 =	vbroadcast v1, $0x2;
	v16 =	vld [tilespmem:s12+$0x3DB0]  }
0x15a: {  	[tilespmem:s12+$0x3D50] =	vst v9;
	v9 =	vmul.f32 v15, v11;
	v11 =	vld [tilespmem:s12+$0x3DC0]  }
0x15b: {  	[tilespmem:s12+$0x3D60] =	vst v8;
	v8 =	vmul.f32 v12, v14;
	v12 =	vld [tilespmem:s12+$0x3DD0]  }
0x15c: {  	[tilespmem:s12+$0x3D70] =	vst v9;
	v9 =	vmul.f32 v13, v14;
	v13 =	vld [tilespmem:s12+$0x3DE0]  }
0x15d: {  	[tilespmem:s12+$0x3D80] =	vst v8;
	v8 =	vmul.f32 v10, v14;
	v10 =	vld [tilespmem:s12+$0x3DF0]  }
0x15e: {  	[tilespmem:s12+$0x3D90] =	vst v9;
	v9 =	vmul.f32 v16, v14;
	v15 =	vld [tilespmem:s12+$0x3E00]  }
0x15f: {  	[tilespmem:s12+$0x3DA0] =	vst v8;
	v8 =	vmul.f32 v11, v14;
	v11 =	vld [tilespmem:s12+$0x3E10]  }
0x160: {  	[tilespmem:s12+$0x3DB0] =	vst v9;
	v9 =	vmul.f32 v12, v14;
	v12 =	vld [tilespmem:s12+$0x3E20]  }
0x161: {  	[tilespmem:s12+$0x3DC0] =	vst v8;
	v8 =	vmul.f32 v13, v14;
	v13 =	vbroadcast v1, $0x3;
	v16 =	vld [tilespmem:s12+$0x3E30]  }
0x162: {  	[tilespmem:s12+$0x3DD0] =	vst v9;
	v9 =	vmul.f32 v10, v14;
	v10 =	vld [tilespmem:s12+$0x3E40]  }
0x163: {  	[tilespmem:s12+$0x3DE0] =	vst v8;
	v8 =	vmul.f32 v15, v13;
	v14 =	vld [tilespmem:s12+$0x3E50]  }
0x164: {  	[tilespmem:s12+$0x3DF0] =	vst v9;
	v9 =	vmul.f32 v11, v13;
	v11 =	vld [tilespmem:s12+$0x3E60]  }
0x165: {  	[tilespmem:s12+$0x3E00] =	vst v8;
	v8 =	vmul.f32 v12, v13;
	v12 =	vld [tilespmem:s12+$0x3E70]  }
0x166: {  	[tilespmem:s12+$0x3E10] =	vst v9;
	v9 =	vmul.f32 v16, v13;
	v15 =	vld [tilespmem:s12+$0x3E80]  }
0x167: {  	[tilespmem:s12+$0x3E20] =	vst v8;
	v8 =	vmul.f32 v10, v13;
	v10 =	vld [tilespmem:s12+$0x3E90]  }
0x168: {  	[tilespmem:s12+$0x3E30] =	vst v9;
	v9 =	vmul.f32 v14, v13;
	v14 =	vld [tilespmem:s12+$0x3EA0]  }
0x169: {  	[tilespmem:s12+$0x3E40] =	vst v8;
	v8 =	vmul.f32 v11, v13;
	v11 =	vld [tilespmem:s12+$0x3EB0]  }
0x16a: {  	[tilespmem:s12+$0x3E50] =	vst v9;
	v9 =	vmul.f32 v12, v13;
	v12 =	vld [tilespmem:s12+$0x3EC0]  }
0x16b: {  	[tilespmem:s12+$0x3E60] =	vst v8;
	v8 =	vmul.f32 v15, v7;
	v13 =	vld [tilespmem:s12+$0x3ED0]  }
0x16c: {  	[tilespmem:s12+$0x3E70] =	vst v9;
	v9 =	vmul.f32 v10, v7;
	v10 =	vld [tilespmem:s12+$0x3EE0]  }
0x16d: {  	[tilespmem:s12+$0x3E80] =	vst v8;
	v8 =	vmul.f32 v14, v7;
	v14 =	vld [tilespmem:s12+$0x3EF0]  }
0x16e: {  	[tilespmem:s12+$0x3E90] =	vst v9;
	v9 =	vmul.f32 v11, v7;
	v11 =	vld [tilespmem:s12+$0x3F00]  }
0x16f: {  	[tilespmem:s12+$0x3EA0] =	vst v8;
	v8 =	vmul.f32 v12, v7;
	v12 =	vld [tilespmem:s12+$0x3F10]  }
0x170: {  	[tilespmem:s12+$0x3EB0] =	vst v9;
	v9 =	vmul.f32 v13, v7;
	v13 =	vld [tilespmem:s12+$0x3F20]  }
0x171: {  	[tilespmem:s12+$0x3EC0] =	vst v8;
	v8 =	vmul.f32 v10, v7;
	v10 =	vbroadcast v1, $0x5;
	v15 =	vld [tilespmem:s12+$0x3F30]  }
0x172: {  	[tilespmem:s12+$0x3ED0] =	vst v9;
	v7 =	vmul.f32 v14, v7;
	v9 =	vld [tilespmem:s12+$0x3F40]  }
0x173: {  	[tilespmem:s12+$0x3EE0] =	vst v8;
	v8 =	vmul.f32 v11, v10;
	v11 =	vld [tilespmem:s12+$0x3F50]  }
0x174: {  	[tilespmem:s12+$0x3EF0] =	vst v7;
	v7 =	vmul.f32 v12, v10;
	v12 =	vld [tilespmem:s12+$0x3F60]  }
0x175: {  	[tilespmem:s12+$0x3F00] =	vst v8;
	v8 =	vmul.f32 v13, v10;
	v13 =	vld [tilespmem:s12+$0x3F70]  }
0x176: {  	[tilespmem:s12+$0x3F10] =	vst v7;
	v7 =	vmul.f32 v15, v10;
	v14 =	vld [tilespmem:s12+$0x3F80]  }
0x177: {  	[tilespmem:s12+$0x3F20] =	vst v8;
	v8 =	vmul.f32 v9, v10;
	v9 =	vld [tilespmem:s12+$0x3F90]  }
0x178: {  	[tilespmem:s12+$0x3F30] =	vst v7;
	v7 =	vmul.f32 v11, v10;
	v11 =	vld [tilespmem:s12+$0x3FA0]  }
0x179: {  	[tilespmem:s12+$0x3F40] =	vst v8;
	v8 =	vmul.f32 v12, v10;
	v12 =	vbroadcast v1, $0x6;
	v15 =	vld [tilespmem:s12+$0x3FB0]  }
0x17a: {  	[tilespmem:s12+$0x3F50] =	vst v7;
	v7 =	vmul.f32 v13, v10;
	v10 =	vld [tilespmem:s12+$0x3FC0]  }
0x17b: {  	[tilespmem:s12+$0x3F60] =	vst v8;
	v8 =	vmul.f32 v14, v12;
	v13 =	vld [tilespmem:s12+$0x3FD0]  }
0x17c: {  	[tilespmem:s12+$0x3F70] =	vst v7;
	v7 =	vmul.f32 v9, v12;
	v9 =	vld [tilespmem:s12+$0x3FE0]  }
0x17d: {  	[tilespmem:s12+$0x3F80] =	vst v8;
	v8 =	vmul.f32 v11, v12;
	v11 =	vld [tilespmem:s12+$0x3FF0]  }
0x17e: {  	[tilespmem:s12+$0x3F90] =	vst v7;
	v7 =	vmul.f32 v15, v12;
	v14 =	vld [tilespmem:s12+$0x4000]  }
0x17f: {  	[tilespmem:s12+$0x3FA0] =	vst v8;
	v8 =	vmul.f32 v10, v12;
	v10 =	vld [tilespmem:s12+$0x4010]  }
0x180: {  	[tilespmem:s12+$0x3FB0] =	vst v7;
	v7 =	vmul.f32 v13, v12;
	v13 =	vld [tilespmem:s12+$0x4020]  }
0x181: {  	[tilespmem:s12+$0x3FC0] =	vst v8;
	v8 =	vmul.f32 v9, v12;
	v9 =	vbroadcast v1, $0x7;
	v15 =	vld [tilespmem:s12+$0x4030]  }
0x182: {  	[tilespmem:s12+$0x3FD0] =	vst v7;
	v7 =	vmul.f32 v11, v12;
	v11 =	vld [tilespmem:s12+$0x4040]  }
0x183: {  	[tilespmem:s12+$0x3FE0] =	vst v8;
	v8 =	vmul.f32 v14, v9;
	v12 =	vld [tilespmem:s12+$0x4050]  }
0x184: {  	[tilespmem:s12+$0x3FF0] =	vst v7;
	v7 =	vmul.f32 v10, v9;
	v10 =	vld [tilespmem:s12+$0x4060]  }
0x185: {  	[tilespmem:s12+$0x4000] =	vst v8;
	v8 =	vmul.f32 v13, v9;
	v13 =	vld [tilespmem:s12+$0x4070]  }
0x186: {  	[tilespmem:s12+$0x4010] =	vst v7;
	v7 =	vmul.f32 v15, v9;
	v14 =	vld [tilespmem:s12+$0x4080]  }
0x187: {  	[tilespmem:s12+$0x4020] =	vst v8;
	v8 =	vmul.f32 v11, v9;
	v11 =	vld [tilespmem:s12+$0x4090]  }
0x188: {  	[tilespmem:s12+$0x4030] =	vst v7;
	v7 =	vmul.f32 v12, v9;
	v12 =	vld [tilespmem:s12+$0x40A0]  }
0x189: {  	[tilespmem:s12+$0x4040] =	vst v8;
	v8 =	vmul.f32 v10, v9;
	v10 =	vbroadcast v1, $0x8;
	v15 =	vld [tilespmem:s12+$0x40B0]  }
0x18a: {  	[tilespmem:s12+$0x4050] =	vst v7;
	v7 =	vmul.f32 v13, v9;
	v9 =	vld [tilespmem:s12+$0x40C0]  }
0x18b: {  	[tilespmem:s12+$0x4060] =	vst v8;
	v8 =	vmul.f32 v14, v10;
	v13 =	vld [tilespmem:s12+$0x40D0]  }
0x18c: {  	[tilespmem:s12+$0x4070] =	vst v7;
	v7 =	vmul.f32 v11, v10;
	v11 =	vld [tilespmem:s12+$0x40E0]  }
0x18d: {  	[tilespmem:s12+$0x4080] =	vst v8;
	v8 =	vmul.f32 v12, v10;
	v12 =	vld [tilespmem:s12+$0x40F0]  }
0x18e: {  	[tilespmem:s12+$0x4090] =	vst v7;
	v7 =	vmul.f32 v15, v10;
	v14 =	vld [tilespmem:s12+$0x4100]  }
0x18f: {  	[tilespmem:s12+$0x40A0] =	vst v8;
	v8 =	vmul.f32 v9, v10;
	v9 =	vld [tilespmem:s12+$0x4110]  }
0x190: {  	[tilespmem:s12+$0x40B0] =	vst v7;
	v7 =	vmul.f32 v13, v10;
	v13 =	vld [tilespmem:s12+$0x4120]  }
0x191: {  	[tilespmem:s12+$0x40C0] =	vst v8;
	v8 =	vmul.f32 v11, v10;
	v11 =	vbroadcast v1, $0x9;
	v15 =	vld [tilespmem:s12+$0x4130]  }
0x192: {  	[tilespmem:s12+$0x40D0] =	vst v7;
	v7 =	vmul.f32 v12, v10;
	v10 =	vld [tilespmem:s12+$0x4140]  }
0x193: {  	[tilespmem:s12+$0x40E0] =	vst v8;
	v8 =	vmul.f32 v14, v11;
	v12 =	vld [tilespmem:s12+$0x4150]  }
0x194: {  	[tilespmem:s12+$0x40F0] =	vst v7;
	v7 =	vmul.f32 v9, v11;
	v9 =	vld [tilespmem:s12+$0x4160]  }
0x195: {  	[tilespmem:s12+$0x4100] =	vst v8;
	v8 =	vmul.f32 v13, v11;
	v13 =	vld [tilespmem:s12+$0x4170]  }
0x196: {  	[tilespmem:s12+$0x4110] =	vst v7;
	v7 =	vmul.f32 v15, v11;
	v14 =	vld [tilespmem:s12+$0x4180]  }
0x197: {  	[tilespmem:s12+$0x4120] =	vst v8;
	v8 =	vmul.f32 v10, v11;
	v10 =	vld [tilespmem:s12+$0x4190]  }
0x198: {  	[tilespmem:s12+$0x4130] =	vst v7;
	v7 =	vmul.f32 v12, v11;
	v12 =	vld [tilespmem:s12+$0x41A0]  }
0x199: {  	[tilespmem:s12+$0x4140] =	vst v8;
	v8 =	vmul.f32 v9, v11;
	v9 =	vld [tilespmem:s12+$0x41B0]  }
0x19a: {  	[tilespmem:s12+$0x4150] =	vst v7;
	v7 =	vmul.f32 v13, v11;
	v11 =	vld [tilespmem:s12+$0x41C0]  }
0x19b: {  	[tilespmem:s12+$0x4160] =	vst v8;
	v8 =	vmul.f32 v14, v4;
	v13 =	vld [tilespmem:s12+$0x41D0]  }
0x19c: {  	[tilespmem:s12+$0x4170] =	vst v7;
	v7 =	vmul.f32 v10, v4;
	v10 =	vld [tilespmem:s12+$0x41E0]  }
0x19d: {  	v14 =	vld [tilespmem:s12+$0x3C80];
	[tilespmem:s12+$0x4180] =	vst v8;
	v8 =	vmul.f32 v12, v4  }
0x19e: {  	v12 =	vld [tilespmem:s12+$0x3C90];
	[tilespmem:s12+$0x4190] =	vst v7;
	v7 =	vmul.f32 v9, v4  }
0x19f: {  	v9 =	vld [tilespmem:s12+$0x3CC0];
	[tilespmem:s12+$0x41A0] =	vst v8;
	v8 =	vmul.f32 v11, v4  }
0x1a0: {  	v11 =	vld [tilespmem:s12+$0x3CD0];
	[tilespmem:s12+$0x41B0] =	vst v7;
	v7 =	vmul.f32 v13, v4  }
0x1a1: {  	[tilespmem:s12+$0x41C0] =	vst v8;
	v8 =	vmul.f32 v10, v4;
	v10 =	vbroadcast v1, $0xB;
	v13 =	vld [tilespmem:s12+$0x4220]  }
0x1a2: {  	v4 =	vbroadcast v1, $0xF;
	v14 =	vmul.f32 v2, v14;
	[tilespmem:s12+$0x41D0] =	vst v7;
	v7 =	vld [tilespmem:s12+$0x4230]  }
0x1a3: {  	v12 =	vmul.f32 v12, v2;
	[tilespmem:s12+$0x41E0] =	vst v8;
	v5 =	vmul.f32 v5, v10;
	v8 =	vld [tilespmem:s12+$0x4240]  }
0x1a4: {  	v6 =	vmul.f32 v6, v10;
	[tilespmem:s12+$0x3C80] =	vst v14;
	v9 =	vmul.f32 v9, v2;
	v14 =	vld [tilespmem:s12+$0x4250]  }
0x1a5: {  	v3 =	vmul.f32 v3, v4;
	v11 =	vmul.f32 v11, v2;
	[tilespmem:s12+$0x4200] =	vst v5;
	v2 =	vld [tilespmem:s12+$0x4260]  }
0x1a6: {  	[tilespmem:s12+$0x4210] =	vst v6;
	v5 =	vmul.f32 v13, v10;
	v6 =	vld [tilespmem:s12+$0x4270]  }
0x1a7: {  	v7 =	vmul.f32 v7, v10;
	v13 =	vld [tilespmem:s12+$0x4280];
	[tilespmem:s12+$0x4450] =	vst v3  }
0x1a8: {  	[tilespmem:s12+$0x3C90] =	vst v12;
	v3 =	vmul.f32 v8, v10;
	v8 =	vld [tilespmem:s12+$0x4290]  }
0x1a9: {  	[tilespmem:s12+$0x3CC0] =	vst v9;
	v9 =	vmul.f32 v14, v10;
	v12 =	vld [tilespmem:s12+$0x42A0]  }
0x1aa: {  	v14 =	vbroadcast v1, $0xC;
	[tilespmem:s12+$0x4220] =	vst v5;
	v5 =	vmul.f32 v2, v10;
	v15 =	vld [tilespmem:s12+$0x42B0]  }
0x1ab: {  	[tilespmem:s12+$0x4250] =	vst v9;
	v6 =	vmul.f32 v6, v10;
	v9 =	vld [tilespmem:s12+$0x42C0]  }
0x1ac: {  	[tilespmem:s12+$0x4230] =	vst v7;
	v2 =	vmul.f32 v13, v14;
	v7 =	vld [tilespmem:s12+$0x42D0]  }
0x1ad: {  	[tilespmem:s12+$0x4240] =	vst v3;
	v3 =	vmul.f32 v8, v14;
	v8 =	vld [tilespmem:s12+$0x42E0]  }
0x1ae: {  	[tilespmem:s12+$0x4280] =	vst v2;
	v2 =	vmul.f32 v12, v14;
	v10 =	vld [tilespmem:s12+$0x42F0]  }
0x1af: {  	[tilespmem:s12+$0x4290] =	vst v3;
	v3 =	vld [tilespmem:s12+$0x4300]  }
0x1b0: {  	[tilespmem:s12+$0x3CD0] =	vst v11;
	v9 =	vmul.f32 v9, v14;
	v11 =	vld [tilespmem:s12+$0x4310]  }
0x1b1: {  	[tilespmem:s12+$0x4260] =	vst v5;
	v5 =	vmul.f32 v7, v14;
	v7 =	vld [tilespmem:s12+$0x4320]  }
0x1b2: {  	[tilespmem:s12+$0x42C0] =	vst v9;
	v8 =	vmul.f32 v8, v14;
	v9 =	vbroadcast v1, $0xD;
	v12 =	vld [tilespmem:s12+$0x4330]  }
0x1b3: {  	[tilespmem:s12+$0x42D0] =	vst v5;
	v5 =	vmul.f32 v10, v14;
	v10 =	vld [tilespmem:s12+$0x4340]  }
0x1b4: {  	[tilespmem:s12+$0x42E0] =	vst v8;
	v3 =	vmul.f32 v3, v9;
	v8 =	vld [tilespmem:s12+$0x4350]  }
0x1b5: {  	[tilespmem:s12+$0x42F0] =	vst v5;
	v5 =	vmul.f32 v11, v9;
	v11 =	vld [tilespmem:s12+$0x4360]  }
0x1b6: {  	[tilespmem:s12+$0x4300] =	vst v3;
	v3 =	vmul.f32 v7, v9;
	v7 =	vld [tilespmem:s12+$0x4370]  }
0x1b7: {  	[tilespmem:s12+$0x4310] =	vst v5;
	v5 =	vmul.f32 v12, v9;
	v12 =	vld [tilespmem:s12+$0x4380]  }
0x1b8: {  	[tilespmem:s12+$0x4320] =	vst v3;
	v3 =	vmul.f32 v10, v9;
	v10 =	vld [tilespmem:s12+$0x4390]  }
0x1b9: {  	[tilespmem:s12+$0x4330] =	vst v5;
	v5 =	vmul.f32 v8, v9;
	v8 =	vld [tilespmem:s12+$0x43A0]  }
0x1ba: {  	v1 =	vbroadcast v1, $0xE;
	[tilespmem:s12+$0x4270] =	vst v6;
	v6 =	vmul.f32 v11, v9;
	v11 =	vld [tilespmem:s12+$0x43B0]  }
0x1bb: {  	[tilespmem:s12+$0x4350] =	vst v5;
	v5 =	vmul.f32 v7, v9;
	v7 =	vld [tilespmem:s12+$0x43C0]  }
0x1bc: {  	[tilespmem:s12+$0x4360] =	vst v6;
	v6 =	vmul.f32 v12, v1;
	v9 =	vld [tilespmem:s12+$0x43D0]  }
0x1bd: {  	[tilespmem:s12+$0x4370] =	vst v5;
	v5 =	vmul.f32 v10, v1;
	v10 =	vld [tilespmem:s12+$0x43E0]  }
0x1be: {  	[tilespmem:s12+$0x4380] =	vst v6;
	v6 =	vmul.f32 v8, v1;
	v8 =	vld [tilespmem:s12+$0x43F0]  }
0x1bf: {  	[tilespmem:s12+$0x4390] =	vst v5;
	v5 =	vmul.f32 v11, v1;
	v11 =	vld [tilespmem:s12+$0x4400]  }
0x1c0: {  	[tilespmem:s12+$0x43A0] =	vst v6;
	v6 =	vmul.f32 v7, v1;
	v7 =	vld [tilespmem:s12+$0x4410]  }
0x1c1: {  	[tilespmem:s12+$0x43B0] =	vst v5;
	v5 =	vmul.f32 v9, v1;
	v9 =	vld [tilespmem:s12+$0x4420]  }
0x1c2: {  	[tilespmem:s12+$0x43C0] =	vst v6;
	v6 =	vmul.f32 v10, v1;
	v10 =	vld [tilespmem:s12+$0x4430]  }
0x1c3: {  	[tilespmem:s12+$0x4340] =	vst v3;
	v1 =	vmul.f32 v8, v1;
	v3 =	vld [tilespmem:s12+$0x4440]  }
0x1c4: {  	[tilespmem:s12+$0x43E0] =	vst v6;
	v6 =	vmul.f32 v11, v4;
	v8 =	vld [tilespmem:s12+$0x4460]  }
0x1c5: {  	[tilespmem:s12+$0x43F0] =	vst v1;
	v1 =	vmul.f32 v7, v4;
	v7 =	vld [tilespmem:s12+$0x4470]  }
0x1c6: {  	[tilespmem:s12+$0x4400] =	vst v6;
	v6 =	vmul.f32 v9, v4  }
0x1c7: {  	[tilespmem:s12+$0x4410] =	vst v1;
	v1 =	vmul.f32 v10, v4  }
0x1c8: {  	v9 =	vmul.f32 v15, v14;
	[tilespmem:s12+$0x4420] =	vst v6  }
0x1c9: {  	[tilespmem:s12+$0x4430] =	vst v1;
	v1 =	vmul.f32 v3, v4  }
.Ltmp2:
0x1ca: {  	[tilespmem:s12+$0x42B0] =	vst v9;
	v3 =	vmul.f32 v7, v4;
	(pc) =	sbr.rel @p0 .LBB2_3-.Ltmp2, $4  }
0x1cb: {  	[tilespmem:s12+$0x4440] =	vst v1  }
0x1cc: {  	v1 =	vmul.f32 v8, v4;
	[tilespmem:s12+$0x4470] =	vst v3  }
0x1cd: {  	[tilespmem:s12+$0x43D0] =	vst v5  }
0x1ce: {  	[tilespmem:s12+$0x4460] =	vst v1  }
0x1cf: {  	[tilespmem:s12+$0x42A0] =	vst v2  }
0x1d0: {  	v0 =	vld [tilespmem:s11+$0x1380];
	_ =	sdelay $0x4  }
0x1d1: {  	[tilespmem:$0x3B80] =	vst v0  }
0x1d2: {  	v0 =	vld [tilespmem:s11+$0x1390];
	_ =	sdelay $0x4  }
0x1d3: {  	[tilespmem:$0x3B90] =	vst v0  }
0x1d4: {  	v0 =	vld [tilespmem:s11+$0x13A0];
	_ =	sdelay $0x4  }
0x1d5: {  	[tilespmem:$0x3BA0] =	vst v0  }
0x1d6: {  	v0 =	vld [tilespmem:s11+$0x13B0];
	_ =	sdelay $0x4  }
0x1d7: {  	[tilespmem:$0x3BB0] =	vst v0  }
0x1d8: {  	[spmem:s2] =	stream.indirect.scatter.add.f32 [tilespmem:s30], [sflag:$0x4], $0x80, s21, s28, $0xb8;
	[tilespmem:$0x1BA80] =	vst v63  }
0x1d9: {  	_ =	swait.ge [sflag:s20], $0x2000  }
0x1da: {  	[sflag:s20] =	ssyncset.done $0x0  }
0x1db: {  	s12 =	sshll.u32 s10, $0x7;
	p0 =	seq.s32 s10, $0x26;
	[sflag:s20] =	ssyncadd.s32 $0xFFFFE000  }
0x1dc: {  	v0 =	vld @!p0 [tilespmem:s12+$0x80];
	_ =	sdelay $0x4  }
0x1dd: {  	[tilespmem:$0x3A80] =	vst @!p0 v0  }
0x1de: {  	v0 =	vld @!p0 [tilespmem:s12+$0x90];
	_ =	sdelay $0x4  }
0x1df: {  	[tilespmem:$0x3A90] =	vst @!p0 v0  }
0x1e0: {  	v0 =	vld @!p0 [tilespmem:s12+$0xA0];
	_ =	sdelay $0x4  }
0x1e1: {  	[tilespmem:$0x3AA0] =	vst @!p0 v0  }
0x1e2: {  	v0 =	vld @!p0 [tilespmem:s12+$0xB0];
	_ =	sdelay $0x3  }
0x1e3: {  	s13 =	sadd.s32 $0x2740, s11  }
0x1e4: {  	s14 =	simm.s32 @!p0 $0x40;
	s15 =	simm.s32 @!p0 $0x3A80;
	[tilespmem:$0x3AB0] =	vst @!p0 v0;
	v0 =	vmov s13;
	s13 =	simm.s32 @!p0 $0x3C80  }
0x1e5: {  	[tilespmem:s13], [sflag:$0x1] =	stream.indirect.gather @!p0 [hbm4b:s4+s14], $0x80, s15, s14, $0xb8;
	[tilespmem:$0x1BA80] =	vst v63  }
0x1e6: {  	_ =	swait.ge [sflag:s26], $0x2000  }
0x1e7: {  	s14 =	simm.s32 $0x0;
	[sflag:s26] =	ssyncset.done $0x0  }
0x1e8: {  	s13 =	sand.u32 $0x3FFFFFF0, s14;
	[sflag:s26] =	ssyncadd.s32 $0xFFFFE000  }
0x1e9: {  	s15 =	simm.s32 $0x0;
	v1 =	vld.idx.msk [tilespmem:v0+s13+$0x0 ss:$0x1], $0xffff  }
0x1ea: {  	s13 =	sand.u32 $0x3FFFF800, s15  }
0x1eb: {  	v3 =	vld [tilespmem:s13+$0x5CA0]  }
0x1ec: {  	v4 =	vld [tilespmem:s13+$0x5CB0]  }
0x1ed: {  	v10 =	vld [tilespmem:s13+$0x5CE0]  }
0x1ee: {  	v11 =	vld [tilespmem:s13+$0x5CF0];
	v2 =	vbroadcast v1, $0x0  }
0x1ef: {  	v12 =	vld [tilespmem:s13+$0x5D00]  }
0x1f0: {  	v13 =	vld [tilespmem:s13+$0x5D10];
	v3 =	vmul.f32 v3, v2  }
0x1f1: {  	v14 =	vld [tilespmem:s13+$0x5D20];
	v4 =	vmul.f32 v4, v2  }
0x1f2: {  	v9 =	vld [tilespmem:s13+$0x5D30];
	v23 =	vbroadcast v1, $0x1;
	v22 =	vmul.f32 v10, v2;
	[tilespmem:s13+$0x5CA0] =	vst v3  }
0x1f3: {  	v7 =	vld [tilespmem:s13+$0x5D40];
	v11 =	vmul.f32 v11, v2;
	[tilespmem:s13+$0x5CB0] =	vst v4  }
0x1f4: {  	v8 =	vld [tilespmem:s13+$0x5D50];
	v12 =	vmul.f32 v12, v23;
	[tilespmem:s13+$0x5CE0] =	vst v22  }
0x1f5: {  	v25 =	vld [tilespmem:s13+$0x5D70];
	v13 =	vmul.f32 v13, v23;
	[tilespmem:s13+$0x5CF0] =	vst v11  }
0x1f6: {  	v26 =	vld [tilespmem:s13+$0x5D80];
	v14 =	vmul.f32 v14, v23;
	[tilespmem:s13+$0x5D00] =	vst v12  }
0x1f7: {  	v27 =	vld [tilespmem:s13+$0x5D90];
	v9 =	vmul.f32 v9, v23;
	[tilespmem:s13+$0x5D10] =	vst v13  }
0x1f8: {  	v6 =	vld [tilespmem:s13+$0x61F0];
	v7 =	vmul.f32 v7, v23;
	[tilespmem:s13+$0x5D20] =	vst v14  }
0x1f9: {  	v24 =	vld [tilespmem:s13+$0x5D60];
	v15 =	vbroadcast v1, $0x2;
	v8 =	vmul.f32 v8, v23;
	[tilespmem:s13+$0x5D30] =	vst v9  }
0x1fa: {  	v28 =	vld [tilespmem:s13+$0x5DA0];
	v10 =	vmul.f32 v25, v23;
	[tilespmem:s13+$0x5D40] =	vst v7  }
0x1fb: {  	v29 =	vld [tilespmem:s13+$0x5DB0];
	v5 =	vbroadcast v1, $0xA;
	v32 =	vmul.f32 v26, v15;
	[tilespmem:s13+$0x5D50] =	vst v8  }
0x1fc: {  	v30 =	vld [tilespmem:s13+$0x5DC0];
	v34 =	vmul.f32 v27, v15;
	[tilespmem:s13+$0x5D70] =	vst v10  }
0x1fd: {  	v33 =	vld [tilespmem:s13+$0x5DE0];
	v3 =	vmul.f32 v6, v5;
	[tilespmem:s13+$0x5D80] =	vst v32  }
0x1fe: {  	v35 =	vld [tilespmem:s13+$0x5DF0];
	v11 =	vmul.f32 v24, v23;
	[tilespmem:s13+$0x5D90] =	vst v34  }
0x1ff: {  	v36 =	vld [tilespmem:s13+$0x5E00];
	v9 =	vmul.f32 v28, v15;
	[tilespmem:s13+$0x61F0] =	vst v3  }
0x200: {  	v31 =	vld [tilespmem:s13+$0x5DD0];
	v7 =	vmul.f32 v29, v15;
	[tilespmem:s13+$0x5D60] =	vst v11  }
0x201: {  	v37 =	vld [tilespmem:s13+$0x5E10];
	v8 =	vmul.f32 v30, v15;
	[tilespmem:s13+$0x5DA0] =	vst v9  }
0x202: {  	v38 =	vld [tilespmem:s13+$0x5E20];
	v41 =	vbroadcast v1, $0x3;
	v10 =	vmul.f32 v33, v15;
	[tilespmem:s13+$0x5DB0] =	vst v7  }
0x203: {  	v39 =	vld [tilespmem:s13+$0x5E30];
	v12 =	vmul.f32 v35, v15;
	[tilespmem:s13+$0x5DC0] =	vst v8  }
0x204: {  	v42 =	vld [tilespmem:s13+$0x5E50];
	v13 =	vmul.f32 v36, v41;
	[tilespmem:s13+$0x5DE0] =	vst v10  }
0x205: {  	v43 =	vld [tilespmem:s13+$0x5E60];
	v11 =	vmul.f32 v31, v15;
	[tilespmem:s13+$0x5DF0] =	vst v12  }
0x206: {  	v44 =	vld [tilespmem:s13+$0x5E70];
	v9 =	vmul.f32 v37, v41;
	[tilespmem:s13+$0x5E00] =	vst v13  }
0x207: {  	v40 =	vld [tilespmem:s13+$0x5E40];
	v7 =	vmul.f32 v38, v41;
	[tilespmem:s13+$0x5DD0] =	vst v11  }
0x208: {  	v45 =	vld [tilespmem:s13+$0x5E80];
	v8 =	vmul.f32 v39, v41;
	[tilespmem:s13+$0x5E10] =	vst v9  }
0x209: {  	v46 =	vld [tilespmem:s13+$0x5E90];
	v10 =	vmul.f32 v42, v41;
	[tilespmem:s13+$0x5E20] =	vst v7  }
0x20a: {  	v47 =	vld [tilespmem:s13+$0x5EA0];
	v12 =	vmul.f32 v43, v41;
	[tilespmem:s13+$0x5E30] =	vst v8  }
0x20b: {  	v49 =	vld [tilespmem:s13+$0x5EC0];
	v50 =	vbroadcast v1, $0x4;
	v13 =	vmul.f32 v44, v41;
	[tilespmem:s13+$0x5E50] =	vst v10  }
0x20c: {  	v51 =	vld [tilespmem:s13+$0x5ED0];
	v11 =	vmul.f32 v40, v41;
	[tilespmem:s13+$0x5E60] =	vst v12  }
0x20d: {  	v52 =	vld [tilespmem:s13+$0x5EE0];
	v9 =	vmul.f32 v45, v50;
	[tilespmem:s13+$0x5E70] =	vst v13  }
0x20e: {  	v48 =	vld [tilespmem:s13+$0x5EB0];
	v7 =	vmul.f32 v46, v50;
	[tilespmem:s13+$0x5E40] =	vst v11  }
0x20f: {  	v53 =	vld [tilespmem:s13+$0x5EF0];
	v8 =	vmul.f32 v47, v50;
	[tilespmem:s13+$0x5E80] =	vst v9  }
0x210: {  	v54 =	vld [tilespmem:s13+$0x5F00];
	v10 =	vmul.f32 v49, v50;
	[tilespmem:s13+$0x5E90] =	vst v7  }
0x211: {  	v55 =	vld [tilespmem:s13+$0x5F10];
	v12 =	vmul.f32 v51, v50;
	[tilespmem:s13+$0x5EA0] =	vst v8  }
0x212: {  	v57 =	vld [tilespmem:s13+$0x5F30];
	v13 =	vmul.f32 v52, v50;
	[tilespmem:s13+$0x5EC0] =	vst v10  }
0x213: {  	v58 =	vld [tilespmem:s13+$0x5F40];
	v59 =	vbroadcast v1, $0x5;
	v11 =	vmul.f32 v48, v50;
	[tilespmem:s13+$0x5ED0] =	vst v12  }
0x214: {  	v60 =	vld [tilespmem:s13+$0x5F50];
	v9 =	vmul.f32 v53, v50;
	[tilespmem:s13+$0x5EE0] =	vst v13  }
0x215: {  	v56 =	vld [tilespmem:s13+$0x5F20];
	v7 =	vmul.f32 v54, v59;
	[tilespmem:s13+$0x5EB0] =	vst v11  }
0x216: {  	v61 =	vld [tilespmem:s13+$0x5F60];
	v8 =	vmul.f32 v55, v59;
	[tilespmem:s13+$0x5EF0] =	vst v9  }
0x217: {  	v62 =	vld [tilespmem:s13+$0x5F70];
	v10 =	vmul.f32 v57, v59;
	[tilespmem:s13+$0x5F00] =	vst v7  }
0x218: {  	v63 =	vld [tilespmem:s13+$0x5F80];
	v12 =	vmul.f32 v58, v59;
	[tilespmem:s13+$0x5F10] =	vst v8  }
0x219: {  	v19 =	vld [tilespmem:s13+$0x5FA0];
	v13 =	vmul.f32 v60, v59;
	[tilespmem:s13+$0x5F30] =	vst v10  }
0x21a: {  	v20 =	vld [tilespmem:s13+$0x5FB0];
	v11 =	vmul.f32 v56, v59;
	[tilespmem:s13+$0x5F40] =	vst v12  }
0x21b: {  	v21 =	vld [tilespmem:s13+$0x5FC0];
	v22 =	vbroadcast v1, $0x6;
	v9 =	vmul.f32 v61, v59;
	[tilespmem:s13+$0x5F50] =	vst v13  }
0x21c: {  	v18 =	vld [tilespmem:s13+$0x5F90];
	v7 =	vmul.f32 v62, v59;
	[tilespmem:s13+$0x5F20] =	vst v11  }
0x21d: {  	v23 =	vld [tilespmem:s13+$0x5FD0];
	v8 =	vmul.f32 v63, v22;
	[tilespmem:s13+$0x5F60] =	vst v9  }
0x21e: {  	v24 =	vld [tilespmem:s13+$0x5FE0];
	v10 =	vmul.f32 v19, v22;
	[tilespmem:s13+$0x5F70] =	vst v7  }
0x21f: {  	v25 =	vld [tilespmem:s13+$0x5FF0];
	v12 =	vmul.f32 v20, v22;
	[tilespmem:s13+$0x5F80] =	vst v8  }
0x220: {  	v27 =	vld [tilespmem:s13+$0x6010];
	v13 =	vmul.f32 v21, v22;
	[tilespmem:s13+$0x5FA0] =	vst v10  }
0x221: {  	v28 =	vld [tilespmem:s13+$0x6020];
	v11 =	vmul.f32 v18, v22;
	[tilespmem:s13+$0x5FB0] =	vst v12  }
0x222: {  	v29 =	vld [tilespmem:s13+$0x6030];
	v9 =	vmul.f32 v23, v22;
	[tilespmem:s13+$0x5FC0] =	vst v13  }
0x223: {  	v31 =	vbroadcast v1, $0x7;
	v53 =	vld [tilespmem:s13+$0x6180];
	v7 =	vmul.f32 v24, v22;
	[tilespmem:s13+$0x5F90] =	vst v11  }
0x224: {  	v57 =	vld [tilespmem:s13+$0x61C0];
	v8 =	vmul.f32 v25, v22;
	[tilespmem:s13+$0x5FD0] =	vst v9  }
0x225: {  	v58 =	vld [tilespmem:s13+$0x61D0];
	v10 =	vmul.f32 v27, v31;
	[tilespmem:s13+$0x5FE0] =	vst v7  }
0x226: {  	v26 =	vld [tilespmem:s13+$0x6000];
	v12 =	vmul.f32 v28, v31;
	[tilespmem:s13+$0x5FF0] =	vst v8  }
0x227: {  	v30 =	vld [tilespmem:s13+$0x6040];
	v13 =	vmul.f32 v29, v31;
	[tilespmem:s13+$0x6010] =	vst v10  }
0x228: {  	v32 =	vld [tilespmem:s13+$0x6050];
	v59 =	vmul.f32 v53, v5;
	[tilespmem:s13+$0x6020] =	vst v12  }
0x229: {  	v33 =	vld [tilespmem:s13+$0x6060];
	v18 =	vmul.f32 v57, v5;
	[tilespmem:s13+$0x6030] =	vst v13  }
0x22a: {  	v35 =	vld [tilespmem:s13+$0x6080];
	v20 =	vmul.f32 v58, v5;
	[tilespmem:s13+$0x6180] =	vst v59  }
0x22b: {  	v36 =	vld [tilespmem:s13+$0x6090];
	v11 =	vmul.f32 v26, v31;
	[tilespmem:s13+$0x61C0] =	vst v18  }
0x22c: {  	v37 =	vld [tilespmem:s13+$0x60A0];
	v9 =	vmul.f32 v30, v31;
	[tilespmem:s13+$0x61D0] =	vst v20  }
0x22d: {  	v4 =	vld [tilespmem:s13+$0x6200];
	v40 =	vbroadcast v1, $0x8;
	v7 =	vmul.f32 v32, v31;
	[tilespmem:s13+$0x6000] =	vst v11  }
0x22e: {  	v6 =	vld [tilespmem:s13+$0x6210];
	v8 =	vmul.f32 v33, v31;
	[tilespmem:s13+$0x6040] =	vst v9  }
0x22f: {  	v3 =	vld [tilespmem:s13+$0x6450];
	v10 =	vmul.f32 v35, v40;
	[tilespmem:s13+$0x6050] =	vst v7  }
0x230: {  	v61 =	vld [tilespmem:s13+$0x5C80];
	v23 =	vbroadcast v1, $0xB;
	v12 =	vmul.f32 v36, v40;
	[tilespmem:s13+$0x6060] =	vst v8  }
0x231: {  	v34 =	vld [tilespmem:s13+$0x6070];
	v13 =	vmul.f32 v37, v40;
	[tilespmem:s13+$0x6080] =	vst v10  }
0x232: {  	v38 =	vld [tilespmem:s13+$0x60B0];
	v27 =	vbroadcast v1, $0xF;
	v4 =	vmul.f32 v4, v23;
	[tilespmem:s13+$0x6090] =	vst v12  }
0x233: {  	v39 =	vld [tilespmem:s13+$0x60C0];
	v6 =	vmul.f32 v6, v23;
	[tilespmem:s13+$0x60A0] =	vst v13  }
0x234: {  	v41 =	vld [tilespmem:s13+$0x60D0];
	v3 =	vmul.f32 v3, v27;
	[tilespmem:s13+$0x6200] =	vst v4  }
0x235: {  	v43 =	vld [tilespmem:s13+$0x60F0];
	v24 =	vmul.f32 v2, v61;
	[tilespmem:s13+$0x6210] =	vst v6  }
0x236: {  	v44 =	vld [tilespmem:s13+$0x6100];
	v11 =	vmul.f32 v34, v31;
	[tilespmem:s13+$0x6450] =	vst v3  }
0x237: {  	v45 =	vld [tilespmem:s13+$0x6110];
	v9 =	vmul.f32 v38, v40;
	[tilespmem:s13+$0x5C80] =	vst v24  }
0x238: {  	v63 =	vld [tilespmem:s13+$0x5CC0];
	v7 =	vmul.f32 v39, v40;
	[tilespmem:s13+$0x6070] =	vst v11  }
0x239: {  	v49 =	vbroadcast v1, $0x9;
	v29 =	vld [tilespmem:s13+$0x6270];
	v8 =	vmul.f32 v41, v40;
	[tilespmem:s13+$0x60B0] =	vst v9  }
0x23a: {  	v42 =	vld [tilespmem:s13+$0x60E0];
	v10 =	vmul.f32 v43, v40;
	[tilespmem:s13+$0x60C0] =	vst v7  }
0x23b: {  	v46 =	vld [tilespmem:s13+$0x6120];
	v12 =	vmul.f32 v44, v49;
	[tilespmem:s13+$0x60D0] =	vst v8  }
0x23c: {  	v47 =	vld [tilespmem:s13+$0x6130];
	v13 =	vmul.f32 v45, v49;
	[tilespmem:s13+$0x60F0] =	vst v10  }
0x23d: {  	v48 =	vld [tilespmem:s13+$0x6140];
	v3 =	vmul.f32 v63, v2;
	[tilespmem:s13+$0x6100] =	vst v12  }
0x23e: {  	v51 =	vld [tilespmem:s13+$0x6160];
	v6 =	vmul.f32 v29, v23;
	[tilespmem:s13+$0x6110] =	vst v13  }
0x23f: {  	v52 =	vld [tilespmem:s13+$0x6170];
	v11 =	vmul.f32 v42, v40;
	[tilespmem:s13+$0x5CC0] =	vst v3  }
0x240: {  	v28 =	vld [tilespmem:s13+$0x6260];
	v9 =	vmul.f32 v46, v49;
	[tilespmem:s13+$0x6270] =	vst v6  }
0x241: {  	v26 =	vld [tilespmem:s13+$0x6250];
	v7 =	vmul.f32 v47, v49;
	[tilespmem:s13+$0x60E0] =	vst v11  }
0x242: {  	v30 =	vld [tilespmem:s13+$0x6280];
	v8 =	vmul.f32 v48, v49;
	[tilespmem:s13+$0x6120] =	vst v9  }
0x243: {  	v50 =	vld [tilespmem:s13+$0x6150];
	v10 =	vmul.f32 v51, v49;
	[tilespmem:s13+$0x6130] =	vst v7  }
0x244: {  	v54 =	vld [tilespmem:s13+$0x6190];
	v12 =	vmul.f32 v52, v49;
	[tilespmem:s13+$0x6140] =	vst v8  }
0x245: {  	v55 =	vld [tilespmem:s13+$0x61A0];
	v35 =	vbroadcast v1, $0xC;
	v40 =	vmul.f32 v28, v23;
	[tilespmem:s13+$0x6160] =	vst v10  }
0x246: {  	v56 =	vld [tilespmem:s13+$0x61B0];
	v32 =	vmul.f32 v26, v23;
	[tilespmem:s13+$0x6170] =	vst v12  }
0x247: {  	v60 =	vld [tilespmem:s13+$0x61E0];
	v15 =	vmul.f32 v30, v35;
	[tilespmem:s13+$0x6260] =	vst v40  }
0x248: {  	v62 =	vld [tilespmem:s13+$0x5C90];
	v11 =	vmul.f32 v50, v49;
	[tilespmem:s13+$0x6250] =	vst v32  }
0x249: {  	v19 =	vld [tilespmem:s13+$0x5CD0];
	v9 =	vmul.f32 v54, v5;
	[tilespmem:s13+$0x6280] =	vst v15  }
0x24a: {  	v33 =	vld [tilespmem:s13+$0x62B0];
	v7 =	vmul.f32 v55, v5;
	[tilespmem:s13+$0x6150] =	vst v11  }
0x24b: {  	v61 =	vld [tilespmem:s13+$0x6470];
	v8 =	vmul.f32 v56, v5;
	[tilespmem:s13+$0x6190] =	vst v9  }
0x24c: {  	v38 =	vld [tilespmem:s13+$0x62F0];
	v5 =	vmul.f32 v60, v5;
	[tilespmem:s13+$0x61A0] =	vst v7  }
0x24d: {  	v21 =	vld [tilespmem:s13+$0x6220];
	v12 =	vmul.f32 v62, v2;
	[tilespmem:s13+$0x61B0] =	vst v8  }
0x24e: {  	v22 =	vld [tilespmem:s13+$0x6230];
	v2 =	vmul.f32 v19, v2;
	[tilespmem:s13+$0x61E0] =	vst v5  }
0x24f: {  	v25 =	vld [tilespmem:s13+$0x6240];
	v62 =	vmul.f32 v33, v35;
	[tilespmem:s13+$0x5C90] =	vst v12  }
0x250: {  	v31 =	vld [tilespmem:s13+$0x6290];
	v63 =	vmul.f32 v61, v27;
	[tilespmem:s13+$0x5CD0] =	vst v2  }
0x251: {  	v34 =	vld [tilespmem:s13+$0x62C0];
	v15 =	vmul.f32 v38, v35;
	[tilespmem:s13+$0x62B0] =	vst v62  }
0x252: {  	v41 =	vld [tilespmem:s13+$0x6320];
	v7 =	vmul.f32 v21, v23;
	[tilespmem:s13+$0x6470] =	vst v63  }
0x253: {  	v46 =	vld [tilespmem:s13+$0x6360];
	v8 =	vmul.f32 v22, v23;
	[tilespmem:s13+$0x62F0] =	vst v15  }
0x254: {  	v36 =	vld [tilespmem:s13+$0x62D0];
	v5 =	vmul.f32 v25, v23;
	[tilespmem:s13+$0x6220] =	vst v7  }
0x255: {  	v44 =	vbroadcast v1, $0xD;
	v9 =	vmul.f32 v31, v35;
	v2 =	vld [tilespmem:s13+$0x6310];
	[tilespmem:s13+$0x6230] =	vst v8  }
0x256: {  	v37 =	vld [tilespmem:s13+$0x62E0];
	v12 =	vmul.f32 v34, v35;
	[tilespmem:s13+$0x6240] =	vst v5  }
0x257: {  	v39 =	vld [tilespmem:s13+$0x6300];
	v11 =	vmul.f32 v41, v44;
	[tilespmem:s13+$0x6290] =	vst v9  }
0x258: {  	v42 =	vld [tilespmem:s13+$0x6330];
	v51 =	vmul.f32 v46, v44;
	[tilespmem:s13+$0x62C0] =	vst v12  }
0x259: {  	v48 =	vld [tilespmem:s13+$0x6390];
	v8 =	vmul.f32 v36, v35;
	[tilespmem:s13+$0x6320] =	vst v11  }
0x25a: {  	v49 =	vld [tilespmem:s13+$0x63A0];
	[tilespmem:s13+$0x6360] =	vst v51;
	v2 =	vmul.f32 v2, v44  }
0x25b: {  	v50 =	vld [tilespmem:s13+$0x63B0];
	v5 =	vmul.f32 v37, v35;
	[tilespmem:s13+$0x62D0] =	vst v8  }
0x25c: {  	v1 =	vbroadcast v1, $0xE;
	v9 =	vmul.f32 v39, v44;
	[tilespmem:s13+$0x6310] =	vst v2;
	v2 =	vld [tilespmem:s13+$0x6380]  }
0x25d: {  	v60 =	vld [tilespmem:s13+$0x6460];
	v12 =	vmul.f32 v42, v44;
	[tilespmem:s13+$0x62E0] =	vst v5  }
0x25e: {  	v45 =	vld [tilespmem:s13+$0x6350];
	v11 =	vmul.f32 v48, v1;
	[tilespmem:s13+$0x6300] =	vst v9  }
0x25f: {  	v47 =	vld [tilespmem:s13+$0x6370];
	v10 =	vmul.f32 v49, v1;
	[tilespmem:s13+$0x6330] =	vst v12  }
0x260: {  	v43 =	vld [tilespmem:s13+$0x6340];
	v6 =	vmul.f32 v50, v1;
	[tilespmem:s13+$0x6390] =	vst v11  }
0x261: {  	v55 =	vld [tilespmem:s13+$0x6400];
	[tilespmem:s13+$0x63A0] =	vst v10;
	v2 =	vmul.f32 v2, v1  }
0x262: {  	v57 =	vld [tilespmem:s13+$0x6420];
	v4 =	vmul.f32 v60, v27;
	[tilespmem:s13+$0x63B0] =	vst v6  }
0x263: {  	v5 =	vmul.f32 v45, v44;
	[tilespmem:s13+$0x6380] =	vst v2;
	v2 =	vld [tilespmem:s13+$0x63F0]  }
0x264: {  	v52 =	vld [tilespmem:s13+$0x63C0];
	v9 =	vmul.f32 v47, v44;
	[tilespmem:s13+$0x6460] =	vst v4  }
0x265: {  	v56 =	vld [tilespmem:s13+$0x6410];
	v8 =	vmul.f32 v43, v44;
	[tilespmem:s13+$0x6350] =	vst v5  }
0x266: {  	v54 =	vld [tilespmem:s13+$0x63E0];
	v11 =	vmul.f32 v55, v27;
	[tilespmem:s13+$0x6370] =	vst v9  }
0x267: {  	v58 =	vld [tilespmem:s13+$0x6430];
	v6 =	vmul.f32 v57, v27;
	[tilespmem:s13+$0x6340] =	vst v8  }
0x268: {  	v53 =	vld [tilespmem:s13+$0x63D0];
	[tilespmem:s13+$0x6400] =	vst v11;
	v2 =	vmul.f32 v2, v1  }
0x269: {  	v59 =	vld [tilespmem:s13+$0x6440];
	v5 =	vmul.f32 v52, v1;
	[tilespmem:s13+$0x6420] =	vst v6  }
0x26a: {  	[tilespmem:s13+$0x63F0] =	vst v2;
	v2 =	vmul.f32 v56, v27  }
0x26b: {  	v3 =	vld [tilespmem:s13+$0x62A0];
	v9 =	vmul.f32 v54, v1;
	[tilespmem:s13+$0x63C0] =	vst v5  }
0x26c: {  	[tilespmem:s13+$0x6410] =	vst v2;
	v2 =	vmul.f32 v58, v27  }
0x26d: {  	[tilespmem:s13+$0x63E0] =	vst v9;
	v1 =	vmul.f32 v53, v1  }
0x26e: {  	[tilespmem:s13+$0x6430] =	vst v2;
	v2 =	vmul.f32 v59, v27  }
0x26f: {  	[tilespmem:s13+$0x63D0] =	vst v1  }
0x270: {  	s14 =	simm.s32 $0x1;
	[tilespmem:s13+$0x6440] =	vst v2;
	v2 =	vmul.f32 v3, v35  }
.LBB2_5:
0x271: {  	s15 =	sshll.u32 s14, $0x4  }
0x272: {  	p1 =	sne.s32 s14, $0x3;
	[tilespmem:s13+$0x62A0] =	vst v2;
	s13 =	smov.u32 s14;
	s14 =	sadd.s32 $0x1, s14  }
0x273: {  	s15 =	sand.u32 $0x3FFFFFF0, s15  }
0x274: {  	v1 =	vld.idx.msk [tilespmem:v0+s15+$0x0 ss:$0x1], $0xffff  }
0x275: {  	s13 =	sshll.u32 s13, $0xB  }
0x276: {  	s13 =	sand.u32 $0x3FFFF800, s13  }
0x277: {  	v8 =	vld [tilespmem:s13+$0x5D40]  }
0x278: {  	v9 =	vld [tilespmem:s13+$0x5D50]  }
0x279: {  	v10 =	vld [tilespmem:s13+$0x5D30]  }
0x27a: {  	v2 =	vbroadcast v1, $0x0;
	v7 =	vbroadcast v1, $0x4;
	v3 =	vld [tilespmem:s13+$0x5CA0]  }
0x27b: {  	v5 =	vld [tilespmem:s13+$0x5CB0]  }
0x27c: {  	v6 =	vld [tilespmem:s13+$0x61F0]  }
0x27d: {  	v11 =	vld [tilespmem:s13+$0x5CE0]  }
0x27e: {  	v12 =	vld [tilespmem:s13+$0x5CF0]  }
0x27f: {  	v4 =	vbroadcast v1, $0xA;
	v3 =	vmul.f32 v3, v2;
	v13 =	vld [tilespmem:s13+$0x5D00]  }
0x280: {  	v5 =	vmul.f32 v5, v2;
	v14 =	vld [tilespmem:s13+$0x5D10]  }
0x281: {  	[tilespmem:s13+$0x5CA0] =	vst v3;
	v15 =	vld [tilespmem:s13+$0x5D20];
	v3 =	vmul.f32 v6, v4  }
0x282: {  	[tilespmem:s13+$0x5CB0] =	vst v5;
	v6 =	vmul.f32 v11, v2;
	v11 =	vbroadcast v1, $0x1;
	v5 =	vld [tilespmem:s13+$0x6200]  }
0x283: {  	v12 =	vmul.f32 v12, v2;
	[tilespmem:s13+$0x61F0] =	vst v3;
	v3 =	vld [tilespmem:s13+$0x6450]  }
0x284: {  	[tilespmem:s13+$0x5CE0] =	vst v6;
	v13 =	vmul.f32 v13, v11;
	v6 =	vld [tilespmem:s13+$0x6210]  }
0x285: {  	[tilespmem:s13+$0x5CF0] =	vst v12;
	v12 =	vmul.f32 v14, v11;
	v14 =	vld [tilespmem:s13+$0x5D60]  }
0x286: {  	[tilespmem:s13+$0x5D00] =	vst v13;
	v13 =	vmul.f32 v15, v11;
	v15 =	vld [tilespmem:s13+$0x5D70]  }
0x287: {  	v10 =	vmul.f32 v10, v11;
	[tilespmem:s13+$0x5D10] =	vst v12;
	v12 =	vld [tilespmem:s13+$0x5D80]  }
0x288: {  	v8 =	vmul.f32 v8, v11;
	[tilespmem:s13+$0x5D20] =	vst v13;
	v13 =	vld [tilespmem:s13+$0x5D90]  }
0x289: {  	v9 =	vmul.f32 v9, v11;
	[tilespmem:s13+$0x5D30] =	vst v10;
	v10 =	vld [tilespmem:s13+$0x5DA0]  }
0x28a: {  	[tilespmem:s13+$0x5D40] =	vst v8;
	v8 =	vmul.f32 v14, v11;
	v14 =	vbroadcast v1, $0x2;
	v16 =	vld [tilespmem:s13+$0x5DB0]  }
0x28b: {  	[tilespmem:s13+$0x5D50] =	vst v9;
	v9 =	vmul.f32 v15, v11;
	v11 =	vld [tilespmem:s13+$0x5DC0]  }
0x28c: {  	[tilespmem:s13+$0x5D60] =	vst v8;
	v8 =	vmul.f32 v12, v14;
	v12 =	vld [tilespmem:s13+$0x5DD0]  }
0x28d: {  	[tilespmem:s13+$0x5D70] =	vst v9;
	v9 =	vmul.f32 v13, v14;
	v13 =	vld [tilespmem:s13+$0x5DE0]  }
0x28e: {  	[tilespmem:s13+$0x5D80] =	vst v8;
	v8 =	vmul.f32 v10, v14;
	v10 =	vld [tilespmem:s13+$0x5DF0]  }
0x28f: {  	[tilespmem:s13+$0x5D90] =	vst v9;
	v9 =	vmul.f32 v16, v14;
	v15 =	vld [tilespmem:s13+$0x5E00]  }
0x290: {  	[tilespmem:s13+$0x5DA0] =	vst v8;
	v8 =	vmul.f32 v11, v14;
	v11 =	vld [tilespmem:s13+$0x5E10]  }
0x291: {  	[tilespmem:s13+$0x5DB0] =	vst v9;
	v9 =	vmul.f32 v12, v14;
	v12 =	vld [tilespmem:s13+$0x5E20]  }
0x292: {  	[tilespmem:s13+$0x5DC0] =	vst v8;
	v8 =	vmul.f32 v13, v14;
	v13 =	vbroadcast v1, $0x3;
	v16 =	vld [tilespmem:s13+$0x5E30]  }
0x293: {  	[tilespmem:s13+$0x5DD0] =	vst v9;
	v9 =	vmul.f32 v10, v14;
	v10 =	vld [tilespmem:s13+$0x5E40]  }
0x294: {  	[tilespmem:s13+$0x5DE0] =	vst v8;
	v8 =	vmul.f32 v15, v13;
	v14 =	vld [tilespmem:s13+$0x5E50]  }
0x295: {  	[tilespmem:s13+$0x5DF0] =	vst v9;
	v9 =	vmul.f32 v11, v13;
	v11 =	vld [tilespmem:s13+$0x5E60]  }
0x296: {  	[tilespmem:s13+$0x5E00] =	vst v8;
	v8 =	vmul.f32 v12, v13;
	v12 =	vld [tilespmem:s13+$0x5E70]  }
0x297: {  	[tilespmem:s13+$0x5E10] =	vst v9;
	v9 =	vmul.f32 v16, v13;
	v15 =	vld [tilespmem:s13+$0x5E80]  }
0x298: {  	[tilespmem:s13+$0x5E20] =	vst v8;
	v8 =	vmul.f32 v10, v13;
	v10 =	vld [tilespmem:s13+$0x5E90]  }
0x299: {  	[tilespmem:s13+$0x5E30] =	vst v9;
	v9 =	vmul.f32 v14, v13;
	v14 =	vld [tilespmem:s13+$0x5EA0]  }
0x29a: {  	[tilespmem:s13+$0x5E40] =	vst v8;
	v8 =	vmul.f32 v11, v13;
	v11 =	vld [tilespmem:s13+$0x5EB0]  }
0x29b: {  	[tilespmem:s13+$0x5E50] =	vst v9;
	v9 =	vmul.f32 v12, v13;
	v12 =	vld [tilespmem:s13+$0x5EC0]  }
0x29c: {  	[tilespmem:s13+$0x5E60] =	vst v8;
	v8 =	vmul.f32 v15, v7;
	v13 =	vld [tilespmem:s13+$0x5ED0]  }
0x29d: {  	[tilespmem:s13+$0x5E70] =	vst v9;
	v9 =	vmul.f32 v10, v7;
	v10 =	vld [tilespmem:s13+$0x5EE0]  }
0x29e: {  	[tilespmem:s13+$0x5E80] =	vst v8;
	v8 =	vmul.f32 v14, v7;
	v14 =	vld [tilespmem:s13+$0x5EF0]  }
0x29f: {  	[tilespmem:s13+$0x5E90] =	vst v9;
	v9 =	vmul.f32 v11, v7;
	v11 =	vld [tilespmem:s13+$0x5F00]  }
0x2a0: {  	[tilespmem:s13+$0x5EA0] =	vst v8;
	v8 =	vmul.f32 v12, v7;
	v12 =	vld [tilespmem:s13+$0x5F10]  }
0x2a1: {  	[tilespmem:s13+$0x5EB0] =	vst v9;
	v9 =	vmul.f32 v13, v7;
	v13 =	vld [tilespmem:s13+$0x5F20]  }
0x2a2: {  	[tilespmem:s13+$0x5EC0] =	vst v8;
	v8 =	vmul.f32 v10, v7;
	v10 =	vbroadcast v1, $0x5;
	v15 =	vld [tilespmem:s13+$0x5F30]  }
0x2a3: {  	[tilespmem:s13+$0x5ED0] =	vst v9;
	v7 =	vmul.f32 v14, v7;
	v9 =	vld [tilespmem:s13+$0x5F40]  }
0x2a4: {  	[tilespmem:s13+$0x5EE0] =	vst v8;
	v8 =	vmul.f32 v11, v10;
	v11 =	vld [tilespmem:s13+$0x5F50]  }
0x2a5: {  	[tilespmem:s13+$0x5EF0] =	vst v7;
	v7 =	vmul.f32 v12, v10;
	v12 =	vld [tilespmem:s13+$0x5F60]  }
0x2a6: {  	[tilespmem:s13+$0x5F00] =	vst v8;
	v8 =	vmul.f32 v13, v10;
	v13 =	vld [tilespmem:s13+$0x5F70]  }
0x2a7: {  	[tilespmem:s13+$0x5F10] =	vst v7;
	v7 =	vmul.f32 v15, v10;
	v14 =	vld [tilespmem:s13+$0x5F80]  }
0x2a8: {  	[tilespmem:s13+$0x5F20] =	vst v8;
	v8 =	vmul.f32 v9, v10;
	v9 =	vld [tilespmem:s13+$0x5F90]  }
0x2a9: {  	[tilespmem:s13+$0x5F30] =	vst v7;
	v7 =	vmul.f32 v11, v10;
	v11 =	vld [tilespmem:s13+$0x5FA0]  }
0x2aa: {  	[tilespmem:s13+$0x5F40] =	vst v8;
	v8 =	vmul.f32 v12, v10;
	v12 =	vbroadcast v1, $0x6;
	v15 =	vld [tilespmem:s13+$0x5FB0]  }
0x2ab: {  	[tilespmem:s13+$0x5F50] =	vst v7;
	v7 =	vmul.f32 v13, v10;
	v10 =	vld [tilespmem:s13+$0x5FC0]  }
0x2ac: {  	[tilespmem:s13+$0x5F60] =	vst v8;
	v8 =	vmul.f32 v14, v12;
	v13 =	vld [tilespmem:s13+$0x5FD0]  }
0x2ad: {  	[tilespmem:s13+$0x5F70] =	vst v7;
	v7 =	vmul.f32 v9, v12;
	v9 =	vld [tilespmem:s13+$0x5FE0]  }
0x2ae: {  	[tilespmem:s13+$0x5F80] =	vst v8;
	v8 =	vmul.f32 v11, v12;
	v11 =	vld [tilespmem:s13+$0x5FF0]  }
0x2af: {  	[tilespmem:s13+$0x5F90] =	vst v7;
	v7 =	vmul.f32 v15, v12;
	v14 =	vld [tilespmem:s13+$0x6000]  }
0x2b0: {  	[tilespmem:s13+$0x5FA0] =	vst v8;
	v8 =	vmul.f32 v10, v12;
	v10 =	vld [tilespmem:s13+$0x6010]  }
0x2b1: {  	[tilespmem:s13+$0x5FB0] =	vst v7;
	v7 =	vmul.f32 v13, v12;
	v13 =	vld [tilespmem:s13+$0x6020]  }
0x2b2: {  	[tilespmem:s13+$0x5FC0] =	vst v8;
	v8 =	vmul.f32 v9, v12;
	v9 =	vbroadcast v1, $0x7;
	v15 =	vld [tilespmem:s13+$0x6030]  }
0x2b3: {  	[tilespmem:s13+$0x5FD0] =	vst v7;
	v7 =	vmul.f32 v11, v12;
	v11 =	vld [tilespmem:s13+$0x6040]  }
0x2b4: {  	[tilespmem:s13+$0x5FE0] =	vst v8;
	v8 =	vmul.f32 v14, v9;
	v12 =	vld [tilespmem:s13+$0x6050]  }
0x2b5: {  	[tilespmem:s13+$0x5FF0] =	vst v7;
	v7 =	vmul.f32 v10, v9;
	v10 =	vld [tilespmem:s13+$0x6060]  }
0x2b6: {  	[tilespmem:s13+$0x6000] =	vst v8;
	v8 =	vmul.f32 v13, v9;
	v13 =	vld [tilespmem:s13+$0x6070]  }
0x2b7: {  	[tilespmem:s13+$0x6010] =	vst v7;
	v7 =	vmul.f32 v15, v9;
	v14 =	vld [tilespmem:s13+$0x6080]  }
0x2b8: {  	[tilespmem:s13+$0x6020] =	vst v8;
	v8 =	vmul.f32 v11, v9;
	v11 =	vld [tilespmem:s13+$0x6090]  }
0x2b9: {  	[tilespmem:s13+$0x6030] =	vst v7;
	v7 =	vmul.f32 v12, v9;
	v12 =	vld [tilespmem:s13+$0x60A0]  }
0x2ba: {  	[tilespmem:s13+$0x6040] =	vst v8;
	v8 =	vmul.f32 v10, v9;
	v10 =	vbroadcast v1, $0x8;
	v15 =	vld [tilespmem:s13+$0x60B0]  }
0x2bb: {  	[tilespmem:s13+$0x6050] =	vst v7;
	v7 =	vmul.f32 v13, v9;
	v9 =	vld [tilespmem:s13+$0x60C0]  }
0x2bc: {  	[tilespmem:s13+$0x6060] =	vst v8;
	v8 =	vmul.f32 v14, v10;
	v13 =	vld [tilespmem:s13+$0x60D0]  }
0x2bd: {  	[tilespmem:s13+$0x6070] =	vst v7;
	v7 =	vmul.f32 v11, v10;
	v11 =	vld [tilespmem:s13+$0x60E0]  }
0x2be: {  	[tilespmem:s13+$0x6080] =	vst v8;
	v8 =	vmul.f32 v12, v10;
	v12 =	vld [tilespmem:s13+$0x60F0]  }
0x2bf: {  	[tilespmem:s13+$0x6090] =	vst v7;
	v7 =	vmul.f32 v15, v10;
	v14 =	vld [tilespmem:s13+$0x6100]  }
0x2c0: {  	[tilespmem:s13+$0x60A0] =	vst v8;
	v8 =	vmul.f32 v9, v10;
	v9 =	vld [tilespmem:s13+$0x6110]  }
0x2c1: {  	[tilespmem:s13+$0x60B0] =	vst v7;
	v7 =	vmul.f32 v13, v10;
	v13 =	vld [tilespmem:s13+$0x6120]  }
0x2c2: {  	[tilespmem:s13+$0x60C0] =	vst v8;
	v8 =	vmul.f32 v11, v10;
	v11 =	vbroadcast v1, $0x9;
	v15 =	vld [tilespmem:s13+$0x6130]  }
0x2c3: {  	[tilespmem:s13+$0x60D0] =	vst v7;
	v7 =	vmul.f32 v12, v10;
	v10 =	vld [tilespmem:s13+$0x6140]  }
0x2c4: {  	[tilespmem:s13+$0x60E0] =	vst v8;
	v8 =	vmul.f32 v14, v11;
	v12 =	vld [tilespmem:s13+$0x6150]  }
0x2c5: {  	[tilespmem:s13+$0x60F0] =	vst v7;
	v7 =	vmul.f32 v9, v11;
	v9 =	vld [tilespmem:s13+$0x6160]  }
0x2c6: {  	[tilespmem:s13+$0x6100] =	vst v8;
	v8 =	vmul.f32 v13, v11;
	v13 =	vld [tilespmem:s13+$0x6170]  }
0x2c7: {  	[tilespmem:s13+$0x6110] =	vst v7;
	v7 =	vmul.f32 v15, v11;
	v14 =	vld [tilespmem:s13+$0x6180]  }
0x2c8: {  	[tilespmem:s13+$0x6120] =	vst v8;
	v8 =	vmul.f32 v10, v11;
	v10 =	vld [tilespmem:s13+$0x6190]  }
0x2c9: {  	[tilespmem:s13+$0x6130] =	vst v7;
	v7 =	vmul.f32 v12, v11;
	v12 =	vld [tilespmem:s13+$0x61A0]  }
0x2ca: {  	[tilespmem:s13+$0x6140] =	vst v8;
	v8 =	vmul.f32 v9, v11;
	v9 =	vld [tilespmem:s13+$0x61B0]  }
0x2cb: {  	[tilespmem:s13+$0x6150] =	vst v7;
	v7 =	vmul.f32 v13, v11;
	v11 =	vld [tilespmem:s13+$0x61C0]  }
0x2cc: {  	[tilespmem:s13+$0x6160] =	vst v8;
	v8 =	vmul.f32 v14, v4;
	v13 =	vld [tilespmem:s13+$0x61D0]  }
0x2cd: {  	[tilespmem:s13+$0x6170] =	vst v7;
	v7 =	vmul.f32 v10, v4;
	v10 =	vld [tilespmem:s13+$0x61E0]  }
0x2ce: {  	v14 =	vld [tilespmem:s13+$0x5C80];
	[tilespmem:s13+$0x6180] =	vst v8;
	v8 =	vmul.f32 v12, v4  }
0x2cf: {  	v12 =	vld [tilespmem:s13+$0x5C90];
	[tilespmem:s13+$0x6190] =	vst v7;
	v7 =	vmul.f32 v9, v4  }
0x2d0: {  	v9 =	vld [tilespmem:s13+$0x5CC0];
	[tilespmem:s13+$0x61A0] =	vst v8;
	v8 =	vmul.f32 v11, v4  }
0x2d1: {  	v11 =	vld [tilespmem:s13+$0x5CD0];
	[tilespmem:s13+$0x61B0] =	vst v7;
	v7 =	vmul.f32 v13, v4  }
0x2d2: {  	[tilespmem:s13+$0x61C0] =	vst v8;
	v8 =	vmul.f32 v10, v4;
	v10 =	vbroadcast v1, $0xB;
	v13 =	vld [tilespmem:s13+$0x6220]  }
0x2d3: {  	v4 =	vbroadcast v1, $0xF;
	v14 =	vmul.f32 v2, v14;
	[tilespmem:s13+$0x61D0] =	vst v7;
	v7 =	vld [tilespmem:s13+$0x6230]  }
0x2d4: {  	v12 =	vmul.f32 v12, v2;
	[tilespmem:s13+$0x61E0] =	vst v8;
	v5 =	vmul.f32 v5, v10;
	v8 =	vld [tilespmem:s13+$0x6240]  }
0x2d5: {  	v6 =	vmul.f32 v6, v10;
	[tilespmem:s13+$0x5C80] =	vst v14;
	v9 =	vmul.f32 v9, v2;
	v14 =	vld [tilespmem:s13+$0x6250]  }
0x2d6: {  	v3 =	vmul.f32 v3, v4;
	v11 =	vmul.f32 v11, v2;
	[tilespmem:s13+$0x6200] =	vst v5;
	v2 =	vld [tilespmem:s13+$0x6260]  }
0x2d7: {  	[tilespmem:s13+$0x6210] =	vst v6;
	v5 =	vmul.f32 v13, v10;
	v6 =	vld [tilespmem:s13+$0x6270]  }
0x2d8: {  	v7 =	vmul.f32 v7, v10;
	v13 =	vld [tilespmem:s13+$0x6280];
	[tilespmem:s13+$0x6450] =	vst v3  }
0x2d9: {  	[tilespmem:s13+$0x5C90] =	vst v12;
	v3 =	vmul.f32 v8, v10;
	v8 =	vld [tilespmem:s13+$0x6290]  }
0x2da: {  	[tilespmem:s13+$0x5CC0] =	vst v9;
	v9 =	vmul.f32 v14, v10;
	v12 =	vld [tilespmem:s13+$0x62A0]  }
0x2db: {  	v14 =	vbroadcast v1, $0xC;
	[tilespmem:s13+$0x6220] =	vst v5;
	v5 =	vmul.f32 v2, v10;
	v15 =	vld [tilespmem:s13+$0x62B0]  }
0x2dc: {  	[tilespmem:s13+$0x6250] =	vst v9;
	v6 =	vmul.f32 v6, v10;
	v9 =	vld [tilespmem:s13+$0x62C0]  }
0x2dd: {  	[tilespmem:s13+$0x6230] =	vst v7;
	v2 =	vmul.f32 v13, v14;
	v7 =	vld [tilespmem:s13+$0x62D0]  }
0x2de: {  	[tilespmem:s13+$0x6240] =	vst v3;
	v3 =	vmul.f32 v8, v14;
	v8 =	vld [tilespmem:s13+$0x62E0]  }
0x2df: {  	[tilespmem:s13+$0x6280] =	vst v2;
	v2 =	vmul.f32 v12, v14;
	v10 =	vld [tilespmem:s13+$0x62F0]  }
0x2e0: {  	[tilespmem:s13+$0x6290] =	vst v3;
	v3 =	vld [tilespmem:s13+$0x6300]  }
0x2e1: {  	[tilespmem:s13+$0x5CD0] =	vst v11;
	v9 =	vmul.f32 v9, v14;
	v11 =	vld [tilespmem:s13+$0x6310]  }
0x2e2: {  	[tilespmem:s13+$0x6260] =	vst v5;
	v5 =	vmul.f32 v7, v14;
	v7 =	vld [tilespmem:s13+$0x6320]  }
0x2e3: {  	[tilespmem:s13+$0x62C0] =	vst v9;
	v8 =	vmul.f32 v8, v14;
	v9 =	vbroadcast v1, $0xD;
	v12 =	vld [tilespmem:s13+$0x6330]  }
0x2e4: {  	[tilespmem:s13+$0x62D0] =	vst v5;
	v5 =	vmul.f32 v10, v14;
	v10 =	vld [tilespmem:s13+$0x6340]  }
0x2e5: {  	[tilespmem:s13+$0x62E0] =	vst v8;
	v3 =	vmul.f32 v3, v9;
	v8 =	vld [tilespmem:s13+$0x6350]  }
0x2e6: {  	[tilespmem:s13+$0x62F0] =	vst v5;
	v5 =	vmul.f32 v11, v9;
	v11 =	vld [tilespmem:s13+$0x6360]  }
0x2e7: {  	[tilespmem:s13+$0x6300] =	vst v3;
	v3 =	vmul.f32 v7, v9;
	v7 =	vld [tilespmem:s13+$0x6370]  }
0x2e8: {  	[tilespmem:s13+$0x6310] =	vst v5;
	v5 =	vmul.f32 v12, v9;
	v12 =	vld [tilespmem:s13+$0x6380]  }
0x2e9: {  	[tilespmem:s13+$0x6320] =	vst v3;
	v3 =	vmul.f32 v10, v9;
	v10 =	vld [tilespmem:s13+$0x6390]  }
0x2ea: {  	[tilespmem:s13+$0x6330] =	vst v5;
	v5 =	vmul.f32 v8, v9;
	v8 =	vld [tilespmem:s13+$0x63A0]  }
0x2eb: {  	v1 =	vbroadcast v1, $0xE;
	[tilespmem:s13+$0x6270] =	vst v6;
	v6 =	vmul.f32 v11, v9;
	v11 =	vld [tilespmem:s13+$0x63B0]  }
0x2ec: {  	[tilespmem:s13+$0x6350] =	vst v5;
	v5 =	vmul.f32 v7, v9;
	v7 =	vld [tilespmem:s13+$0x63C0]  }
0x2ed: {  	[tilespmem:s13+$0x6360] =	vst v6;
	v6 =	vmul.f32 v12, v1;
	v9 =	vld [tilespmem:s13+$0x63D0]  }
0x2ee: {  	[tilespmem:s13+$0x6370] =	vst v5;
	v5 =	vmul.f32 v10, v1;
	v10 =	vld [tilespmem:s13+$0x63E0]  }
0x2ef: {  	[tilespmem:s13+$0x6380] =	vst v6;
	v6 =	vmul.f32 v8, v1;
	v8 =	vld [tilespmem:s13+$0x63F0]  }
0x2f0: {  	[tilespmem:s13+$0x6390] =	vst v5;
	v5 =	vmul.f32 v11, v1;
	v11 =	vld [tilespmem:s13+$0x6400]  }
0x2f1: {  	[tilespmem:s13+$0x63A0] =	vst v6;
	v6 =	vmul.f32 v7, v1;
	v7 =	vld [tilespmem:s13+$0x6410]  }
0x2f2: {  	[tilespmem:s13+$0x63B0] =	vst v5;
	v5 =	vmul.f32 v9, v1;
	v9 =	vld [tilespmem:s13+$0x6420]  }
0x2f3: {  	[tilespmem:s13+$0x63C0] =	vst v6;
	v6 =	vmul.f32 v10, v1;
	v10 =	vld [tilespmem:s13+$0x6430]  }
0x2f4: {  	[tilespmem:s13+$0x6340] =	vst v3;
	v1 =	vmul.f32 v8, v1;
	v3 =	vld [tilespmem:s13+$0x6440]  }
0x2f5: {  	[tilespmem:s13+$0x63E0] =	vst v6;
	v6 =	vmul.f32 v11, v4;
	v8 =	vld [tilespmem:s13+$0x6460]  }
0x2f6: {  	[tilespmem:s13+$0x63F0] =	vst v1;
	v1 =	vmul.f32 v7, v4;
	v7 =	vld [tilespmem:s13+$0x6470]  }
0x2f7: {  	[tilespmem:s13+$0x6400] =	vst v6;
	v6 =	vmul.f32 v9, v4  }
0x2f8: {  	[tilespmem:s13+$0x6410] =	vst v1;
	v1 =	vmul.f32 v10, v4  }
0x2f9: {  	v9 =	vmul.f32 v15, v14;
	[tilespmem:s13+$0x6420] =	vst v6  }
0x2fa: {  	[tilespmem:s13+$0x6430] =	vst v1;
	v1 =	vmul.f32 v3, v4  }
.Ltmp3:
0x2fb: {  	[tilespmem:s13+$0x62B0] =	vst v9;
	v3 =	vmul.f32 v7, v4;
	(pc) =	sbr.rel @p1 .LBB2_5-.Ltmp3, $4  }
0x2fc: {  	[tilespmem:s13+$0x6440] =	vst v1  }
0x2fd: {  	v1 =	vmul.f32 v8, v4;
	[tilespmem:s13+$0x6470] =	vst v3  }
0x2fe: {  	[tilespmem:s13+$0x63D0] =	vst v5  }
0x2ff: {  	[tilespmem:s13+$0x6460] =	vst v1  }
0x300: {  	[tilespmem:s13+$0x62A0] =	vst v2  }
0x301: {  	v0 =	vld [tilespmem:s11+$0x13C0];
	_ =	sdelay $0x4  }
0x302: {  	[tilespmem:$0x3C00] =	vst v0  }
0x303: {  	v0 =	vld [tilespmem:s11+$0x13D0];
	_ =	sdelay $0x4  }
0x304: {  	[tilespmem:$0x3C10] =	vst v0  }
0x305: {  	v0 =	vld [tilespmem:s11+$0x13E0];
	_ =	sdelay $0x4  }
0x306: {  	[tilespmem:$0x3C20] =	vst v0  }
0x307: {  	v0 =	vld [tilespmem:s11+$0x13F0];
	_ =	sdelay $0x4  }
.Ltmp4:
0x308: {  	[tilespmem:$0x3C30] =	vst v0;
	(pc) =	sbr.rel @p0 .LBB2_8-.Ltmp4, $4  }
0x309: {  	[spmem:s2] =	stream.indirect.scatter.add.f32 [tilespmem:s0], [sflag:$0x4], $0x80, s29, s28, $0xb8;
	[tilespmem:$0x1BA80] =	vst v63  }
0x30a: {  	_ =	swait.ge [sflag:s20], $0x2000  }
0x30b: {  	[sflag:s20] =	ssyncset.done $0x0  }
0x30c: {  	[sflag:s20] =	ssyncadd.s32 $0xFFFFE000  }
0x30d: {  	v0 =	vld [tilespmem:s12+$0xC0];
	_ =	sdelay $0x4  }
0x30e: {  	[tilespmem:$0x3B00] =	vst v0  }
0x30f: {  	v0 =	vld [tilespmem:s12+$0xD0];
	_ =	sdelay $0x4  }
0x310: {  	[tilespmem:$0x3B10] =	vst v0  }
0x311: {  	v0 =	vld [tilespmem:s12+$0xE0];
	_ =	sdelay $0x4  }
0x312: {  	[tilespmem:$0x3B20] =	vst v0  }
0x313: {  	v0 =	vld [tilespmem:s12+$0xF0];
	_ =	sdelay $0x1  }
.Ltmp5:
0x314: {  	_ = 	snop;
	(pc) =	sbr.rel .LBB2_2-.Ltmp5, $3  }
0x315: {  	_ =	sdelay $0x1  }
0x316: {  	s10 =	sadd.s32 $0x1, s10;
	[tilespmem:$0x3B30] =	vst v0  }
0x317: {  	[tilespmem:s0], [sflag:$0x2] =	stream.indirect.gather [hbm4b:s4+s28], $0x80, s31, s28, $0xb8;
	[tilespmem:$0x1BA80] =	vst v63  }
.LBB2_9:
0x318: {  	_ =	sfence.sel $0x180000  }
0x319: {  	[bflag:$0x0] =	sbarrier.arrive $0xFFFF  }
0x31a: {  	_ =	strace $0x90000047  }
0x31b: {  	s0 =	stileid.u32;
	[bflag:$0x2] =	sbarrier.arrive $0xFFFF  }
0x31c: {  	p0 =	sne.s32 s0, $0x0;
	s0 =	rddreg [dreg:$0x2]  }
0x31d: {  	s0 =	sadd.s32 @!p0 $0x100000, s0  }
0x31e: {  	[sflag:s0] =	ssyncadd.tile.s32 @!p0 $0x1;
	_ =	shalt  }
.Lfunc_end2:
_tile_overlayer_lowered:
.L_overlay_start_2:
0x31f: {  	(tag) =	ssettag $0x2  }
0x320: {  	s0 =	rddreg [dreg:$0x0];
	s2 =	stileid.u32  }
0x321: {  	s1 =	rddreg [dreg:$0x1];
	p0 =	sne.s32 s2, $0x0  }
0x322: {  	s3 =	rddreg [dreg:$0x2];
	[bflag:$0x3] =	sbarrier.arrive $0xFFFF;
	s2 =	simm.s32 @!p0 $0x1C04  }
0x323: {  	[timem:s3], [sflag:s2] =	dma.local @!p0 [hbm:s0], s1  }
0x324: {  	s0 =	simm.s32 @!p0 $0x4  }
0x325: {  	_ =	swait.ge @!p0 [sflag:s0], s1  }
0x326: {  	s1 =	ssub.s32 @!p0 $0x0, s1;
	[sflag:s0] =	ssyncset.done @!p0 $0x0  }
0x327: {  	[sflag:s0] =	ssyncadd.s32 @!p0 s1  }
0x328: {  	[bflag:$0x3] =	sbarrier.arrive $0xFFFF  }
0x329: {  	_ =	shalt  }

</sc_bundles>
